<compile_context>
chip_gen: v7x
topology: tpu7x:2x2x1
jax: 0.10.2.dev20260603
libtpu: 0.0.44.dev20260713+nightly
codegen_flags: <defaults>
</compile_context>

<pallas_src>
import functools

import jax
import jax.numpy as jnp
from jax import lax
from jax.experimental import pallas as pl
from jax.experimental.pallas import tpu as pltpu
from jax.experimental.pallas import tpu_sc as plsc

N_LV = 8
TBL = 65536
N_PTS = 1048576
NB = N_PTS // 128
NC, NS, LANES = 2, 16, 16
NW = NC * NS
N_CHUNKS = NW // N_LV
PTS_PER_TEC = N_PTS // N_CHUNKS
C = 4096
CB = C // 128
N_ST1 = PTS_PER_TEC // C
PRIME_Y = 2654435761
PRIME_Z = 805459861


def _body(xs_hbm, ys_hbm, zs_hbm, tbl_hbm, out_hbm,
          tbl_v, xs_a, ys_a, zs_a, f0_a, f1_a,
          xs_b, ys_b, zs_b, f0_b, f1_b,
          sem_ia, sem_ib, sem_oa, sem_ob):
    p1 = jnp.int32(PRIME_Y - (1 << 32))
    p2 = jnp.int32(PRIME_Z)
    mask = jnp.int32(TBL - 1)
    cid = lax.axis_index("c")
    sid = lax.axis_index("s")
    level = lax.rem(sid, N_LV)
    chunk = cid * 2 + sid // N_LV
    res_f = (16 << level).astype(jnp.float32)
    jj = level // 4
    r0 = 2 * lax.rem(level, 4)

    pltpu.sync_copy(tbl_hbm.at[pl.ds(level * TBL, TBL)], tbl_v)

    def start_in(it, xs_v, ys_v, zs_v, sem):
        base = chunk * PTS_PER_TEC + it * C
        pltpu.make_async_copy(xs_hbm.at[pl.ds(base, C)], xs_v, sem).start()
        pltpu.make_async_copy(ys_hbm.at[pl.ds(base, C)], ys_v, sem).start()
        pltpu.make_async_copy(zs_hbm.at[pl.ds(base, C)], zs_v, sem).start()

    def drain_in(xs_v, ys_v, zs_v, sem):
        pltpu.make_async_copy(xs_hbm.at[pl.ds(0, C)], xs_v, sem).wait()
        pltpu.make_async_copy(ys_hbm.at[pl.ds(0, C)], ys_v, sem).wait()
        pltpu.make_async_copy(zs_hbm.at[pl.ds(0, C)], zs_v, sem).wait()

    def start_out(it, f0_v, f1_v, sem):
        b0 = (chunk * PTS_PER_TEC + it * C) // 128
        pltpu.make_async_copy(
            f0_v, out_hbm.at[jj, pl.ds(b0, CB), r0, :], sem).start()
        pltpu.make_async_copy(
            f1_v, out_hbm.at[jj, pl.ds(b0, CB), r0 + 1, :], sem).start()

    def drain_out(f0_v, f1_v, sem):
        pltpu.make_async_copy(
            f0_v, out_hbm.at[jj, pl.ds(0, CB), r0, :], sem).wait()
        pltpu.make_async_copy(
            f1_v, out_hbm.at[jj, pl.ds(0, CB), r0 + 1, :], sem).wait()

    def compute(it, xs_v, ys_v, zs_v, f0_v, f1_v):
        @plsc.parallel_loop(0, CB, 1)
        def row(rw):
            for c8 in range(8):
                o = rw * 128 + c8 * 16
                col = c8 * 16
                xv = xs_v[pl.ds(o, LANES)]
                yv = ys_v[pl.ds(o, LANES)]
                zv = zs_v[pl.ds(o, LANES)]
                px = xv * res_f
                py = yv * res_f
                pz = zv * res_f
                ix = px.astype(jnp.int32)
                iy = py.astype(jnp.int32)
                iz = pz.astype(jnp.int32)
                fx = px - ix.astype(jnp.float32)
                fy = py - iy.astype(jnp.float32)
                fz = pz - iz.astype(jnp.float32)
                hx0 = ix
                hx1 = ix + 1
                hy0 = iy * p1
                hy1 = hy0 + p1
                hz0 = iz * p2
                hz1 = hz0 + p2
                hyz = ((hy0 ^ hz0) & mask, (hy0 ^ hz1) & mask,
                       (hy1 ^ hz0) & mask, (hy1 ^ hz1) & mask)
                one = jnp.float32(1.0)
                wx = (one - fx, fx)
                wy = (one - fy, fy)
                wz = (one - fz, fz)
                wyz = (wy[0] * wz[0], wy[0] * wz[1],
                       wy[1] * wz[0], wy[1] * wz[1])
                ilv = plsc.PackFormat.INTERLEAVED
                wxp = (plsc.pack(wx[0], wx[0], format=ilv),
                       plsc.pack(wx[1], wx[1], format=ilv))
                wyzp = tuple(plsc.pack(w, w, format=ilv) for w in wyz)
                acc = jnp.zeros((2 * LANES,), jnp.bfloat16)
                for oyz in range(4):
                    i0 = hx0 ^ hyz[oyz]
                    i1 = hx1 ^ hyz[oyz]
                    g0 = plsc.bitcast(
                        plsc.load_gather(tbl_v, [i0]), jnp.bfloat16)
                    g1 = plsc.bitcast(
                        plsc.load_gather(tbl_v, [i1]), jnp.bfloat16)
                    t = wxp[0] * g0 + wxp[1] * g1
                    acc = acc + wyzp[oyz] * t
                acc0, acc1 = plsc.unpack(acc, format=ilv)
                f0_v[rw, pl.ds(col, LANES)] = acc0
                f1_v[rw, pl.ds(col, LANES)] = acc1

    bufs_a = (xs_a, ys_a, zs_a)
    bufs_b = (xs_b, ys_b, zs_b)
    start_in(0, *bufs_a, sem_ia)

    def pair(it2, _):
        s0 = it2 * 2
        start_in(s0 + 1, *bufs_b, sem_ib)
        drain_in(*bufs_a, sem_ia)

        @pl.when(it2 > 0)
        def _():
            drain_out(f0_a, f1_a, sem_oa)

        compute(s0, *bufs_a, f0_a, f1_a)
        start_out(s0, f0_a, f1_a, sem_oa)

        @pl.when(it2 < N_ST1 // 2 - 1)
        def _():
            start_in(s0 + 2, *bufs_a, sem_ia)

        drain_in(*bufs_b, sem_ib)

        @pl.when(it2 > 0)
        def _():
            drain_out(f0_b, f1_b, sem_ob)

        compute(s0 + 1, *bufs_b, f0_b, f1_b)
        start_out(s0 + 1, f0_b, f1_b, sem_ob)
        return 0

    lax.fori_loop(0, N_ST1 // 2, pair, 0)
    drain_out(f0_a, f1_a, sem_oa)
    drain_out(f0_b, f1_b, sem_ob)


_encoder = functools.partial(
    pl.kernel,
    out_type=jax.ShapeDtypeStruct((2, NB, 8, 128), jnp.float32),
    mesh=plsc.VectorSubcoreMesh(
        core_axis_name="c", subcore_axis_name="s",
        num_cores=NC, num_subcores=NS),
    compiler_params=pltpu.CompilerParams(
        needs_layout_passes=False, use_tc_tiling_on_sc=False),
    scratch_types=(
        [pltpu.VMEM((TBL,), jnp.int32)]
        + 2 * [
            pltpu.VMEM((C,), jnp.float32),
            pltpu.VMEM((C,), jnp.float32),
            pltpu.VMEM((C,), jnp.float32),
            pltpu.VMEM((CB, 128), jnp.float32),
            pltpu.VMEM((CB, 128), jnp.float32),
        ]
        + 4 * [pltpu.SemaphoreType.DMA]
    ),
)(_body)


def kernel(input, table):
    xt = input.T
    packed_tbl = jax.lax.bitcast_convert_type(
        table.astype(jnp.bfloat16), jnp.int32).reshape(-1)
    phys = _encoder(xt[0], xt[1], xt[2], packed_tbl)
    return phys.transpose(1, 3, 0, 2).reshape(N_PTS, 16)

# --- scband reference (transcript-rebuilt; emitter-appended) ---
"""Pipeline reference for scband-ngp-encoder-40819369181210 (READ-ONLY COPY).

The authoritative reference and input builder live on the scoring server;
editing this copy changes nothing except your own understanding.
"""

import jax, jax.numpy as jnp
import numpy as np

N_LEVELS = 8
F_PER_LEVEL = 2
TABLE_SIZE = 65536  # 2**16
BASE_RES = 16
PER_LEVEL_SCALE = 2.0
N_POINTS = 1048576
PRIMES = jnp.array([1, 2654435761, 805459861], dtype=jnp.uint32)


def setup_inputs(seed: int = 0) -> dict:
    key = jax.random.key(seed)
    k1, k2 = jax.random.split(key)
    x = jax.random.uniform(k1, (N_POINTS, 3), dtype=jnp.float32)
    # learned hash tables, tcnn-style init U(-1e-4, 1e-4)
    table = jax.random.uniform(k2, (N_LEVELS, TABLE_SIZE, F_PER_LEVEL), dtype=jnp.float32, minval=-1e-4, maxval=1e-4)
    return {"input": x, "table": table}


def _hash_grid_encode(x, table):
    outs = []
    for l in range(N_LEVELS):
        res = int(np.floor(BASE_RES * (PER_LEVEL_SCALE ** l)))
        pos = x * res
        p0 = jnp.floor(pos).astype(jnp.int32)
        frac = pos - p0.astype(jnp.float32)
        feats = jnp.zeros((x.shape[0], F_PER_LEVEL), dtype=jnp.float32)
        for corner in range(8):
            offs = jnp.array([(corner >> d) & 1 for d in range(3)], dtype=jnp.int32)
            c = (p0 + offs).astype(jnp.uint32)
            h = (c[:, 0] * PRIMES[0]) ^ (c[:, 1] * PRIMES[1]) ^ (c[:, 2] * PRIMES[2])
            idx = (h % jnp.uint32(TABLE_SIZE)).astype(jnp.int32)
            w = jnp.prod(jnp.where(offs == 1, frac, 1.0 - frac), axis=-1, keepdims=True)
            feats = feats + w * jnp.take(table[l], idx, axis=0)
        outs.append(feats)
    return jnp.concatenate(outs, axis=-1)


def reference(input, table):
    return _hash_grid_encode(input, table)

if __name__ == "__main__":
    import jax
    _d = setup_inputs()
    print(jax.jit(kernel)(*tuple(_d.values())))

</pallas_src>

<mosaic_0001>
#map = affine_map<(d0, d1) -> (0)>
#map1 = affine_map<(d0, d1) -> (0, 0, 0, 0)>
module attributes {stable_mosaic.version = 14 : i64} {
  func.func @_body(%arg0: i32, %arg1: i32, %arg2: memref<1048576xf32, #tpu.memory_space<hbm>>, %arg3: memref<1048576xf32, #tpu.memory_space<hbm>>, %arg4: memref<1048576xf32, #tpu.memory_space<hbm>>, %arg5: memref<524288xi32, #tpu.memory_space<hbm>>, %arg6: memref<2x8192x8x128xf32, #tpu.memory_space<hbm>>, %arg7: memref<65536xi32, #tpu.memory_space<vmem>>, %arg8: memref<4096xf32, #tpu.memory_space<vmem>>, %arg9: memref<4096xf32, #tpu.memory_space<vmem>>, %arg10: memref<4096xf32, #tpu.memory_space<vmem>>, %arg11: memref<32x128xf32, #tpu.memory_space<vmem>>, %arg12: memref<32x128xf32, #tpu.memory_space<vmem>>, %arg13: memref<4096xf32, #tpu.memory_space<vmem>>, %arg14: memref<4096xf32, #tpu.memory_space<vmem>>, %arg15: memref<4096xf32, #tpu.memory_space<vmem>>, %arg16: memref<32x128xf32, #tpu.memory_space<vmem>>, %arg17: memref<32x128xf32, #tpu.memory_space<vmem>>, %arg18: memref<!tpu.dma_semaphore, #tpu.memory_space<semaphore_mem>>, %arg19: memref<!tpu.dma_semaphore, #tpu.memory_space<semaphore_mem>>, %arg20: memref<!tpu.dma_semaphore, #tpu.memory_space<semaphore_mem>>, %arg21: memref<!tpu.dma_semaphore, #tpu.memory_space<semaphore_mem>>) attributes {dimension_semantics = [#tpu.dimension_semantics<core_parallel>, #tpu.dimension_semantics<subcore_parallel>], iteration_bounds = array<i64: 2, 16>, scalar_prefetch = 0 : i64, scratch_operands = 15 : i64, tpu.core_type = #tpu.core_type<sc_vector_subcore>, window_params = [{transform_indices = #map}, {transform_indices = #map}, {transform_indices = #map}, {transform_indices = #map}, {transform_indices = #map1}]} {
    %rem3A = arith.constant 8 : i32
    %rem3A_0 = arith.remsi %arg1, %rem3A : i32
    %mul3A = arith.constant 2 : i32
    %mul3A_1 = arith.muli %arg0, %mul3A : i32
    %jit3A = arith.constant 8 : i32
    %div3A = arith.divsi %arg1, %jit3A : i32
    %sign3A = arith.constant 0 : i32
    %sign3A_2 = arith.cmpi sgt, %arg1, %sign3A : i32
    %sign3A_3 = arith.extui %sign3A_2 : i1 to i32
    %sign3A_4 = arith.constant 0 : i32
    %sign3A_5 = arith.cmpi slt, %arg1, %sign3A_4 : i32
    %sign3A_6 = arith.extui %sign3A_5 : i1 to i32
    %sign3A_7 = arith.subi %sign3A_3, %sign3A_6 : i32
    %sign3A_8 = arith.constant 0 : i32
    %sign3A_9 = arith.cmpi sgt, %jit3A, %sign3A_8 : i32
    %sign3A_10 = arith.extui %sign3A_9 : i1 to i32
    %sign3A_11 = arith.constant 0 : i32
    %sign3A_12 = arith.cmpi slt, %jit3A, %sign3A_11 : i32
    %sign3A_13 = arith.extui %sign3A_12 : i1 to i32
    %sign3A_14 = arith.subi %sign3A_10, %sign3A_13 : i32
    %ne3A = arith.cmpi ne, %sign3A_7, %sign3A_14 : i32
    %rem3A_15 = arith.remsi %arg1, %jit3A : i32
    %ne3A_16 = arith.constant 0 : i32
    %ne3A_17 = arith.cmpi ne, %rem3A_15, %ne3A_16 : i32
    %and3A = arith.andi %ne3A, %ne3A_17 : i1
    %sub3A = arith.constant 1 : i32
    %sub3A_18 = arith.subi %div3A, %sub3A : i32
    %select_n3A = arith.select %and3A, %sub3A_18, %div3A : i32
    %add3A = arith.addi %mul3A_1, %select_n3A : i32
    %shift_left3A = arith.constant 16 : i32
    %shift_left3A_19 = arith.shli %shift_left3A, %rem3A_0 : i32
    %convert_element_type3A = arith.sitofp %shift_left3A_19 : i32 to f32
    %jit3A_20 = arith.constant 4 : i32
    %div3A_21 = arith.divsi %rem3A_0, %jit3A_20 : i32
    %sign3A_22 = arith.constant 0 : i32
    %sign3A_23 = arith.cmpi sgt, %rem3A_0, %sign3A_22 : i32
    %sign3A_24 = arith.extui %sign3A_23 : i1 to i32
    %sign3A_25 = arith.constant 0 : i32
    %sign3A_26 = arith.cmpi slt, %rem3A_0, %sign3A_25 : i32
    %sign3A_27 = arith.extui %sign3A_26 : i1 to i32
    %sign3A_28 = arith.subi %sign3A_24, %sign3A_27 : i32
    %sign3A_29 = arith.constant 0 : i32
    %sign3A_30 = arith.cmpi sgt, %jit3A_20, %sign3A_29 : i32
    %sign3A_31 = arith.extui %sign3A_30 : i1 to i32
    %sign3A_32 = arith.constant 0 : i32
    %sign3A_33 = arith.cmpi slt, %jit3A_20, %sign3A_32 : i32
    %sign3A_34 = arith.extui %sign3A_33 : i1 to i32
    %sign3A_35 = arith.subi %sign3A_31, %sign3A_34 : i32
    %ne3A_36 = arith.cmpi ne, %sign3A_28, %sign3A_35 : i32
    %rem3A_37 = arith.remsi %rem3A_0, %jit3A_20 : i32
    %ne3A_38 = arith.constant 0 : i32
    %ne3A_39 = arith.cmpi ne, %rem3A_37, %ne3A_38 : i32
    %and3A_40 = arith.andi %ne3A_36, %ne3A_39 : i1
    %sub3A_41 = arith.constant 1 : i32
    %sub3A_42 = arith.subi %div3A_21, %sub3A_41 : i32
    %select_n3A_43 = arith.select %and3A_40, %sub3A_42, %div3A_21 : i32
    %rem3A_44 = arith.constant 4 : i32
    %rem3A_45 = arith.remsi %rem3A_0, %rem3A_44 : i32
    %mul3A_46 = arith.constant 2 : i32
    %mul3A_47 = arith.muli %mul3A_46, %rem3A_45 : i32
    %mul3A_48 = arith.constant 65536 : i32
    %mul3A_49 = arith.muli %rem3A_0, %mul3A_48 : i32
    "tpu.region"() ({
      %run_scoped3A = tpu.sem_alloc : memref<!tpu.dma_semaphore, #tpu.memory_space<semaphore_mem>>
      %dma_start3A_103 = tpu.memref_slice %arg5[%mul3A_49] : memref<524288xi32, #tpu.memory_space<hbm>> -> memref<65536xi32, #tpu.memory_space<hbm>>
      %dma_start3A_104 = tpu.memref_slice %arg5[%mul3A_49] : memref<524288xi32, #tpu.memory_space<hbm>> -> memref<65536xi32, #tpu.memory_space<hbm>>
      tpu.enqueue_dma source(%dma_start3A_104 : memref<65536xi32, #tpu.memory_space<hbm>>) target(%arg7 : memref<65536xi32, #tpu.memory_space<vmem>>) target_semaphore(%run_scoped3A : memref<!tpu.dma_semaphore, #tpu.memory_space<semaphore_mem>>)
      %dma_wait3A_105 = tpu.memref_slice %arg5[%mul3A_49] : memref<524288xi32, #tpu.memory_space<hbm>> -> memref<65536xi32, #tpu.memory_space<hbm>>
      %dma_wait3A_106 = tpu.memref_slice %arg5[%mul3A_49] : memref<524288xi32, #tpu.memory_space<hbm>> -> memref<65536xi32, #tpu.memory_space<hbm>>
      tpu.wait_dma2 semaphore(%run_scoped3A : memref<!tpu.dma_semaphore, #tpu.memory_space<semaphore_mem>>) src(%dma_wait3A_106 : memref<65536xi32, #tpu.memory_space<hbm>>) dst(%arg7 : memref<65536xi32, #tpu.memory_space<vmem>>)
      tpu.yield
    }) : () -> ()
    %mul3A_50 = arith.constant 262144 : i32
    %mul3A_51 = arith.muli %add3A, %mul3A_50 : i32
    %add3A_52 = arith.constant 0 : i32
    %add3A_53 = arith.addi %mul3A_51, %add3A_52 : i32
    %dma_start3A = tpu.memref_slice %arg2[%add3A_53] : memref<1048576xf32, #tpu.memory_space<hbm>> -> memref<4096xf32, #tpu.memory_space<hbm>>
    %dma_start3A_54 = tpu.memref_slice %arg2[%add3A_53] : memref<1048576xf32, #tpu.memory_space<hbm>> -> memref<4096xf32, #tpu.memory_space<hbm>>
    tpu.enqueue_dma source(%dma_start3A_54 : memref<4096xf32, #tpu.memory_space<hbm>>) target(%arg8 : memref<4096xf32, #tpu.memory_space<vmem>>) target_semaphore(%arg18 : memref<!tpu.dma_semaphore, #tpu.memory_space<semaphore_mem>>)
    %dma_start3A_55 = tpu.memref_slice %arg3[%add3A_53] : memref<1048576xf32, #tpu.memory_space<hbm>> -> memref<4096xf32, #tpu.memory_space<hbm>>
    %dma_start3A_56 = tpu.memref_slice %arg3[%add3A_53] : memref<1048576xf32, #tpu.memory_space<hbm>> -> memref<4096xf32, #tpu.memory_space<hbm>>
    tpu.enqueue_dma source(%dma_start3A_56 : memref<4096xf32, #tpu.memory_space<hbm>>) target(%arg9 : memref<4096xf32, #tpu.memory_space<vmem>>) target_semaphore(%arg18 : memref<!tpu.dma_semaphore, #tpu.memory_space<semaphore_mem>>)
    %dma_start3A_57 = tpu.memref_slice %arg4[%add3A_53] : memref<1048576xf32, #tpu.memory_space<hbm>> -> memref<4096xf32, #tpu.memory_space<hbm>>
    %dma_start3A_58 = tpu.memref_slice %arg4[%add3A_53] : memref<1048576xf32, #tpu.memory_space<hbm>> -> memref<4096xf32, #tpu.memory_space<hbm>>
    tpu.enqueue_dma source(%dma_start3A_58 : memref<4096xf32, #tpu.memory_space<hbm>>) target(%arg10 : memref<4096xf32, #tpu.memory_space<vmem>>) target_semaphore(%arg18 : memref<!tpu.dma_semaphore, #tpu.memory_space<semaphore_mem>>)
    %scan3A = arith.constant -1640531535 : i32
    %scan3A_59 = arith.constant 805459861 : i32
    %scan3A_60 = arith.constant 65535 : i32
    %scan3A_61 = arith.constant 0 : i32
    %scan3A_62 = arith.constant 0 : i32
    %scan3A_63 = arith.constant 32 : i32
    %scan3A_64 = arith.addi %scan3A_62, %scan3A_63 : i32
    %scan3A_65 = arith.constant 1 : i32
    %scan3A_66 = scf.for %scan3A_103 = %scan3A_62 to %scan3A_64 step %scan3A_65 iter_args(%scan3A_104 = %scan3A_61) -> (i32)  : i32 {
      %mul3A_105 = arith.constant 2 : i32
      %mul3A_106 = arith.muli %scan3A_103, %mul3A_105 : i32
      %add3A_107 = arith.constant 1 : i32
      %add3A_108 = arith.addi %mul3A_106, %add3A_107 : i32
      %mul3A_109 = arith.constant 262144 : i32
      %mul3A_110 = arith.muli %add3A, %mul3A_109 : i32
      %mul3A_111 = arith.constant 4096 : i32
      %mul3A_112 = arith.muli %add3A_108, %mul3A_111 : i32
      %add3A_113 = arith.addi %mul3A_110, %mul3A_112 : i32
      %dma_start3A_114 = tpu.memref_slice %arg2[%add3A_113] : memref<1048576xf32, #tpu.memory_space<hbm>> -> memref<4096xf32, #tpu.memory_space<hbm>>
      %dma_start3A_115 = tpu.memref_slice %arg2[%add3A_113] : memref<1048576xf32, #tpu.memory_space<hbm>> -> memref<4096xf32, #tpu.memory_space<hbm>>
      tpu.enqueue_dma source(%dma_start3A_115 : memref<4096xf32, #tpu.memory_space<hbm>>) target(%arg13 : memref<4096xf32, #tpu.memory_space<vmem>>) target_semaphore(%arg19 : memref<!tpu.dma_semaphore, #tpu.memory_space<semaphore_mem>>)
      %dma_start3A_116 = tpu.memref_slice %arg3[%add3A_113] : memref<1048576xf32, #tpu.memory_space<hbm>> -> memref<4096xf32, #tpu.memory_space<hbm>>
      %dma_start3A_117 = tpu.memref_slice %arg3[%add3A_113] : memref<1048576xf32, #tpu.memory_space<hbm>> -> memref<4096xf32, #tpu.memory_space<hbm>>
      tpu.enqueue_dma source(%dma_start3A_117 : memref<4096xf32, #tpu.memory_space<hbm>>) target(%arg14 : memref<4096xf32, #tpu.memory_space<vmem>>) target_semaphore(%arg19 : memref<!tpu.dma_semaphore, #tpu.memory_space<semaphore_mem>>)
      %dma_start3A_118 = tpu.memref_slice %arg4[%add3A_113] : memref<1048576xf32, #tpu.memory_space<hbm>> -> memref<4096xf32, #tpu.memory_space<hbm>>
      %dma_start3A_119 = tpu.memref_slice %arg4[%add3A_113] : memref<1048576xf32, #tpu.memory_space<hbm>> -> memref<4096xf32, #tpu.memory_space<hbm>>
      tpu.enqueue_dma source(%dma_start3A_119 : memref<4096xf32, #tpu.memory_space<hbm>>) target(%arg15 : memref<4096xf32, #tpu.memory_space<vmem>>) target_semaphore(%arg19 : memref<!tpu.dma_semaphore, #tpu.memory_space<semaphore_mem>>)
      %dma_wait3A_120 = arith.constant 0 : i32
      %dma_wait3A_121 = tpu.memref_slice %arg2[%dma_wait3A_120] : memref<1048576xf32, #tpu.memory_space<hbm>> -> memref<4096xf32, #tpu.memory_space<hbm>>
      %dma_wait3A_122 = arith.constant 0 : i32
      %dma_wait3A_123 = tpu.memref_slice %arg2[%dma_wait3A_122] : memref<1048576xf32, #tpu.memory_space<hbm>> -> memref<4096xf32, #tpu.memory_space<hbm>>
      tpu.wait_dma2 semaphore(%arg18 : memref<!tpu.dma_semaphore, #tpu.memory_space<semaphore_mem>>) src(%dma_wait3A_123 : memref<4096xf32, #tpu.memory_space<hbm>>) dst(%arg8 : memref<4096xf32, #tpu.memory_space<vmem>>)
      %dma_wait3A_124 = arith.constant 0 : i32
      %dma_wait3A_125 = tpu.memref_slice %arg3[%dma_wait3A_124] : memref<1048576xf32, #tpu.memory_space<hbm>> -> memref<4096xf32, #tpu.memory_space<hbm>>
      %dma_wait3A_126 = arith.constant 0 : i32
      %dma_wait3A_127 = tpu.memref_slice %arg3[%dma_wait3A_126] : memref<1048576xf32, #tpu.memory_space<hbm>> -> memref<4096xf32, #tpu.memory_space<hbm>>
      tpu.wait_dma2 semaphore(%arg18 : memref<!tpu.dma_semaphore, #tpu.memory_space<semaphore_mem>>) src(%dma_wait3A_127 : memref<4096xf32, #tpu.memory_space<hbm>>) dst(%arg9 : memref<4096xf32, #tpu.memory_space<vmem>>)
      %dma_wait3A_128 = arith.constant 0 : i32
      %dma_wait3A_129 = tpu.memref_slice %arg4[%dma_wait3A_128] : memref<1048576xf32, #tpu.memory_space<hbm>> -> memref<4096xf32, #tpu.memory_space<hbm>>
      %dma_wait3A_130 = arith.constant 0 : i32
      %dma_wait3A_131 = tpu.memref_slice %arg4[%dma_wait3A_130] : memref<1048576xf32, #tpu.memory_space<hbm>> -> memref<4096xf32, #tpu.memory_space<hbm>>
      tpu.wait_dma2 semaphore(%arg18 : memref<!tpu.dma_semaphore, #tpu.memory_space<semaphore_mem>>) src(%dma_wait3A_131 : memref<4096xf32, #tpu.memory_space<hbm>>) dst(%arg10 : memref<4096xf32, #tpu.memory_space<vmem>>)
      %gt3A = arith.constant 0 : i32
      %gt3A_132 = arith.cmpi sgt, %scan3A_103, %gt3A : i32
      %convert_element_type3A_133 = arith.extui %gt3A_132 : i1 to i32
      %cond3A = arith.constant 0 : i32
      %cond3A_134 = arith.cmpi ne, %convert_element_type3A_133, %cond3A : i32
      scf.if %cond3A_134 {
        %dma_wait3A_252 = arith.constant 0 : i32
        %dma_wait3A_253 = arith.constant 0 : i32
        %dma_wait3A_254 = tpu.memref_slice %arg6[%select_n3A_43, %dma_wait3A_252, %mul3A_47, %dma_wait3A_253] : memref<2x8192x8x128xf32, #tpu.memory_space<hbm>> -> memref<1x32x1x128xf32, #tpu.memory_space<hbm>>
        %dma_wait3A_255 = tpu.memref_squeeze %dma_wait3A_254 : memref<1x32x1x128xf32, #tpu.memory_space<hbm>> -> memref<32x128xf32, #tpu.memory_space<hbm>>
        %dma_wait3A_256 = arith.constant 0 : i32
        %dma_wait3A_257 = arith.constant 0 : i32
        %dma_wait3A_258 = tpu.memref_slice %arg6[%select_n3A_43, %dma_wait3A_256, %mul3A_47, %dma_wait3A_257] : memref<2x8192x8x128xf32, #tpu.memory_space<hbm>> -> memref<1x32x1x128xf32, #tpu.memory_space<hbm>>
        %dma_wait3A_259 = tpu.memref_squeeze %dma_wait3A_258 : memref<1x32x1x128xf32, #tpu.memory_space<hbm>> -> memref<32x128xf32, #tpu.memory_space<hbm>>
        tpu.wait_dma2 semaphore(%arg20 : memref<!tpu.dma_semaphore, #tpu.memory_space<semaphore_mem>>) src(%arg11 : memref<32x128xf32, #tpu.memory_space<vmem>>) dst(%dma_wait3A_259 : memref<32x128xf32, #tpu.memory_space<hbm>>)
        %add3A_260 = arith.constant 1 : i32
        %add3A_261 = arith.addi %mul3A_47, %add3A_260 : i32
        %dma_wait3A_262 = arith.constant 0 : i32
        %dma_wait3A_263 = arith.constant 0 : i32
        %dma_wait3A_264 = tpu.memref_slice %arg6[%select_n3A_43, %dma_wait3A_262, %add3A_261, %dma_wait3A_263] : memref<2x8192x8x128xf32, #tpu.memory_space<hbm>> -> memref<1x32x1x128xf32, #tpu.memory_space<hbm>>
        %dma_wait3A_265 = tpu.memref_squeeze %dma_wait3A_264 : memref<1x32x1x128xf32, #tpu.memory_space<hbm>> -> memref<32x128xf32, #tpu.memory_space<hbm>>
        %dma_wait3A_266 = arith.constant 0 : i32
        %dma_wait3A_267 = arith.constant 0 : i32
        %dma_wait3A_268 = tpu.memref_slice %arg6[%select_n3A_43, %dma_wait3A_266, %add3A_261, %dma_wait3A_267] : memref<2x8192x8x128xf32, #tpu.memory_space<hbm>> -> memref<1x32x1x128xf32, #tpu.memory_space<hbm>>
        %dma_wait3A_269 = tpu.memref_squeeze %dma_wait3A_268 : memref<1x32x1x128xf32, #tpu.memory_space<hbm>> -> memref<32x128xf32, #tpu.memory_space<hbm>>
        tpu.wait_dma2 semaphore(%arg20 : memref<!tpu.dma_semaphore, #tpu.memory_space<semaphore_mem>>) src(%arg12 : memref<32x128xf32, #tpu.memory_space<vmem>>) dst(%dma_wait3A_269 : memref<32x128xf32, #tpu.memory_space<hbm>>)
      } else {
      }
      %parallel_loop3A = arith.constant 0 : i32
      %parallel_loop3A_135 = arith.constant 32 : i32
      %parallel_loop3A_136 = arith.constant 1 : i32
      scf.for %parallel_loop3A_252 = %parallel_loop3A to %parallel_loop3A_135 step %parallel_loop3A_136  : i32 {
        %parallel_loop3A_253 = arith.constant 128 : i32
        %parallel_loop3A_254 = arith.muli %parallel_loop3A_252, %parallel_loop3A_253 : i32
        %parallel_loop3A_255 = arith.constant 0 : i32
        %parallel_loop3A_256 = arith.addi %parallel_loop3A_254, %parallel_loop3A_255 : i32
        %parallel_loop3A_257 = arith.index_cast %parallel_loop3A_256 : i32 to index
        %parallel_loop3A_258 = tpu.vector_load %arg8[%parallel_loop3A_257] {strides = array<i32>} : memref<4096xf32, #tpu.memory_space<vmem>>, vector<16xf32>,
        %parallel_loop3A_259 = arith.index_cast %parallel_loop3A_256 : i32 to index
        %parallel_loop3A_260 = tpu.vector_load %arg9[%parallel_loop3A_259] {strides = array<i32>} : memref<4096xf32, #tpu.memory_space<vmem>>, vector<16xf32>,
        %parallel_loop3A_261 = arith.index_cast %parallel_loop3A_256 : i32 to index
        %parallel_loop3A_262 = tpu.vector_load %arg10[%parallel_loop3A_261] {strides = array<i32>} : memref<4096xf32, #tpu.memory_space<vmem>>, vector<16xf32>,
        %parallel_loop3A_263 = vector.broadcast %convert_element_type3A : f32 to vector<16xf32>
        %parallel_loop3A_264 = arith.mulf %parallel_loop3A_258, %parallel_loop3A_263 : vector<16xf32>
        %parallel_loop3A_265 = vector.broadcast %convert_element_type3A : f32 to vector<16xf32>
        %parallel_loop3A_266 = arith.mulf %parallel_loop3A_260, %parallel_loop3A_265 : vector<16xf32>
        %parallel_loop3A_267 = vector.broadcast %convert_element_type3A : f32 to vector<16xf32>
        %parallel_loop3A_268 = arith.mulf %parallel_loop3A_262, %parallel_loop3A_267 : vector<16xf32>
        %parallel_loop3A_269 = arith.fptosi %parallel_loop3A_264 : vector<16xf32> to vector<16xi32>
        %parallel_loop3A_270 = arith.fptosi %parallel_loop3A_266 : vector<16xf32> to vector<16xi32>
        %parallel_loop3A_271 = arith.fptosi %parallel_loop3A_268 : vector<16xf32> to vector<16xi32>
        %parallel_loop3A_272 = arith.sitofp %parallel_loop3A_269 : vector<16xi32> to vector<16xf32>
        %parallel_loop3A_273 = arith.subf %parallel_loop3A_264, %parallel_loop3A_272 : vector<16xf32>
        %parallel_loop3A_274 = arith.sitofp %parallel_loop3A_270 : vector<16xi32> to vector<16xf32>
        %parallel_loop3A_275 = arith.subf %parallel_loop3A_266, %parallel_loop3A_274 : vector<16xf32>
        %parallel_loop3A_276 = arith.sitofp %parallel_loop3A_271 : vector<16xi32> to vector<16xf32>
        %parallel_loop3A_277 = arith.subf %parallel_loop3A_268, %parallel_loop3A_276 : vector<16xf32>
        %parallel_loop3A_278 = arith.constant 1 : i32
        %parallel_loop3A_279 = vector.broadcast %parallel_loop3A_278 : i32 to vector<16xi32>
        %parallel_loop3A_280 = arith.addi %parallel_loop3A_269, %parallel_loop3A_279 : vector<16xi32>
        %parallel_loop3A_281 = vector.broadcast %scan3A : i32 to vector<16xi32>
        %parallel_loop3A_282 = arith.muli %parallel_loop3A_270, %parallel_loop3A_281 : vector<16xi32>
        %parallel_loop3A_283 = vector.broadcast %scan3A : i32 to vector<16xi32>
        %parallel_loop3A_284 = arith.addi %parallel_loop3A_282, %parallel_loop3A_283 : vector<16xi32>
        %parallel_loop3A_285 = vector.broadcast %scan3A_59 : i32 to vector<16xi32>
        %parallel_loop3A_286 = arith.muli %parallel_loop3A_271, %parallel_loop3A_285 : vector<16xi32>
        %parallel_loop3A_287 = vector.broadcast %scan3A_59 : i32 to vector<16xi32>
        %parallel_loop3A_288 = arith.addi %parallel_loop3A_286, %parallel_loop3A_287 : vector<16xi32>
        %parallel_loop3A_289 = arith.xori %parallel_loop3A_282, %parallel_loop3A_286 : vector<16xi32>
        %parallel_loop3A_290 = vector.broadcast %scan3A_60 : i32 to vector<16xi32>
        %parallel_loop3A_291 = arith.andi %parallel_loop3A_289, %parallel_loop3A_290 : vector<16xi32>
        %parallel_loop3A_292 = arith.xori %parallel_loop3A_282, %parallel_loop3A_288 : vector<16xi32>
        %parallel_loop3A_293 = vector.broadcast %scan3A_60 : i32 to vector<16xi32>
        %parallel_loop3A_294 = arith.andi %parallel_loop3A_292, %parallel_loop3A_293 : vector<16xi32>
        %parallel_loop3A_295 = arith.xori %parallel_loop3A_284, %parallel_loop3A_286 : vector<16xi32>
        %parallel_loop3A_296 = vector.broadcast %scan3A_60 : i32 to vector<16xi32>
        %parallel_loop3A_297 = arith.andi %parallel_loop3A_295, %parallel_loop3A_296 : vector<16xi32>
        %parallel_loop3A_298 = arith.xori %parallel_loop3A_284, %parallel_loop3A_288 : vector<16xi32>
        %parallel_loop3A_299 = vector.broadcast %scan3A_60 : i32 to vector<16xi32>
        %parallel_loop3A_300 = arith.andi %parallel_loop3A_298, %parallel_loop3A_299 : vector<16xi32>
        %parallel_loop3A_301 = arith.constant 1.000000e+00 : f32
        %parallel_loop3A_302 = vector.broadcast %parallel_loop3A_301 : f32 to vector<16xf32>
        %parallel_loop3A_303 = arith.subf %parallel_loop3A_302, %parallel_loop3A_273 : vector<16xf32>
        %parallel_loop3A_304 = arith.constant 1.000000e+00 : f32
        %parallel_loop3A_305 = vector.broadcast %parallel_loop3A_304 : f32 to vector<16xf32>
        %parallel_loop3A_306 = arith.subf %parallel_loop3A_305, %parallel_loop3A_275 : vector<16xf32>
        %parallel_loop3A_307 = arith.constant 1.000000e+00 : f32
        %parallel_loop3A_308 = vector.broadcast %parallel_loop3A_307 : f32 to vector<16xf32>
        %parallel_loop3A_309 = arith.subf %parallel_loop3A_308, %parallel_loop3A_277 : vector<16xf32>
        %parallel_loop3A_310 = arith.mulf %parallel_loop3A_306, %parallel_loop3A_309 : vector<16xf32>
        %parallel_loop3A_311 = arith.mulf %parallel_loop3A_306, %parallel_loop3A_277 : vector<16xf32>
        %parallel_loop3A_312 = arith.mulf %parallel_loop3A_275, %parallel_loop3A_309 : vector<16xf32>
        %parallel_loop3A_313 = arith.mulf %parallel_loop3A_275, %parallel_loop3A_277 : vector<16xf32>
        %parallel_loop3A_314 = tpu.pack_subelements %parallel_loop3A_303, %parallel_loop3A_303 {pack_format = #tpu.pack_format<interleaved>, positions = array<i32: 0, 1>} : vector<16xf32>, vector<16xf32> -> vector<32xbf16>
        %parallel_loop3A_315 = tpu.pack_subelements %parallel_loop3A_273, %parallel_loop3A_273 {pack_format = #tpu.pack_format<interleaved>, positions = array<i32: 0, 1>} : vector<16xf32>, vector<16xf32> -> vector<32xbf16>
        %parallel_loop3A_316 = tpu.pack_subelements %parallel_loop3A_310, %parallel_loop3A_310 {pack_format = #tpu.pack_format<interleaved>, positions = array<i32: 0, 1>} : vector<16xf32>, vector<16xf32> -> vector<32xbf16>
        %parallel_loop3A_317 = tpu.pack_subelements %parallel_loop3A_311, %parallel_loop3A_311 {pack_format = #tpu.pack_format<interleaved>, positions = array<i32: 0, 1>} : vector<16xf32>, vector<16xf32> -> vector<32xbf16>
        %parallel_loop3A_318 = tpu.pack_subelements %parallel_loop3A_312, %parallel_loop3A_312 {pack_format = #tpu.pack_format<interleaved>, positions = array<i32: 0, 1>} : vector<16xf32>, vector<16xf32> -> vector<32xbf16>
        %parallel_loop3A_319 = tpu.pack_subelements %parallel_loop3A_313, %parallel_loop3A_313 {pack_format = #tpu.pack_format<interleaved>, positions = array<i32: 0, 1>} : vector<16xf32>, vector<16xf32> -> vector<32xbf16>
        %parallel_loop3A_320 = arith.constant 0.000000e+00 : bf16
        %parallel_loop3A_321 = vector.broadcast %parallel_loop3A_320 : bf16 to vector<32xbf16>
        %parallel_loop3A_322 = arith.xori %parallel_loop3A_269, %parallel_loop3A_291 : vector<16xi32>
        %parallel_loop3A_323 = arith.xori %parallel_loop3A_280, %parallel_loop3A_291 : vector<16xi32>
        %parallel_loop3A_324 = tpu.vector_load_idx %arg7[%parallel_loop3A_322] : memref<65536xi32, #tpu.memory_space<vmem>>[vector<16xi32>], vector<16xi32>,
        %parallel_loop3A_325 = vector.bitcast %parallel_loop3A_324 : vector<16xi32> to vector<32xbf16>
        %parallel_loop3A_326 = tpu.vector_load_idx %arg7[%parallel_loop3A_323] : memref<65536xi32, #tpu.memory_space<vmem>>[vector<16xi32>], vector<16xi32>,
        %parallel_loop3A_327 = vector.bitcast %parallel_loop3A_326 : vector<16xi32> to vector<32xbf16>
        %parallel_loop3A_328 = arith.mulf %parallel_loop3A_314, %parallel_loop3A_325 : vector<32xbf16>
        %parallel_loop3A_329 = arith.mulf %parallel_loop3A_315, %parallel_loop3A_327 : vector<32xbf16>
        %parallel_loop3A_330 = arith.addf %parallel_loop3A_328, %parallel_loop3A_329 : vector<32xbf16>
        %parallel_loop3A_331 = arith.mulf %parallel_loop3A_316, %parallel_loop3A_330 : vector<32xbf16>
        %parallel_loop3A_332 = arith.addf %parallel_loop3A_321, %parallel_loop3A_331 : vector<32xbf16>
        %parallel_loop3A_333 = arith.xori %parallel_loop3A_269, %parallel_loop3A_294 : vector<16xi32>
        %parallel_loop3A_334 = arith.xori %parallel_loop3A_280, %parallel_loop3A_294 : vector<16xi32>
        %parallel_loop3A_335 = tpu.vector_load_idx %arg7[%parallel_loop3A_333] : memref<65536xi32, #tpu.memory_space<vmem>>[vector<16xi32>], vector<16xi32>,
        %parallel_loop3A_336 = vector.bitcast %parallel_loop3A_335 : vector<16xi32> to vector<32xbf16>
        %parallel_loop3A_337 = tpu.vector_load_idx %arg7[%parallel_loop3A_334] : memref<65536xi32, #tpu.memory_space<vmem>>[vector<16xi32>], vector<16xi32>,
        %parallel_loop3A_338 = vector.bitcast %parallel_loop3A_337 : vector<16xi32> to vector<32xbf16>
        %parallel_loop3A_339 = arith.mulf %parallel_loop3A_314, %parallel_loop3A_336 : vector<32xbf16>
        %parallel_loop3A_340 = arith.mulf %parallel_loop3A_315, %parallel_loop3A_338 : vector<32xbf16>
        %parallel_loop3A_341 = arith.addf %parallel_loop3A_339, %parallel_loop3A_340 : vector<32xbf16>
        %parallel_loop3A_342 = arith.mulf %parallel_loop3A_317, %parallel_loop3A_341 : vector<32xbf16>
        %parallel_loop3A_343 = arith.addf %parallel_loop3A_332, %parallel_loop3A_342 : vector<32xbf16>
        %parallel_loop3A_344 = arith.xori %parallel_loop3A_269, %parallel_loop3A_297 : vector<16xi32>
        %parallel_loop3A_345 = arith.xori %parallel_loop3A_280, %parallel_loop3A_297 : vector<16xi32>
        %parallel_loop3A_346 = tpu.vector_load_idx %arg7[%parallel_loop3A_344] : memref<65536xi32, #tpu.memory_space<vmem>>[vector<16xi32>], vector<16xi32>,
        %parallel_loop3A_347 = vector.bitcast %parallel_loop3A_346 : vector<16xi32> to vector<32xbf16>
        %parallel_loop3A_348 = tpu.vector_load_idx %arg7[%parallel_loop3A_345] : memref<65536xi32, #tpu.memory_space<vmem>>[vector<16xi32>], vector<16xi32>,
        %parallel_loop3A_349 = vector.bitcast %parallel_loop3A_348 : vector<16xi32> to vector<32xbf16>
        %parallel_loop3A_350 = arith.mulf %parallel_loop3A_314, %parallel_loop3A_347 : vector<32xbf16>
        %parallel_loop3A_351 = arith.mulf %parallel_loop3A_315, %parallel_loop3A_349 : vector<32xbf16>
        %parallel_loop3A_352 = arith.addf %parallel_loop3A_350, %parallel_loop3A_351 : vector<32xbf16>
        %parallel_loop3A_353 = arith.mulf %parallel_loop3A_318, %parallel_loop3A_352 : vector<32xbf16>
        %parallel_loop3A_354 = arith.addf %parallel_loop3A_343, %parallel_loop3A_353 : vector<32xbf16>
        %parallel_loop3A_355 = arith.xori %parallel_loop3A_269, %parallel_loop3A_300 : vector<16xi32>
        %parallel_loop3A_356 = arith.xori %parallel_loop3A_280, %parallel_loop3A_300 : vector<16xi32>
        %parallel_loop3A_357 = tpu.vector_load_idx %arg7[%parallel_loop3A_355] : memref<65536xi32, #tpu.memory_space<vmem>>[vector<16xi32>], vector<16xi32>,
        %parallel_loop3A_358 = vector.bitcast %parallel_loop3A_357 : vector<16xi32> to vector<32xbf16>
        %parallel_loop3A_359 = tpu.vector_load_idx %arg7[%parallel_loop3A_356] : memref<65536xi32, #tpu.memory_space<vmem>>[vector<16xi32>], vector<16xi32>,
        %parallel_loop3A_360 = vector.bitcast %parallel_loop3A_359 : vector<16xi32> to vector<32xbf16>
        %parallel_loop3A_361 = arith.mulf %parallel_loop3A_314, %parallel_loop3A_358 : vector<32xbf16>
        %parallel_loop3A_362 = arith.mulf %parallel_loop3A_315, %parallel_loop3A_360 : vector<32xbf16>
        %parallel_loop3A_363 = arith.addf %parallel_loop3A_361, %parallel_loop3A_362 : vector<32xbf16>
        %parallel_loop3A_364 = arith.mulf %parallel_loop3A_319, %parallel_loop3A_363 : vector<32xbf16>
        %parallel_loop3A_365 = arith.addf %parallel_loop3A_354, %parallel_loop3A_364 : vector<32xbf16>
        %parallel_loop3A_366 = tpu.unpack_subelements %parallel_loop3A_365, 0 {pack_format = #tpu.pack_format<interleaved>} : vector<32xbf16> -> vector<16xf32>
        %parallel_loop3A_367 = tpu.unpack_subelements %parallel_loop3A_365, 1 {pack_format = #tpu.pack_format<interleaved>} : vector<32xbf16> -> vector<16xf32>
        %parallel_loop3A_368 = arith.index_cast %parallel_loop3A_252 : i32 to index
        %parallel_loop3A_369 = arith.constant 0 : index
        %parallel_loop3A_370 = tpu.vector_load %arg11[%parallel_loop3A_368, %parallel_loop3A_369] {strides = array<i32>} : memref<32x128xf32, #tpu.memory_space<vmem>>, vector<16xf32>,
        tpu.vector_store %arg11[%parallel_loop3A_368, %parallel_loop3A_369], %parallel_loop3A_366 {strides = array<i32>} : memref<32x128xf32, #tpu.memory_space<vmem>>, vector<16xf32>,
        %parallel_loop3A_371 = arith.index_cast %parallel_loop3A_252 : i32 to index
        %parallel_loop3A_372 = arith.constant 0 : index
        %parallel_loop3A_373 = tpu.vector_load %arg12[%parallel_loop3A_371, %parallel_loop3A_372] {strides = array<i32>} : memref<32x128xf32, #tpu.memory_space<vmem>>, vector<16xf32>,
        tpu.vector_store %arg12[%parallel_loop3A_371, %parallel_loop3A_372], %parallel_loop3A_367 {strides = array<i32>} : memref<32x128xf32, #tpu.memory_space<vmem>>, vector<16xf32>,
        %parallel_loop3A_374 = arith.constant 128 : i32
        %parallel_loop3A_375 = arith.muli %parallel_loop3A_252, %parallel_loop3A_374 : i32
        %parallel_loop3A_376 = arith.constant 16 : i32
        %parallel_loop3A_377 = arith.addi %parallel_loop3A_375, %parallel_loop3A_376 : i32
        %parallel_loop3A_378 = arith.index_cast %parallel_loop3A_377 : i32 to index
        %parallel_loop3A_379 = tpu.vector_load %arg8[%parallel_loop3A_378] {strides = array<i32>} : memref<4096xf32, #tpu.memory_space<vmem>>, vector<16xf32>,
        %parallel_loop3A_380 = arith.index_cast %parallel_loop3A_377 : i32 to index
        %parallel_loop3A_381 = tpu.vector_load %arg9[%parallel_loop3A_380] {strides = array<i32>} : memref<4096xf32, #tpu.memory_space<vmem>>, vector<16xf32>,
        %parallel_loop3A_382 = arith.index_cast %parallel_loop3A_377 : i32 to index
        %parallel_loop3A_383 = tpu.vector_load %arg10[%parallel_loop3A_382] {strides = array<i32>} : memref<4096xf32, #tpu.memory_space<vmem>>, vector<16xf32>,
        %parallel_loop3A_384 = vector.broadcast %convert_element_type3A : f32 to vector<16xf32>
        %parallel_loop3A_385 = arith.mulf %parallel_loop3A_379, %parallel_loop3A_384 : vector<16xf32>
        %parallel_loop3A_386 = vector.broadcast %convert_element_type3A : f32 to vector<16xf32>
        %parallel_loop3A_387 = arith.mulf %parallel_loop3A_381, %parallel_loop3A_386 : vector<16xf32>
        %parallel_loop3A_388 = vector.broadcast %convert_element_type3A : f32 to vector<16xf32>
        %parallel_loop3A_389 = arith.mulf %parallel_loop3A_383, %parallel_loop3A_388 : vector<16xf32>
        %parallel_loop3A_390 = arith.fptosi %parallel_loop3A_385 : vector<16xf32> to vector<16xi32>
        %parallel_loop3A_391 = arith.fptosi %parallel_loop3A_387 : vector<16xf32> to vector<16xi32>
        %parallel_loop3A_392 = arith.fptosi %parallel_loop3A_389 : vector<16xf32> to vector<16xi32>
        %parallel_loop3A_393 = arith.sitofp %parallel_loop3A_390 : vector<16xi32> to vector<16xf32>
        %parallel_loop3A_394 = arith.subf %parallel_loop3A_385, %parallel_loop3A_393 : vector<16xf32>
        %parallel_loop3A_395 = arith.sitofp %parallel_loop3A_391 : vector<16xi32> to vector<16xf32>
        %parallel_loop3A_396 = arith.subf %parallel_loop3A_387, %parallel_loop3A_395 : vector<16xf32>
        %parallel_loop3A_397 = arith.sitofp %parallel_loop3A_392 : vector<16xi32> to vector<16xf32>
        %parallel_loop3A_398 = arith.subf %parallel_loop3A_389, %parallel_loop3A_397 : vector<16xf32>
        %parallel_loop3A_399 = arith.constant 1 : i32
        %parallel_loop3A_400 = vector.broadcast %parallel_loop3A_399 : i32 to vector<16xi32>
        %parallel_loop3A_401 = arith.addi %parallel_loop3A_390, %parallel_loop3A_400 : vector<16xi32>
        %parallel_loop3A_402 = vector.broadcast %scan3A : i32 to vector<16xi32>
        %parallel_loop3A_403 = arith.muli %parallel_loop3A_391, %parallel_loop3A_402 : vector<16xi32>
        %parallel_loop3A_404 = vector.broadcast %scan3A : i32 to vector<16xi32>
        %parallel_loop3A_405 = arith.addi %parallel_loop3A_403, %parallel_loop3A_404 : vector<16xi32>
        %parallel_loop3A_406 = vector.broadcast %scan3A_59 : i32 to vector<16xi32>
        %parallel_loop3A_407 = arith.muli %parallel_loop3A_392, %parallel_loop3A_406 : vector<16xi32>
        %parallel_loop3A_408 = vector.broadcast %scan3A_59 : i32 to vector<16xi32>
        %parallel_loop3A_409 = arith.addi %parallel_loop3A_407, %parallel_loop3A_408 : vector<16xi32>
        %parallel_loop3A_410 = arith.xori %parallel_loop3A_403, %parallel_loop3A_407 : vector<16xi32>
        %parallel_loop3A_411 = vector.broadcast %scan3A_60 : i32 to vector<16xi32>
        %parallel_loop3A_412 = arith.andi %parallel_loop3A_410, %parallel_loop3A_411 : vector<16xi32>
        %parallel_loop3A_413 = arith.xori %parallel_loop3A_403, %parallel_loop3A_409 : vector<16xi32>
        %parallel_loop3A_414 = vector.broadcast %scan3A_60 : i32 to vector<16xi32>
        %parallel_loop3A_415 = arith.andi %parallel_loop3A_413, %parallel_loop3A_414 : vector<16xi32>
        %parallel_loop3A_416 = arith.xori %parallel_loop3A_405, %parallel_loop3A_407 : vector<16xi32>
        %parallel_loop3A_417 = vector.broadcast %scan3A_60 : i32 to vector<16xi32>
        %parallel_loop3A_418 = arith.andi %parallel_loop3A_416, %parallel_loop3A_417 : vector<16xi32>
        %parallel_loop3A_419 = arith.xori %parallel_loop3A_405, %parallel_loop3A_409 : vector<16xi32>
        %parallel_loop3A_420 = vector.broadcast %scan3A_60 : i32 to vector<16xi32>
        %parallel_loop3A_421 = arith.andi %parallel_loop3A_419, %parallel_loop3A_420 : vector<16xi32>
        %parallel_loop3A_422 = arith.constant 1.000000e+00 : f32
        %parallel_loop3A_423 = vector.broadcast %parallel_loop3A_422 : f32 to vector<16xf32>
        %parallel_loop3A_424 = arith.subf %parallel_loop3A_423, %parallel_loop3A_394 : vector<16xf32>
        %parallel_loop3A_425 = arith.constant 1.000000e+00 : f32
        %parallel_loop3A_426 = vector.broadcast %parallel_loop3A_425 : f32 to vector<16xf32>
        %parallel_loop3A_427 = arith.subf %parallel_loop3A_426, %parallel_loop3A_396 : vector<16xf32>
        %parallel_loop3A_428 = arith.constant 1.000000e+00 : f32
        %parallel_loop3A_429 = vector.broadcast %parallel_loop3A_428 : f32 to vector<16xf32>
        %parallel_loop3A_430 = arith.subf %parallel_loop3A_429, %parallel_loop3A_398 : vector<16xf32>
        %parallel_loop3A_431 = arith.mulf %parallel_loop3A_427, %parallel_loop3A_430 : vector<16xf32>
        %parallel_loop3A_432 = arith.mulf %parallel_loop3A_427, %parallel_loop3A_398 : vector<16xf32>
        %parallel_loop3A_433 = arith.mulf %parallel_loop3A_396, %parallel_loop3A_430 : vector<16xf32>
        %parallel_loop3A_434 = arith.mulf %parallel_loop3A_396, %parallel_loop3A_398 : vector<16xf32>
        %parallel_loop3A_435 = tpu.pack_subelements %parallel_loop3A_424, %parallel_loop3A_424 {pack_format = #tpu.pack_format<interleaved>, positions = array<i32: 0, 1>} : vector<16xf32>, vector<16xf32> -> vector<32xbf16>
        %parallel_loop3A_436 = tpu.pack_subelements %parallel_loop3A_394, %parallel_loop3A_394 {pack_format = #tpu.pack_format<interleaved>, positions = array<i32: 0, 1>} : vector<16xf32>, vector<16xf32> -> vector<32xbf16>
        %parallel_loop3A_437 = tpu.pack_subelements %parallel_loop3A_431, %parallel_loop3A_431 {pack_format = #tpu.pack_format<interleaved>, positions = array<i32: 0, 1>} : vector<16xf32>, vector<16xf32> -> vector<32xbf16>
        %parallel_loop3A_438 = tpu.pack_subelements %parallel_loop3A_432, %parallel_loop3A_432 {pack_format = #tpu.pack_format<interleaved>, positions = array<i32: 0, 1>} : vector<16xf32>, vector<16xf32> -> vector<32xbf16>
        %parallel_loop3A_439 = tpu.pack_subelements %parallel_loop3A_433, %parallel_loop3A_433 {pack_format = #tpu.pack_format<interleaved>, positions = array<i32: 0, 1>} : vector<16xf32>, vector<16xf32> -> vector<32xbf16>
        %parallel_loop3A_440 = tpu.pack_subelements %parallel_loop3A_434, %parallel_loop3A_434 {pack_format = #tpu.pack_format<interleaved>, positions = array<i32: 0, 1>} : vector<16xf32>, vector<16xf32> -> vector<32xbf16>
        %parallel_loop3A_441 = arith.constant 0.000000e+00 : bf16
        %parallel_loop3A_442 = vector.broadcast %parallel_loop3A_441 : bf16 to vector<32xbf16>
        %parallel_loop3A_443 = arith.xori %parallel_loop3A_390, %parallel_loop3A_412 : vector<16xi32>
        %parallel_loop3A_444 = arith.xori %parallel_loop3A_401, %parallel_loop3A_412 : vector<16xi32>
        %parallel_loop3A_445 = tpu.vector_load_idx %arg7[%parallel_loop3A_443] : memref<65536xi32, #tpu.memory_space<vmem>>[vector<16xi32>], vector<16xi32>,
        %parallel_loop3A_446 = vector.bitcast %parallel_loop3A_445 : vector<16xi32> to vector<32xbf16>
        %parallel_loop3A_447 = tpu.vector_load_idx %arg7[%parallel_loop3A_444] : memref<65536xi32, #tpu.memory_space<vmem>>[vector<16xi32>], vector<16xi32>,
        %parallel_loop3A_448 = vector.bitcast %parallel_loop3A_447 : vector<16xi32> to vector<32xbf16>
        %parallel_loop3A_449 = arith.mulf %parallel_loop3A_435, %parallel_loop3A_446 : vector<32xbf16>
        %parallel_loop3A_450 = arith.mulf %parallel_loop3A_436, %parallel_loop3A_448 : vector<32xbf16>
        %parallel_loop3A_451 = arith.addf %parallel_loop3A_449, %parallel_loop3A_450 : vector<32xbf16>
        %parallel_loop3A_452 = arith.mulf %parallel_loop3A_437, %parallel_loop3A_451 : vector<32xbf16>
        %parallel_loop3A_453 = arith.addf %parallel_loop3A_442, %parallel_loop3A_452 : vector<32xbf16>
        %parallel_loop3A_454 = arith.xori %parallel_loop3A_390, %parallel_loop3A_415 : vector<16xi32>
        %parallel_loop3A_455 = arith.xori %parallel_loop3A_401, %parallel_loop3A_415 : vector<16xi32>
        %parallel_loop3A_456 = tpu.vector_load_idx %arg7[%parallel_loop3A_454] : memref<65536xi32, #tpu.memory_space<vmem>>[vector<16xi32>], vector<16xi32>,
        %parallel_loop3A_457 = vector.bitcast %parallel_loop3A_456 : vector<16xi32> to vector<32xbf16>
        %parallel_loop3A_458 = tpu.vector_load_idx %arg7[%parallel_loop3A_455] : memref<65536xi32, #tpu.memory_space<vmem>>[vector<16xi32>], vector<16xi32>,
        %parallel_loop3A_459 = vector.bitcast %parallel_loop3A_458 : vector<16xi32> to vector<32xbf16>
        %parallel_loop3A_460 = arith.mulf %parallel_loop3A_435, %parallel_loop3A_457 : vector<32xbf16>
        %parallel_loop3A_461 = arith.mulf %parallel_loop3A_436, %parallel_loop3A_459 : vector<32xbf16>
        %parallel_loop3A_462 = arith.addf %parallel_loop3A_460, %parallel_loop3A_461 : vector<32xbf16>
        %parallel_loop3A_463 = arith.mulf %parallel_loop3A_438, %parallel_loop3A_462 : vector<32xbf16>
        %parallel_loop3A_464 = arith.addf %parallel_loop3A_453, %parallel_loop3A_463 : vector<32xbf16>
        %parallel_loop3A_465 = arith.xori %parallel_loop3A_390, %parallel_loop3A_418 : vector<16xi32>
        %parallel_loop3A_466 = arith.xori %parallel_loop3A_401, %parallel_loop3A_418 : vector<16xi32>
        %parallel_loop3A_467 = tpu.vector_load_idx %arg7[%parallel_loop3A_465] : memref<65536xi32, #tpu.memory_space<vmem>>[vector<16xi32>], vector<16xi32>,
        %parallel_loop3A_468 = vector.bitcast %parallel_loop3A_467 : vector<16xi32> to vector<32xbf16>
        %parallel_loop3A_469 = tpu.vector_load_idx %arg7[%parallel_loop3A_466] : memref<65536xi32, #tpu.memory_space<vmem>>[vector<16xi32>], vector<16xi32>,
        %parallel_loop3A_470 = vector.bitcast %parallel_loop3A_469 : vector<16xi32> to vector<32xbf16>
        %parallel_loop3A_471 = arith.mulf %parallel_loop3A_435, %parallel_loop3A_468 : vector<32xbf16>
        %parallel_loop3A_472 = arith.mulf %parallel_loop3A_436, %parallel_loop3A_470 : vector<32xbf16>
        %parallel_loop3A_473 = arith.addf %parallel_loop3A_471, %parallel_loop3A_472 : vector<32xbf16>
        %parallel_loop3A_474 = arith.mulf %parallel_loop3A_439, %parallel_loop3A_473 : vector<32xbf16>
        %parallel_loop3A_475 = arith.addf %parallel_loop3A_464, %parallel_loop3A_474 : vector<32xbf16>
        %parallel_loop3A_476 = arith.xori %parallel_loop3A_390, %parallel_loop3A_421 : vector<16xi32>
        %parallel_loop3A_477 = arith.xori %parallel_loop3A_401, %parallel_loop3A_421 : vector<16xi32>
        %parallel_loop3A_478 = tpu.vector_load_idx %arg7[%parallel_loop3A_476] : memref<65536xi32, #tpu.memory_space<vmem>>[vector<16xi32>], vector<16xi32>,
        %parallel_loop3A_479 = vector.bitcast %parallel_loop3A_478 : vector<16xi32> to vector<32xbf16>
        %parallel_loop3A_480 = tpu.vector_load_idx %arg7[%parallel_loop3A_477] : memref<65536xi32, #tpu.memory_space<vmem>>[vector<16xi32>], vector<16xi32>,
        %parallel_loop3A_481 = vector.bitcast %parallel_loop3A_480 : vector<16xi32> to vector<32xbf16>
        %parallel_loop3A_482 = arith.mulf %parallel_loop3A_435, %parallel_loop3A_479 : vector<32xbf16>
        %parallel_loop3A_483 = arith.mulf %parallel_loop3A_436, %parallel_loop3A_481 : vector<32xbf16>
        %parallel_loop3A_484 = arith.addf %parallel_loop3A_482, %parallel_loop3A_483 : vector<32xbf16>
        %parallel_loop3A_485 = arith.mulf %parallel_loop3A_440, %parallel_loop3A_484 : vector<32xbf16>
        %parallel_loop3A_486 = arith.addf %parallel_loop3A_475, %parallel_loop3A_485 : vector<32xbf16>
        %parallel_loop3A_487 = tpu.unpack_subelements %parallel_loop3A_486, 0 {pack_format = #tpu.pack_format<interleaved>} : vector<32xbf16> -> vector<16xf32>
        %parallel_loop3A_488 = tpu.unpack_subelements %parallel_loop3A_486, 1 {pack_format = #tpu.pack_format<interleaved>} : vector<32xbf16> -> vector<16xf32>
        %parallel_loop3A_489 = arith.index_cast %parallel_loop3A_252 : i32 to index
        %parallel_loop3A_490 = arith.constant 16 : index
        %parallel_loop3A_491 = tpu.vector_load %arg11[%parallel_loop3A_489, %parallel_loop3A_490] {strides = array<i32>} : memref<32x128xf32, #tpu.memory_space<vmem>>, vector<16xf32>,
        tpu.vector_store %arg11[%parallel_loop3A_489, %parallel_loop3A_490], %parallel_loop3A_487 {strides = array<i32>} : memref<32x128xf32, #tpu.memory_space<vmem>>, vector<16xf32>,
        %parallel_loop3A_492 = arith.index_cast %parallel_loop3A_252 : i32 to index
        %parallel_loop3A_493 = arith.constant 16 : index
        %parallel_loop3A_494 = tpu.vector_load %arg12[%parallel_loop3A_492, %parallel_loop3A_493] {strides = array<i32>} : memref<32x128xf32, #tpu.memory_space<vmem>>, vector<16xf32>,
        tpu.vector_store %arg12[%parallel_loop3A_492, %parallel_loop3A_493], %parallel_loop3A_488 {strides = array<i32>} : memref<32x128xf32, #tpu.memory_space<vmem>>, vector<16xf32>,
        %parallel_loop3A_495 = arith.constant 128 : i32
        %parallel_loop3A_496 = arith.muli %parallel_loop3A_252, %parallel_loop3A_495 : i32
        %parallel_loop3A_497 = arith.constant 32 : i32
        %parallel_loop3A_498 = arith.addi %parallel_loop3A_496, %parallel_loop3A_497 : i32
        %parallel_loop3A_499 = arith.index_cast %parallel_loop3A_498 : i32 to index
        %parallel_loop3A_500 = tpu.vector_load %arg8[%parallel_loop3A_499] {strides = array<i32>} : memref<4096xf32, #tpu.memory_space<vmem>>, vector<16xf32>,
        %parallel_loop3A_501 = arith.index_cast %parallel_loop3A_498 : i32 to index
        %parallel_loop3A_502 = tpu.vector_load %arg9[%parallel_loop3A_501] {strides = array<i32>} : memref<4096xf32, #tpu.memory_space<vmem>>, vector<16xf32>,
        %parallel_loop3A_503 = arith.index_cast %parallel_loop3A_498 : i32 to index
        %parallel_loop3A_504 = tpu.vector_load %arg10[%parallel_loop3A_503] {strides = array<i32>} : memref<4096xf32, #tpu.memory_space<vmem>>, vector<16xf32>,
        %parallel_loop3A_505 = vector.broadcast %convert_element_type3A : f32 to vector<16xf32>
        %parallel_loop3A_506 = arith.mulf %parallel_loop3A_500, %parallel_loop3A_505 : vector<16xf32>
        %parallel_loop3A_507 = vector.broadcast %convert_element_type3A : f32 to vector<16xf32>
        %parallel_loop3A_508 = arith.mulf %parallel_loop3A_502, %parallel_loop3A_507 : vector<16xf32>
        %parallel_loop3A_509 = vector.broadcast %convert_element_type3A : f32 to vector<16xf32>
        %parallel_loop3A_510 = arith.mulf %parallel_loop3A_504, %parallel_loop3A_509 : vector<16xf32>
        %parallel_loop3A_511 = arith.fptosi %parallel_loop3A_506 : vector<16xf32> to vector<16xi32>
        %parallel_loop3A_512 = arith.fptosi %parallel_loop3A_508 : vector<16xf32> to vector<16xi32>
        %parallel_loop3A_513 = arith.fptosi %parallel_loop3A_510 : vector<16xf32> to vector<16xi32>
        %parallel_loop3A_514 = arith.sitofp %parallel_loop3A_511 : vector<16xi32> to vector<16xf32>
        %parallel_loop3A_515 = arith.subf %parallel_loop3A_506, %parallel_loop3A_514 : vector<16xf32>
        %parallel_loop3A_516 = arith.sitofp %parallel_loop3A_512 : vector<16xi32> to vector<16xf32>
        %parallel_loop3A_517 = arith.subf %parallel_loop3A_508, %parallel_loop3A_516 : vector<16xf32>
        %parallel_loop3A_518 = arith.sitofp %parallel_loop3A_513 : vector<16xi32> to vector<16xf32>
        %parallel_loop3A_519 = arith.subf %parallel_loop3A_510, %parallel_loop3A_518 : vector<16xf32>
        %parallel_loop3A_520 = arith.constant 1 : i32
        %parallel_loop3A_521 = vector.broadcast %parallel_loop3A_520 : i32 to vector<16xi32>
        %parallel_loop3A_522 = arith.addi %parallel_loop3A_511, %parallel_loop3A_521 : vector<16xi32>
        %parallel_loop3A_523 = vector.broadcast %scan3A : i32 to vector<16xi32>
        %parallel_loop3A_524 = arith.muli %parallel_loop3A_512, %parallel_loop3A_523 : vector<16xi32>
        %parallel_loop3A_525 = vector.broadcast %scan3A : i32 to vector<16xi32>
        %parallel_loop3A_526 = arith.addi %parallel_loop3A_524, %parallel_loop3A_525 : vector<16xi32>
        %parallel_loop3A_527 = vector.broadcast %scan3A_59 : i32 to vector<16xi32>
        %parallel_loop3A_528 = arith.muli %parallel_loop3A_513, %parallel_loop3A_527 : vector<16xi32>
        %parallel_loop3A_529 = vector.broadcast %scan3A_59 : i32 to vector<16xi32>
        %parallel_loop3A_530 = arith.addi %parallel_loop3A_528, %parallel_loop3A_529 : vector<16xi32>
        %parallel_loop3A_531 = arith.xori %parallel_loop3A_524, %parallel_loop3A_528 : vector<16xi32>
        %parallel_loop3A_532 = vector.broadcast %scan3A_60 : i32 to vector<16xi32>
        %parallel_loop3A_533 = arith.andi %parallel_loop3A_531, %parallel_loop3A_532 : vector<16xi32>
        %parallel_loop3A_534 = arith.xori %parallel_loop3A_524, %parallel_loop3A_530 : vector<16xi32>
        %parallel_loop3A_535 = vector.broadcast %scan3A_60 : i32 to vector<16xi32>
        %parallel_loop3A_536 = arith.andi %parallel_loop3A_534, %parallel_loop3A_535 : vector<16xi32>
        %parallel_loop3A_537 = arith.xori %parallel_loop3A_526, %parallel_loop3A_528 : vector<16xi32>
        %parallel_loop3A_538 = vector.broadcast %scan3A_60 : i32 to vector<16xi32>
        %parallel_loop3A_539 = arith.andi %parallel_loop3A_537, %parallel_loop3A_538 : vector<16xi32>
        %parallel_loop3A_540 = arith.xori %parallel_loop3A_526, %parallel_loop3A_530 : vector<16xi32>
        %parallel_loop3A_541 = vector.broadcast %scan3A_60 : i32 to vector<16xi32>
        %parallel_loop3A_542 = arith.andi %parallel_loop3A_540, %parallel_loop3A_541 : vector<16xi32>
        %parallel_loop3A_543 = arith.constant 1.000000e+00 : f32
        %parallel_loop3A_544 = vector.broadcast %parallel_loop3A_543 : f32 to vector<16xf32>
        %parallel_loop3A_545 = arith.subf %parallel_loop3A_544, %parallel_loop3A_515 : vector<16xf32>
        %parallel_loop3A_546 = arith.constant 1.000000e+00 : f32
        %parallel_loop3A_547 = vector.broadcast %parallel_loop3A_546 : f32 to vector<16xf32>
        %parallel_loop3A_548 = arith.subf %parallel_loop3A_547, %parallel_loop3A_517 : vector<16xf32>
        %parallel_loop3A_549 = arith.constant 1.000000e+00 : f32
        %parallel_loop3A_550 = vector.broadcast %parallel_loop3A_549 : f32 to vector<16xf32>
        %parallel_loop3A_551 = arith.subf %parallel_loop3A_550, %parallel_loop3A_519 : vector<16xf32>
        %parallel_loop3A_552 = arith.mulf %parallel_loop3A_548, %parallel_loop3A_551 : vector<16xf32>
        %parallel_loop3A_553 = arith.mulf %parallel_loop3A_548, %parallel_loop3A_519 : vector<16xf32>
        %parallel_loop3A_554 = arith.mulf %parallel_loop3A_517, %parallel_loop3A_551 : vector<16xf32>
        %parallel_loop3A_555 = arith.mulf %parallel_loop3A_517, %parallel_loop3A_519 : vector<16xf32>
        %parallel_loop3A_556 = tpu.pack_subelements %parallel_loop3A_545, %parallel_loop3A_545 {pack_format = #tpu.pack_format<interleaved>, positions = array<i32: 0, 1>} : vector<16xf32>, vector<16xf32> -> vector<32xbf16>
        %parallel_loop3A_557 = tpu.pack_subelements %parallel_loop3A_515, %parallel_loop3A_515 {pack_format = #tpu.pack_format<interleaved>, positions = array<i32: 0, 1>} : vector<16xf32>, vector<16xf32> -> vector<32xbf16>
        %parallel_loop3A_558 = tpu.pack_subelements %parallel_loop3A_552, %parallel_loop3A_552 {pack_format = #tpu.pack_format<interleaved>, positions = array<i32: 0, 1>} : vector<16xf32>, vector<16xf32> -> vector<32xbf16>
        %parallel_loop3A_559 = tpu.pack_subelements %parallel_loop3A_553, %parallel_loop3A_553 {pack_format = #tpu.pack_format<interleaved>, positions = array<i32: 0, 1>} : vector<16xf32>, vector<16xf32> -> vector<32xbf16>
        %parallel_loop3A_560 = tpu.pack_subelements %parallel_loop3A_554, %parallel_loop3A_554 {pack_format = #tpu.pack_format<interleaved>, positions = array<i32: 0, 1>} : vector<16xf32>, vector<16xf32> -> vector<32xbf16>
        %parallel_loop3A_561 = tpu.pack_subelements %parallel_loop3A_555, %parallel_loop3A_555 {pack_format = #tpu.pack_format<interleaved>, positions = array<i32: 0, 1>} : vector<16xf32>, vector<16xf32> -> vector<32xbf16>
        %parallel_loop3A_562 = arith.constant 0.000000e+00 : bf16
        %parallel_loop3A_563 = vector.broadcast %parallel_loop3A_562 : bf16 to vector<32xbf16>
        %parallel_loop3A_564 = arith.xori %parallel_loop3A_511, %parallel_loop3A_533 : vector<16xi32>
        %parallel_loop3A_565 = arith.xori %parallel_loop3A_522, %parallel_loop3A_533 : vector<16xi32>
        %parallel_loop3A_566 = tpu.vector_load_idx %arg7[%parallel_loop3A_564] : memref<65536xi32, #tpu.memory_space<vmem>>[vector<16xi32>], vector<16xi32>,
        %parallel_loop3A_567 = vector.bitcast %parallel_loop3A_566 : vector<16xi32> to vector<32xbf16>
        %parallel_loop3A_568 = tpu.vector_load_idx %arg7[%parallel_loop3A_565] : memref<65536xi32, #tpu.memory_space<vmem>>[vector<16xi32>], vector<16xi32>,
        %parallel_loop3A_569 = vector.bitcast %parallel_loop3A_568 : vector<16xi32> to vector<32xbf16>
        %parallel_loop3A_570 = arith.mulf %parallel_loop3A_556, %parallel_loop3A_567 : vector<32xbf16>
        %parallel_loop3A_571 = arith.mulf %parallel_loop3A_557, %parallel_loop3A_569 : vector<32xbf16>
        %parallel_loop3A_572 = arith.addf %parallel_loop3A_570, %parallel_loop3A_571 : vector<32xbf16>
        %parallel_loop3A_573 = arith.mulf %parallel_loop3A_558, %parallel_loop3A_572 : vector<32xbf16>
        %parallel_loop3A_574 = arith.addf %parallel_loop3A_563, %parallel_loop3A_573 : vector<32xbf16>
        %parallel_loop3A_575 = arith.xori %parallel_loop3A_511, %parallel_loop3A_536 : vector<16xi32>
        %parallel_loop3A_576 = arith.xori %parallel_loop3A_522, %parallel_loop3A_536 : vector<16xi32>
        %parallel_loop3A_577 = tpu.vector_load_idx %arg7[%parallel_loop3A_575] : memref<65536xi32, #tpu.memory_space<vmem>>[vector<16xi32>], vector<16xi32>,
        %parallel_loop3A_578 = vector.bitcast %parallel_loop3A_577 : vector<16xi32> to vector<32xbf16>
        %parallel_loop3A_579 = tpu.vector_load_idx %arg7[%parallel_loop3A_576] : memref<65536xi32, #tpu.memory_space<vmem>>[vector<16xi32>], vector<16xi32>,
        %parallel_loop3A_580 = vector.bitcast %parallel_loop3A_579 : vector<16xi32> to vector<32xbf16>
        %parallel_loop3A_581 = arith.mulf %parallel_loop3A_556, %parallel_loop3A_578 : vector<32xbf16>
        %parallel_loop3A_582 = arith.mulf %parallel_loop3A_557, %parallel_loop3A_580 : vector<32xbf16>
        %parallel_loop3A_583 = arith.addf %parallel_loop3A_581, %parallel_loop3A_582 : vector<32xbf16>
        %parallel_loop3A_584 = arith.mulf %parallel_loop3A_559, %parallel_loop3A_583 : vector<32xbf16>
        %parallel_loop3A_585 = arith.addf %parallel_loop3A_574, %parallel_loop3A_584 : vector<32xbf16>
        %parallel_loop3A_586 = arith.xori %parallel_loop3A_511, %parallel_loop3A_539 : vector<16xi32>
        %parallel_loop3A_587 = arith.xori %parallel_loop3A_522, %parallel_loop3A_539 : vector<16xi32>
        %parallel_loop3A_588 = tpu.vector_load_idx %arg7[%parallel_loop3A_586] : memref<65536xi32, #tpu.memory_space<vmem>>[vector<16xi32>], vector<16xi32>,
        %parallel_loop3A_589 = vector.bitcast %parallel_loop3A_588 : vector<16xi32> to vector<32xbf16>
        %parallel_loop3A_590 = tpu.vector_load_idx %arg7[%parallel_loop3A_587] : memref<65536xi32, #tpu.memory_space<vmem>>[vector<16xi32>], vector<16xi32>,
        %parallel_loop3A_591 = vector.bitcast %parallel_loop3A_590 : vector<16xi32> to vector<32xbf16>
        %parallel_loop3A_592 = arith.mulf %parallel_loop3A_556, %parallel_loop3A_589 : vector<32xbf16>
        %parallel_loop3A_593 = arith.mulf %parallel_loop3A_557, %parallel_loop3A_591 : vector<32xbf16>
        %parallel_loop3A_594 = arith.addf %parallel_loop3A_592, %parallel_loop3A_593 : vector<32xbf16>
        %parallel_loop3A_595 = arith.mulf %parallel_loop3A_560, %parallel_loop3A_594 : vector<32xbf16>
        %parallel_loop3A_596 = arith.addf %parallel_loop3A_585, %parallel_loop3A_595 : vector<32xbf16>
        %parallel_loop3A_597 = arith.xori %parallel_loop3A_511, %parallel_loop3A_542 : vector<16xi32>
        %parallel_loop3A_598 = arith.xori %parallel_loop3A_522, %parallel_loop3A_542 : vector<16xi32>
        %parallel_loop3A_599 = tpu.vector_load_idx %arg7[%parallel_loop3A_597] : memref<65536xi32, #tpu.memory_space<vmem>>[vector<16xi32>], vector<16xi32>,
        %parallel_loop3A_600 = vector.bitcast %parallel_loop3A_599 : vector<16xi32> to vector<32xbf16>
        %parallel_loop3A_601 = tpu.vector_load_idx %arg7[%parallel_loop3A_598] : memref<65536xi32, #tpu.memory_space<vmem>>[vector<16xi32>], vector<16xi32>,
        %parallel_loop3A_602 = vector.bitcast %parallel_loop3A_601 : vector<16xi32> to vector<32xbf16>
        %parallel_loop3A_603 = arith.mulf %parallel_loop3A_556, %parallel_loop3A_600 : vector<32xbf16>
        %parallel_loop3A_604 = arith.mulf %parallel_loop3A_557, %parallel_loop3A_602 : vector<32xbf16>
        %parallel_loop3A_605 = arith.addf %parallel_loop3A_603, %parallel_loop3A_604 : vector<32xbf16>
        %parallel_loop3A_606 = arith.mulf %parallel_loop3A_561, %parallel_loop3A_605 : vector<32xbf16>
        %parallel_loop3A_607 = arith.addf %parallel_loop3A_596, %parallel_loop3A_606 : vector<32xbf16>
        %parallel_loop3A_608 = tpu.unpack_subelements %parallel_loop3A_607, 0 {pack_format = #tpu.pack_format<interleaved>} : vector<32xbf16> -> vector<16xf32>
        %parallel_loop3A_609 = tpu.unpack_subelements %parallel_loop3A_607, 1 {pack_format = #tpu.pack_format<interleaved>} : vector<32xbf16> -> vector<16xf32>
        %parallel_loop3A_610 = arith.index_cast %parallel_loop3A_252 : i32 to index
        %parallel_loop3A_611 = arith.constant 32 : index
        %parallel_loop3A_612 = tpu.vector_load %arg11[%parallel_loop3A_610, %parallel_loop3A_611] {strides = array<i32>} : memref<32x128xf32, #tpu.memory_space<vmem>>, vector<16xf32>,
        tpu.vector_store %arg11[%parallel_loop3A_610, %parallel_loop3A_611], %parallel_loop3A_608 {strides = array<i32>} : memref<32x128xf32, #tpu.memory_space<vmem>>, vector<16xf32>,
        %parallel_loop3A_613 = arith.index_cast %parallel_loop3A_252 : i32 to index
        %parallel_loop3A_614 = arith.constant 32 : index
        %parallel_loop3A_615 = tpu.vector_load %arg12[%parallel_loop3A_613, %parallel_loop3A_614] {strides = array<i32>} : memref<32x128xf32, #tpu.memory_space<vmem>>, vector<16xf32>,
        tpu.vector_store %arg12[%parallel_loop3A_613, %parallel_loop3A_614], %parallel_loop3A_609 {strides = array<i32>} : memref<32x128xf32, #tpu.memory_space<vmem>>, vector<16xf32>,
        %parallel_loop3A_616 = arith.constant 128 : i32
        %parallel_loop3A_617 = arith.muli %parallel_loop3A_252, %parallel_loop3A_616 : i32
        %parallel_loop3A_618 = arith.constant 48 : i32
        %parallel_loop3A_619 = arith.addi %parallel_loop3A_617, %parallel_loop3A_618 : i32
        %parallel_loop3A_620 = arith.index_cast %parallel_loop3A_619 : i32 to index
        %parallel_loop3A_621 = tpu.vector_load %arg8[%parallel_loop3A_620] {strides = array<i32>} : memref<4096xf32, #tpu.memory_space<vmem>>, vector<16xf32>,
        %parallel_loop3A_622 = arith.index_cast %parallel_loop3A_619 : i32 to index
        %parallel_loop3A_623 = tpu.vector_load %arg9[%parallel_loop3A_622] {strides = array<i32>} : memref<4096xf32, #tpu.memory_space<vmem>>, vector<16xf32>,
        %parallel_loop3A_624 = arith.index_cast %parallel_loop3A_619 : i32 to index
        %parallel_loop3A_625 = tpu.vector_load %arg10[%parallel_loop3A_624] {strides = array<i32>} : memref<4096xf32, #tpu.memory_space<vmem>>, vector<16xf32>,
        %parallel_loop3A_626 = vector.broadcast %convert_element_type3A : f32 to vector<16xf32>
        %parallel_loop3A_627 = arith.mulf %parallel_loop3A_621, %parallel_loop3A_626 : vector<16xf32>
        %parallel_loop3A_628 = vector.broadcast %convert_element_type3A : f32 to vector<16xf32>
        %parallel_loop3A_629 = arith.mulf %parallel_loop3A_623, %parallel_loop3A_628 : vector<16xf32>
        %parallel_loop3A_630 = vector.broadcast %convert_element_type3A : f32 to vector<16xf32>
        %parallel_loop3A_631 = arith.mulf %parallel_loop3A_625, %parallel_loop3A_630 : vector<16xf32>
        %parallel_loop3A_632 = arith.fptosi %parallel_loop3A_627 : vector<16xf32> to vector<16xi32>
        %parallel_loop3A_633 = arith.fptosi %parallel_loop3A_629 : vector<16xf32> to vector<16xi32>
        %parallel_loop3A_634 = arith.fptosi %parallel_loop3A_631 : vector<16xf32> to vector<16xi32>
        %parallel_loop3A_635 = arith.sitofp %parallel_loop3A_632 : vector<16xi32> to vector<16xf32>
        %parallel_loop3A_636 = arith.subf %parallel_loop3A_627, %parallel_loop3A_635 : vector<16xf32>
        %parallel_loop3A_637 = arith.sitofp %parallel_loop3A_633 : vector<16xi32> to vector<16xf32>
        %parallel_loop3A_638 = arith.subf %parallel_loop3A_629, %parallel_loop3A_637 : vector<16xf32>
        %parallel_loop3A_639 = arith.sitofp %parallel_loop3A_634 : vector<16xi32> to vector<16xf32>
        %parallel_loop3A_640 = arith.subf %parallel_loop3A_631, %parallel_loop3A_639 : vector<16xf32>
        %parallel_loop3A_641 = arith.constant 1 : i32
        %parallel_loop3A_642 = vector.broadcast %parallel_loop3A_641 : i32 to vector<16xi32>
        %parallel_loop3A_643 = arith.addi %parallel_loop3A_632, %parallel_loop3A_642 : vector<16xi32>
        %parallel_loop3A_644 = vector.broadcast %scan3A : i32 to vector<16xi32>
        %parallel_loop3A_645 = arith.muli %parallel_loop3A_633, %parallel_loop3A_644 : vector<16xi32>
        %parallel_loop3A_646 = vector.broadcast %scan3A : i32 to vector<16xi32>
        %parallel_loop3A_647 = arith.addi %parallel_loop3A_645, %parallel_loop3A_646 : vector<16xi32>
        %parallel_loop3A_648 = vector.broadcast %scan3A_59 : i32 to vector<16xi32>
        %parallel_loop3A_649 = arith.muli %parallel_loop3A_634, %parallel_loop3A_648 : vector<16xi32>
        %parallel_loop3A_650 = vector.broadcast %scan3A_59 : i32 to vector<16xi32>
        %parallel_loop3A_651 = arith.addi %parallel_loop3A_649, %parallel_loop3A_650 : vector<16xi32>
        %parallel_loop3A_652 = arith.xori %parallel_loop3A_645, %parallel_loop3A_649 : vector<16xi32>
        %parallel_loop3A_653 = vector.broadcast %scan3A_60 : i32 to vector<16xi32>
        %parallel_loop3A_654 = arith.andi %parallel_loop3A_652, %parallel_loop3A_653 : vector<16xi32>
        %parallel_loop3A_655 = arith.xori %parallel_loop3A_645, %parallel_loop3A_651 : vector<16xi32>
        %parallel_loop3A_656 = vector.broadcast %scan3A_60 : i32 to vector<16xi32>
        %parallel_loop3A_657 = arith.andi %parallel_loop3A_655, %parallel_loop3A_656 : vector<16xi32>
        %parallel_loop3A_658 = arith.xori %parallel_loop3A_647, %parallel_loop3A_649 : vector<16xi32>
        %parallel_loop3A_659 = vector.broadcast %scan3A_60 : i32 to vector<16xi32>
        %parallel_loop3A_660 = arith.andi %parallel_loop3A_658, %parallel_loop3A_659 : vector<16xi32>
        %parallel_loop3A_661 = arith.xori %parallel_loop3A_647, %parallel_loop3A_651 : vector<16xi32>
        %parallel_loop3A_662 = vector.broadcast %scan3A_60 : i32 to vector<16xi32>
        %parallel_loop3A_663 = arith.andi %parallel_loop3A_661, %parallel_loop3A_662 : vector<16xi32>
        %parallel_loop3A_664 = arith.constant 1.000000e+00 : f32
        %parallel_loop3A_665 = vector.broadcast %parallel_loop3A_664 : f32 to vector<16xf32>
        %parallel_loop3A_666 = arith.subf %parallel_loop3A_665, %parallel_loop3A_636 : vector<16xf32>
        %parallel_loop3A_667 = arith.constant 1.000000e+00 : f32
        %parallel_loop3A_668 = vector.broadcast %parallel_loop3A_667 : f32 to vector<16xf32>
        %parallel_loop3A_669 = arith.subf %parallel_loop3A_668, %parallel_loop3A_638 : vector<16xf32>
        %parallel_loop3A_670 = arith.constant 1.000000e+00 : f32
        %parallel_loop3A_671 = vector.broadcast %parallel_loop3A_670 : f32 to vector<16xf32>
        %parallel_loop3A_672 = arith.subf %parallel_loop3A_671, %parallel_loop3A_640 : vector<16xf32>
        %parallel_loop3A_673 = arith.mulf %parallel_loop3A_669, %parallel_loop3A_672 : vector<16xf32>
        %parallel_loop3A_674 = arith.mulf %parallel_loop3A_669, %parallel_loop3A_640 : vector<16xf32>
        %parallel_loop3A_675 = arith.mulf %parallel_loop3A_638, %parallel_loop3A_672 : vector<16xf32>
        %parallel_loop3A_676 = arith.mulf %parallel_loop3A_638, %parallel_loop3A_640 : vector<16xf32>
        %parallel_loop3A_677 = tpu.pack_subelements %parallel_loop3A_666, %parallel_loop3A_666 {pack_format = #tpu.pack_format<interleaved>, positions = array<i32: 0, 1>} : vector<16xf32>, vector<16xf32> -> vector<32xbf16>
        %parallel_loop3A_678 = tpu.pack_subelements %parallel_loop3A_636, %parallel_loop3A_636 {pack_format = #tpu.pack_format<interleaved>, positions = array<i32: 0, 1>} : vector<16xf32>, vector<16xf32> -> vector<32xbf16>
        %parallel_loop3A_679 = tpu.pack_subelements %parallel_loop3A_673, %parallel_loop3A_673 {pack_format = #tpu.pack_format<interleaved>, positions = array<i32: 0, 1>} : vector<16xf32>, vector<16xf32> -> vector<32xbf16>
        %parallel_loop3A_680 = tpu.pack_subelements %parallel_loop3A_674, %parallel_loop3A_674 {pack_format = #tpu.pack_format<interleaved>, positions = array<i32: 0, 1>} : vector<16xf32>, vector<16xf32> -> vector<32xbf16>
        %parallel_loop3A_681 = tpu.pack_subelements %parallel_loop3A_675, %parallel_loop3A_675 {pack_format = #tpu.pack_format<interleaved>, positions = array<i32: 0, 1>} : vector<16xf32>, vector<16xf32> -> vector<32xbf16>
        %parallel_loop3A_682 = tpu.pack_subelements %parallel_loop3A_676, %parallel_loop3A_676 {pack_format = #tpu.pack_format<interleaved>, positions = array<i32: 0, 1>} : vector<16xf32>, vector<16xf32> -> vector<32xbf16>
        %parallel_loop3A_683 = arith.constant 0.000000e+00 : bf16
        %parallel_loop3A_684 = vector.broadcast %parallel_loop3A_683 : bf16 to vector<32xbf16>
        %parallel_loop3A_685 = arith.xori %parallel_loop3A_632, %parallel_loop3A_654 : vector<16xi32>
        %parallel_loop3A_686 = arith.xori %parallel_loop3A_643, %parallel_loop3A_654 : vector<16xi32>
        %parallel_loop3A_687 = tpu.vector_load_idx %arg7[%parallel_loop3A_685] : memref<65536xi32, #tpu.memory_space<vmem>>[vector<16xi32>], vector<16xi32>,
        %parallel_loop3A_688 = vector.bitcast %parallel_loop3A_687 : vector<16xi32> to vector<32xbf16>
        %parallel_loop3A_689 = tpu.vector_load_idx %arg7[%parallel_loop3A_686] : memref<65536xi32, #tpu.memory_space<vmem>>[vector<16xi32>], vector<16xi32>,
        %parallel_loop3A_690 = vector.bitcast %parallel_loop3A_689 : vector<16xi32> to vector<32xbf16>
        %parallel_loop3A_691 = arith.mulf %parallel_loop3A_677, %parallel_loop3A_688 : vector<32xbf16>
        %parallel_loop3A_692 = arith.mulf %parallel_loop3A_678, %parallel_loop3A_690 : vector<32xbf16>
        %parallel_loop3A_693 = arith.addf %parallel_loop3A_691, %parallel_loop3A_692 : vector<32xbf16>
        %parallel_loop3A_694 = arith.mulf %parallel_loop3A_679, %parallel_loop3A_693 : vector<32xbf16>
        %parallel_loop3A_695 = arith.addf %parallel_loop3A_684, %parallel_loop3A_694 : vector<32xbf16>
        %parallel_loop3A_696 = arith.xori %parallel_loop3A_632, %parallel_loop3A_657 : vector<16xi32>
        %parallel_loop3A_697 = arith.xori %parallel_loop3A_643, %parallel_loop3A_657 : vector<16xi32>
        %parallel_loop3A_698 = tpu.vector_load_idx %arg7[%parallel_loop3A_696] : memref<65536xi32, #tpu.memory_space<vmem>>[vector<16xi32>], vector<16xi32>,
        %parallel_loop3A_699 = vector.bitcast %parallel_loop3A_698 : vector<16xi32> to vector<32xbf16>
        %parallel_loop3A_700 = tpu.vector_load_idx %arg7[%parallel_loop3A_697] : memref<65536xi32, #tpu.memory_space<vmem>>[vector<16xi32>], vector<16xi32>,
        %parallel_loop3A_701 = vector.bitcast %parallel_loop3A_700 : vector<16xi32> to vector<32xbf16>
        %parallel_loop3A_702 = arith.mulf %parallel_loop3A_677, %parallel_loop3A_699 : vector<32xbf16>
        %parallel_loop3A_703 = arith.mulf %parallel_loop3A_678, %parallel_loop3A_701 : vector<32xbf16>
        %parallel_loop3A_704 = arith.addf %parallel_loop3A_702, %parallel_loop3A_703 : vector<32xbf16>
        %parallel_loop3A_705 = arith.mulf %parallel_loop3A_680, %parallel_loop3A_704 : vector<32xbf16>
        %parallel_loop3A_706 = arith.addf %parallel_loop3A_695, %parallel_loop3A_705 : vector<32xbf16>
        %parallel_loop3A_707 = arith.xori %parallel_loop3A_632, %parallel_loop3A_660 : vector<16xi32>
        %parallel_loop3A_708 = arith.xori %parallel_loop3A_643, %parallel_loop3A_660 : vector<16xi32>
        %parallel_loop3A_709 = tpu.vector_load_idx %arg7[%parallel_loop3A_707] : memref<65536xi32, #tpu.memory_space<vmem>>[vector<16xi32>], vector<16xi32>,
        %parallel_loop3A_710 = vector.bitcast %parallel_loop3A_709 : vector<16xi32> to vector<32xbf16>
        %parallel_loop3A_711 = tpu.vector_load_idx %arg7[%parallel_loop3A_708] : memref<65536xi32, #tpu.memory_space<vmem>>[vector<16xi32>], vector<16xi32>,
        %parallel_loop3A_712 = vector.bitcast %parallel_loop3A_711 : vector<16xi32> to vector<32xbf16>
        %parallel_loop3A_713 = arith.mulf %parallel_loop3A_677, %parallel_loop3A_710 : vector<32xbf16>
        %parallel_loop3A_714 = arith.mulf %parallel_loop3A_678, %parallel_loop3A_712 : vector<32xbf16>
        %parallel_loop3A_715 = arith.addf %parallel_loop3A_713, %parallel_loop3A_714 : vector<32xbf16>
        %parallel_loop3A_716 = arith.mulf %parallel_loop3A_681, %parallel_loop3A_715 : vector<32xbf16>
        %parallel_loop3A_717 = arith.addf %parallel_loop3A_706, %parallel_loop3A_716 : vector<32xbf16>
        %parallel_loop3A_718 = arith.xori %parallel_loop3A_632, %parallel_loop3A_663 : vector<16xi32>
        %parallel_loop3A_719 = arith.xori %parallel_loop3A_643, %parallel_loop3A_663 : vector<16xi32>
        %parallel_loop3A_720 = tpu.vector_load_idx %arg7[%parallel_loop3A_718] : memref<65536xi32, #tpu.memory_space<vmem>>[vector<16xi32>], vector<16xi32>,
        %parallel_loop3A_721 = vector.bitcast %parallel_loop3A_720 : vector<16xi32> to vector<32xbf16>
        %parallel_loop3A_722 = tpu.vector_load_idx %arg7[%parallel_loop3A_719] : memref<65536xi32, #tpu.memory_space<vmem>>[vector<16xi32>], vector<16xi32>,
        %parallel_loop3A_723 = vector.bitcast %parallel_loop3A_722 : vector<16xi32> to vector<32xbf16>
        %parallel_loop3A_724 = arith.mulf %parallel_loop3A_677, %parallel_loop3A_721 : vector<32xbf16>
        %parallel_loop3A_725 = arith.mulf %parallel_loop3A_678, %parallel_loop3A_723 : vector<32xbf16>
        %parallel_loop3A_726 = arith.addf %parallel_loop3A_724, %parallel_loop3A_725 : vector<32xbf16>
        %parallel_loop3A_727 = arith.mulf %parallel_loop3A_682, %parallel_loop3A_726 : vector<32xbf16>
        %parallel_loop3A_728 = arith.addf %parallel_loop3A_717, %parallel_loop3A_727 : vector<32xbf16>
        %parallel_loop3A_729 = tpu.unpack_subelements %parallel_loop3A_728, 0 {pack_format = #tpu.pack_format<interleaved>} : vector<32xbf16> -> vector<16xf32>
        %parallel_loop3A_730 = tpu.unpack_subelements %parallel_loop3A_728, 1 {pack_format = #tpu.pack_format<interleaved>} : vector<32xbf16> -> vector<16xf32>
        %parallel_loop3A_731 = arith.index_cast %parallel_loop3A_252 : i32 to index
        %parallel_loop3A_732 = arith.constant 48 : index
        %parallel_loop3A_733 = tpu.vector_load %arg11[%parallel_loop3A_731, %parallel_loop3A_732] {strides = array<i32>} : memref<32x128xf32, #tpu.memory_space<vmem>>, vector<16xf32>,
        tpu.vector_store %arg11[%parallel_loop3A_731, %parallel_loop3A_732], %parallel_loop3A_729 {strides = array<i32>} : memref<32x128xf32, #tpu.memory_space<vmem>>, vector<16xf32>,
        %parallel_loop3A_734 = arith.index_cast %parallel_loop3A_252 : i32 to index
        %parallel_loop3A_735 = arith.constant 48 : index
        %parallel_loop3A_736 = tpu.vector_load %arg12[%parallel_loop3A_734, %parallel_loop3A_735] {strides = array<i32>} : memref<32x128xf32, #tpu.memory_space<vmem>>, vector<16xf32>,
        tpu.vector_store %arg12[%parallel_loop3A_734, %parallel_loop3A_735], %parallel_loop3A_730 {strides = array<i32>} : memref<32x128xf32, #tpu.memory_space<vmem>>, vector<16xf32>,
        %parallel_loop3A_737 = arith.constant 128 : i32
        %parallel_loop3A_738 = arith.muli %parallel_loop3A_252, %parallel_loop3A_737 : i32
        %parallel_loop3A_739 = arith.constant 64 : i32
        %parallel_loop3A_740 = arith.addi %parallel_loop3A_738, %parallel_loop3A_739 : i32
        %parallel_loop3A_741 = arith.index_cast %parallel_loop3A_740 : i32 to index
        %parallel_loop3A_742 = tpu.vector_load %arg8[%parallel_loop3A_741] {strides = array<i32>} : memref<4096xf32, #tpu.memory_space<vmem>>, vector<16xf32>,
        %parallel_loop3A_743 = arith.index_cast %parallel_loop3A_740 : i32 to index
        %parallel_loop3A_744 = tpu.vector_load %arg9[%parallel_loop3A_743] {strides = array<i32>} : memref<4096xf32, #tpu.memory_space<vmem>>, vector<16xf32>,
        %parallel_loop3A_745 = arith.index_cast %parallel_loop3A_740 : i32 to index
        %parallel_loop3A_746 = tpu.vector_load %arg10[%parallel_loop3A_745] {strides = array<i32>} : memref<4096xf32, #tpu.memory_space<vmem>>, vector<16xf32>,
        %parallel_loop3A_747 = vector.broadcast %convert_element_type3A : f32 to vector<16xf32>
        %parallel_loop3A_748 = arith.mulf %parallel_loop3A_742, %parallel_loop3A_747 : vector<16xf32>
        %parallel_loop3A_749 = vector.broadcast %convert_element_type3A : f32 to vector<16xf32>
        %parallel_loop3A_750 = arith.mulf %parallel_loop3A_744, %parallel_loop3A_749 : vector<16xf32>
        %parallel_loop3A_751 = vector.broadcast %convert_element_type3A : f32 to vector<16xf32>
        %parallel_loop3A_752 = arith.mulf %parallel_loop3A_746, %parallel_loop3A_751 : vector<16xf32>
        %parallel_loop3A_753 = arith.fptosi %parallel_loop3A_748 : vector<16xf32> to vector<16xi32>
        %parallel_loop3A_754 = arith.fptosi %parallel_loop3A_750 : vector<16xf32> to vector<16xi32>
        %parallel_loop3A_755 = arith.fptosi %parallel_loop3A_752 : vector<16xf32> to vector<16xi32>
        %parallel_loop3A_756 = arith.sitofp %parallel_loop3A_753 : vector<16xi32> to vector<16xf32>
        %parallel_loop3A_757 = arith.subf %parallel_loop3A_748, %parallel_loop3A_756 : vector<16xf32>
        %parallel_loop3A_758 = arith.sitofp %parallel_loop3A_754 : vector<16xi32> to vector<16xf32>
        %parallel_loop3A_759 = arith.subf %parallel_loop3A_750, %parallel_loop3A_758 : vector<16xf32>
        %parallel_loop3A_760 = arith.sitofp %parallel_loop3A_755 : vector<16xi32> to vector<16xf32>
        %parallel_loop3A_761 = arith.subf %parallel_loop3A_752, %parallel_loop3A_760 : vector<16xf32>
        %parallel_loop3A_762 = arith.constant 1 : i32
        %parallel_loop3A_763 = vector.broadcast %parallel_loop3A_762 : i32 to vector<16xi32>
        %parallel_loop3A_764 = arith.addi %parallel_loop3A_753, %parallel_loop3A_763 : vector<16xi32>
        %parallel_loop3A_765 = vector.broadcast %scan3A : i32 to vector<16xi32>
        %parallel_loop3A_766 = arith.muli %parallel_loop3A_754, %parallel_loop3A_765 : vector<16xi32>
        %parallel_loop3A_767 = vector.broadcast %scan3A : i32 to vector<16xi32>
        %parallel_loop3A_768 = arith.addi %parallel_loop3A_766, %parallel_loop3A_767 : vector<16xi32>
        %parallel_loop3A_769 = vector.broadcast %scan3A_59 : i32 to vector<16xi32>
        %parallel_loop3A_770 = arith.muli %parallel_loop3A_755, %parallel_loop3A_769 : vector<16xi32>
        %parallel_loop3A_771 = vector.broadcast %scan3A_59 : i32 to vector<16xi32>
        %parallel_loop3A_772 = arith.addi %parallel_loop3A_770, %parallel_loop3A_771 : vector<16xi32>
        %parallel_loop3A_773 = arith.xori %parallel_loop3A_766, %parallel_loop3A_770 : vector<16xi32>
        %parallel_loop3A_774 = vector.broadcast %scan3A_60 : i32 to vector<16xi32>
        %parallel_loop3A_775 = arith.andi %parallel_loop3A_773, %parallel_loop3A_774 : vector<16xi32>
        %parallel_loop3A_776 = arith.xori %parallel_loop3A_766, %parallel_loop3A_772 : vector<16xi32>
        %parallel_loop3A_777 = vector.broadcast %scan3A_60 : i32 to vector<16xi32>
        %parallel_loop3A_778 = arith.andi %parallel_loop3A_776, %parallel_loop3A_777 : vector<16xi32>
        %parallel_loop3A_779 = arith.xori %parallel_loop3A_768, %parallel_loop3A_770 : vector<16xi32>
        %parallel_loop3A_780 = vector.broadcast %scan3A_60 : i32 to vector<16xi32>
        %parallel_loop3A_781 = arith.andi %parallel_loop3A_779, %parallel_loop3A_780 : vector<16xi32>
        %parallel_loop3A_782 = arith.xori %parallel_loop3A_768, %parallel_loop3A_772 : vector<16xi32>
        %parallel_loop3A_783 = vector.broadcast %scan3A_60 : i32 to vector<16xi32>
        %parallel_loop3A_784 = arith.andi %parallel_loop3A_782, %parallel_loop3A_783 : vector<16xi32>
        %parallel_loop3A_785 = arith.constant 1.000000e+00 : f32
        %parallel_loop3A_786 = vector.broadcast %parallel_loop3A_785 : f32 to vector<16xf32>
        %parallel_loop3A_787 = arith.subf %parallel_loop3A_786, %parallel_loop3A_757 : vector<16xf32>
        %parallel_loop3A_788 = arith.constant 1.000000e+00 : f32
        %parallel_loop3A_789 = vector.broadcast %parallel_loop3A_788 : f32 to vector<16xf32>
        %parallel_loop3A_790 = arith.subf %parallel_loop3A_789, %parallel_loop3A_759 : vector<16xf32>
        %parallel_loop3A_791 = arith.constant 1.000000e+00 : f32
        %parallel_loop3A_792 = vector.broadcast %parallel_loop3A_791 : f32 to vector<16xf32>
        %parallel_loop3A_793 = arith.subf %parallel_loop3A_792, %parallel_loop3A_761 : vector<16xf32>
        %parallel_loop3A_794 = arith.mulf %parallel_loop3A_790, %parallel_loop3A_793 : vector<16xf32>
        %parallel_loop3A_795 = arith.mulf %parallel_loop3A_790, %parallel_loop3A_761 : vector<16xf32>
        %parallel_loop3A_796 = arith.mulf %parallel_loop3A_759, %parallel_loop3A_793 : vector<16xf32>
        %parallel_loop3A_797 = arith.mulf %parallel_loop3A_759, %parallel_loop3A_761 : vector<16xf32>
        %parallel_loop3A_798 = tpu.pack_subelements %parallel_loop3A_787, %parallel_loop3A_787 {pack_format = #tpu.pack_format<interleaved>, positions = array<i32: 0, 1>} : vector<16xf32>, vector<16xf32> -> vector<32xbf16>
        %parallel_loop3A_799 = tpu.pack_subelements %parallel_loop3A_757, %parallel_loop3A_757 {pack_format = #tpu.pack_format<interleaved>, positions = array<i32: 0, 1>} : vector<16xf32>, vector<16xf32> -> vector<32xbf16>
        %parallel_loop3A_800 = tpu.pack_subelements %parallel_loop3A_794, %parallel_loop3A_794 {pack_format = #tpu.pack_format<interleaved>, positions = array<i32: 0, 1>} : vector<16xf32>, vector<16xf32> -> vector<32xbf16>
        %parallel_loop3A_801 = tpu.pack_subelements %parallel_loop3A_795, %parallel_loop3A_795 {pack_format = #tpu.pack_format<interleaved>, positions = array<i32: 0, 1>} : vector<16xf32>, vector<16xf32> -> vector<32xbf16>
        %parallel_loop3A_802 = tpu.pack_subelements %parallel_loop3A_796, %parallel_loop3A_796 {pack_format = #tpu.pack_format<interleaved>, positions = array<i32: 0, 1>} : vector<16xf32>, vector<16xf32> -> vector<32xbf16>
        %parallel_loop3A_803 = tpu.pack_subelements %parallel_loop3A_797, %parallel_loop3A_797 {pack_format = #tpu.pack_format<interleaved>, positions = array<i32: 0, 1>} : vector<16xf32>, vector<16xf32> -> vector<32xbf16>
        %parallel_loop3A_804 = arith.constant 0.000000e+00 : bf16
        %parallel_loop3A_805 = vector.broadcast %parallel_loop3A_804 : bf16 to vector<32xbf16>
        %parallel_loop3A_806 = arith.xori %parallel_loop3A_753, %parallel_loop3A_775 : vector<16xi32>
        %parallel_loop3A_807 = arith.xori %parallel_loop3A_764, %parallel_loop3A_775 : vector<16xi32>
        %parallel_loop3A_808 = tpu.vector_load_idx %arg7[%parallel_loop3A_806] : memref<65536xi32, #tpu.memory_space<vmem>>[vector<16xi32>], vector<16xi32>,
        %parallel_loop3A_809 = vector.bitcast %parallel_loop3A_808 : vector<16xi32> to vector<32xbf16>
        %parallel_loop3A_810 = tpu.vector_load_idx %arg7[%parallel_loop3A_807] : memref<65536xi32, #tpu.memory_space<vmem>>[vector<16xi32>], vector<16xi32>,
        %parallel_loop3A_811 = vector.bitcast %parallel_loop3A_810 : vector<16xi32> to vector<32xbf16>
        %parallel_loop3A_812 = arith.mulf %parallel_loop3A_798, %parallel_loop3A_809 : vector<32xbf16>
        %parallel_loop3A_813 = arith.mulf %parallel_loop3A_799, %parallel_loop3A_811 : vector<32xbf16>
        %parallel_loop3A_814 = arith.addf %parallel_loop3A_812, %parallel_loop3A_813 : vector<32xbf16>
        %parallel_loop3A_815 = arith.mulf %parallel_loop3A_800, %parallel_loop3A_814 : vector<32xbf16>
        %parallel_loop3A_816 = arith.addf %parallel_loop3A_805, %parallel_loop3A_815 : vector<32xbf16>
        %parallel_loop3A_817 = arith.xori %parallel_loop3A_753, %parallel_loop3A_778 : vector<16xi32>
        %parallel_loop3A_818 = arith.xori %parallel_loop3A_764, %parallel_loop3A_778 : vector<16xi32>
        %parallel_loop3A_819 = tpu.vector_load_idx %arg7[%parallel_loop3A_817] : memref<65536xi32, #tpu.memory_space<vmem>>[vector<16xi32>], vector<16xi32>,
        %parallel_loop3A_820 = vector.bitcast %parallel_loop3A_819 : vector<16xi32> to vector<32xbf16>
        %parallel_loop3A_821 = tpu.vector_load_idx %arg7[%parallel_loop3A_818] : memref<65536xi32, #tpu.memory_space<vmem>>[vector<16xi32>], vector<16xi32>,
        %parallel_loop3A_822 = vector.bitcast %parallel_loop3A_821 : vector<16xi32> to vector<32xbf16>
        %parallel_loop3A_823 = arith.mulf %parallel_loop3A_798, %parallel_loop3A_820 : vector<32xbf16>
        %parallel_loop3A_824 = arith.mulf %parallel_loop3A_799, %parallel_loop3A_822 : vector<32xbf16>
        %parallel_loop3A_825 = arith.addf %parallel_loop3A_823, %parallel_loop3A_824 : vector<32xbf16>
        %parallel_loop3A_826 = arith.mulf %parallel_loop3A_801, %parallel_loop3A_825 : vector<32xbf16>
        %parallel_loop3A_827 = arith.addf %parallel_loop3A_816, %parallel_loop3A_826 : vector<32xbf16>
        %parallel_loop3A_828 = arith.xori %parallel_loop3A_753, %parallel_loop3A_781 : vector<16xi32>
        %parallel_loop3A_829 = arith.xori %parallel_loop3A_764, %parallel_loop3A_781 : vector<16xi32>
        %parallel_loop3A_830 = tpu.vector_load_idx %arg7[%parallel_loop3A_828] : memref<65536xi32, #tpu.memory_space<vmem>>[vector<16xi32>], vector<16xi32>,
        %parallel_loop3A_831 = vector.bitcast %parallel_loop3A_830 : vector<16xi32> to vector<32xbf16>
        %parallel_loop3A_832 = tpu.vector_load_idx %arg7[%parallel_loop3A_829] : memref<65536xi32, #tpu.memory_space<vmem>>[vector<16xi32>], vector<16xi32>,
        %parallel_loop3A_833 = vector.bitcast %parallel_loop3A_832 : vector<16xi32> to vector<32xbf16>
        %parallel_loop3A_834 = arith.mulf %parallel_loop3A_798, %parallel_loop3A_831 : vector<32xbf16>
        %parallel_loop3A_835 = arith.mulf %parallel_loop3A_799, %parallel_loop3A_833 : vector<32xbf16>
        %parallel_loop3A_836 = arith.addf %parallel_loop3A_834, %parallel_loop3A_835 : vector<32xbf16>
        %parallel_loop3A_837 = arith.mulf %parallel_loop3A_802, %parallel_loop3A_836 : vector<32xbf16>
        %parallel_loop3A_838 = arith.addf %parallel_loop3A_827, %parallel_loop3A_837 : vector<32xbf16>
        %parallel_loop3A_839 = arith.xori %parallel_loop3A_753, %parallel_loop3A_784 : vector<16xi32>
        %parallel_loop3A_840 = arith.xori %parallel_loop3A_764, %parallel_loop3A_784 : vector<16xi32>
        %parallel_loop3A_841 = tpu.vector_load_idx %arg7[%parallel_loop3A_839] : memref<65536xi32, #tpu.memory_space<vmem>>[vector<16xi32>], vector<16xi32>,
        %parallel_loop3A_842 = vector.bitcast %parallel_loop3A_841 : vector<16xi32> to vector<32xbf16>
        %parallel_loop3A_843 = tpu.vector_load_idx %arg7[%parallel_loop3A_840] : memref<65536xi32, #tpu.memory_space<vmem>>[vector<16xi32>], vector<16xi32>,
        %parallel_loop3A_844 = vector.bitcast %parallel_loop3A_843 : vector<16xi32> to vector<32xbf16>
        %parallel_loop3A_845 = arith.mulf %parallel_loop3A_798, %parallel_loop3A_842 : vector<32xbf16>
        %parallel_loop3A_846 = arith.mulf %parallel_loop3A_799, %parallel_loop3A_844 : vector<32xbf16>
        %parallel_loop3A_847 = arith.addf %parallel_loop3A_845, %parallel_loop3A_846 : vector<32xbf16>
        %parallel_loop3A_848 = arith.mulf %parallel_loop3A_803, %parallel_loop3A_847 : vector<32xbf16>
        %parallel_loop3A_849 = arith.addf %parallel_loop3A_838, %parallel_loop3A_848 : vector<32xbf16>
        %parallel_loop3A_850 = tpu.unpack_subelements %parallel_loop3A_849, 0 {pack_format = #tpu.pack_format<interleaved>} : vector<32xbf16> -> vector<16xf32>
        %parallel_loop3A_851 = tpu.unpack_subelements %parallel_loop3A_849, 1 {pack_format = #tpu.pack_format<interleaved>} : vector<32xbf16> -> vector<16xf32>
        %parallel_loop3A_852 = arith.index_cast %parallel_loop3A_252 : i32 to index
        %parallel_loop3A_853 = arith.constant 64 : index
        %parallel_loop3A_854 = tpu.vector_load %arg11[%parallel_loop3A_852, %parallel_loop3A_853] {strides = array<i32>} : memref<32x128xf32, #tpu.memory_space<vmem>>, vector<16xf32>,
        tpu.vector_store %arg11[%parallel_loop3A_852, %parallel_loop3A_853], %parallel_loop3A_850 {strides = array<i32>} : memref<32x128xf32, #tpu.memory_space<vmem>>, vector<16xf32>,
        %parallel_loop3A_855 = arith.index_cast %parallel_loop3A_252 : i32 to index
        %parallel_loop3A_856 = arith.constant 64 : index
        %parallel_loop3A_857 = tpu.vector_load %arg12[%parallel_loop3A_855, %parallel_loop3A_856] {strides = array<i32>} : memref<32x128xf32, #tpu.memory_space<vmem>>, vector<16xf32>,
        tpu.vector_store %arg12[%parallel_loop3A_855, %parallel_loop3A_856], %parallel_loop3A_851 {strides = array<i32>} : memref<32x128xf32, #tpu.memory_space<vmem>>, vector<16xf32>,
        %parallel_loop3A_858 = arith.constant 128 : i32
        %parallel_loop3A_859 = arith.muli %parallel_loop3A_252, %parallel_loop3A_858 : i32
        %parallel_loop3A_860 = arith.constant 80 : i32
        %parallel_loop3A_861 = arith.addi %parallel_loop3A_859, %parallel_loop3A_860 : i32
        %parallel_loop3A_862 = arith.index_cast %parallel_loop3A_861 : i32 to index
        %parallel_loop3A_863 = tpu.vector_load %arg8[%parallel_loop3A_862] {strides = array<i32>} : memref<4096xf32, #tpu.memory_space<vmem>>, vector<16xf32>,
        %parallel_loop3A_864 = arith.index_cast %parallel_loop3A_861 : i32 to index
        %parallel_loop3A_865 = tpu.vector_load %arg9[%parallel_loop3A_864] {strides = array<i32>} : memref<4096xf32, #tpu.memory_space<vmem>>, vector<16xf32>,
        %parallel_loop3A_866 = arith.index_cast %parallel_loop3A_861 : i32 to index
        %parallel_loop3A_867 = tpu.vector_load %arg10[%parallel_loop3A_866] {strides = array<i32>} : memref<4096xf32, #tpu.memory_space<vmem>>, vector<16xf32>,
        %parallel_loop3A_868 = vector.broadcast %convert_element_type3A : f32 to vector<16xf32>
        %parallel_loop3A_869 = arith.mulf %parallel_loop3A_863, %parallel_loop3A_868 : vector<16xf32>
        %parallel_loop3A_870 = vector.broadcast %convert_element_type3A : f32 to vector<16xf32>
        %parallel_loop3A_871 = arith.mulf %parallel_loop3A_865, %parallel_loop3A_870 : vector<16xf32>
        %parallel_loop3A_872 = vector.broadcast %convert_element_type3A : f32 to vector<16xf32>
        %parallel_loop3A_873 = arith.mulf %parallel_loop3A_867, %parallel_loop3A_872 : vector<16xf32>
        %parallel_loop3A_874 = arith.fptosi %parallel_loop3A_869 : vector<16xf32> to vector<16xi32>
        %parallel_loop3A_875 = arith.fptosi %parallel_loop3A_871 : vector<16xf32> to vector<16xi32>
        %parallel_loop3A_876 = arith.fptosi %parallel_loop3A_873 : vector<16xf32> to vector<16xi32>
        %parallel_loop3A_877 = arith.sitofp %parallel_loop3A_874 : vector<16xi32> to vector<16xf32>
        %parallel_loop3A_878 = arith.subf %parallel_loop3A_869, %parallel_loop3A_877 : vector<16xf32>
        %parallel_loop3A_879 = arith.sitofp %parallel_loop3A_875 : vector<16xi32> to vector<16xf32>
        %parallel_loop3A_880 = arith.subf %parallel_loop3A_871, %parallel_loop3A_879 : vector<16xf32>
        %parallel_loop3A_881 = arith.sitofp %parallel_loop3A_876 : vector<16xi32> to vector<16xf32>
        %parallel_loop3A_882 = arith.subf %parallel_loop3A_873, %parallel_loop3A_881 : vector<16xf32>
        %parallel_loop3A_883 = arith.constant 1 : i32
        %parallel_loop3A_884 = vector.broadcast %parallel_loop3A_883 : i32 to vector<16xi32>
        %parallel_loop3A_885 = arith.addi %parallel_loop3A_874, %parallel_loop3A_884 : vector<16xi32>
        %parallel_loop3A_886 = vector.broadcast %scan3A : i32 to vector<16xi32>
        %parallel_loop3A_887 = arith.muli %parallel_loop3A_875, %parallel_loop3A_886 : vector<16xi32>
        %parallel_loop3A_888 = vector.broadcast %scan3A : i32 to vector<16xi32>
        %parallel_loop3A_889 = arith.addi %parallel_loop3A_887, %parallel_loop3A_888 : vector<16xi32>
        %parallel_loop3A_890 = vector.broadcast %scan3A_59 : i32 to vector<16xi32>
        %parallel_loop3A_891 = arith.muli %parallel_loop3A_876, %parallel_loop3A_890 : vector<16xi32>
        %parallel_loop3A_892 = vector.broadcast %scan3A_59 : i32 to vector<16xi32>
        %parallel_loop3A_893 = arith.addi %parallel_loop3A_891, %parallel_loop3A_892 : vector<16xi32>
        %parallel_loop3A_894 = arith.xori %parallel_loop3A_887, %parallel_loop3A_891 : vector<16xi32>
        %parallel_loop3A_895 = vector.broadcast %scan3A_60 : i32 to vector<16xi32>
        %parallel_loop3A_896 = arith.andi %parallel_loop3A_894, %parallel_loop3A_895 : vector<16xi32>
        %parallel_loop3A_897 = arith.xori %parallel_loop3A_887, %parallel_loop3A_893 : vector<16xi32>
        %parallel_loop3A_898 = vector.broadcast %scan3A_60 : i32 to vector<16xi32>
        %parallel_loop3A_899 = arith.andi %parallel_loop3A_897, %parallel_loop3A_898 : vector<16xi32>
        %parallel_loop3A_900 = arith.xori %parallel_loop3A_889, %parallel_loop3A_891 : vector<16xi32>
        %parallel_loop3A_901 = vector.broadcast %scan3A_60 : i32 to vector<16xi32>
        %parallel_loop3A_902 = arith.andi %parallel_loop3A_900, %parallel_loop3A_901 : vector<16xi32>
        %parallel_loop3A_903 = arith.xori %parallel_loop3A_889, %parallel_loop3A_893 : vector<16xi32>
        %parallel_loop3A_904 = vector.broadcast %scan3A_60 : i32 to vector<16xi32>
        %parallel_loop3A_905 = arith.andi %parallel_loop3A_903, %parallel_loop3A_904 : vector<16xi32>
        %parallel_loop3A_906 = arith.constant 1.000000e+00 : f32
        %parallel_loop3A_907 = vector.broadcast %parallel_loop3A_906 : f32 to vector<16xf32>
        %parallel_loop3A_908 = arith.subf %parallel_loop3A_907, %parallel_loop3A_878 : vector<16xf32>
        %parallel_loop3A_909 = arith.constant 1.000000e+00 : f32
        %parallel_loop3A_910 = vector.broadcast %parallel_loop3A_909 : f32 to vector<16xf32>
        %parallel_loop3A_911 = arith.subf %parallel_loop3A_910, %parallel_loop3A_880 : vector<16xf32>
        %parallel_loop3A_912 = arith.constant 1.000000e+00 : f32
        %parallel_loop3A_913 = vector.broadcast %parallel_loop3A_912 : f32 to vector<16xf32>
        %parallel_loop3A_914 = arith.subf %parallel_loop3A_913, %parallel_loop3A_882 : vector<16xf32>
        %parallel_loop3A_915 = arith.mulf %parallel_loop3A_911, %parallel_loop3A_914 : vector<16xf32>
        %parallel_loop3A_916 = arith.mulf %parallel_loop3A_911, %parallel_loop3A_882 : vector<16xf32>
        %parallel_loop3A_917 = arith.mulf %parallel_loop3A_880, %parallel_loop3A_914 : vector<16xf32>
        %parallel_loop3A_918 = arith.mulf %parallel_loop3A_880, %parallel_loop3A_882 : vector<16xf32>
        %parallel_loop3A_919 = tpu.pack_subelements %parallel_loop3A_908, %parallel_loop3A_908 {pack_format = #tpu.pack_format<interleaved>, positions = array<i32: 0, 1>} : vector<16xf32>, vector<16xf32> -> vector<32xbf16>
        %parallel_loop3A_920 = tpu.pack_subelements %parallel_loop3A_878, %parallel_loop3A_878 {pack_format = #tpu.pack_format<interleaved>, positions = array<i32: 0, 1>} : vector<16xf32>, vector<16xf32> -> vector<32xbf16>
        %parallel_loop3A_921 = tpu.pack_subelements %parallel_loop3A_915, %parallel_loop3A_915 {pack_format = #tpu.pack_format<interleaved>, positions = array<i32: 0, 1>} : vector<16xf32>, vector<16xf32> -> vector<32xbf16>
        %parallel_loop3A_922 = tpu.pack_subelements %parallel_loop3A_916, %parallel_loop3A_916 {pack_format = #tpu.pack_format<interleaved>, positions = array<i32: 0, 1>} : vector<16xf32>, vector<16xf32> -> vector<32xbf16>
        %parallel_loop3A_923 = tpu.pack_subelements %parallel_loop3A_917, %parallel_loop3A_917 {pack_format = #tpu.pack_format<interleaved>, positions = array<i32: 0, 1>} : vector<16xf32>, vector<16xf32> -> vector<32xbf16>
        %parallel_loop3A_924 = tpu.pack_subelements %parallel_loop3A_918, %parallel_loop3A_918 {pack_format = #tpu.pack_format<interleaved>, positions = array<i32: 0, 1>} : vector<16xf32>, vector<16xf32> -> vector<32xbf16>
        %parallel_loop3A_925 = arith.constant 0.000000e+00 : bf16
        %parallel_loop3A_926 = vector.broadcast %parallel_loop3A_925 : bf16 to vector<32xbf16>
        %parallel_loop3A_927 = arith.xori %parallel_loop3A_874, %parallel_loop3A_896 : vector<16xi32>
        %parallel_loop3A_928 = arith.xori %parallel_loop3A_885, %parallel_loop3A_896 : vector<16xi32>
        %parallel_loop3A_929 = tpu.vector_load_idx %arg7[%parallel_loop3A_927] : memref<65536xi32, #tpu.memory_space<vmem>>[vector<16xi32>], vector<16xi32>,
        %parallel_loop3A_930 = vector.bitcast %parallel_loop3A_929 : vector<16xi32> to vector<32xbf16>
        %parallel_loop3A_931 = tpu.vector_load_idx %arg7[%parallel_loop3A_928] : memref<65536xi32, #tpu.memory_space<vmem>>[vector<16xi32>], vector<16xi32>,
        %parallel_loop3A_932 = vector.bitcast %parallel_loop3A_931 : vector<16xi32> to vector<32xbf16>
        %parallel_loop3A_933 = arith.mulf %parallel_loop3A_919, %parallel_loop3A_930 : vector<32xbf16>
        %parallel_loop3A_934 = arith.mulf %parallel_loop3A_920, %parallel_loop3A_932 : vector<32xbf16>
        %parallel_loop3A_935 = arith.addf %parallel_loop3A_933, %parallel_loop3A_934 : vector<32xbf16>
        %parallel_loop3A_936 = arith.mulf %parallel_loop3A_921, %parallel_loop3A_935 : vector<32xbf16>
        %parallel_loop3A_937 = arith.addf %parallel_loop3A_926, %parallel_loop3A_936 : vector<32xbf16>
        %parallel_loop3A_938 = arith.xori %parallel_loop3A_874, %parallel_loop3A_899 : vector<16xi32>
        %parallel_loop3A_939 = arith.xori %parallel_loop3A_885, %parallel_loop3A_899 : vector<16xi32>
        %parallel_loop3A_940 = tpu.vector_load_idx %arg7[%parallel_loop3A_938] : memref<65536xi32, #tpu.memory_space<vmem>>[vector<16xi32>], vector<16xi32>,
        %parallel_loop3A_941 = vector.bitcast %parallel_loop3A_940 : vector<16xi32> to vector<32xbf16>
        %parallel_loop3A_942 = tpu.vector_load_idx %arg7[%parallel_loop3A_939] : memref<65536xi32, #tpu.memory_space<vmem>>[vector<16xi32>], vector<16xi32>,
        %parallel_loop3A_943 = vector.bitcast %parallel_loop3A_942 : vector<16xi32> to vector<32xbf16>
        %parallel_loop3A_944 = arith.mulf %parallel_loop3A_919, %parallel_loop3A_941 : vector<32xbf16>
        %parallel_loop3A_945 = arith.mulf %parallel_loop3A_920, %parallel_loop3A_943 : vector<32xbf16>
        %parallel_loop3A_946 = arith.addf %parallel_loop3A_944, %parallel_loop3A_945 : vector<32xbf16>
        %parallel_loop3A_947 = arith.mulf %parallel_loop3A_922, %parallel_loop3A_946 : vector<32xbf16>
        %parallel_loop3A_948 = arith.addf %parallel_loop3A_937, %parallel_loop3A_947 : vector<32xbf16>
        %parallel_loop3A_949 = arith.xori %parallel_loop3A_874, %parallel_loop3A_902 : vector<16xi32>
        %parallel_loop3A_950 = arith.xori %parallel_loop3A_885, %parallel_loop3A_902 : vector<16xi32>
        %parallel_loop3A_951 = tpu.vector_load_idx %arg7[%parallel_loop3A_949] : memref<65536xi32, #tpu.memory_space<vmem>>[vector<16xi32>], vector<16xi32>,
        %parallel_loop3A_952 = vector.bitcast %parallel_loop3A_951 : vector<16xi32> to vector<32xbf16>
        %parallel_loop3A_953 = tpu.vector_load_idx %arg7[%parallel_loop3A_950] : memref<65536xi32, #tpu.memory_space<vmem>>[vector<16xi32>], vector<16xi32>,
        %parallel_loop3A_954 = vector.bitcast %parallel_loop3A_953 : vector<16xi32> to vector<32xbf16>
        %parallel_loop3A_955 = arith.mulf %parallel_loop3A_919, %parallel_loop3A_952 : vector<32xbf16>
        %parallel_loop3A_956 = arith.mulf %parallel_loop3A_920, %parallel_loop3A_954 : vector<32xbf16>
        %parallel_loop3A_957 = arith.addf %parallel_loop3A_955, %parallel_loop3A_956 : vector<32xbf16>
        %parallel_loop3A_958 = arith.mulf %parallel_loop3A_923, %parallel_loop3A_957 : vector<32xbf16>
        %parallel_loop3A_959 = arith.addf %parallel_loop3A_948, %parallel_loop3A_958 : vector<32xbf16>
        %parallel_loop3A_960 = arith.xori %parallel_loop3A_874, %parallel_loop3A_905 : vector<16xi32>
        %parallel_loop3A_961 = arith.xori %parallel_loop3A_885, %parallel_loop3A_905 : vector<16xi32>
        %parallel_loop3A_962 = tpu.vector_load_idx %arg7[%parallel_loop3A_960] : memref<65536xi32, #tpu.memory_space<vmem>>[vector<16xi32>], vector<16xi32>,
        %parallel_loop3A_963 = vector.bitcast %parallel_loop3A_962 : vector<16xi32> to vector<32xbf16>
        %parallel_loop3A_964 = tpu.vector_load_idx %arg7[%parallel_loop3A_961] : memref<65536xi32, #tpu.memory_space<vmem>>[vector<16xi32>], vector<16xi32>,
        %parallel_loop3A_965 = vector.bitcast %parallel_loop3A_964 : vector<16xi32> to vector<32xbf16>
        %parallel_loop3A_966 = arith.mulf %parallel_loop3A_919, %parallel_loop3A_963 : vector<32xbf16>
        %parallel_loop3A_967 = arith.mulf %parallel_loop3A_920, %parallel_loop3A_965 : vector<32xbf16>
        %parallel_loop3A_968 = arith.addf %parallel_loop3A_966, %parallel_loop3A_967 : vector<32xbf16>
        %parallel_loop3A_969 = arith.mulf %parallel_loop3A_924, %parallel_loop3A_968 : vector<32xbf16>
        %parallel_loop3A_970 = arith.addf %parallel_loop3A_959, %parallel_loop3A_969 : vector<32xbf16>
        %parallel_loop3A_971 = tpu.unpack_subelements %parallel_loop3A_970, 0 {pack_format = #tpu.pack_format<interleaved>} : vector<32xbf16> -> vector<16xf32>
        %parallel_loop3A_972 = tpu.unpack_subelements %parallel_loop3A_970, 1 {pack_format = #tpu.pack_format<interleaved>} : vector<32xbf16> -> vector<16xf32>
        %parallel_loop3A_973 = arith.index_cast %parallel_loop3A_252 : i32 to index
        %parallel_loop3A_974 = arith.constant 80 : index
        %parallel_loop3A_975 = tpu.vector_load %arg11[%parallel_loop3A_973, %parallel_loop3A_974] {strides = array<i32>} : memref<32x128xf32, #tpu.memory_space<vmem>>, vector<16xf32>,
        tpu.vector_store %arg11[%parallel_loop3A_973, %parallel_loop3A_974], %parallel_loop3A_971 {strides = array<i32>} : memref<32x128xf32, #tpu.memory_space<vmem>>, vector<16xf32>,
        %parallel_loop3A_976 = arith.index_cast %parallel_loop3A_252 : i32 to index
        %parallel_loop3A_977 = arith.constant 80 : index
        %parallel_loop3A_978 = tpu.vector_load %arg12[%parallel_loop3A_976, %parallel_loop3A_977] {strides = array<i32>} : memref<32x128xf32, #tpu.memory_space<vmem>>, vector<16xf32>,
        tpu.vector_store %arg12[%parallel_loop3A_976, %parallel_loop3A_977], %parallel_loop3A_972 {strides = array<i32>} : memref<32x128xf32, #tpu.memory_space<vmem>>, vector<16xf32>,
        %parallel_loop3A_979 = arith.constant 128 : i32
        %parallel_loop3A_980 = arith.muli %parallel_loop3A_252, %parallel_loop3A_979 : i32
        %parallel_loop3A_981 = arith.constant 96 : i32
        %parallel_loop3A_982 = arith.addi %parallel_loop3A_980, %parallel_loop3A_981 : i32
        %parallel_loop3A_983 = arith.index_cast %parallel_loop3A_982 : i32 to index
        %parallel_loop3A_984 = tpu.vector_load %arg8[%parallel_loop3A_983] {strides = array<i32>} : memref<4096xf32, #tpu.memory_space<vmem>>, vector<16xf32>,
        %parallel_loop3A_985 = arith.index_cast %parallel_loop3A_982 : i32 to index
        %parallel_loop3A_986 = tpu.vector_load %arg9[%parallel_loop3A_985] {strides = array<i32>} : memref<4096xf32, #tpu.memory_space<vmem>>, vector<16xf32>,
        %parallel_loop3A_987 = arith.index_cast %parallel_loop3A_982 : i32 to index
        %parallel_loop3A_988 = tpu.vector_load %arg10[%parallel_loop3A_987] {strides = array<i32>} : memref<4096xf32, #tpu.memory_space<vmem>>, vector<16xf32>,
        %parallel_loop3A_989 = vector.broadcast %convert_element_type3A : f32 to vector<16xf32>
        %parallel_loop3A_990 = arith.mulf %parallel_loop3A_984, %parallel_loop3A_989 : vector<16xf32>
        %parallel_loop3A_991 = vector.broadcast %convert_element_type3A : f32 to vector<16xf32>
        %parallel_loop3A_992 = arith.mulf %parallel_loop3A_986, %parallel_loop3A_991 : vector<16xf32>
        %parallel_loop3A_993 = vector.broadcast %convert_element_type3A : f32 to vector<16xf32>
        %parallel_loop3A_994 = arith.mulf %parallel_loop3A_988, %parallel_loop3A_993 : vector<16xf32>
        %parallel_loop3A_995 = arith.fptosi %parallel_loop3A_990 : vector<16xf32> to vector<16xi32>
        %parallel_loop3A_996 = arith.fptosi %parallel_loop3A_992 : vector<16xf32> to vector<16xi32>
        %parallel_loop3A_997 = arith.fptosi %parallel_loop3A_994 : vector<16xf32> to vector<16xi32>
        %parallel_loop3A_998 = arith.sitofp %parallel_loop3A_995 : vector<16xi32> to vector<16xf32>
        %parallel_loop3A_999 = arith.subf %parallel_loop3A_990, %parallel_loop3A_998 : vector<16xf32>
        %parallel_loop3A_1000 = arith.sitofp %parallel_loop3A_996 : vector<16xi32> to vector<16xf32>
        %parallel_loop3A_1001 = arith.subf %parallel_loop3A_992, %parallel_loop3A_1000 : vector<16xf32>
        %parallel_loop3A_1002 = arith.sitofp %parallel_loop3A_997 : vector<16xi32> to vector<16xf32>
        %parallel_loop3A_1003 = arith.subf %parallel_loop3A_994, %parallel_loop3A_1002 : vector<16xf32>
        %parallel_loop3A_1004 = arith.constant 1 : i32
        %parallel_loop3A_1005 = vector.broadcast %parallel_loop3A_1004 : i32 to vector<16xi32>
        %parallel_loop3A_1006 = arith.addi %parallel_loop3A_995, %parallel_loop3A_1005 : vector<16xi32>
        %parallel_loop3A_1007 = vector.broadcast %scan3A : i32 to vector<16xi32>
        %parallel_loop3A_1008 = arith.muli %parallel_loop3A_996, %parallel_loop3A_1007 : vector<16xi32>
        %parallel_loop3A_1009 = vector.broadcast %scan3A : i32 to vector<16xi32>
        %parallel_loop3A_1010 = arith.addi %parallel_loop3A_1008, %parallel_loop3A_1009 : vector<16xi32>
        %parallel_loop3A_1011 = vector.broadcast %scan3A_59 : i32 to vector<16xi32>
        %parallel_loop3A_1012 = arith.muli %parallel_loop3A_997, %parallel_loop3A_1011 : vector<16xi32>
        %parallel_loop3A_1013 = vector.broadcast %scan3A_59 : i32 to vector<16xi32>
        %parallel_loop3A_1014 = arith.addi %parallel_loop3A_1012, %parallel_loop3A_1013 : vector<16xi32>
        %parallel_loop3A_1015 = arith.xori %parallel_loop3A_1008, %parallel_loop3A_1012 : vector<16xi32>
        %parallel_loop3A_1016 = vector.broadcast %scan3A_60 : i32 to vector<16xi32>
        %parallel_loop3A_1017 = arith.andi %parallel_loop3A_1015, %parallel_loop3A_1016 : vector<16xi32>
        %parallel_loop3A_1018 = arith.xori %parallel_loop3A_1008, %parallel_loop3A_1014 : vector<16xi32>
        %parallel_loop3A_1019 = vector.broadcast %scan3A_60 : i32 to vector<16xi32>
        %parallel_loop3A_1020 = arith.andi %parallel_loop3A_1018, %parallel_loop3A_1019 : vector<16xi32>
        %parallel_loop3A_1021 = arith.xori %parallel_loop3A_1010, %parallel_loop3A_1012 : vector<16xi32>
        %parallel_loop3A_1022 = vector.broadcast %scan3A_60 : i32 to vector<16xi32>
        %parallel_loop3A_1023 = arith.andi %parallel_loop3A_1021, %parallel_loop3A_1022 : vector<16xi32>
        %parallel_loop3A_1024 = arith.xori %parallel_loop3A_1010, %parallel_loop3A_1014 : vector<16xi32>
        %parallel_loop3A_1025 = vector.broadcast %scan3A_60 : i32 to vector<16xi32>
        %parallel_loop3A_1026 = arith.andi %parallel_loop3A_1024, %parallel_loop3A_1025 : vector<16xi32>
        %parallel_loop3A_1027 = arith.constant 1.000000e+00 : f32
        %parallel_loop3A_1028 = vector.broadcast %parallel_loop3A_1027 : f32 to vector<16xf32>
        %parallel_loop3A_1029 = arith.subf %parallel_loop3A_1028, %parallel_loop3A_999 : vector<16xf32>
        %parallel_loop3A_1030 = arith.constant 1.000000e+00 : f32
        %parallel_loop3A_1031 = vector.broadcast %parallel_loop3A_1030 : f32 to vector<16xf32>
        %parallel_loop3A_1032 = arith.subf %parallel_loop3A_1031, %parallel_loop3A_1001 : vector<16xf32>
        %parallel_loop3A_1033 = arith.constant 1.000000e+00 : f32
        %parallel_loop3A_1034 = vector.broadcast %parallel_loop3A_1033 : f32 to vector<16xf32>
        %parallel_loop3A_1035 = arith.subf %parallel_loop3A_1034, %parallel_loop3A_1003 : vector<16xf32>
        %parallel_loop3A_1036 = arith.mulf %parallel_loop3A_1032, %parallel_loop3A_1035 : vector<16xf32>
        %parallel_loop3A_1037 = arith.mulf %parallel_loop3A_1032, %parallel_loop3A_1003 : vector<16xf32>
        %parallel_loop3A_1038 = arith.mulf %parallel_loop3A_1001, %parallel_loop3A_1035 : vector<16xf32>
        %parallel_loop3A_1039 = arith.mulf %parallel_loop3A_1001, %parallel_loop3A_1003 : vector<16xf32>
        %parallel_loop3A_1040 = tpu.pack_subelements %parallel_loop3A_1029, %parallel_loop3A_1029 {pack_format = #tpu.pack_format<interleaved>, positions = array<i32: 0, 1>} : vector<16xf32>, vector<16xf32> -> vector<32xbf16>
        %parallel_loop3A_1041 = tpu.pack_subelements %parallel_loop3A_999, %parallel_loop3A_999 {pack_format = #tpu.pack_format<interleaved>, positions = array<i32: 0, 1>} : vector<16xf32>, vector<16xf32> -> vector<32xbf16>
        %parallel_loop3A_1042 = tpu.pack_subelements %parallel_loop3A_1036, %parallel_loop3A_1036 {pack_format = #tpu.pack_format<interleaved>, positions = array<i32: 0, 1>} : vector<16xf32>, vector<16xf32> -> vector<32xbf16>
        %parallel_loop3A_1043 = tpu.pack_subelements %parallel_loop3A_1037, %parallel_loop3A_1037 {pack_format = #tpu.pack_format<interleaved>, positions = array<i32: 0, 1>} : vector<16xf32>, vector<16xf32> -> vector<32xbf16>
        %parallel_loop3A_1044 = tpu.pack_subelements %parallel_loop3A_1038, %parallel_loop3A_1038 {pack_format = #tpu.pack_format<interleaved>, positions = array<i32: 0, 1>} : vector<16xf32>, vector<16xf32> -> vector<32xbf16>
        %parallel_loop3A_1045 = tpu.pack_subelements %parallel_loop3A_1039, %parallel_loop3A_1039 {pack_format = #tpu.pack_format<interleaved>, positions = array<i32: 0, 1>} : vector<16xf32>, vector<16xf32> -> vector<32xbf16>
        %parallel_loop3A_1046 = arith.constant 0.000000e+00 : bf16
        %parallel_loop3A_1047 = vector.broadcast %parallel_loop3A_1046 : bf16 to vector<32xbf16>
        %parallel_loop3A_1048 = arith.xori %parallel_loop3A_995, %parallel_loop3A_1017 : vector<16xi32>
        %parallel_loop3A_1049 = arith.xori %parallel_loop3A_1006, %parallel_loop3A_1017 : vector<16xi32>
        %parallel_loop3A_1050 = tpu.vector_load_idx %arg7[%parallel_loop3A_1048] : memref<65536xi32, #tpu.memory_space<vmem>>[vector<16xi32>], vector<16xi32>,
        %parallel_loop3A_1051 = vector.bitcast %parallel_loop3A_1050 : vector<16xi32> to vector<32xbf16>
        %parallel_loop3A_1052 = tpu.vector_load_idx %arg7[%parallel_loop3A_1049] : memref<65536xi32, #tpu.memory_space<vmem>>[vector<16xi32>], vector<16xi32>,
        %parallel_loop3A_1053 = vector.bitcast %parallel_loop3A_1052 : vector<16xi32> to vector<32xbf16>
        %parallel_loop3A_1054 = arith.mulf %parallel_loop3A_1040, %parallel_loop3A_1051 : vector<32xbf16>
        %parallel_loop3A_1055 = arith.mulf %parallel_loop3A_1041, %parallel_loop3A_1053 : vector<32xbf16>
        %parallel_loop3A_1056 = arith.addf %parallel_loop3A_1054, %parallel_loop3A_1055 : vector<32xbf16>
        %parallel_loop3A_1057 = arith.mulf %parallel_loop3A_1042, %parallel_loop3A_1056 : vector<32xbf16>
        %parallel_loop3A_1058 = arith.addf %parallel_loop3A_1047, %parallel_loop3A_1057 : vector<32xbf16>
        %parallel_loop3A_1059 = arith.xori %parallel_loop3A_995, %parallel_loop3A_1020 : vector<16xi32>
        %parallel_loop3A_1060 = arith.xori %parallel_loop3A_1006, %parallel_loop3A_1020 : vector<16xi32>
        %parallel_loop3A_1061 = tpu.vector_load_idx %arg7[%parallel_loop3A_1059] : memref<65536xi32, #tpu.memory_space<vmem>>[vector<16xi32>], vector<16xi32>,
        %parallel_loop3A_1062 = vector.bitcast %parallel_loop3A_1061 : vector<16xi32> to vector<32xbf16>
        %parallel_loop3A_1063 = tpu.vector_load_idx %arg7[%parallel_loop3A_1060] : memref<65536xi32, #tpu.memory_space<vmem>>[vector<16xi32>], vector<16xi32>,
        %parallel_loop3A_1064 = vector.bitcast %parallel_loop3A_1063 : vector<16xi32> to vector<32xbf16>
        %parallel_loop3A_1065 = arith.mulf %parallel_loop3A_1040, %parallel_loop3A_1062 : vector<32xbf16>
        %parallel_loop3A_1066 = arith.mulf %parallel_loop3A_1041, %parallel_loop3A_1064 : vector<32xbf16>
        %parallel_loop3A_1067 = arith.addf %parallel_loop3A_1065, %parallel_loop3A_1066 : vector<32xbf16>
        %parallel_loop3A_1068 = arith.mulf %parallel_loop3A_1043, %parallel_loop3A_1067 : vector<32xbf16>
        %parallel_loop3A_1069 = arith.addf %parallel_loop3A_1058, %parallel_loop3A_1068 : vector<32xbf16>
        %parallel_loop3A_1070 = arith.xori %parallel_loop3A_995, %parallel_loop3A_1023 : vector<16xi32>
        %parallel_loop3A_1071 = arith.xori %parallel_loop3A_1006, %parallel_loop3A_1023 : vector<16xi32>
        %parallel_loop3A_1072 = tpu.vector_load_idx %arg7[%parallel_loop3A_1070] : memref<65536xi32, #tpu.memory_space<vmem>>[vector<16xi32>], vector<16xi32>,
        %parallel_loop3A_1073 = vector.bitcast %parallel_loop3A_1072 : vector<16xi32> to vector<32xbf16>
        %parallel_loop3A_1074 = tpu.vector_load_idx %arg7[%parallel_loop3A_1071] : memref<65536xi32, #tpu.memory_space<vmem>>[vector<16xi32>], vector<16xi32>,
        %parallel_loop3A_1075 = vector.bitcast %parallel_loop3A_1074 : vector<16xi32> to vector<32xbf16>
        %parallel_loop3A_1076 = arith.mulf %parallel_loop3A_1040, %parallel_loop3A_1073 : vector<32xbf16>
        %parallel_loop3A_1077 = arith.mulf %parallel_loop3A_1041, %parallel_loop3A_1075 : vector<32xbf16>
        %parallel_loop3A_1078 = arith.addf %parallel_loop3A_1076, %parallel_loop3A_1077 : vector<32xbf16>
        %parallel_loop3A_1079 = arith.mulf %parallel_loop3A_1044, %parallel_loop3A_1078 : vector<32xbf16>
        %parallel_loop3A_1080 = arith.addf %parallel_loop3A_1069, %parallel_loop3A_1079 : vector<32xbf16>
        %parallel_loop3A_1081 = arith.xori %parallel_loop3A_995, %parallel_loop3A_1026 : vector<16xi32>
        %parallel_loop3A_1082 = arith.xori %parallel_loop3A_1006, %parallel_loop3A_1026 : vector<16xi32>
        %parallel_loop3A_1083 = tpu.vector_load_idx %arg7[%parallel_loop3A_1081] : memref<65536xi32, #tpu.memory_space<vmem>>[vector<16xi32>], vector<16xi32>,
        %parallel_loop3A_1084 = vector.bitcast %parallel_loop3A_1083 : vector<16xi32> to vector<32xbf16>
        %parallel_loop3A_1085 = tpu.vector_load_idx %arg7[%parallel_loop3A_1082] : memref<65536xi32, #tpu.memory_space<vmem>>[vector<16xi32>], vector<16xi32>,
        %parallel_loop3A_1086 = vector.bitcast %parallel_loop3A_1085 : vector<16xi32> to vector<32xbf16>
        %parallel_loop3A_1087 = arith.mulf %parallel_loop3A_1040, %parallel_loop3A_1084 : vector<32xbf16>
        %parallel_loop3A_1088 = arith.mulf %parallel_loop3A_1041, %parallel_loop3A_1086 : vector<32xbf16>
        %parallel_loop3A_1089 = arith.addf %parallel_loop3A_1087, %parallel_loop3A_1088 : vector<32xbf16>
        %parallel_loop3A_1090 = arith.mulf %parallel_loop3A_1045, %parallel_loop3A_1089 : vector<32xbf16>
        %parallel_loop3A_1091 = arith.addf %parallel_loop3A_1080, %parallel_loop3A_1090 : vector<32xbf16>
        %parallel_loop3A_1092 = tpu.unpack_subelements %parallel_loop3A_1091, 0 {pack_format = #tpu.pack_format<interleaved>} : vector<32xbf16> -> vector<16xf32>
        %parallel_loop3A_1093 = tpu.unpack_subelements %parallel_loop3A_1091, 1 {pack_format = #tpu.pack_format<interleaved>} : vector<32xbf16> -> vector<16xf32>
        %parallel_loop3A_1094 = arith.index_cast %parallel_loop3A_252 : i32 to index
        %parallel_loop3A_1095 = arith.constant 96 : index
        %parallel_loop3A_1096 = tpu.vector_load %arg11[%parallel_loop3A_1094, %parallel_loop3A_1095] {strides = array<i32>} : memref<32x128xf32, #tpu.memory_space<vmem>>, vector<16xf32>,
        tpu.vector_store %arg11[%parallel_loop3A_1094, %parallel_loop3A_1095], %parallel_loop3A_1092 {strides = array<i32>} : memref<32x128xf32, #tpu.memory_space<vmem>>, vector<16xf32>,
        %parallel_loop3A_1097 = arith.index_cast %parallel_loop3A_252 : i32 to index
        %parallel_loop3A_1098 = arith.constant 96 : index
        %parallel_loop3A_1099 = tpu.vector_load %arg12[%parallel_loop3A_1097, %parallel_loop3A_1098] {strides = array<i32>} : memref<32x128xf32, #tpu.memory_space<vmem>>, vector<16xf32>,
        tpu.vector_store %arg12[%parallel_loop3A_1097, %parallel_loop3A_1098], %parallel_loop3A_1093 {strides = array<i32>} : memref<32x128xf32, #tpu.memory_space<vmem>>, vector<16xf32>,
        %parallel_loop3A_1100 = arith.constant 128 : i32
        %parallel_loop3A_1101 = arith.muli %parallel_loop3A_252, %parallel_loop3A_1100 : i32
        %parallel_loop3A_1102 = arith.constant 112 : i32
        %parallel_loop3A_1103 = arith.addi %parallel_loop3A_1101, %parallel_loop3A_1102 : i32
        %parallel_loop3A_1104 = arith.index_cast %parallel_loop3A_1103 : i32 to index
        %parallel_loop3A_1105 = tpu.vector_load %arg8[%parallel_loop3A_1104] {strides = array<i32>} : memref<4096xf32, #tpu.memory_space<vmem>>, vector<16xf32>,
        %parallel_loop3A_1106 = arith.index_cast %parallel_loop3A_1103 : i32 to index
        %parallel_loop3A_1107 = tpu.vector_load %arg9[%parallel_loop3A_1106] {strides = array<i32>} : memref<4096xf32, #tpu.memory_space<vmem>>, vector<16xf32>,
        %parallel_loop3A_1108 = arith.index_cast %parallel_loop3A_1103 : i32 to index
        %parallel_loop3A_1109 = tpu.vector_load %arg10[%parallel_loop3A_1108] {strides = array<i32>} : memref<4096xf32, #tpu.memory_space<vmem>>, vector<16xf32>,
        %parallel_loop3A_1110 = vector.broadcast %convert_element_type3A : f32 to vector<16xf32>
        %parallel_loop3A_1111 = arith.mulf %parallel_loop3A_1105, %parallel_loop3A_1110 : vector<16xf32>
        %parallel_loop3A_1112 = vector.broadcast %convert_element_type3A : f32 to vector<16xf32>
        %parallel_loop3A_1113 = arith.mulf %parallel_loop3A_1107, %parallel_loop3A_1112 : vector<16xf32>
        %parallel_loop3A_1114 = vector.broadcast %convert_element_type3A : f32 to vector<16xf32>
        %parallel_loop3A_1115 = arith.mulf %parallel_loop3A_1109, %parallel_loop3A_1114 : vector<16xf32>
        %parallel_loop3A_1116 = arith.fptosi %parallel_loop3A_1111 : vector<16xf32> to vector<16xi32>
        %parallel_loop3A_1117 = arith.fptosi %parallel_loop3A_1113 : vector<16xf32> to vector<16xi32>
        %parallel_loop3A_1118 = arith.fptosi %parallel_loop3A_1115 : vector<16xf32> to vector<16xi32>
        %parallel_loop3A_1119 = arith.sitofp %parallel_loop3A_1116 : vector<16xi32> to vector<16xf32>
        %parallel_loop3A_1120 = arith.subf %parallel_loop3A_1111, %parallel_loop3A_1119 : vector<16xf32>
        %parallel_loop3A_1121 = arith.sitofp %parallel_loop3A_1117 : vector<16xi32> to vector<16xf32>
        %parallel_loop3A_1122 = arith.subf %parallel_loop3A_1113, %parallel_loop3A_1121 : vector<16xf32>
        %parallel_loop3A_1123 = arith.sitofp %parallel_loop3A_1118 : vector<16xi32> to vector<16xf32>
        %parallel_loop3A_1124 = arith.subf %parallel_loop3A_1115, %parallel_loop3A_1123 : vector<16xf32>
        %parallel_loop3A_1125 = arith.constant 1 : i32
        %parallel_loop3A_1126 = vector.broadcast %parallel_loop3A_1125 : i32 to vector<16xi32>
        %parallel_loop3A_1127 = arith.addi %parallel_loop3A_1116, %parallel_loop3A_1126 : vector<16xi32>
        %parallel_loop3A_1128 = vector.broadcast %scan3A : i32 to vector<16xi32>
        %parallel_loop3A_1129 = arith.muli %parallel_loop3A_1117, %parallel_loop3A_1128 : vector<16xi32>
        %parallel_loop3A_1130 = vector.broadcast %scan3A : i32 to vector<16xi32>
        %parallel_loop3A_1131 = arith.addi %parallel_loop3A_1129, %parallel_loop3A_1130 : vector<16xi32>
        %parallel_loop3A_1132 = vector.broadcast %scan3A_59 : i32 to vector<16xi32>
        %parallel_loop3A_1133 = arith.muli %parallel_loop3A_1118, %parallel_loop3A_1132 : vector<16xi32>
        %parallel_loop3A_1134 = vector.broadcast %scan3A_59 : i32 to vector<16xi32>
        %parallel_loop3A_1135 = arith.addi %parallel_loop3A_1133, %parallel_loop3A_1134 : vector<16xi32>
        %parallel_loop3A_1136 = arith.xori %parallel_loop3A_1129, %parallel_loop3A_1133 : vector<16xi32>
        %parallel_loop3A_1137 = vector.broadcast %scan3A_60 : i32 to vector<16xi32>
        %parallel_loop3A_1138 = arith.andi %parallel_loop3A_1136, %parallel_loop3A_1137 : vector<16xi32>
        %parallel_loop3A_1139 = arith.xori %parallel_loop3A_1129, %parallel_loop3A_1135 : vector<16xi32>
        %parallel_loop3A_1140 = vector.broadcast %scan3A_60 : i32 to vector<16xi32>
        %parallel_loop3A_1141 = arith.andi %parallel_loop3A_1139, %parallel_loop3A_1140 : vector<16xi32>
        %parallel_loop3A_1142 = arith.xori %parallel_loop3A_1131, %parallel_loop3A_1133 : vector<16xi32>
        %parallel_loop3A_1143 = vector.broadcast %scan3A_60 : i32 to vector<16xi32>
        %parallel_loop3A_1144 = arith.andi %parallel_loop3A_1142, %parallel_loop3A_1143 : vector<16xi32>
        %parallel_loop3A_1145 = arith.xori %parallel_loop3A_1131, %parallel_loop3A_1135 : vector<16xi32>
        %parallel_loop3A_1146 = vector.broadcast %scan3A_60 : i32 to vector<16xi32>
        %parallel_loop3A_1147 = arith.andi %parallel_loop3A_1145, %parallel_loop3A_1146 : vector<16xi32>
        %parallel_loop3A_1148 = arith.constant 1.000000e+00 : f32
        %parallel_loop3A_1149 = vector.broadcast %parallel_loop3A_1148 : f32 to vector<16xf32>
        %parallel_loop3A_1150 = arith.subf %parallel_loop3A_1149, %parallel_loop3A_1120 : vector<16xf32>
        %parallel_loop3A_1151 = arith.constant 1.000000e+00 : f32
        %parallel_loop3A_1152 = vector.broadcast %parallel_loop3A_1151 : f32 to vector<16xf32>
        %parallel_loop3A_1153 = arith.subf %parallel_loop3A_1152, %parallel_loop3A_1122 : vector<16xf32>
        %parallel_loop3A_1154 = arith.constant 1.000000e+00 : f32
        %parallel_loop3A_1155 = vector.broadcast %parallel_loop3A_1154 : f32 to vector<16xf32>
        %parallel_loop3A_1156 = arith.subf %parallel_loop3A_1155, %parallel_loop3A_1124 : vector<16xf32>
        %parallel_loop3A_1157 = arith.mulf %parallel_loop3A_1153, %parallel_loop3A_1156 : vector<16xf32>
        %parallel_loop3A_1158 = arith.mulf %parallel_loop3A_1153, %parallel_loop3A_1124 : vector<16xf32>
        %parallel_loop3A_1159 = arith.mulf %parallel_loop3A_1122, %parallel_loop3A_1156 : vector<16xf32>
        %parallel_loop3A_1160 = arith.mulf %parallel_loop3A_1122, %parallel_loop3A_1124 : vector<16xf32>
        %parallel_loop3A_1161 = tpu.pack_subelements %parallel_loop3A_1150, %parallel_loop3A_1150 {pack_format = #tpu.pack_format<interleaved>, positions = array<i32: 0, 1>} : vector<16xf32>, vector<16xf32> -> vector<32xbf16>
        %parallel_loop3A_1162 = tpu.pack_subelements %parallel_loop3A_1120, %parallel_loop3A_1120 {pack_format = #tpu.pack_format<interleaved>, positions = array<i32: 0, 1>} : vector<16xf32>, vector<16xf32> -> vector<32xbf16>
        %parallel_loop3A_1163 = tpu.pack_subelements %parallel_loop3A_1157, %parallel_loop3A_1157 {pack_format = #tpu.pack_format<interleaved>, positions = array<i32: 0, 1>} : vector<16xf32>, vector<16xf32> -> vector<32xbf16>
        %parallel_loop3A_1164 = tpu.pack_subelements %parallel_loop3A_1158, %parallel_loop3A_1158 {pack_format = #tpu.pack_format<interleaved>, positions = array<i32: 0, 1>} : vector<16xf32>, vector<16xf32> -> vector<32xbf16>
        %parallel_loop3A_1165 = tpu.pack_subelements %parallel_loop3A_1159, %parallel_loop3A_1159 {pack_format = #tpu.pack_format<interleaved>, positions = array<i32: 0, 1>} : vector<16xf32>, vector<16xf32> -> vector<32xbf16>
        %parallel_loop3A_1166 = tpu.pack_subelements %parallel_loop3A_1160, %parallel_loop3A_1160 {pack_format = #tpu.pack_format<interleaved>, positions = array<i32: 0, 1>} : vector<16xf32>, vector<16xf32> -> vector<32xbf16>
        %parallel_loop3A_1167 = arith.constant 0.000000e+00 : bf16
        %parallel_loop3A_1168 = vector.broadcast %parallel_loop3A_1167 : bf16 to vector<32xbf16>
        %parallel_loop3A_1169 = arith.xori %parallel_loop3A_1116, %parallel_loop3A_1138 : vector<16xi32>
        %parallel_loop3A_1170 = arith.xori %parallel_loop3A_1127, %parallel_loop3A_1138 : vector<16xi32>
        %parallel_loop3A_1171 = tpu.vector_load_idx %arg7[%parallel_loop3A_1169] : memref<65536xi32, #tpu.memory_space<vmem>>[vector<16xi32>], vector<16xi32>,
        %parallel_loop3A_1172 = vector.bitcast %parallel_loop3A_1171 : vector<16xi32> to vector<32xbf16>
        %parallel_loop3A_1173 = tpu.vector_load_idx %arg7[%parallel_loop3A_1170] : memref<65536xi32, #tpu.memory_space<vmem>>[vector<16xi32>], vector<16xi32>,
        %parallel_loop3A_1174 = vector.bitcast %parallel_loop3A_1173 : vector<16xi32> to vector<32xbf16>
        %parallel_loop3A_1175 = arith.mulf %parallel_loop3A_1161, %parallel_loop3A_1172 : vector<32xbf16>
        %parallel_loop3A_1176 = arith.mulf %parallel_loop3A_1162, %parallel_loop3A_1174 : vector<32xbf16>
        %parallel_loop3A_1177 = arith.addf %parallel_loop3A_1175, %parallel_loop3A_1176 : vector<32xbf16>
        %parallel_loop3A_1178 = arith.mulf %parallel_loop3A_1163, %parallel_loop3A_1177 : vector<32xbf16>
        %parallel_loop3A_1179 = arith.addf %parallel_loop3A_1168, %parallel_loop3A_1178 : vector<32xbf16>
        %parallel_loop3A_1180 = arith.xori %parallel_loop3A_1116, %parallel_loop3A_1141 : vector<16xi32>
        %parallel_loop3A_1181 = arith.xori %parallel_loop3A_1127, %parallel_loop3A_1141 : vector<16xi32>
        %parallel_loop3A_1182 = tpu.vector_load_idx %arg7[%parallel_loop3A_1180] : memref<65536xi32, #tpu.memory_space<vmem>>[vector<16xi32>], vector<16xi32>,
        %parallel_loop3A_1183 = vector.bitcast %parallel_loop3A_1182 : vector<16xi32> to vector<32xbf16>
        %parallel_loop3A_1184 = tpu.vector_load_idx %arg7[%parallel_loop3A_1181] : memref<65536xi32, #tpu.memory_space<vmem>>[vector<16xi32>], vector<16xi32>,
        %parallel_loop3A_1185 = vector.bitcast %parallel_loop3A_1184 : vector<16xi32> to vector<32xbf16>
        %parallel_loop3A_1186 = arith.mulf %parallel_loop3A_1161, %parallel_loop3A_1183 : vector<32xbf16>
        %parallel_loop3A_1187 = arith.mulf %parallel_loop3A_1162, %parallel_loop3A_1185 : vector<32xbf16>
        %parallel_loop3A_1188 = arith.addf %parallel_loop3A_1186, %parallel_loop3A_1187 : vector<32xbf16>
        %parallel_loop3A_1189 = arith.mulf %parallel_loop3A_1164, %parallel_loop3A_1188 : vector<32xbf16>
        %parallel_loop3A_1190 = arith.addf %parallel_loop3A_1179, %parallel_loop3A_1189 : vector<32xbf16>
        %parallel_loop3A_1191 = arith.xori %parallel_loop3A_1116, %parallel_loop3A_1144 : vector<16xi32>
        %parallel_loop3A_1192 = arith.xori %parallel_loop3A_1127, %parallel_loop3A_1144 : vector<16xi32>
        %parallel_loop3A_1193 = tpu.vector_load_idx %arg7[%parallel_loop3A_1191] : memref<65536xi32, #tpu.memory_space<vmem>>[vector<16xi32>], vector<16xi32>,
        %parallel_loop3A_1194 = vector.bitcast %parallel_loop3A_1193 : vector<16xi32> to vector<32xbf16>
        %parallel_loop3A_1195 = tpu.vector_load_idx %arg7[%parallel_loop3A_1192] : memref<65536xi32, #tpu.memory_space<vmem>>[vector<16xi32>], vector<16xi32>,
        %parallel_loop3A_1196 = vector.bitcast %parallel_loop3A_1195 : vector<16xi32> to vector<32xbf16>
        %parallel_loop3A_1197 = arith.mulf %parallel_loop3A_1161, %parallel_loop3A_1194 : vector<32xbf16>
        %parallel_loop3A_1198 = arith.mulf %parallel_loop3A_1162, %parallel_loop3A_1196 : vector<32xbf16>
        %parallel_loop3A_1199 = arith.addf %parallel_loop3A_1197, %parallel_loop3A_1198 : vector<32xbf16>
        %parallel_loop3A_1200 = arith.mulf %parallel_loop3A_1165, %parallel_loop3A_1199 : vector<32xbf16>
        %parallel_loop3A_1201 = arith.addf %parallel_loop3A_1190, %parallel_loop3A_1200 : vector<32xbf16>
        %parallel_loop3A_1202 = arith.xori %parallel_loop3A_1116, %parallel_loop3A_1147 : vector<16xi32>
        %parallel_loop3A_1203 = arith.xori %parallel_loop3A_1127, %parallel_loop3A_1147 : vector<16xi32>
        %parallel_loop3A_1204 = tpu.vector_load_idx %arg7[%parallel_loop3A_1202] : memref<65536xi32, #tpu.memory_space<vmem>>[vector<16xi32>], vector<16xi32>,
        %parallel_loop3A_1205 = vector.bitcast %parallel_loop3A_1204 : vector<16xi32> to vector<32xbf16>
        %parallel_loop3A_1206 = tpu.vector_load_idx %arg7[%parallel_loop3A_1203] : memref<65536xi32, #tpu.memory_space<vmem>>[vector<16xi32>], vector<16xi32>,
        %parallel_loop3A_1207 = vector.bitcast %parallel_loop3A_1206 : vector<16xi32> to vector<32xbf16>
        %parallel_loop3A_1208 = arith.mulf %parallel_loop3A_1161, %parallel_loop3A_1205 : vector<32xbf16>
        %parallel_loop3A_1209 = arith.mulf %parallel_loop3A_1162, %parallel_loop3A_1207 : vector<32xbf16>
        %parallel_loop3A_1210 = arith.addf %parallel_loop3A_1208, %parallel_loop3A_1209 : vector<32xbf16>
        %parallel_loop3A_1211 = arith.mulf %parallel_loop3A_1166, %parallel_loop3A_1210 : vector<32xbf16>
        %parallel_loop3A_1212 = arith.addf %parallel_loop3A_1201, %parallel_loop3A_1211 : vector<32xbf16>
        %parallel_loop3A_1213 = tpu.unpack_subelements %parallel_loop3A_1212, 0 {pack_format = #tpu.pack_format<interleaved>} : vector<32xbf16> -> vector<16xf32>
        %parallel_loop3A_1214 = tpu.unpack_subelements %parallel_loop3A_1212, 1 {pack_format = #tpu.pack_format<interleaved>} : vector<32xbf16> -> vector<16xf32>
        %parallel_loop3A_1215 = arith.index_cast %parallel_loop3A_252 : i32 to index
        %parallel_loop3A_1216 = arith.constant 112 : index
        %parallel_loop3A_1217 = tpu.vector_load %arg11[%parallel_loop3A_1215, %parallel_loop3A_1216] {strides = array<i32>} : memref<32x128xf32, #tpu.memory_space<vmem>>, vector<16xf32>,
        tpu.vector_store %arg11[%parallel_loop3A_1215, %parallel_loop3A_1216], %parallel_loop3A_1213 {strides = array<i32>} : memref<32x128xf32, #tpu.memory_space<vmem>>, vector<16xf32>,
        %parallel_loop3A_1218 = arith.index_cast %parallel_loop3A_252 : i32 to index
        %parallel_loop3A_1219 = arith.constant 112 : index
        %parallel_loop3A_1220 = tpu.vector_load %arg12[%parallel_loop3A_1218, %parallel_loop3A_1219] {strides = array<i32>} : memref<32x128xf32, #tpu.memory_space<vmem>>, vector<16xf32>,
        tpu.vector_store %arg12[%parallel_loop3A_1218, %parallel_loop3A_1219], %parallel_loop3A_1214 {strides = array<i32>} : memref<32x128xf32, #tpu.memory_space<vmem>>, vector<16xf32>,
      } {sc.loop_unroll_factor = 1 : i64, sc.parallel_access}
      %mul3A_137 = arith.constant 262144 : i32
      %mul3A_138 = arith.muli %add3A, %mul3A_137 : i32
      %mul3A_139 = arith.constant 4096 : i32
      %mul3A_140 = arith.muli %mul3A_106, %mul3A_139 : i32
      %add3A_141 = arith.addi %mul3A_138, %mul3A_140 : i32
      %jit3A_142 = arith.constant 128 : i32
      %div3A_143 = arith.divsi %add3A_141, %jit3A_142 : i32
      %sign3A_144 = arith.constant 0 : i32
      %sign3A_145 = arith.cmpi sgt, %add3A_141, %sign3A_144 : i32
      %sign3A_146 = arith.extui %sign3A_145 : i1 to i32
      %sign3A_147 = arith.constant 0 : i32
      %sign3A_148 = arith.cmpi slt, %add3A_141, %sign3A_147 : i32
      %sign3A_149 = arith.extui %sign3A_148 : i1 to i32
      %sign3A_150 = arith.subi %sign3A_146, %sign3A_149 : i32
      %sign3A_151 = arith.constant 0 : i32
      %sign3A_152 = arith.cmpi sgt, %jit3A_142, %sign3A_151 : i32
      %sign3A_153 = arith.extui %sign3A_152 : i1 to i32
      %sign3A_154 = arith.constant 0 : i32
      %sign3A_155 = arith.cmpi slt, %jit3A_142, %sign3A_154 : i32
      %sign3A_156 = arith.extui %sign3A_155 : i1 to i32
      %sign3A_157 = arith.subi %sign3A_153, %sign3A_156 : i32
      %ne3A_158 = arith.cmpi ne, %sign3A_150, %sign3A_157 : i32
      %rem3A_159 = arith.remsi %add3A_141, %jit3A_142 : i32
      %ne3A_160 = arith.constant 0 : i32
      %ne3A_161 = arith.cmpi ne, %rem3A_159, %ne3A_160 : i32
      %and3A_162 = arith.andi %ne3A_158, %ne3A_161 : i1
      %sub3A_163 = arith.constant 1 : i32
      %sub3A_164 = arith.subi %div3A_143, %sub3A_163 : i32
      %select_n3A_165 = arith.select %and3A_162, %sub3A_164, %div3A_143 : i32
      %dma_start3A_166 = arith.constant 0 : i32
      %dma_start3A_167 = tpu.memref_slice %arg6[%select_n3A_43, %select_n3A_165, %mul3A_47, %dma_start3A_166] : memref<2x8192x8x128xf32, #tpu.memory_space<hbm>> -> memref<1x32x1x128xf32, #tpu.memory_space<hbm>>
      %dma_start3A_168 = tpu.memref_squeeze %dma_start3A_167 : memref<1x32x1x128xf32, #tpu.memory_space<hbm>> -> memref<32x128xf32, #tpu.memory_space<hbm>>
      %dma_start3A_169 = arith.constant 0 : i32
      %dma_start3A_170 = tpu.memref_slice %arg6[%select_n3A_43, %select_n3A_165, %mul3A_47, %dma_start3A_169] : memref<2x8192x8x128xf32, #tpu.memory_space<hbm>> -> memref<1x32x1x128xf32, #tpu.memory_space<hbm>>
      %dma_start3A_171 = tpu.memref_squeeze %dma_start3A_170 : memref<1x32x1x128xf32, #tpu.memory_space<hbm>> -> memref<32x128xf32, #tpu.memory_space<hbm>>
      tpu.enqueue_dma source(%arg11 : memref<32x128xf32, #tpu.memory_space<vmem>>) target(%dma_start3A_171 : memref<32x128xf32, #tpu.memory_space<hbm>>) target_semaphore(%arg20 : memref<!tpu.dma_semaphore, #tpu.memory_space<semaphore_mem>>)
      %add3A_172 = arith.constant 1 : i32
      %add3A_173 = arith.addi %mul3A_47, %add3A_172 : i32
      %dma_start3A_174 = arith.constant 0 : i32
      %dma_start3A_175 = tpu.memref_slice %arg6[%select_n3A_43, %select_n3A_165, %add3A_173, %dma_start3A_174] : memref<2x8192x8x128xf32, #tpu.memory_space<hbm>> -> memref<1x32x1x128xf32, #tpu.memory_space<hbm>>
      %dma_start3A_176 = tpu.memref_squeeze %dma_start3A_175 : memref<1x32x1x128xf32, #tpu.memory_space<hbm>> -> memref<32x128xf32, #tpu.memory_space<hbm>>
      %dma_start3A_177 = arith.constant 0 : i32
      %dma_start3A_178 = tpu.memref_slice %arg6[%select_n3A_43, %select_n3A_165, %add3A_173, %dma_start3A_177] : memref<2x8192x8x128xf32, #tpu.memory_space<hbm>> -> memref<1x32x1x128xf32, #tpu.memory_space<hbm>>
      %dma_start3A_179 = tpu.memref_squeeze %dma_start3A_178 : memref<1x32x1x128xf32, #tpu.memory_space<hbm>> -> memref<32x128xf32, #tpu.memory_space<hbm>>
      tpu.enqueue_dma source(%arg12 : memref<32x128xf32, #tpu.memory_space<vmem>>) target(%dma_start3A_179 : memref<32x128xf32, #tpu.memory_space<hbm>>) target_semaphore(%arg20 : memref<!tpu.dma_semaphore, #tpu.memory_space<semaphore_mem>>)
      %lt3A = arith.constant 31 : i32
      %lt3A_180 = arith.cmpi slt, %scan3A_103, %lt3A : i32
      %convert_element_type3A_181 = arith.extui %lt3A_180 : i1 to i32
      %cond3A_182 = arith.constant 0 : i32
      %cond3A_183 = arith.cmpi ne, %convert_element_type3A_181, %cond3A_182 : i32
      scf.if %cond3A_183 {
        %add3A_252 = arith.constant 2 : i32
        %add3A_253 = arith.addi %mul3A_106, %add3A_252 : i32
        %mul3A_254 = arith.constant 262144 : i32
        %mul3A_255 = arith.muli %add3A, %mul3A_254 : i32
        %mul3A_256 = arith.constant 4096 : i32
        %mul3A_257 = arith.muli %add3A_253, %mul3A_256 : i32
        %add3A_258 = arith.addi %mul3A_255, %mul3A_257 : i32
        %dma_start3A_259 = tpu.memref_slice %arg2[%add3A_258] : memref<1048576xf32, #tpu.memory_space<hbm>> -> memref<4096xf32, #tpu.memory_space<hbm>>
        %dma_start3A_260 = tpu.memref_slice %arg2[%add3A_258] : memref<1048576xf32, #tpu.memory_space<hbm>> -> memref<4096xf32, #tpu.memory_space<hbm>>
        tpu.enqueue_dma source(%dma_start3A_260 : memref<4096xf32, #tpu.memory_space<hbm>>) target(%arg8 : memref<4096xf32, #tpu.memory_space<vmem>>) target_semaphore(%arg18 : memref<!tpu.dma_semaphore, #tpu.memory_space<semaphore_mem>>)
        %dma_start3A_261 = tpu.memref_slice %arg3[%add3A_258] : memref<1048576xf32, #tpu.memory_space<hbm>> -> memref<4096xf32, #tpu.memory_space<hbm>>
        %dma_start3A_262 = tpu.memref_slice %arg3[%add3A_258] : memref<1048576xf32, #tpu.memory_space<hbm>> -> memref<4096xf32, #tpu.memory_space<hbm>>
        tpu.enqueue_dma source(%dma_start3A_262 : memref<4096xf32, #tpu.memory_space<hbm>>) target(%arg9 : memref<4096xf32, #tpu.memory_space<vmem>>) target_semaphore(%arg18 : memref<!tpu.dma_semaphore, #tpu.memory_space<semaphore_mem>>)
        %dma_start3A_263 = tpu.memref_slice %arg4[%add3A_258] : memref<1048576xf32, #tpu.memory_space<hbm>> -> memref<4096xf32, #tpu.memory_space<hbm>>
        %dma_start3A_264 = tpu.memref_slice %arg4[%add3A_258] : memref<1048576xf32, #tpu.memory_space<hbm>> -> memref<4096xf32, #tpu.memory_space<hbm>>
        tpu.enqueue_dma source(%dma_start3A_264 : memref<4096xf32, #tpu.memory_space<hbm>>) target(%arg10 : memref<4096xf32, #tpu.memory_space<vmem>>) target_semaphore(%arg18 : memref<!tpu.dma_semaphore, #tpu.memory_space<semaphore_mem>>)
      } else {
      }
      %dma_wait3A_184 = arith.constant 0 : i32
      %dma_wait3A_185 = tpu.memref_slice %arg2[%dma_wait3A_184] : memref<1048576xf32, #tpu.memory_space<hbm>> -> memref<4096xf32, #tpu.memory_space<hbm>>
      %dma_wait3A_186 = arith.constant 0 : i32
      %dma_wait3A_187 = tpu.memref_slice %arg2[%dma_wait3A_186] : memref<1048576xf32, #tpu.memory_space<hbm>> -> memref<4096xf32, #tpu.memory_space<hbm>>
      tpu.wait_dma2 semaphore(%arg19 : memref<!tpu.dma_semaphore, #tpu.memory_space<semaphore_mem>>) src(%dma_wait3A_187 : memref<4096xf32, #tpu.memory_space<hbm>>) dst(%arg13 : memref<4096xf32, #tpu.memory_space<vmem>>)
      %dma_wait3A_188 = arith.constant 0 : i32
      %dma_wait3A_189 = tpu.memref_slice %arg3[%dma_wait3A_188] : memref<1048576xf32, #tpu.memory_space<hbm>> -> memref<4096xf32, #tpu.memory_space<hbm>>
      %dma_wait3A_190 = arith.constant 0 : i32
      %dma_wait3A_191 = tpu.memref_slice %arg3[%dma_wait3A_190] : memref<1048576xf32, #tpu.memory_space<hbm>> -> memref<4096xf32, #tpu.memory_space<hbm>>
      tpu.wait_dma2 semaphore(%arg19 : memref<!tpu.dma_semaphore, #tpu.memory_space<semaphore_mem>>) src(%dma_wait3A_191 : memref<4096xf32, #tpu.memory_space<hbm>>) dst(%arg14 : memref<4096xf32, #tpu.memory_space<vmem>>)
      %dma_wait3A_192 = arith.constant 0 : i32
      %dma_wait3A_193 = tpu.memref_slice %arg4[%dma_wait3A_192] : memref<1048576xf32, #tpu.memory_space<hbm>> -> memref<4096xf32, #tpu.memory_space<hbm>>
      %dma_wait3A_194 = arith.constant 0 : i32
      %dma_wait3A_195 = tpu.memref_slice %arg4[%dma_wait3A_194] : memref<1048576xf32, #tpu.memory_space<hbm>> -> memref<4096xf32, #tpu.memory_space<hbm>>
      tpu.wait_dma2 semaphore(%arg19 : memref<!tpu.dma_semaphore, #tpu.memory_space<semaphore_mem>>) src(%dma_wait3A_195 : memref<4096xf32, #tpu.memory_space<hbm>>) dst(%arg15 : memref<4096xf32, #tpu.memory_space<vmem>>)
      %gt3A_196 = arith.constant 0 : i32
      %gt3A_197 = arith.cmpi sgt, %scan3A_103, %gt3A_196 : i32
      %convert_element_type3A_198 = arith.extui %gt3A_197 : i1 to i32
      %cond3A_199 = arith.constant 0 : i32
      %cond3A_200 = arith.cmpi ne, %convert_element_type3A_198, %cond3A_199 : i32
      scf.if %cond3A_200 {
        %dma_wait3A_252 = arith.constant 0 : i32
        %dma_wait3A_253 = arith.constant 0 : i32
        %dma_wait3A_254 = tpu.memref_slice %arg6[%select_n3A_43, %dma_wait3A_252, %mul3A_47, %dma_wait3A_253] : memref<2x8192x8x128xf32, #tpu.memory_space<hbm>> -> memref<1x32x1x128xf32, #tpu.memory_space<hbm>>
        %dma_wait3A_255 = tpu.memref_squeeze %dma_wait3A_254 : memref<1x32x1x128xf32, #tpu.memory_space<hbm>> -> memref<32x128xf32, #tpu.memory_space<hbm>>
        %dma_wait3A_256 = arith.constant 0 : i32
        %dma_wait3A_257 = arith.constant 0 : i32
        %dma_wait3A_258 = tpu.memref_slice %arg6[%select_n3A_43, %dma_wait3A_256, %mul3A_47, %dma_wait3A_257] : memref<2x8192x8x128xf32, #tpu.memory_space<hbm>> -> memref<1x32x1x128xf32, #tpu.memory_space<hbm>>
        %dma_wait3A_259 = tpu.memref_squeeze %dma_wait3A_258 : memref<1x32x1x128xf32, #tpu.memory_space<hbm>> -> memref<32x128xf32, #tpu.memory_space<hbm>>
        tpu.wait_dma2 semaphore(%arg21 : memref<!tpu.dma_semaphore, #tpu.memory_space<semaphore_mem>>) src(%arg16 : memref<32x128xf32, #tpu.memory_space<vmem>>) dst(%dma_wait3A_259 : memref<32x128xf32, #tpu.memory_space<hbm>>)
        %add3A_260 = arith.constant 1 : i32
        %add3A_261 = arith.addi %mul3A_47, %add3A_260 : i32
        %dma_wait3A_262 = arith.constant 0 : i32
        %dma_wait3A_263 = arith.constant 0 : i32
        %dma_wait3A_264 = tpu.memref_slice %arg6[%select_n3A_43, %dma_wait3A_262, %add3A_261, %dma_wait3A_263] : memref<2x8192x8x128xf32, #tpu.memory_space<hbm>> -> memref<1x32x1x128xf32, #tpu.memory_space<hbm>>
        %dma_wait3A_265 = tpu.memref_squeeze %dma_wait3A_264 : memref<1x32x1x128xf32, #tpu.memory_space<hbm>> -> memref<32x128xf32, #tpu.memory_space<hbm>>
        %dma_wait3A_266 = arith.constant 0 : i32
        %dma_wait3A_267 = arith.constant 0 : i32
        %dma_wait3A_268 = tpu.memref_slice %arg6[%select_n3A_43, %dma_wait3A_266, %add3A_261, %dma_wait3A_267] : memref<2x8192x8x128xf32, #tpu.memory_space<hbm>> -> memref<1x32x1x128xf32, #tpu.memory_space<hbm>>
        %dma_wait3A_269 = tpu.memref_squeeze %dma_wait3A_268 : memref<1x32x1x128xf32, #tpu.memory_space<hbm>> -> memref<32x128xf32, #tpu.memory_space<hbm>>
        tpu.wait_dma2 semaphore(%arg21 : memref<!tpu.dma_semaphore, #tpu.memory_space<semaphore_mem>>) src(%arg17 : memref<32x128xf32, #tpu.memory_space<vmem>>) dst(%dma_wait3A_269 : memref<32x128xf32, #tpu.memory_space<hbm>>)
      } else {
      }
      %add3A_201 = arith.constant 1 : i32
      %add3A_202 = arith.addi %mul3A_106, %add3A_201 : i32
      %parallel_loop3A_203 = arith.constant 0 : i32
      %parallel_loop3A_204 = arith.constant 32 : i32
      %parallel_loop3A_205 = arith.constant 1 : i32
      scf.for %parallel_loop3A_252 = %parallel_loop3A_203 to %parallel_loop3A_204 step %parallel_loop3A_205  : i32 {
        %parallel_loop3A_253 = arith.constant 128 : i32
        %parallel_loop3A_254 = arith.muli %parallel_loop3A_252, %parallel_loop3A_253 : i32
        %parallel_loop3A_255 = arith.constant 0 : i32
        %parallel_loop3A_256 = arith.addi %parallel_loop3A_254, %parallel_loop3A_255 : i32
        %parallel_loop3A_257 = arith.index_cast %parallel_loop3A_256 : i32 to index
        %parallel_loop3A_258 = tpu.vector_load %arg13[%parallel_loop3A_257] {strides = array<i32>} : memref<4096xf32, #tpu.memory_space<vmem>>, vector<16xf32>,
        %parallel_loop3A_259 = arith.index_cast %parallel_loop3A_256 : i32 to index
        %parallel_loop3A_260 = tpu.vector_load %arg14[%parallel_loop3A_259] {strides = array<i32>} : memref<4096xf32, #tpu.memory_space<vmem>>, vector<16xf32>,
        %parallel_loop3A_261 = arith.index_cast %parallel_loop3A_256 : i32 to index
        %parallel_loop3A_262 = tpu.vector_load %arg15[%parallel_loop3A_261] {strides = array<i32>} : memref<4096xf32, #tpu.memory_space<vmem>>, vector<16xf32>,
        %parallel_loop3A_263 = vector.broadcast %convert_element_type3A : f32 to vector<16xf32>
        %parallel_loop3A_264 = arith.mulf %parallel_loop3A_258, %parallel_loop3A_263 : vector<16xf32>
        %parallel_loop3A_265 = vector.broadcast %convert_element_type3A : f32 to vector<16xf32>
        %parallel_loop3A_266 = arith.mulf %parallel_loop3A_260, %parallel_loop3A_265 : vector<16xf32>
        %parallel_loop3A_267 = vector.broadcast %convert_element_type3A : f32 to vector<16xf32>
        %parallel_loop3A_268 = arith.mulf %parallel_loop3A_262, %parallel_loop3A_267 : vector<16xf32>
        %parallel_loop3A_269 = arith.fptosi %parallel_loop3A_264 : vector<16xf32> to vector<16xi32>
        %parallel_loop3A_270 = arith.fptosi %parallel_loop3A_266 : vector<16xf32> to vector<16xi32>
        %parallel_loop3A_271 = arith.fptosi %parallel_loop3A_268 : vector<16xf32> to vector<16xi32>
        %parallel_loop3A_272 = arith.sitofp %parallel_loop3A_269 : vector<16xi32> to vector<16xf32>
        %parallel_loop3A_273 = arith.subf %parallel_loop3A_264, %parallel_loop3A_272 : vector<16xf32>
        %parallel_loop3A_274 = arith.sitofp %parallel_loop3A_270 : vector<16xi32> to vector<16xf32>
        %parallel_loop3A_275 = arith.subf %parallel_loop3A_266, %parallel_loop3A_274 : vector<16xf32>
        %parallel_loop3A_276 = arith.sitofp %parallel_loop3A_271 : vector<16xi32> to vector<16xf32>
        %parallel_loop3A_277 = arith.subf %parallel_loop3A_268, %parallel_loop3A_276 : vector<16xf32>
        %parallel_loop3A_278 = arith.constant 1 : i32
        %parallel_loop3A_279 = vector.broadcast %parallel_loop3A_278 : i32 to vector<16xi32>
        %parallel_loop3A_280 = arith.addi %parallel_loop3A_269, %parallel_loop3A_279 : vector<16xi32>
        %parallel_loop3A_281 = vector.broadcast %scan3A : i32 to vector<16xi32>
        %parallel_loop3A_282 = arith.muli %parallel_loop3A_270, %parallel_loop3A_281 : vector<16xi32>
        %parallel_loop3A_283 = vector.broadcast %scan3A : i32 to vector<16xi32>
        %parallel_loop3A_284 = arith.addi %parallel_loop3A_282, %parallel_loop3A_283 : vector<16xi32>
        %parallel_loop3A_285 = vector.broadcast %scan3A_59 : i32 to vector<16xi32>
        %parallel_loop3A_286 = arith.muli %parallel_loop3A_271, %parallel_loop3A_285 : vector<16xi32>
        %parallel_loop3A_287 = vector.broadcast %scan3A_59 : i32 to vector<16xi32>
        %parallel_loop3A_288 = arith.addi %parallel_loop3A_286, %parallel_loop3A_287 : vector<16xi32>
        %parallel_loop3A_289 = arith.xori %parallel_loop3A_282, %parallel_loop3A_286 : vector<16xi32>
        %parallel_loop3A_290 = vector.broadcast %scan3A_60 : i32 to vector<16xi32>
        %parallel_loop3A_291 = arith.andi %parallel_loop3A_289, %parallel_loop3A_290 : vector<16xi32>
        %parallel_loop3A_292 = arith.xori %parallel_loop3A_282, %parallel_loop3A_288 : vector<16xi32>
        %parallel_loop3A_293 = vector.broadcast %scan3A_60 : i32 to vector<16xi32>
        %parallel_loop3A_294 = arith.andi %parallel_loop3A_292, %parallel_loop3A_293 : vector<16xi32>
        %parallel_loop3A_295 = arith.xori %parallel_loop3A_284, %parallel_loop3A_286 : vector<16xi32>
        %parallel_loop3A_296 = vector.broadcast %scan3A_60 : i32 to vector<16xi32>
        %parallel_loop3A_297 = arith.andi %parallel_loop3A_295, %parallel_loop3A_296 : vector<16xi32>
        %parallel_loop3A_298 = arith.xori %parallel_loop3A_284, %parallel_loop3A_288 : vector<16xi32>
        %parallel_loop3A_299 = vector.broadcast %scan3A_60 : i32 to vector<16xi32>
        %parallel_loop3A_300 = arith.andi %parallel_loop3A_298, %parallel_loop3A_299 : vector<16xi32>
        %parallel_loop3A_301 = arith.constant 1.000000e+00 : f32
        %parallel_loop3A_302 = vector.broadcast %parallel_loop3A_301 : f32 to vector<16xf32>
        %parallel_loop3A_303 = arith.subf %parallel_loop3A_302, %parallel_loop3A_273 : vector<16xf32>
        %parallel_loop3A_304 = arith.constant 1.000000e+00 : f32
        %parallel_loop3A_305 = vector.broadcast %parallel_loop3A_304 : f32 to vector<16xf32>
        %parallel_loop3A_306 = arith.subf %parallel_loop3A_305, %parallel_loop3A_275 : vector<16xf32>
        %parallel_loop3A_307 = arith.constant 1.000000e+00 : f32
        %parallel_loop3A_308 = vector.broadcast %parallel_loop3A_307 : f32 to vector<16xf32>
        %parallel_loop3A_309 = arith.subf %parallel_loop3A_308, %parallel_loop3A_277 : vector<16xf32>
        %parallel_loop3A_310 = arith.mulf %parallel_loop3A_306, %parallel_loop3A_309 : vector<16xf32>
        %parallel_loop3A_311 = arith.mulf %parallel_loop3A_306, %parallel_loop3A_277 : vector<16xf32>
        %parallel_loop3A_312 = arith.mulf %parallel_loop3A_275, %parallel_loop3A_309 : vector<16xf32>
        %parallel_loop3A_313 = arith.mulf %parallel_loop3A_275, %parallel_loop3A_277 : vector<16xf32>
        %parallel_loop3A_314 = tpu.pack_subelements %parallel_loop3A_303, %parallel_loop3A_303 {pack_format = #tpu.pack_format<interleaved>, positions = array<i32: 0, 1>} : vector<16xf32>, vector<16xf32> -> vector<32xbf16>
        %parallel_loop3A_315 = tpu.pack_subelements %parallel_loop3A_273, %parallel_loop3A_273 {pack_format = #tpu.pack_format<interleaved>, positions = array<i32: 0, 1>} : vector<16xf32>, vector<16xf32> -> vector<32xbf16>
        %parallel_loop3A_316 = tpu.pack_subelements %parallel_loop3A_310, %parallel_loop3A_310 {pack_format = #tpu.pack_format<interleaved>, positions = array<i32: 0, 1>} : vector<16xf32>, vector<16xf32> -> vector<32xbf16>
        %parallel_loop3A_317 = tpu.pack_subelements %parallel_loop3A_311, %parallel_loop3A_311 {pack_format = #tpu.pack_format<interleaved>, positions = array<i32: 0, 1>} : vector<16xf32>, vector<16xf32> -> vector<32xbf16>
        %parallel_loop3A_318 = tpu.pack_subelements %parallel_loop3A_312, %parallel_loop3A_312 {pack_format = #tpu.pack_format<interleaved>, positions = array<i32: 0, 1>} : vector<16xf32>, vector<16xf32> -> vector<32xbf16>
        %parallel_loop3A_319 = tpu.pack_subelements %parallel_loop3A_313, %parallel_loop3A_313 {pack_format = #tpu.pack_format<interleaved>, positions = array<i32: 0, 1>} : vector<16xf32>, vector<16xf32> -> vector<32xbf16>
        %parallel_loop3A_320 = arith.constant 0.000000e+00 : bf16
        %parallel_loop3A_321 = vector.broadcast %parallel_loop3A_320 : bf16 to vector<32xbf16>
        %parallel_loop3A_322 = arith.xori %parallel_loop3A_269, %parallel_loop3A_291 : vector<16xi32>
        %parallel_loop3A_323 = arith.xori %parallel_loop3A_280, %parallel_loop3A_291 : vector<16xi32>
        %parallel_loop3A_324 = tpu.vector_load_idx %arg7[%parallel_loop3A_322] : memref<65536xi32, #tpu.memory_space<vmem>>[vector<16xi32>], vector<16xi32>,
        %parallel_loop3A_325 = vector.bitcast %parallel_loop3A_324 : vector<16xi32> to vector<32xbf16>
        %parallel_loop3A_326 = tpu.vector_load_idx %arg7[%parallel_loop3A_323] : memref<65536xi32, #tpu.memory_space<vmem>>[vector<16xi32>], vector<16xi32>,
        %parallel_loop3A_327 = vector.bitcast %parallel_loop3A_326 : vector<16xi32> to vector<32xbf16>
        %parallel_loop3A_328 = arith.mulf %parallel_loop3A_314, %parallel_loop3A_325 : vector<32xbf16>
        %parallel_loop3A_329 = arith.mulf %parallel_loop3A_315, %parallel_loop3A_327 : vector<32xbf16>
        %parallel_loop3A_330 = arith.addf %parallel_loop3A_328, %parallel_loop3A_329 : vector<32xbf16>
        %parallel_loop3A_331 = arith.mulf %parallel_loop3A_316, %parallel_loop3A_330 : vector<32xbf16>
        %parallel_loop3A_332 = arith.addf %parallel_loop3A_321, %parallel_loop3A_331 : vector<32xbf16>
        %parallel_loop3A_333 = arith.xori %parallel_loop3A_269, %parallel_loop3A_294 : vector<16xi32>
        %parallel_loop3A_334 = arith.xori %parallel_loop3A_280, %parallel_loop3A_294 : vector<16xi32>
        %parallel_loop3A_335 = tpu.vector_load_idx %arg7[%parallel_loop3A_333] : memref<65536xi32, #tpu.memory_space<vmem>>[vector<16xi32>], vector<16xi32>,
        %parallel_loop3A_336 = vector.bitcast %parallel_loop3A_335 : vector<16xi32> to vector<32xbf16>
        %parallel_loop3A_337 = tpu.vector_load_idx %arg7[%parallel_loop3A_334] : memref<65536xi32, #tpu.memory_space<vmem>>[vector<16xi32>], vector<16xi32>,
        %parallel_loop3A_338 = vector.bitcast %parallel_loop3A_337 : vector<16xi32> to vector<32xbf16>
        %parallel_loop3A_339 = arith.mulf %parallel_loop3A_314, %parallel_loop3A_336 : vector<32xbf16>
        %parallel_loop3A_340 = arith.mulf %parallel_loop3A_315, %parallel_loop3A_338 : vector<32xbf16>
        %parallel_loop3A_341 = arith.addf %parallel_loop3A_339, %parallel_loop3A_340 : vector<32xbf16>
        %parallel_loop3A_342 = arith.mulf %parallel_loop3A_317, %parallel_loop3A_341 : vector<32xbf16>
        %parallel_loop3A_343 = arith.addf %parallel_loop3A_332, %parallel_loop3A_342 : vector<32xbf16>
        %parallel_loop3A_344 = arith.xori %parallel_loop3A_269, %parallel_loop3A_297 : vector<16xi32>
        %parallel_loop3A_345 = arith.xori %parallel_loop3A_280, %parallel_loop3A_297 : vector<16xi32>
        %parallel_loop3A_346 = tpu.vector_load_idx %arg7[%parallel_loop3A_344] : memref<65536xi32, #tpu.memory_space<vmem>>[vector<16xi32>], vector<16xi32>,
        %parallel_loop3A_347 = vector.bitcast %parallel_loop3A_346 : vector<16xi32> to vector<32xbf16>
        %parallel_loop3A_348 = tpu.vector_load_idx %arg7[%parallel_loop3A_345] : memref<65536xi32, #tpu.memory_space<vmem>>[vector<16xi32>], vector<16xi32>,
        %parallel_loop3A_349 = vector.bitcast %parallel_loop3A_348 : vector<16xi32> to vector<32xbf16>
        %parallel_loop3A_350 = arith.mulf %parallel_loop3A_314, %parallel_loop3A_347 : vector<32xbf16>
        %parallel_loop3A_351 = arith.mulf %parallel_loop3A_315, %parallel_loop3A_349 : vector<32xbf16>
        %parallel_loop3A_352 = arith.addf %parallel_loop3A_350, %parallel_loop3A_351 : vector<32xbf16>
        %parallel_loop3A_353 = arith.mulf %parallel_loop3A_318, %parallel_loop3A_352 : vector<32xbf16>
        %parallel_loop3A_354 = arith.addf %parallel_loop3A_343, %parallel_loop3A_353 : vector<32xbf16>
        %parallel_loop3A_355 = arith.xori %parallel_loop3A_269, %parallel_loop3A_300 : vector<16xi32>
        %parallel_loop3A_356 = arith.xori %parallel_loop3A_280, %parallel_loop3A_300 : vector<16xi32>
        %parallel_loop3A_357 = tpu.vector_load_idx %arg7[%parallel_loop3A_355] : memref<65536xi32, #tpu.memory_space<vmem>>[vector<16xi32>], vector<16xi32>,
        %parallel_loop3A_358 = vector.bitcast %parallel_loop3A_357 : vector<16xi32> to vector<32xbf16>
        %parallel_loop3A_359 = tpu.vector_load_idx %arg7[%parallel_loop3A_356] : memref<65536xi32, #tpu.memory_space<vmem>>[vector<16xi32>], vector<16xi32>,
        %parallel_loop3A_360 = vector.bitcast %parallel_loop3A_359 : vector<16xi32> to vector<32xbf16>
        %parallel_loop3A_361 = arith.mulf %parallel_loop3A_314, %parallel_loop3A_358 : vector<32xbf16>
        %parallel_loop3A_362 = arith.mulf %parallel_loop3A_315, %parallel_loop3A_360 : vector<32xbf16>
        %parallel_loop3A_363 = arith.addf %parallel_loop3A_361, %parallel_loop3A_362 : vector<32xbf16>
        %parallel_loop3A_364 = arith.mulf %parallel_loop3A_319, %parallel_loop3A_363 : vector<32xbf16>
        %parallel_loop3A_365 = arith.addf %parallel_loop3A_354, %parallel_loop3A_364 : vector<32xbf16>
        %parallel_loop3A_366 = tpu.unpack_subelements %parallel_loop3A_365, 0 {pack_format = #tpu.pack_format<interleaved>} : vector<32xbf16> -> vector<16xf32>
        %parallel_loop3A_367 = tpu.unpack_subelements %parallel_loop3A_365, 1 {pack_format = #tpu.pack_format<interleaved>} : vector<32xbf16> -> vector<16xf32>
        %parallel_loop3A_368 = arith.index_cast %parallel_loop3A_252 : i32 to index
        %parallel_loop3A_369 = arith.constant 0 : index
        %parallel_loop3A_370 = tpu.vector_load %arg16[%parallel_loop3A_368, %parallel_loop3A_369] {strides = array<i32>} : memref<32x128xf32, #tpu.memory_space<vmem>>, vector<16xf32>,
        tpu.vector_store %arg16[%parallel_loop3A_368, %parallel_loop3A_369], %parallel_loop3A_366 {strides = array<i32>} : memref<32x128xf32, #tpu.memory_space<vmem>>, vector<16xf32>,
        %parallel_loop3A_371 = arith.index_cast %parallel_loop3A_252 : i32 to index
        %parallel_loop3A_372 = arith.constant 0 : index
        %parallel_loop3A_373 = tpu.vector_load %arg17[%parallel_loop3A_371, %parallel_loop3A_372] {strides = array<i32>} : memref<32x128xf32, #tpu.memory_space<vmem>>, vector<16xf32>,
        tpu.vector_store %arg17[%parallel_loop3A_371, %parallel_loop3A_372], %parallel_loop3A_367 {strides = array<i32>} : memref<32x128xf32, #tpu.memory_space<vmem>>, vector<16xf32>,
        %parallel_loop3A_374 = arith.constant 128 : i32
        %parallel_loop3A_375 = arith.muli %parallel_loop3A_252, %parallel_loop3A_374 : i32
        %parallel_loop3A_376 = arith.constant 16 : i32
        %parallel_loop3A_377 = arith.addi %parallel_loop3A_375, %parallel_loop3A_376 : i32
        %parallel_loop3A_378 = arith.index_cast %parallel_loop3A_377 : i32 to index
        %parallel_loop3A_379 = tpu.vector_load %arg13[%parallel_loop3A_378] {strides = array<i32>} : memref<4096xf32, #tpu.memory_space<vmem>>, vector<16xf32>,
        %parallel_loop3A_380 = arith.index_cast %parallel_loop3A_377 : i32 to index
        %parallel_loop3A_381 = tpu.vector_load %arg14[%parallel_loop3A_380] {strides = array<i32>} : memref<4096xf32, #tpu.memory_space<vmem>>, vector<16xf32>,
        %parallel_loop3A_382 = arith.index_cast %parallel_loop3A_377 : i32 to index
        %parallel_loop3A_383 = tpu.vector_load %arg15[%parallel_loop3A_382] {strides = array<i32>} : memref<4096xf32, #tpu.memory_space<vmem>>, vector<16xf32>,
        %parallel_loop3A_384 = vector.broadcast %convert_element_type3A : f32 to vector<16xf32>
        %parallel_loop3A_385 = arith.mulf %parallel_loop3A_379, %parallel_loop3A_384 : vector<16xf32>
        %parallel_loop3A_386 = vector.broadcast %convert_element_type3A : f32 to vector<16xf32>
        %parallel_loop3A_387 = arith.mulf %parallel_loop3A_381, %parallel_loop3A_386 : vector<16xf32>
        %parallel_loop3A_388 = vector.broadcast %convert_element_type3A : f32 to vector<16xf32>
        %parallel_loop3A_389 = arith.mulf %parallel_loop3A_383, %parallel_loop3A_388 : vector<16xf32>
        %parallel_loop3A_390 = arith.fptosi %parallel_loop3A_385 : vector<16xf32> to vector<16xi32>
        %parallel_loop3A_391 = arith.fptosi %parallel_loop3A_387 : vector<16xf32> to vector<16xi32>
        %parallel_loop3A_392 = arith.fptosi %parallel_loop3A_389 : vector<16xf32> to vector<16xi32>
        %parallel_loop3A_393 = arith.sitofp %parallel_loop3A_390 : vector<16xi32> to vector<16xf32>
        %parallel_loop3A_394 = arith.subf %parallel_loop3A_385, %parallel_loop3A_393 : vector<16xf32>
        %parallel_loop3A_395 = arith.sitofp %parallel_loop3A_391 : vector<16xi32> to vector<16xf32>
        %parallel_loop3A_396 = arith.subf %parallel_loop3A_387, %parallel_loop3A_395 : vector<16xf32>
        %parallel_loop3A_397 = arith.sitofp %parallel_loop3A_392 : vector<16xi32> to vector<16xf32>
        %parallel_loop3A_398 = arith.subf %parallel_loop3A_389, %parallel_loop3A_397 : vector<16xf32>
        %parallel_loop3A_399 = arith.constant 1 : i32
        %parallel_loop3A_400 = vector.broadcast %parallel_loop3A_399 : i32 to vector<16xi32>
        %parallel_loop3A_401 = arith.addi %parallel_loop3A_390, %parallel_loop3A_400 : vector<16xi32>
        %parallel_loop3A_402 = vector.broadcast %scan3A : i32 to vector<16xi32>
        %parallel_loop3A_403 = arith.muli %parallel_loop3A_391, %parallel_loop3A_402 : vector<16xi32>
        %parallel_loop3A_404 = vector.broadcast %scan3A : i32 to vector<16xi32>
        %parallel_loop3A_405 = arith.addi %parallel_loop3A_403, %parallel_loop3A_404 : vector<16xi32>
        %parallel_loop3A_406 = vector.broadcast %scan3A_59 : i32 to vector<16xi32>
        %parallel_loop3A_407 = arith.muli %parallel_loop3A_392, %parallel_loop3A_406 : vector<16xi32>
        %parallel_loop3A_408 = vector.broadcast %scan3A_59 : i32 to vector<16xi32>
        %parallel_loop3A_409 = arith.addi %parallel_loop3A_407, %parallel_loop3A_408 : vector<16xi32>
        %parallel_loop3A_410 = arith.xori %parallel_loop3A_403, %parallel_loop3A_407 : vector<16xi32>
        %parallel_loop3A_411 = vector.broadcast %scan3A_60 : i32 to vector<16xi32>
        %parallel_loop3A_412 = arith.andi %parallel_loop3A_410, %parallel_loop3A_411 : vector<16xi32>
        %parallel_loop3A_413 = arith.xori %parallel_loop3A_403, %parallel_loop3A_409 : vector<16xi32>
        %parallel_loop3A_414 = vector.broadcast %scan3A_60 : i32 to vector<16xi32>
        %parallel_loop3A_415 = arith.andi %parallel_loop3A_413, %parallel_loop3A_414 : vector<16xi32>
        %parallel_loop3A_416 = arith.xori %parallel_loop3A_405, %parallel_loop3A_407 : vector<16xi32>
        %parallel_loop3A_417 = vector.broadcast %scan3A_60 : i32 to vector<16xi32>
        %parallel_loop3A_418 = arith.andi %parallel_loop3A_416, %parallel_loop3A_417 : vector<16xi32>
        %parallel_loop3A_419 = arith.xori %parallel_loop3A_405, %parallel_loop3A_409 : vector<16xi32>
        %parallel_loop3A_420 = vector.broadcast %scan3A_60 : i32 to vector<16xi32>
        %parallel_loop3A_421 = arith.andi %parallel_loop3A_419, %parallel_loop3A_420 : vector<16xi32>
        %parallel_loop3A_422 = arith.constant 1.000000e+00 : f32
        %parallel_loop3A_423 = vector.broadcast %parallel_loop3A_422 : f32 to vector<16xf32>
        %parallel_loop3A_424 = arith.subf %parallel_loop3A_423, %parallel_loop3A_394 : vector<16xf32>
        %parallel_loop3A_425 = arith.constant 1.000000e+00 : f32
        %parallel_loop3A_426 = vector.broadcast %parallel_loop3A_425 : f32 to vector<16xf32>
        %parallel_loop3A_427 = arith.subf %parallel_loop3A_426, %parallel_loop3A_396 : vector<16xf32>
        %parallel_loop3A_428 = arith.constant 1.000000e+00 : f32
        %parallel_loop3A_429 = vector.broadcast %parallel_loop3A_428 : f32 to vector<16xf32>
        %parallel_loop3A_430 = arith.subf %parallel_loop3A_429, %parallel_loop3A_398 : vector<16xf32>
        %parallel_loop3A_431 = arith.mulf %parallel_loop3A_427, %parallel_loop3A_430 : vector<16xf32>
        %parallel_loop3A_432 = arith.mulf %parallel_loop3A_427, %parallel_loop3A_398 : vector<16xf32>
        %parallel_loop3A_433 = arith.mulf %parallel_loop3A_396, %parallel_loop3A_430 : vector<16xf32>
        %parallel_loop3A_434 = arith.mulf %parallel_loop3A_396, %parallel_loop3A_398 : vector<16xf32>
        %parallel_loop3A_435 = tpu.pack_subelements %parallel_loop3A_424, %parallel_loop3A_424 {pack_format = #tpu.pack_format<interleaved>, positions = array<i32: 0, 1>} : vector<16xf32>, vector<16xf32> -> vector<32xbf16>
        %parallel_loop3A_436 = tpu.pack_subelements %parallel_loop3A_394, %parallel_loop3A_394 {pack_format = #tpu.pack_format<interleaved>, positions = array<i32: 0, 1>} : vector<16xf32>, vector<16xf32> -> vector<32xbf16>
        %parallel_loop3A_437 = tpu.pack_subelements %parallel_loop3A_431, %parallel_loop3A_431 {pack_format = #tpu.pack_format<interleaved>, positions = array<i32: 0, 1>} : vector<16xf32>, vector<16xf32> -> vector<32xbf16>
        %parallel_loop3A_438 = tpu.pack_subelements %parallel_loop3A_432, %parallel_loop3A_432 {pack_format = #tpu.pack_format<interleaved>, positions = array<i32: 0, 1>} : vector<16xf32>, vector<16xf32> -> vector<32xbf16>
        %parallel_loop3A_439 = tpu.pack_subelements %parallel_loop3A_433, %parallel_loop3A_433 {pack_format = #tpu.pack_format<interleaved>, positions = array<i32: 0, 1>} : vector<16xf32>, vector<16xf32> -> vector<32xbf16>
        %parallel_loop3A_440 = tpu.pack_subelements %parallel_loop3A_434, %parallel_loop3A_434 {pack_format = #tpu.pack_format<interleaved>, positions = array<i32: 0, 1>} : vector<16xf32>, vector<16xf32> -> vector<32xbf16>
        %parallel_loop3A_441 = arith.constant 0.000000e+00 : bf16
        %parallel_loop3A_442 = vector.broadcast %parallel_loop3A_441 : bf16 to vector<32xbf16>
        %parallel_loop3A_443 = arith.xori %parallel_loop3A_390, %parallel_loop3A_412 : vector<16xi32>
        %parallel_loop3A_444 = arith.xori %parallel_loop3A_401, %parallel_loop3A_412 : vector<16xi32>
        %parallel_loop3A_445 = tpu.vector_load_idx %arg7[%parallel_loop3A_443] : memref<65536xi32, #tpu.memory_space<vmem>>[vector<16xi32>], vector<16xi32>,
        %parallel_loop3A_446 = vector.bitcast %parallel_loop3A_445 : vector<16xi32> to vector<32xbf16>
        %parallel_loop3A_447 = tpu.vector_load_idx %arg7[%parallel_loop3A_444] : memref<65536xi32, #tpu.memory_space<vmem>>[vector<16xi32>], vector<16xi32>,
        %parallel_loop3A_448 = vector.bitcast %parallel_loop3A_447 : vector<16xi32> to vector<32xbf16>
        %parallel_loop3A_449 = arith.mulf %parallel_loop3A_435, %parallel_loop3A_446 : vector<32xbf16>
        %parallel_loop3A_450 = arith.mulf %parallel_loop3A_436, %parallel_loop3A_448 : vector<32xbf16>
        %parallel_loop3A_451 = arith.addf %parallel_loop3A_449, %parallel_loop3A_450 : vector<32xbf16>
        %parallel_loop3A_452 = arith.mulf %parallel_loop3A_437, %parallel_loop3A_451 : vector<32xbf16>
        %parallel_loop3A_453 = arith.addf %parallel_loop3A_442, %parallel_loop3A_452 : vector<32xbf16>
        %parallel_loop3A_454 = arith.xori %parallel_loop3A_390, %parallel_loop3A_415 : vector<16xi32>
        %parallel_loop3A_455 = arith.xori %parallel_loop3A_401, %parallel_loop3A_415 : vector<16xi32>
        %parallel_loop3A_456 = tpu.vector_load_idx %arg7[%parallel_loop3A_454] : memref<65536xi32, #tpu.memory_space<vmem>>[vector<16xi32>], vector<16xi32>,
        %parallel_loop3A_457 = vector.bitcast %parallel_loop3A_456 : vector<16xi32> to vector<32xbf16>
        %parallel_loop3A_458 = tpu.vector_load_idx %arg7[%parallel_loop3A_455] : memref<65536xi32, #tpu.memory_space<vmem>>[vector<16xi32>], vector<16xi32>,
        %parallel_loop3A_459 = vector.bitcast %parallel_loop3A_458 : vector<16xi32> to vector<32xbf16>
        %parallel_loop3A_460 = arith.mulf %parallel_loop3A_435, %parallel_loop3A_457 : vector<32xbf16>
        %parallel_loop3A_461 = arith.mulf %parallel_loop3A_436, %parallel_loop3A_459 : vector<32xbf16>
        %parallel_loop3A_462 = arith.addf %parallel_loop3A_460, %parallel_loop3A_461 : vector<32xbf16>
        %parallel_loop3A_463 = arith.mulf %parallel_loop3A_438, %parallel_loop3A_462 : vector<32xbf16>
        %parallel_loop3A_464 = arith.addf %parallel_loop3A_453, %parallel_loop3A_463 : vector<32xbf16>
        %parallel_loop3A_465 = arith.xori %parallel_loop3A_390, %parallel_loop3A_418 : vector<16xi32>
        %parallel_loop3A_466 = arith.xori %parallel_loop3A_401, %parallel_loop3A_418 : vector<16xi32>
        %parallel_loop3A_467 = tpu.vector_load_idx %arg7[%parallel_loop3A_465] : memref<65536xi32, #tpu.memory_space<vmem>>[vector<16xi32>], vector<16xi32>,
        %parallel_loop3A_468 = vector.bitcast %parallel_loop3A_467 : vector<16xi32> to vector<32xbf16>
        %parallel_loop3A_469 = tpu.vector_load_idx %arg7[%parallel_loop3A_466] : memref<65536xi32, #tpu.memory_space<vmem>>[vector<16xi32>], vector<16xi32>,
        %parallel_loop3A_470 = vector.bitcast %parallel_loop3A_469 : vector<16xi32> to vector<32xbf16>
        %parallel_loop3A_471 = arith.mulf %parallel_loop3A_435, %parallel_loop3A_468 : vector<32xbf16>
        %parallel_loop3A_472 = arith.mulf %parallel_loop3A_436, %parallel_loop3A_470 : vector<32xbf16>
        %parallel_loop3A_473 = arith.addf %parallel_loop3A_471, %parallel_loop3A_472 : vector<32xbf16>
        %parallel_loop3A_474 = arith.mulf %parallel_loop3A_439, %parallel_loop3A_473 : vector<32xbf16>
        %parallel_loop3A_475 = arith.addf %parallel_loop3A_464, %parallel_loop3A_474 : vector<32xbf16>
        %parallel_loop3A_476 = arith.xori %parallel_loop3A_390, %parallel_loop3A_421 : vector<16xi32>
        %parallel_loop3A_477 = arith.xori %parallel_loop3A_401, %parallel_loop3A_421 : vector<16xi32>
        %parallel_loop3A_478 = tpu.vector_load_idx %arg7[%parallel_loop3A_476] : memref<65536xi32, #tpu.memory_space<vmem>>[vector<16xi32>], vector<16xi32>,
        %parallel_loop3A_479 = vector.bitcast %parallel_loop3A_478 : vector<16xi32> to vector<32xbf16>
        %parallel_loop3A_480 = tpu.vector_load_idx %arg7[%parallel_loop3A_477] : memref<65536xi32, #tpu.memory_space<vmem>>[vector<16xi32>], vector<16xi32>,
        %parallel_loop3A_481 = vector.bitcast %parallel_loop3A_480 : vector<16xi32> to vector<32xbf16>
        %parallel_loop3A_482 = arith.mulf %parallel_loop3A_435, %parallel_loop3A_479 : vector<32xbf16>
        %parallel_loop3A_483 = arith.mulf %parallel_loop3A_436, %parallel_loop3A_481 : vector<32xbf16>
        %parallel_loop3A_484 = arith.addf %parallel_loop3A_482, %parallel_loop3A_483 : vector<32xbf16>
        %parallel_loop3A_485 = arith.mulf %parallel_loop3A_440, %parallel_loop3A_484 : vector<32xbf16>
        %parallel_loop3A_486 = arith.addf %parallel_loop3A_475, %parallel_loop3A_485 : vector<32xbf16>
        %parallel_loop3A_487 = tpu.unpack_subelements %parallel_loop3A_486, 0 {pack_format = #tpu.pack_format<interleaved>} : vector<32xbf16> -> vector<16xf32>
        %parallel_loop3A_488 = tpu.unpack_subelements %parallel_loop3A_486, 1 {pack_format = #tpu.pack_format<interleaved>} : vector<32xbf16> -> vector<16xf32>
        %parallel_loop3A_489 = arith.index_cast %parallel_loop3A_252 : i32 to index
        %parallel_loop3A_490 = arith.constant 16 : index
        %parallel_loop3A_491 = tpu.vector_load %arg16[%parallel_loop3A_489, %parallel_loop3A_490] {strides = array<i32>} : memref<32x128xf32, #tpu.memory_space<vmem>>, vector<16xf32>,
        tpu.vector_store %arg16[%parallel_loop3A_489, %parallel_loop3A_490], %parallel_loop3A_487 {strides = array<i32>} : memref<32x128xf32, #tpu.memory_space<vmem>>, vector<16xf32>,
        %parallel_loop3A_492 = arith.index_cast %parallel_loop3A_252 : i32 to index
        %parallel_loop3A_493 = arith.constant 16 : index
        %parallel_loop3A_494 = tpu.vector_load %arg17[%parallel_loop3A_492, %parallel_loop3A_493] {strides = array<i32>} : memref<32x128xf32, #tpu.memory_space<vmem>>, vector<16xf32>,
        tpu.vector_store %arg17[%parallel_loop3A_492, %parallel_loop3A_493], %parallel_loop3A_488 {strides = array<i32>} : memref<32x128xf32, #tpu.memory_space<vmem>>, vector<16xf32>,
        %parallel_loop3A_495 = arith.constant 128 : i32
        %parallel_loop3A_496 = arith.muli %parallel_loop3A_252, %parallel_loop3A_495 : i32
        %parallel_loop3A_497 = arith.constant 32 : i32
        %parallel_loop3A_498 = arith.addi %parallel_loop3A_496, %parallel_loop3A_497 : i32
        %parallel_loop3A_499 = arith.index_cast %parallel_loop3A_498 : i32 to index
        %parallel_loop3A_500 = tpu.vector_load %arg13[%parallel_loop3A_499] {strides = array<i32>} : memref<4096xf32, #tpu.memory_space<vmem>>, vector<16xf32>,
        %parallel_loop3A_501 = arith.index_cast %parallel_loop3A_498 : i32 to index
        %parallel_loop3A_502 = tpu.vector_load %arg14[%parallel_loop3A_501] {strides = array<i32>} : memref<4096xf32, #tpu.memory_space<vmem>>, vector<16xf32>,
        %parallel_loop3A_503 = arith.index_cast %parallel_loop3A_498 : i32 to index
        %parallel_loop3A_504 = tpu.vector_load %arg15[%parallel_loop3A_503] {strides = array<i32>} : memref<4096xf32, #tpu.memory_space<vmem>>, vector<16xf32>,
        %parallel_loop3A_505 = vector.broadcast %convert_element_type3A : f32 to vector<16xf32>
        %parallel_loop3A_506 = arith.mulf %parallel_loop3A_500, %parallel_loop3A_505 : vector<16xf32>
        %parallel_loop3A_507 = vector.broadcast %convert_element_type3A : f32 to vector<16xf32>
        %parallel_loop3A_508 = arith.mulf %parallel_loop3A_502, %parallel_loop3A_507 : vector<16xf32>
        %parallel_loop3A_509 = vector.broadcast %convert_element_type3A : f32 to vector<16xf32>
        %parallel_loop3A_510 = arith.mulf %parallel_loop3A_504, %parallel_loop3A_509 : vector<16xf32>
        %parallel_loop3A_511 = arith.fptosi %parallel_loop3A_506 : vector<16xf32> to vector<16xi32>
        %parallel_loop3A_512 = arith.fptosi %parallel_loop3A_508 : vector<16xf32> to vector<16xi32>
        %parallel_loop3A_513 = arith.fptosi %parallel_loop3A_510 : vector<16xf32> to vector<16xi32>
        %parallel_loop3A_514 = arith.sitofp %parallel_loop3A_511 : vector<16xi32> to vector<16xf32>
        %parallel_loop3A_515 = arith.subf %parallel_loop3A_506, %parallel_loop3A_514 : vector<16xf32>
        %parallel_loop3A_516 = arith.sitofp %parallel_loop3A_512 : vector<16xi32> to vector<16xf32>
        %parallel_loop3A_517 = arith.subf %parallel_loop3A_508, %parallel_loop3A_516 : vector<16xf32>
        %parallel_loop3A_518 = arith.sitofp %parallel_loop3A_513 : vector<16xi32> to vector<16xf32>
        %parallel_loop3A_519 = arith.subf %parallel_loop3A_510, %parallel_loop3A_518 : vector<16xf32>
        %parallel_loop3A_520 = arith.constant 1 : i32
        %parallel_loop3A_521 = vector.broadcast %parallel_loop3A_520 : i32 to vector<16xi32>
        %parallel_loop3A_522 = arith.addi %parallel_loop3A_511, %parallel_loop3A_521 : vector<16xi32>
        %parallel_loop3A_523 = vector.broadcast %scan3A : i32 to vector<16xi32>
        %parallel_loop3A_524 = arith.muli %parallel_loop3A_512, %parallel_loop3A_523 : vector<16xi32>
        %parallel_loop3A_525 = vector.broadcast %scan3A : i32 to vector<16xi32>
        %parallel_loop3A_526 = arith.addi %parallel_loop3A_524, %parallel_loop3A_525 : vector<16xi32>
        %parallel_loop3A_527 = vector.broadcast %scan3A_59 : i32 to vector<16xi32>
        %parallel_loop3A_528 = arith.muli %parallel_loop3A_513, %parallel_loop3A_527 : vector<16xi32>
        %parallel_loop3A_529 = vector.broadcast %scan3A_59 : i32 to vector<16xi32>
        %parallel_loop3A_530 = arith.addi %parallel_loop3A_528, %parallel_loop3A_529 : vector<16xi32>
        %parallel_loop3A_531 = arith.xori %parallel_loop3A_524, %parallel_loop3A_528 : vector<16xi32>
        %parallel_loop3A_532 = vector.broadcast %scan3A_60 : i32 to vector<16xi32>
        %parallel_loop3A_533 = arith.andi %parallel_loop3A_531, %parallel_loop3A_532 : vector<16xi32>
        %parallel_loop3A_534 = arith.xori %parallel_loop3A_524, %parallel_loop3A_530 : vector<16xi32>
        %parallel_loop3A_535 = vector.broadcast %scan3A_60 : i32 to vector<16xi32>
        %parallel_loop3A_536 = arith.andi %parallel_loop3A_534, %parallel_loop3A_535 : vector<16xi32>
        %parallel_loop3A_537 = arith.xori %parallel_loop3A_526, %parallel_loop3A_528 : vector<16xi32>
        %parallel_loop3A_538 = vector.broadcast %scan3A_60 : i32 to vector<16xi32>
        %parallel_loop3A_539 = arith.andi %parallel_loop3A_537, %parallel_loop3A_538 : vector<16xi32>
        %parallel_loop3A_540 = arith.xori %parallel_loop3A_526, %parallel_loop3A_530 : vector<16xi32>
        %parallel_loop3A_541 = vector.broadcast %scan3A_60 : i32 to vector<16xi32>
        %parallel_loop3A_542 = arith.andi %parallel_loop3A_540, %parallel_loop3A_541 : vector<16xi32>
        %parallel_loop3A_543 = arith.constant 1.000000e+00 : f32
        %parallel_loop3A_544 = vector.broadcast %parallel_loop3A_543 : f32 to vector<16xf32>
        %parallel_loop3A_545 = arith.subf %parallel_loop3A_544, %parallel_loop3A_515 : vector<16xf32>
        %parallel_loop3A_546 = arith.constant 1.000000e+00 : f32
        %parallel_loop3A_547 = vector.broadcast %parallel_loop3A_546 : f32 to vector<16xf32>
        %parallel_loop3A_548 = arith.subf %parallel_loop3A_547, %parallel_loop3A_517 : vector<16xf32>
        %parallel_loop3A_549 = arith.constant 1.000000e+00 : f32
        %parallel_loop3A_550 = vector.broadcast %parallel_loop3A_549 : f32 to vector<16xf32>
        %parallel_loop3A_551 = arith.subf %parallel_loop3A_550, %parallel_loop3A_519 : vector<16xf32>
        %parallel_loop3A_552 = arith.mulf %parallel_loop3A_548, %parallel_loop3A_551 : vector<16xf32>
        %parallel_loop3A_553 = arith.mulf %parallel_loop3A_548, %parallel_loop3A_519 : vector<16xf32>
        %parallel_loop3A_554 = arith.mulf %parallel_loop3A_517, %parallel_loop3A_551 : vector<16xf32>
        %parallel_loop3A_555 = arith.mulf %parallel_loop3A_517, %parallel_loop3A_519 : vector<16xf32>
        %parallel_loop3A_556 = tpu.pack_subelements %parallel_loop3A_545, %parallel_loop3A_545 {pack_format = #tpu.pack_format<interleaved>, positions = array<i32: 0, 1>} : vector<16xf32>, vector<16xf32> -> vector<32xbf16>
        %parallel_loop3A_557 = tpu.pack_subelements %parallel_loop3A_515, %parallel_loop3A_515 {pack_format = #tpu.pack_format<interleaved>, positions = array<i32: 0, 1>} : vector<16xf32>, vector<16xf32> -> vector<32xbf16>
        %parallel_loop3A_558 = tpu.pack_subelements %parallel_loop3A_552, %parallel_loop3A_552 {pack_format = #tpu.pack_format<interleaved>, positions = array<i32: 0, 1>} : vector<16xf32>, vector<16xf32> -> vector<32xbf16>
        %parallel_loop3A_559 = tpu.pack_subelements %parallel_loop3A_553, %parallel_loop3A_553 {pack_format = #tpu.pack_format<interleaved>, positions = array<i32: 0, 1>} : vector<16xf32>, vector<16xf32> -> vector<32xbf16>
        %parallel_loop3A_560 = tpu.pack_subelements %parallel_loop3A_554, %parallel_loop3A_554 {pack_format = #tpu.pack_format<interleaved>, positions = array<i32: 0, 1>} : vector<16xf32>, vector<16xf32> -> vector<32xbf16>
        %parallel_loop3A_561 = tpu.pack_subelements %parallel_loop3A_555, %parallel_loop3A_555 {pack_format = #tpu.pack_format<interleaved>, positions = array<i32: 0, 1>} : vector<16xf32>, vector<16xf32> -> vector<32xbf16>
        %parallel_loop3A_562 = arith.constant 0.000000e+00 : bf16
        %parallel_loop3A_563 = vector.broadcast %parallel_loop3A_562 : bf16 to vector<32xbf16>
        %parallel_loop3A_564 = arith.xori %parallel_loop3A_511, %parallel_loop3A_533 : vector<16xi32>
        %parallel_loop3A_565 = arith.xori %parallel_loop3A_522, %parallel_loop3A_533 : vector<16xi32>
        %parallel_loop3A_566 = tpu.vector_load_idx %arg7[%parallel_loop3A_564] : memref<65536xi32, #tpu.memory_space<vmem>>[vector<16xi32>], vector<16xi32>,
        %parallel_loop3A_567 = vector.bitcast %parallel_loop3A_566 : vector<16xi32> to vector<32xbf16>
        %parallel_loop3A_568 = tpu.vector_load_idx %arg7[%parallel_loop3A_565] : memref<65536xi32, #tpu.memory_space<vmem>>[vector<16xi32>], vector<16xi32>,
        %parallel_loop3A_569 = vector.bitcast %parallel_loop3A_568 : vector<16xi32> to vector<32xbf16>
        %parallel_loop3A_570 = arith.mulf %parallel_loop3A_556, %parallel_loop3A_567 : vector<32xbf16>
        %parallel_loop3A_571 = arith.mulf %parallel_loop3A_557, %parallel_loop3A_569 : vector<32xbf16>
        %parallel_loop3A_572 = arith.addf %parallel_loop3A_570, %parallel_loop3A_571 : vector<32xbf16>
        %parallel_loop3A_573 = arith.mulf %parallel_loop3A_558, %parallel_loop3A_572 : vector<32xbf16>
        %parallel_loop3A_574 = arith.addf %parallel_loop3A_563, %parallel_loop3A_573 : vector<32xbf16>
        %parallel_loop3A_575 = arith.xori %parallel_loop3A_511, %parallel_loop3A_536 : vector<16xi32>
        %parallel_loop3A_576 = arith.xori %parallel_loop3A_522, %parallel_loop3A_536 : vector<16xi32>
        %parallel_loop3A_577 = tpu.vector_load_idx %arg7[%parallel_loop3A_575] : memref<65536xi32, #tpu.memory_space<vmem>>[vector<16xi32>], vector<16xi32>,
        %parallel_loop3A_578 = vector.bitcast %parallel_loop3A_577 : vector<16xi32> to vector<32xbf16>
        %parallel_loop3A_579 = tpu.vector_load_idx %arg7[%parallel_loop3A_576] : memref<65536xi32, #tpu.memory_space<vmem>>[vector<16xi32>], vector<16xi32>,
        %parallel_loop3A_580 = vector.bitcast %parallel_loop3A_579 : vector<16xi32> to vector<32xbf16>
        %parallel_loop3A_581 = arith.mulf %parallel_loop3A_556, %parallel_loop3A_578 : vector<32xbf16>
        %parallel_loop3A_582 = arith.mulf %parallel_loop3A_557, %parallel_loop3A_580 : vector<32xbf16>
        %parallel_loop3A_583 = arith.addf %parallel_loop3A_581, %parallel_loop3A_582 : vector<32xbf16>
        %parallel_loop3A_584 = arith.mulf %parallel_loop3A_559, %parallel_loop3A_583 : vector<32xbf16>
        %parallel_loop3A_585 = arith.addf %parallel_loop3A_574, %parallel_loop3A_584 : vector<32xbf16>
        %parallel_loop3A_586 = arith.xori %parallel_loop3A_511, %parallel_loop3A_539 : vector<16xi32>
        %parallel_loop3A_587 = arith.xori %parallel_loop3A_522, %parallel_loop3A_539 : vector<16xi32>
        %parallel_loop3A_588 = tpu.vector_load_idx %arg7[%parallel_loop3A_586] : memref<65536xi32, #tpu.memory_space<vmem>>[vector<16xi32>], vector<16xi32>,
        %parallel_loop3A_589 = vector.bitcast %parallel_loop3A_588 : vector<16xi32> to vector<32xbf16>
        %parallel_loop3A_590 = tpu.vector_load_idx %arg7[%parallel_loop3A_587] : memref<65536xi32, #tpu.memory_space<vmem>>[vector<16xi32>], vector<16xi32>,
        %parallel_loop3A_591 = vector.bitcast %parallel_loop3A_590 : vector<16xi32> to vector<32xbf16>
        %parallel_loop3A_592 = arith.mulf %parallel_loop3A_556, %parallel_loop3A_589 : vector<32xbf16>
        %parallel_loop3A_593 = arith.mulf %parallel_loop3A_557, %parallel_loop3A_591 : vector<32xbf16>
        %parallel_loop3A_594 = arith.addf %parallel_loop3A_592, %parallel_loop3A_593 : vector<32xbf16>
        %parallel_loop3A_595 = arith.mulf %parallel_loop3A_560, %parallel_loop3A_594 : vector<32xbf16>
        %parallel_loop3A_596 = arith.addf %parallel_loop3A_585, %parallel_loop3A_595 : vector<32xbf16>
        %parallel_loop3A_597 = arith.xori %parallel_loop3A_511, %parallel_loop3A_542 : vector<16xi32>
        %parallel_loop3A_598 = arith.xori %parallel_loop3A_522, %parallel_loop3A_542 : vector<16xi32>
        %parallel_loop3A_599 = tpu.vector_load_idx %arg7[%parallel_loop3A_597] : memref<65536xi32, #tpu.memory_space<vmem>>[vector<16xi32>], vector<16xi32>,
        %parallel_loop3A_600 = vector.bitcast %parallel_loop3A_599 : vector<16xi32> to vector<32xbf16>
        %parallel_loop3A_601 = tpu.vector_load_idx %arg7[%parallel_loop3A_598] : memref<65536xi32, #tpu.memory_space<vmem>>[vector<16xi32>], vector<16xi32>,
        %parallel_loop3A_602 = vector.bitcast %parallel_loop3A_601 : vector<16xi32> to vector<32xbf16>
        %parallel_loop3A_603 = arith.mulf %parallel_loop3A_556, %parallel_loop3A_600 : vector<32xbf16>
        %parallel_loop3A_604 = arith.mulf %parallel_loop3A_557, %parallel_loop3A_602 : vector<32xbf16>
        %parallel_loop3A_605 = arith.addf %parallel_loop3A_603, %parallel_loop3A_604 : vector<32xbf16>
        %parallel_loop3A_606 = arith.mulf %parallel_loop3A_561, %parallel_loop3A_605 : vector<32xbf16>
        %parallel_loop3A_607 = arith.addf %parallel_loop3A_596, %parallel_loop3A_606 : vector<32xbf16>
        %parallel_loop3A_608 = tpu.unpack_subelements %parallel_loop3A_607, 0 {pack_format = #tpu.pack_format<interleaved>} : vector<32xbf16> -> vector<16xf32>
        %parallel_loop3A_609 = tpu.unpack_subelements %parallel_loop3A_607, 1 {pack_format = #tpu.pack_format<interleaved>} : vector<32xbf16> -> vector<16xf32>
        %parallel_loop3A_610 = arith.index_cast %parallel_loop3A_252 : i32 to index
        %parallel_loop3A_611 = arith.constant 32 : index
        %parallel_loop3A_612 = tpu.vector_load %arg16[%parallel_loop3A_610, %parallel_loop3A_611] {strides = array<i32>} : memref<32x128xf32, #tpu.memory_space<vmem>>, vector<16xf32>,
        tpu.vector_store %arg16[%parallel_loop3A_610, %parallel_loop3A_611], %parallel_loop3A_608 {strides = array<i32>} : memref<32x128xf32, #tpu.memory_space<vmem>>, vector<16xf32>,
        %parallel_loop3A_613 = arith.index_cast %parallel_loop3A_252 : i32 to index
        %parallel_loop3A_614 = arith.constant 32 : index
        %parallel_loop3A_615 = tpu.vector_load %arg17[%parallel_loop3A_613, %parallel_loop3A_614] {strides = array<i32>} : memref<32x128xf32, #tpu.memory_space<vmem>>, vector<16xf32>,
        tpu.vector_store %arg17[%parallel_loop3A_613, %parallel_loop3A_614], %parallel_loop3A_609 {strides = array<i32>} : memref<32x128xf32, #tpu.memory_space<vmem>>, vector<16xf32>,
        %parallel_loop3A_616 = arith.constant 128 : i32
        %parallel_loop3A_617 = arith.muli %parallel_loop3A_252, %parallel_loop3A_616 : i32
        %parallel_loop3A_618 = arith.constant 48 : i32
        %parallel_loop3A_619 = arith.addi %parallel_loop3A_617, %parallel_loop3A_618 : i32
        %parallel_loop3A_620 = arith.index_cast %parallel_loop3A_619 : i32 to index
        %parallel_loop3A_621 = tpu.vector_load %arg13[%parallel_loop3A_620] {strides = array<i32>} : memref<4096xf32, #tpu.memory_space<vmem>>, vector<16xf32>,
        %parallel_loop3A_622 = arith.index_cast %parallel_loop3A_619 : i32 to index
        %parallel_loop3A_623 = tpu.vector_load %arg14[%parallel_loop3A_622] {strides = array<i32>} : memref<4096xf32, #tpu.memory_space<vmem>>, vector<16xf32>,
        %parallel_loop3A_624 = arith.index_cast %parallel_loop3A_619 : i32 to index
        %parallel_loop3A_625 = tpu.vector_load %arg15[%parallel_loop3A_624] {strides = array<i32>} : memref<4096xf32, #tpu.memory_space<vmem>>, vector<16xf32>,
        %parallel_loop3A_626 = vector.broadcast %convert_element_type3A : f32 to vector<16xf32>
        %parallel_loop3A_627 = arith.mulf %parallel_loop3A_621, %parallel_loop3A_626 : vector<16xf32>
        %parallel_loop3A_628 = vector.broadcast %convert_element_type3A : f32 to vector<16xf32>
        %parallel_loop3A_629 = arith.mulf %parallel_loop3A_623, %parallel_loop3A_628 : vector<16xf32>
        %parallel_loop3A_630 = vector.broadcast %convert_element_type3A : f32 to vector<16xf32>
        %parallel_loop3A_631 = arith.mulf %parallel_loop3A_625, %parallel_loop3A_630 : vector<16xf32>
        %parallel_loop3A_632 = arith.fptosi %parallel_loop3A_627 : vector<16xf32> to vector<16xi32>
        %parallel_loop3A_633 = arith.fptosi %parallel_loop3A_629 : vector<16xf32> to vector<16xi32>
        %parallel_loop3A_634 = arith.fptosi %parallel_loop3A_631 : vector<16xf32> to vector<16xi32>
        %parallel_loop3A_635 = arith.sitofp %parallel_loop3A_632 : vector<16xi32> to vector<16xf32>
        %parallel_loop3A_636 = arith.subf %parallel_loop3A_627, %parallel_loop3A_635 : vector<16xf32>
        %parallel_loop3A_637 = arith.sitofp %parallel_loop3A_633 : vector<16xi32> to vector<16xf32>
        %parallel_loop3A_638 = arith.subf %parallel_loop3A_629, %parallel_loop3A_637 : vector<16xf32>
        %parallel_loop3A_639 = arith.sitofp %parallel_loop3A_634 : vector<16xi32> to vector<16xf32>
        %parallel_loop3A_640 = arith.subf %parallel_loop3A_631, %parallel_loop3A_639 : vector<16xf32>
        %parallel_loop3A_641 = arith.constant 1 : i32
        %parallel_loop3A_642 = vector.broadcast %parallel_loop3A_641 : i32 to vector<16xi32>
        %parallel_loop3A_643 = arith.addi %parallel_loop3A_632, %parallel_loop3A_642 : vector<16xi32>
        %parallel_loop3A_644 = vector.broadcast %scan3A : i32 to vector<16xi32>
        %parallel_loop3A_645 = arith.muli %parallel_loop3A_633, %parallel_loop3A_644 : vector<16xi32>
        %parallel_loop3A_646 = vector.broadcast %scan3A : i32 to vector<16xi32>
        %parallel_loop3A_647 = arith.addi %parallel_loop3A_645, %parallel_loop3A_646 : vector<16xi32>
        %parallel_loop3A_648 = vector.broadcast %scan3A_59 : i32 to vector<16xi32>
        %parallel_loop3A_649 = arith.muli %parallel_loop3A_634, %parallel_loop3A_648 : vector<16xi32>
        %parallel_loop3A_650 = vector.broadcast %scan3A_59 : i32 to vector<16xi32>
        %parallel_loop3A_651 = arith.addi %parallel_loop3A_649, %parallel_loop3A_650 : vector<16xi32>
        %parallel_loop3A_652 = arith.xori %parallel_loop3A_645, %parallel_loop3A_649 : vector<16xi32>
        %parallel_loop3A_653 = vector.broadcast %scan3A_60 : i32 to vector<16xi32>
        %parallel_loop3A_654 = arith.andi %parallel_loop3A_652, %parallel_loop3A_653 : vector<16xi32>
        %parallel_loop3A_655 = arith.xori %parallel_loop3A_645, %parallel_loop3A_651 : vector<16xi32>
        %parallel_loop3A_656 = vector.broadcast %scan3A_60 : i32 to vector<16xi32>
        %parallel_loop3A_657 = arith.andi %parallel_loop3A_655, %parallel_loop3A_656 : vector<16xi32>
        %parallel_loop3A_658 = arith.xori %parallel_loop3A_647, %parallel_loop3A_649 : vector<16xi32>
        %parallel_loop3A_659 = vector.broadcast %scan3A_60 : i32 to vector<16xi32>
        %parallel_loop3A_660 = arith.andi %parallel_loop3A_658, %parallel_loop3A_659 : vector<16xi32>
        %parallel_loop3A_661 = arith.xori %parallel_loop3A_647, %parallel_loop3A_651 : vector<16xi32>
        %parallel_loop3A_662 = vector.broadcast %scan3A_60 : i32 to vector<16xi32>
        %parallel_loop3A_663 = arith.andi %parallel_loop3A_661, %parallel_loop3A_662 : vector<16xi32>
        %parallel_loop3A_664 = arith.constant 1.000000e+00 : f32
        %parallel_loop3A_665 = vector.broadcast %parallel_loop3A_664 : f32 to vector<16xf32>
        %parallel_loop3A_666 = arith.subf %parallel_loop3A_665, %parallel_loop3A_636 : vector<16xf32>
        %parallel_loop3A_667 = arith.constant 1.000000e+00 : f32
        %parallel_loop3A_668 = vector.broadcast %parallel_loop3A_667 : f32 to vector<16xf32>
        %parallel_loop3A_669 = arith.subf %parallel_loop3A_668, %parallel_loop3A_638 : vector<16xf32>
        %parallel_loop3A_670 = arith.constant 1.000000e+00 : f32
        %parallel_loop3A_671 = vector.broadcast %parallel_loop3A_670 : f32 to vector<16xf32>
        %parallel_loop3A_672 = arith.subf %parallel_loop3A_671, %parallel_loop3A_640 : vector<16xf32>
        %parallel_loop3A_673 = arith.mulf %parallel_loop3A_669, %parallel_loop3A_672 : vector<16xf32>
        %parallel_loop3A_674 = arith.mulf %parallel_loop3A_669, %parallel_loop3A_640 : vector<16xf32>
        %parallel_loop3A_675 = arith.mulf %parallel_loop3A_638, %parallel_loop3A_672 : vector<16xf32>
        %parallel_loop3A_676 = arith.mulf %parallel_loop3A_638, %parallel_loop3A_640 : vector<16xf32>
        %parallel_loop3A_677 = tpu.pack_subelements %parallel_loop3A_666, %parallel_loop3A_666 {pack_format = #tpu.pack_format<interleaved>, positions = array<i32: 0, 1>} : vector<16xf32>, vector<16xf32> -> vector<32xbf16>
        %parallel_loop3A_678 = tpu.pack_subelements %parallel_loop3A_636, %parallel_loop3A_636 {pack_format = #tpu.pack_format<interleaved>, positions = array<i32: 0, 1>} : vector<16xf32>, vector<16xf32> -> vector<32xbf16>
        %parallel_loop3A_679 = tpu.pack_subelements %parallel_loop3A_673, %parallel_loop3A_673 {pack_format = #tpu.pack_format<interleaved>, positions = array<i32: 0, 1>} : vector<16xf32>, vector<16xf32> -> vector<32xbf16>
        %parallel_loop3A_680 = tpu.pack_subelements %parallel_loop3A_674, %parallel_loop3A_674 {pack_format = #tpu.pack_format<interleaved>, positions = array<i32: 0, 1>} : vector<16xf32>, vector<16xf32> -> vector<32xbf16>
        %parallel_loop3A_681 = tpu.pack_subelements %parallel_loop3A_675, %parallel_loop3A_675 {pack_format = #tpu.pack_format<interleaved>, positions = array<i32: 0, 1>} : vector<16xf32>, vector<16xf32> -> vector<32xbf16>
        %parallel_loop3A_682 = tpu.pack_subelements %parallel_loop3A_676, %parallel_loop3A_676 {pack_format = #tpu.pack_format<interleaved>, positions = array<i32: 0, 1>} : vector<16xf32>, vector<16xf32> -> vector<32xbf16>
        %parallel_loop3A_683 = arith.constant 0.000000e+00 : bf16
        %parallel_loop3A_684 = vector.broadcast %parallel_loop3A_683 : bf16 to vector<32xbf16>
        %parallel_loop3A_685 = arith.xori %parallel_loop3A_632, %parallel_loop3A_654 : vector<16xi32>
        %parallel_loop3A_686 = arith.xori %parallel_loop3A_643, %parallel_loop3A_654 : vector<16xi32>
        %parallel_loop3A_687 = tpu.vector_load_idx %arg7[%parallel_loop3A_685] : memref<65536xi32, #tpu.memory_space<vmem>>[vector<16xi32>], vector<16xi32>,
        %parallel_loop3A_688 = vector.bitcast %parallel_loop3A_687 : vector<16xi32> to vector<32xbf16>
        %parallel_loop3A_689 = tpu.vector_load_idx %arg7[%parallel_loop3A_686] : memref<65536xi32, #tpu.memory_space<vmem>>[vector<16xi32>], vector<16xi32>,
        %parallel_loop3A_690 = vector.bitcast %parallel_loop3A_689 : vector<16xi32> to vector<32xbf16>
        %parallel_loop3A_691 = arith.mulf %parallel_loop3A_677, %parallel_loop3A_688 : vector<32xbf16>
        %parallel_loop3A_692 = arith.mulf %parallel_loop3A_678, %parallel_loop3A_690 : vector<32xbf16>
        %parallel_loop3A_693 = arith.addf %parallel_loop3A_691, %parallel_loop3A_692 : vector<32xbf16>
        %parallel_loop3A_694 = arith.mulf %parallel_loop3A_679, %parallel_loop3A_693 : vector<32xbf16>
        %parallel_loop3A_695 = arith.addf %parallel_loop3A_684, %parallel_loop3A_694 : vector<32xbf16>
        %parallel_loop3A_696 = arith.xori %parallel_loop3A_632, %parallel_loop3A_657 : vector<16xi32>
        %parallel_loop3A_697 = arith.xori %parallel_loop3A_643, %parallel_loop3A_657 : vector<16xi32>
        %parallel_loop3A_698 = tpu.vector_load_idx %arg7[%parallel_loop3A_696] : memref<65536xi32, #tpu.memory_space<vmem>>[vector<16xi32>], vector<16xi32>,
        %parallel_loop3A_699 = vector.bitcast %parallel_loop3A_698 : vector<16xi32> to vector<32xbf16>
        %parallel_loop3A_700 = tpu.vector_load_idx %arg7[%parallel_loop3A_697] : memref<65536xi32, #tpu.memory_space<vmem>>[vector<16xi32>], vector<16xi32>,
        %parallel_loop3A_701 = vector.bitcast %parallel_loop3A_700 : vector<16xi32> to vector<32xbf16>
        %parallel_loop3A_702 = arith.mulf %parallel_loop3A_677, %parallel_loop3A_699 : vector<32xbf16>
        %parallel_loop3A_703 = arith.mulf %parallel_loop3A_678, %parallel_loop3A_701 : vector<32xbf16>
        %parallel_loop3A_704 = arith.addf %parallel_loop3A_702, %parallel_loop3A_703 : vector<32xbf16>
        %parallel_loop3A_705 = arith.mulf %parallel_loop3A_680, %parallel_loop3A_704 : vector<32xbf16>
        %parallel_loop3A_706 = arith.addf %parallel_loop3A_695, %parallel_loop3A_705 : vector<32xbf16>
        %parallel_loop3A_707 = arith.xori %parallel_loop3A_632, %parallel_loop3A_660 : vector<16xi32>
        %parallel_loop3A_708 = arith.xori %parallel_loop3A_643, %parallel_loop3A_660 : vector<16xi32>
        %parallel_loop3A_709 = tpu.vector_load_idx %arg7[%parallel_loop3A_707] : memref<65536xi32, #tpu.memory_space<vmem>>[vector<16xi32>], vector<16xi32>,
        %parallel_loop3A_710 = vector.bitcast %parallel_loop3A_709 : vector<16xi32> to vector<32xbf16>
        %parallel_loop3A_711 = tpu.vector_load_idx %arg7[%parallel_loop3A_708] : memref<65536xi32, #tpu.memory_space<vmem>>[vector<16xi32>], vector<16xi32>,
        %parallel_loop3A_712 = vector.bitcast %parallel_loop3A_711 : vector<16xi32> to vector<32xbf16>
        %parallel_loop3A_713 = arith.mulf %parallel_loop3A_677, %parallel_loop3A_710 : vector<32xbf16>
        %parallel_loop3A_714 = arith.mulf %parallel_loop3A_678, %parallel_loop3A_712 : vector<32xbf16>
        %parallel_loop3A_715 = arith.addf %parallel_loop3A_713, %parallel_loop3A_714 : vector<32xbf16>
        %parallel_loop3A_716 = arith.mulf %parallel_loop3A_681, %parallel_loop3A_715 : vector<32xbf16>
        %parallel_loop3A_717 = arith.addf %parallel_loop3A_706, %parallel_loop3A_716 : vector<32xbf16>
        %parallel_loop3A_718 = arith.xori %parallel_loop3A_632, %parallel_loop3A_663 : vector<16xi32>
        %parallel_loop3A_719 = arith.xori %parallel_loop3A_643, %parallel_loop3A_663 : vector<16xi32>
        %parallel_loop3A_720 = tpu.vector_load_idx %arg7[%parallel_loop3A_718] : memref<65536xi32, #tpu.memory_space<vmem>>[vector<16xi32>], vector<16xi32>,
        %parallel_loop3A_721 = vector.bitcast %parallel_loop3A_720 : vector<16xi32> to vector<32xbf16>
        %parallel_loop3A_722 = tpu.vector_load_idx %arg7[%parallel_loop3A_719] : memref<65536xi32, #tpu.memory_space<vmem>>[vector<16xi32>], vector<16xi32>,
        %parallel_loop3A_723 = vector.bitcast %parallel_loop3A_722 : vector<16xi32> to vector<32xbf16>
        %parallel_loop3A_724 = arith.mulf %parallel_loop3A_677, %parallel_loop3A_721 : vector<32xbf16>
        %parallel_loop3A_725 = arith.mulf %parallel_loop3A_678, %parallel_loop3A_723 : vector<32xbf16>
        %parallel_loop3A_726 = arith.addf %parallel_loop3A_724, %parallel_loop3A_725 : vector<32xbf16>
        %parallel_loop3A_727 = arith.mulf %parallel_loop3A_682, %parallel_loop3A_726 : vector<32xbf16>
        %parallel_loop3A_728 = arith.addf %parallel_loop3A_717, %parallel_loop3A_727 : vector<32xbf16>
        %parallel_loop3A_729 = tpu.unpack_subelements %parallel_loop3A_728, 0 {pack_format = #tpu.pack_format<interleaved>} : vector<32xbf16> -> vector<16xf32>
        %parallel_loop3A_730 = tpu.unpack_subelements %parallel_loop3A_728, 1 {pack_format = #tpu.pack_format<interleaved>} : vector<32xbf16> -> vector<16xf32>
        %parallel_loop3A_731 = arith.index_cast %parallel_loop3A_252 : i32 to index
        %parallel_loop3A_732 = arith.constant 48 : index
        %parallel_loop3A_733 = tpu.vector_load %arg16[%parallel_loop3A_731, %parallel_loop3A_732] {strides = array<i32>} : memref<32x128xf32, #tpu.memory_space<vmem>>, vector<16xf32>,
        tpu.vector_store %arg16[%parallel_loop3A_731, %parallel_loop3A_732], %parallel_loop3A_729 {strides = array<i32>} : memref<32x128xf32, #tpu.memory_space<vmem>>, vector<16xf32>,
        %parallel_loop3A_734 = arith.index_cast %parallel_loop3A_252 : i32 to index
        %parallel_loop3A_735 = arith.constant 48 : index
        %parallel_loop3A_736 = tpu.vector_load %arg17[%parallel_loop3A_734, %parallel_loop3A_735] {strides = array<i32>} : memref<32x128xf32, #tpu.memory_space<vmem>>, vector<16xf32>,
        tpu.vector_store %arg17[%parallel_loop3A_734, %parallel_loop3A_735], %parallel_loop3A_730 {strides = array<i32>} : memref<32x128xf32, #tpu.memory_space<vmem>>, vector<16xf32>,
        %parallel_loop3A_737 = arith.constant 128 : i32
        %parallel_loop3A_738 = arith.muli %parallel_loop3A_252, %parallel_loop3A_737 : i32
        %parallel_loop3A_739 = arith.constant 64 : i32
        %parallel_loop3A_740 = arith.addi %parallel_loop3A_738, %parallel_loop3A_739 : i32
        %parallel_loop3A_741 = arith.index_cast %parallel_loop3A_740 : i32 to index
        %parallel_loop3A_742 = tpu.vector_load %arg13[%parallel_loop3A_741] {strides = array<i32>} : memref<4096xf32, #tpu.memory_space<vmem>>, vector<16xf32>,
        %parallel_loop3A_743 = arith.index_cast %parallel_loop3A_740 : i32 to index
        %parallel_loop3A_744 = tpu.vector_load %arg14[%parallel_loop3A_743] {strides = array<i32>} : memref<4096xf32, #tpu.memory_space<vmem>>, vector<16xf32>,
        %parallel_loop3A_745 = arith.index_cast %parallel_loop3A_740 : i32 to index
        %parallel_loop3A_746 = tpu.vector_load %arg15[%parallel_loop3A_745] {strides = array<i32>} : memref<4096xf32, #tpu.memory_space<vmem>>, vector<16xf32>,
        %parallel_loop3A_747 = vector.broadcast %convert_element_type3A : f32 to vector<16xf32>
        %parallel_loop3A_748 = arith.mulf %parallel_loop3A_742, %parallel_loop3A_747 : vector<16xf32>
        %parallel_loop3A_749 = vector.broadcast %convert_element_type3A : f32 to vector<16xf32>
        %parallel_loop3A_750 = arith.mulf %parallel_loop3A_744, %parallel_loop3A_749 : vector<16xf32>
        %parallel_loop3A_751 = vector.broadcast %convert_element_type3A : f32 to vector<16xf32>
        %parallel_loop3A_752 = arith.mulf %parallel_loop3A_746, %parallel_loop3A_751 : vector<16xf32>
        %parallel_loop3A_753 = arith.fptosi %parallel_loop3A_748 : vector<16xf32> to vector<16xi32>
        %parallel_loop3A_754 = arith.fptosi %parallel_loop3A_750 : vector<16xf32> to vector<16xi32>
        %parallel_loop3A_755 = arith.fptosi %parallel_loop3A_752 : vector<16xf32> to vector<16xi32>
        %parallel_loop3A_756 = arith.sitofp %parallel_loop3A_753 : vector<16xi32> to vector<16xf32>
        %parallel_loop3A_757 = arith.subf %parallel_loop3A_748, %parallel_loop3A_756 : vector<16xf32>
        %parallel_loop3A_758 = arith.sitofp %parallel_loop3A_754 : vector<16xi32> to vector<16xf32>
        %parallel_loop3A_759 = arith.subf %parallel_loop3A_750, %parallel_loop3A_758 : vector<16xf32>
        %parallel_loop3A_760 = arith.sitofp %parallel_loop3A_755 : vector<16xi32> to vector<16xf32>
        %parallel_loop3A_761 = arith.subf %parallel_loop3A_752, %parallel_loop3A_760 : vector<16xf32>
        %parallel_loop3A_762 = arith.constant 1 : i32
        %parallel_loop3A_763 = vector.broadcast %parallel_loop3A_762 : i32 to vector<16xi32>
        %parallel_loop3A_764 = arith.addi %parallel_loop3A_753, %parallel_loop3A_763 : vector<16xi32>
        %parallel_loop3A_765 = vector.broadcast %scan3A : i32 to vector<16xi32>
        %parallel_loop3A_766 = arith.muli %parallel_loop3A_754, %parallel_loop3A_765 : vector<16xi32>
        %parallel_loop3A_767 = vector.broadcast %scan3A : i32 to vector<16xi32>
        %parallel_loop3A_768 = arith.addi %parallel_loop3A_766, %parallel_loop3A_767 : vector<16xi32>
        %parallel_loop3A_769 = vector.broadcast %scan3A_59 : i32 to vector<16xi32>
        %parallel_loop3A_770 = arith.muli %parallel_loop3A_755, %parallel_loop3A_769 : vector<16xi32>
        %parallel_loop3A_771 = vector.broadcast %scan3A_59 : i32 to vector<16xi32>
        %parallel_loop3A_772 = arith.addi %parallel_loop3A_770, %parallel_loop3A_771 : vector<16xi32>
        %parallel_loop3A_773 = arith.xori %parallel_loop3A_766, %parallel_loop3A_770 : vector<16xi32>
        %parallel_loop3A_774 = vector.broadcast %scan3A_60 : i32 to vector<16xi32>
        %parallel_loop3A_775 = arith.andi %parallel_loop3A_773, %parallel_loop3A_774 : vector<16xi32>
        %parallel_loop3A_776 = arith.xori %parallel_loop3A_766, %parallel_loop3A_772 : vector<16xi32>
        %parallel_loop3A_777 = vector.broadcast %scan3A_60 : i32 to vector<16xi32>
        %parallel_loop3A_778 = arith.andi %parallel_loop3A_776, %parallel_loop3A_777 : vector<16xi32>
        %parallel_loop3A_779 = arith.xori %parallel_loop3A_768, %parallel_loop3A_770 : vector<16xi32>
        %parallel_loop3A_780 = vector.broadcast %scan3A_60 : i32 to vector<16xi32>
        %parallel_loop3A_781 = arith.andi %parallel_loop3A_779, %parallel_loop3A_780 : vector<16xi32>
        %parallel_loop3A_782 = arith.xori %parallel_loop3A_768, %parallel_loop3A_772 : vector<16xi32>
        %parallel_loop3A_783 = vector.broadcast %scan3A_60 : i32 to vector<16xi32>
        %parallel_loop3A_784 = arith.andi %parallel_loop3A_782, %parallel_loop3A_783 : vector<16xi32>
        %parallel_loop3A_785 = arith.constant 1.000000e+00 : f32
        %parallel_loop3A_786 = vector.broadcast %parallel_loop3A_785 : f32 to vector<16xf32>
        %parallel_loop3A_787 = arith.subf %parallel_loop3A_786, %parallel_loop3A_757 : vector<16xf32>
        %parallel_loop3A_788 = arith.constant 1.000000e+00 : f32
        %parallel_loop3A_789 = vector.broadcast %parallel_loop3A_788 : f32 to vector<16xf32>
        %parallel_loop3A_790 = arith.subf %parallel_loop3A_789, %parallel_loop3A_759 : vector<16xf32>
        %parallel_loop3A_791 = arith.constant 1.000000e+00 : f32
        %parallel_loop3A_792 = vector.broadcast %parallel_loop3A_791 : f32 to vector<16xf32>
        %parallel_loop3A_793 = arith.subf %parallel_loop3A_792, %parallel_loop3A_761 : vector<16xf32>
        %parallel_loop3A_794 = arith.mulf %parallel_loop3A_790, %parallel_loop3A_793 : vector<16xf32>
        %parallel_loop3A_795 = arith.mulf %parallel_loop3A_790, %parallel_loop3A_761 : vector<16xf32>
        %parallel_loop3A_796 = arith.mulf %parallel_loop3A_759, %parallel_loop3A_793 : vector<16xf32>
        %parallel_loop3A_797 = arith.mulf %parallel_loop3A_759, %parallel_loop3A_761 : vector<16xf32>
        %parallel_loop3A_798 = tpu.pack_subelements %parallel_loop3A_787, %parallel_loop3A_787 {pack_format = #tpu.pack_format<interleaved>, positions = array<i32: 0, 1>} : vector<16xf32>, vector<16xf32> -> vector<32xbf16>
        %parallel_loop3A_799 = tpu.pack_subelements %parallel_loop3A_757, %parallel_loop3A_757 {pack_format = #tpu.pack_format<interleaved>, positions = array<i32: 0, 1>} : vector<16xf32>, vector<16xf32> -> vector<32xbf16>
        %parallel_loop3A_800 = tpu.pack_subelements %parallel_loop3A_794, %parallel_loop3A_794 {pack_format = #tpu.pack_format<interleaved>, positions = array<i32: 0, 1>} : vector<16xf32>, vector<16xf32> -> vector<32xbf16>
        %parallel_loop3A_801 = tpu.pack_subelements %parallel_loop3A_795, %parallel_loop3A_795 {pack_format = #tpu.pack_format<interleaved>, positions = array<i32: 0, 1>} : vector<16xf32>, vector<16xf32> -> vector<32xbf16>
        %parallel_loop3A_802 = tpu.pack_subelements %parallel_loop3A_796, %parallel_loop3A_796 {pack_format = #tpu.pack_format<interleaved>, positions = array<i32: 0, 1>} : vector<16xf32>, vector<16xf32> -> vector<32xbf16>
        %parallel_loop3A_803 = tpu.pack_subelements %parallel_loop3A_797, %parallel_loop3A_797 {pack_format = #tpu.pack_format<interleaved>, positions = array<i32: 0, 1>} : vector<16xf32>, vector<16xf32> -> vector<32xbf16>
        %parallel_loop3A_804 = arith.constant 0.000000e+00 : bf16
        %parallel_loop3A_805 = vector.broadcast %parallel_loop3A_804 : bf16 to vector<32xbf16>
        %parallel_loop3A_806 = arith.xori %parallel_loop3A_753, %parallel_loop3A_775 : vector<16xi32>
        %parallel_loop3A_807 = arith.xori %parallel_loop3A_764, %parallel_loop3A_775 : vector<16xi32>
        %parallel_loop3A_808 = tpu.vector_load_idx %arg7[%parallel_loop3A_806] : memref<65536xi32, #tpu.memory_space<vmem>>[vector<16xi32>], vector<16xi32>,
        %parallel_loop3A_809 = vector.bitcast %parallel_loop3A_808 : vector<16xi32> to vector<32xbf16>
        %parallel_loop3A_810 = tpu.vector_load_idx %arg7[%parallel_loop3A_807] : memref<65536xi32, #tpu.memory_space<vmem>>[vector<16xi32>], vector<16xi32>,
        %parallel_loop3A_811 = vector.bitcast %parallel_loop3A_810 : vector<16xi32> to vector<32xbf16>
        %parallel_loop3A_812 = arith.mulf %parallel_loop3A_798, %parallel_loop3A_809 : vector<32xbf16>
        %parallel_loop3A_813 = arith.mulf %parallel_loop3A_799, %parallel_loop3A_811 : vector<32xbf16>
        %parallel_loop3A_814 = arith.addf %parallel_loop3A_812, %parallel_loop3A_813 : vector<32xbf16>
        %parallel_loop3A_815 = arith.mulf %parallel_loop3A_800, %parallel_loop3A_814 : vector<32xbf16>
        %parallel_loop3A_816 = arith.addf %parallel_loop3A_805, %parallel_loop3A_815 : vector<32xbf16>
        %parallel_loop3A_817 = arith.xori %parallel_loop3A_753, %parallel_loop3A_778 : vector<16xi32>
        %parallel_loop3A_818 = arith.xori %parallel_loop3A_764, %parallel_loop3A_778 : vector<16xi32>
        %parallel_loop3A_819 = tpu.vector_load_idx %arg7[%parallel_loop3A_817] : memref<65536xi32, #tpu.memory_space<vmem>>[vector<16xi32>], vector<16xi32>,
        %parallel_loop3A_820 = vector.bitcast %parallel_loop3A_819 : vector<16xi32> to vector<32xbf16>
        %parallel_loop3A_821 = tpu.vector_load_idx %arg7[%parallel_loop3A_818] : memref<65536xi32, #tpu.memory_space<vmem>>[vector<16xi32>], vector<16xi32>,
        %parallel_loop3A_822 = vector.bitcast %parallel_loop3A_821 : vector<16xi32> to vector<32xbf16>
        %parallel_loop3A_823 = arith.mulf %parallel_loop3A_798, %parallel_loop3A_820 : vector<32xbf16>
        %parallel_loop3A_824 = arith.mulf %parallel_loop3A_799, %parallel_loop3A_822 : vector<32xbf16>
        %parallel_loop3A_825 = arith.addf %parallel_loop3A_823, %parallel_loop3A_824 : vector<32xbf16>
        %parallel_loop3A_826 = arith.mulf %parallel_loop3A_801, %parallel_loop3A_825 : vector<32xbf16>
        %parallel_loop3A_827 = arith.addf %parallel_loop3A_816, %parallel_loop3A_826 : vector<32xbf16>
        %parallel_loop3A_828 = arith.xori %parallel_loop3A_753, %parallel_loop3A_781 : vector<16xi32>
        %parallel_loop3A_829 = arith.xori %parallel_loop3A_764, %parallel_loop3A_781 : vector<16xi32>
        %parallel_loop3A_830 = tpu.vector_load_idx %arg7[%parallel_loop3A_828] : memref<65536xi32, #tpu.memory_space<vmem>>[vector<16xi32>], vector<16xi32>,
        %parallel_loop3A_831 = vector.bitcast %parallel_loop3A_830 : vector<16xi32> to vector<32xbf16>
        %parallel_loop3A_832 = tpu.vector_load_idx %arg7[%parallel_loop3A_829] : memref<65536xi32, #tpu.memory_space<vmem>>[vector<16xi32>], vector<16xi32>,
        %parallel_loop3A_833 = vector.bitcast %parallel_loop3A_832 : vector<16xi32> to vector<32xbf16>
        %parallel_loop3A_834 = arith.mulf %parallel_loop3A_798, %parallel_loop3A_831 : vector<32xbf16>
        %parallel_loop3A_835 = arith.mulf %parallel_loop3A_799, %parallel_loop3A_833 : vector<32xbf16>
        %parallel_loop3A_836 = arith.addf %parallel_loop3A_834, %parallel_loop3A_835 : vector<32xbf16>
        %parallel_loop3A_837 = arith.mulf %parallel_loop3A_802, %parallel_loop3A_836 : vector<32xbf16>
        %parallel_loop3A_838 = arith.addf %parallel_loop3A_827, %parallel_loop3A_837 : vector<32xbf16>
        %parallel_loop3A_839 = arith.xori %parallel_loop3A_753, %parallel_loop3A_784 : vector<16xi32>
        %parallel_loop3A_840 = arith.xori %parallel_loop3A_764, %parallel_loop3A_784 : vector<16xi32>
        %parallel_loop3A_841 = tpu.vector_load_idx %arg7[%parallel_loop3A_839] : memref<65536xi32, #tpu.memory_space<vmem>>[vector<16xi32>], vector<16xi32>,
        %parallel_loop3A_842 = vector.bitcast %parallel_loop3A_841 : vector<16xi32> to vector<32xbf16>
        %parallel_loop3A_843 = tpu.vector_load_idx %arg7[%parallel_loop3A_840] : memref<65536xi32, #tpu.memory_space<vmem>>[vector<16xi32>], vector<16xi32>,
        %parallel_loop3A_844 = vector.bitcast %parallel_loop3A_843 : vector<16xi32> to vector<32xbf16>
        %parallel_loop3A_845 = arith.mulf %parallel_loop3A_798, %parallel_loop3A_842 : vector<32xbf16>
        %parallel_loop3A_846 = arith.mulf %parallel_loop3A_799, %parallel_loop3A_844 : vector<32xbf16>
        %parallel_loop3A_847 = arith.addf %parallel_loop3A_845, %parallel_loop3A_846 : vector<32xbf16>
        %parallel_loop3A_848 = arith.mulf %parallel_loop3A_803, %parallel_loop3A_847 : vector<32xbf16>
        %parallel_loop3A_849 = arith.addf %parallel_loop3A_838, %parallel_loop3A_848 : vector<32xbf16>
        %parallel_loop3A_850 = tpu.unpack_subelements %parallel_loop3A_849, 0 {pack_format = #tpu.pack_format<interleaved>} : vector<32xbf16> -> vector<16xf32>
        %parallel_loop3A_851 = tpu.unpack_subelements %parallel_loop3A_849, 1 {pack_format = #tpu.pack_format<interleaved>} : vector<32xbf16> -> vector<16xf32>
        %parallel_loop3A_852 = arith.index_cast %parallel_loop3A_252 : i32 to index
        %parallel_loop3A_853 = arith.constant 64 : index
        %parallel_loop3A_854 = tpu.vector_load %arg16[%parallel_loop3A_852, %parallel_loop3A_853] {strides = array<i32>} : memref<32x128xf32, #tpu.memory_space<vmem>>, vector<16xf32>,
        tpu.vector_store %arg16[%parallel_loop3A_852, %parallel_loop3A_853], %parallel_loop3A_850 {strides = array<i32>} : memref<32x128xf32, #tpu.memory_space<vmem>>, vector<16xf32>,
        %parallel_loop3A_855 = arith.index_cast %parallel_loop3A_252 : i32 to index
        %parallel_loop3A_856 = arith.constant 64 : index
        %parallel_loop3A_857 = tpu.vector_load %arg17[%parallel_loop3A_855, %parallel_loop3A_856] {strides = array<i32>} : memref<32x128xf32, #tpu.memory_space<vmem>>, vector<16xf32>,
        tpu.vector_store %arg17[%parallel_loop3A_855, %parallel_loop3A_856], %parallel_loop3A_851 {strides = array<i32>} : memref<32x128xf32, #tpu.memory_space<vmem>>, vector<16xf32>,
        %parallel_loop3A_858 = arith.constant 128 : i32
        %parallel_loop3A_859 = arith.muli %parallel_loop3A_252, %parallel_loop3A_858 : i32
        %parallel_loop3A_860 = arith.constant 80 : i32
        %parallel_loop3A_861 = arith.addi %parallel_loop3A_859, %parallel_loop3A_860 : i32
        %parallel_loop3A_862 = arith.index_cast %parallel_loop3A_861 : i32 to index
        %parallel_loop3A_863 = tpu.vector_load %arg13[%parallel_loop3A_862] {strides = array<i32>} : memref<4096xf32, #tpu.memory_space<vmem>>, vector<16xf32>,
        %parallel_loop3A_864 = arith.index_cast %parallel_loop3A_861 : i32 to index
        %parallel_loop3A_865 = tpu.vector_load %arg14[%parallel_loop3A_864] {strides = array<i32>} : memref<4096xf32, #tpu.memory_space<vmem>>, vector<16xf32>,
        %parallel_loop3A_866 = arith.index_cast %parallel_loop3A_861 : i32 to index
        %parallel_loop3A_867 = tpu.vector_load %arg15[%parallel_loop3A_866] {strides = array<i32>} : memref<4096xf32, #tpu.memory_space<vmem>>, vector<16xf32>,
        %parallel_loop3A_868 = vector.broadcast %convert_element_type3A : f32 to vector<16xf32>
        %parallel_loop3A_869 = arith.mulf %parallel_loop3A_863, %parallel_loop3A_868 : vector<16xf32>
        %parallel_loop3A_870 = vector.broadcast %convert_element_type3A : f32 to vector<16xf32>
        %parallel_loop3A_871 = arith.mulf %parallel_loop3A_865, %parallel_loop3A_870 : vector<16xf32>
        %parallel_loop3A_872 = vector.broadcast %convert_element_type3A : f32 to vector<16xf32>
        %parallel_loop3A_873 = arith.mulf %parallel_loop3A_867, %parallel_loop3A_872 : vector<16xf32>
        %parallel_loop3A_874 = arith.fptosi %parallel_loop3A_869 : vector<16xf32> to vector<16xi32>
        %parallel_loop3A_875 = arith.fptosi %parallel_loop3A_871 : vector<16xf32> to vector<16xi32>
        %parallel_loop3A_876 = arith.fptosi %parallel_loop3A_873 : vector<16xf32> to vector<16xi32>
        %parallel_loop3A_877 = arith.sitofp %parallel_loop3A_874 : vector<16xi32> to vector<16xf32>
        %parallel_loop3A_878 = arith.subf %parallel_loop3A_869, %parallel_loop3A_877 : vector<16xf32>
        %parallel_loop3A_879 = arith.sitofp %parallel_loop3A_875 : vector<16xi32> to vector<16xf32>
        %parallel_loop3A_880 = arith.subf %parallel_loop3A_871, %parallel_loop3A_879 : vector<16xf32>
        %parallel_loop3A_881 = arith.sitofp %parallel_loop3A_876 : vector<16xi32> to vector<16xf32>
        %parallel_loop3A_882 = arith.subf %parallel_loop3A_873, %parallel_loop3A_881 : vector<16xf32>
        %parallel_loop3A_883 = arith.constant 1 : i32
        %parallel_loop3A_884 = vector.broadcast %parallel_loop3A_883 : i32 to vector<16xi32>
        %parallel_loop3A_885 = arith.addi %parallel_loop3A_874, %parallel_loop3A_884 : vector<16xi32>
        %parallel_loop3A_886 = vector.broadcast %scan3A : i32 to vector<16xi32>
        %parallel_loop3A_887 = arith.muli %parallel_loop3A_875, %parallel_loop3A_886 : vector<16xi32>
        %parallel_loop3A_888 = vector.broadcast %scan3A : i32 to vector<16xi32>
        %parallel_loop3A_889 = arith.addi %parallel_loop3A_887, %parallel_loop3A_888 : vector<16xi32>
        %parallel_loop3A_890 = vector.broadcast %scan3A_59 : i32 to vector<16xi32>
        %parallel_loop3A_891 = arith.muli %parallel_loop3A_876, %parallel_loop3A_890 : vector<16xi32>
        %parallel_loop3A_892 = vector.broadcast %scan3A_59 : i32 to vector<16xi32>
        %parallel_loop3A_893 = arith.addi %parallel_loop3A_891, %parallel_loop3A_892 : vector<16xi32>
        %parallel_loop3A_894 = arith.xori %parallel_loop3A_887, %parallel_loop3A_891 : vector<16xi32>
        %parallel_loop3A_895 = vector.broadcast %scan3A_60 : i32 to vector<16xi32>
        %parallel_loop3A_896 = arith.andi %parallel_loop3A_894, %parallel_loop3A_895 : vector<16xi32>
        %parallel_loop3A_897 = arith.xori %parallel_loop3A_887, %parallel_loop3A_893 : vector<16xi32>
        %parallel_loop3A_898 = vector.broadcast %scan3A_60 : i32 to vector<16xi32>
        %parallel_loop3A_899 = arith.andi %parallel_loop3A_897, %parallel_loop3A_898 : vector<16xi32>
        %parallel_loop3A_900 = arith.xori %parallel_loop3A_889, %parallel_loop3A_891 : vector<16xi32>
        %parallel_loop3A_901 = vector.broadcast %scan3A_60 : i32 to vector<16xi32>
        %parallel_loop3A_902 = arith.andi %parallel_loop3A_900, %parallel_loop3A_901 : vector<16xi32>
        %parallel_loop3A_903 = arith.xori %parallel_loop3A_889, %parallel_loop3A_893 : vector<16xi32>
        %parallel_loop3A_904 = vector.broadcast %scan3A_60 : i32 to vector<16xi32>
        %parallel_loop3A_905 = arith.andi %parallel_loop3A_903, %parallel_loop3A_904 : vector<16xi32>
        %parallel_loop3A_906 = arith.constant 1.000000e+00 : f32
        %parallel_loop3A_907 = vector.broadcast %parallel_loop3A_906 : f32 to vector<16xf32>
        %parallel_loop3A_908 = arith.subf %parallel_loop3A_907, %parallel_loop3A_878 : vector<16xf32>
        %parallel_loop3A_909 = arith.constant 1.000000e+00 : f32
        %parallel_loop3A_910 = vector.broadcast %parallel_loop3A_909 : f32 to vector<16xf32>
        %parallel_loop3A_911 = arith.subf %parallel_loop3A_910, %parallel_loop3A_880 : vector<16xf32>
        %parallel_loop3A_912 = arith.constant 1.000000e+00 : f32
        %parallel_loop3A_913 = vector.broadcast %parallel_loop3A_912 : f32 to vector<16xf32>
        %parallel_loop3A_914 = arith.subf %parallel_loop3A_913, %parallel_loop3A_882 : vector<16xf32>
        %parallel_loop3A_915 = arith.mulf %parallel_loop3A_911, %parallel_loop3A_914 : vector<16xf32>
        %parallel_loop3A_916 = arith.mulf %parallel_loop3A_911, %parallel_loop3A_882 : vector<16xf32>
        %parallel_loop3A_917 = arith.mulf %parallel_loop3A_880, %parallel_loop3A_914 : vector<16xf32>
        %parallel_loop3A_918 = arith.mulf %parallel_loop3A_880, %parallel_loop3A_882 : vector<16xf32>
        %parallel_loop3A_919 = tpu.pack_subelements %parallel_loop3A_908, %parallel_loop3A_908 {pack_format = #tpu.pack_format<interleaved>, positions = array<i32: 0, 1>} : vector<16xf32>, vector<16xf32> -> vector<32xbf16>
        %parallel_loop3A_920 = tpu.pack_subelements %parallel_loop3A_878, %parallel_loop3A_878 {pack_format = #tpu.pack_format<interleaved>, positions = array<i32: 0, 1>} : vector<16xf32>, vector<16xf32> -> vector<32xbf16>
        %parallel_loop3A_921 = tpu.pack_subelements %parallel_loop3A_915, %parallel_loop3A_915 {pack_format = #tpu.pack_format<interleaved>, positions = array<i32: 0, 1>} : vector<16xf32>, vector<16xf32> -> vector<32xbf16>
        %parallel_loop3A_922 = tpu.pack_subelements %parallel_loop3A_916, %parallel_loop3A_916 {pack_format = #tpu.pack_format<interleaved>, positions = array<i32: 0, 1>} : vector<16xf32>, vector<16xf32> -> vector<32xbf16>
        %parallel_loop3A_923 = tpu.pack_subelements %parallel_loop3A_917, %parallel_loop3A_917 {pack_format = #tpu.pack_format<interleaved>, positions = array<i32: 0, 1>} : vector<16xf32>, vector<16xf32> -> vector<32xbf16>
        %parallel_loop3A_924 = tpu.pack_subelements %parallel_loop3A_918, %parallel_loop3A_918 {pack_format = #tpu.pack_format<interleaved>, positions = array<i32: 0, 1>} : vector<16xf32>, vector<16xf32> -> vector<32xbf16>
        %parallel_loop3A_925 = arith.constant 0.000000e+00 : bf16
        %parallel_loop3A_926 = vector.broadcast %parallel_loop3A_925 : bf16 to vector<32xbf16>
        %parallel_loop3A_927 = arith.xori %parallel_loop3A_874, %parallel_loop3A_896 : vector<16xi32>
        %parallel_loop3A_928 = arith.xori %parallel_loop3A_885, %parallel_loop3A_896 : vector<16xi32>
        %parallel_loop3A_929 = tpu.vector_load_idx %arg7[%parallel_loop3A_927] : memref<65536xi32, #tpu.memory_space<vmem>>[vector<16xi32>], vector<16xi32>,
        %parallel_loop3A_930 = vector.bitcast %parallel_loop3A_929 : vector<16xi32> to vector<32xbf16>
        %parallel_loop3A_931 = tpu.vector_load_idx %arg7[%parallel_loop3A_928] : memref<65536xi32, #tpu.memory_space<vmem>>[vector<16xi32>], vector<16xi32>,
        %parallel_loop3A_932 = vector.bitcast %parallel_loop3A_931 : vector<16xi32> to vector<32xbf16>
        %parallel_loop3A_933 = arith.mulf %parallel_loop3A_919, %parallel_loop3A_930 : vector<32xbf16>
        %parallel_loop3A_934 = arith.mulf %parallel_loop3A_920, %parallel_loop3A_932 : vector<32xbf16>
        %parallel_loop3A_935 = arith.addf %parallel_loop3A_933, %parallel_loop3A_934 : vector<32xbf16>
        %parallel_loop3A_936 = arith.mulf %parallel_loop3A_921, %parallel_loop3A_935 : vector<32xbf16>
        %parallel_loop3A_937 = arith.addf %parallel_loop3A_926, %parallel_loop3A_936 : vector<32xbf16>
        %parallel_loop3A_938 = arith.xori %parallel_loop3A_874, %parallel_loop3A_899 : vector<16xi32>
        %parallel_loop3A_939 = arith.xori %parallel_loop3A_885, %parallel_loop3A_899 : vector<16xi32>
        %parallel_loop3A_940 = tpu.vector_load_idx %arg7[%parallel_loop3A_938] : memref<65536xi32, #tpu.memory_space<vmem>>[vector<16xi32>], vector<16xi32>,
        %parallel_loop3A_941 = vector.bitcast %parallel_loop3A_940 : vector<16xi32> to vector<32xbf16>
        %parallel_loop3A_942 = tpu.vector_load_idx %arg7[%parallel_loop3A_939] : memref<65536xi32, #tpu.memory_space<vmem>>[vector<16xi32>], vector<16xi32>,
        %parallel_loop3A_943 = vector.bitcast %parallel_loop3A_942 : vector<16xi32> to vector<32xbf16>
        %parallel_loop3A_944 = arith.mulf %parallel_loop3A_919, %parallel_loop3A_941 : vector<32xbf16>
        %parallel_loop3A_945 = arith.mulf %parallel_loop3A_920, %parallel_loop3A_943 : vector<32xbf16>
        %parallel_loop3A_946 = arith.addf %parallel_loop3A_944, %parallel_loop3A_945 : vector<32xbf16>
        %parallel_loop3A_947 = arith.mulf %parallel_loop3A_922, %parallel_loop3A_946 : vector<32xbf16>
        %parallel_loop3A_948 = arith.addf %parallel_loop3A_937, %parallel_loop3A_947 : vector<32xbf16>
        %parallel_loop3A_949 = arith.xori %parallel_loop3A_874, %parallel_loop3A_902 : vector<16xi32>
        %parallel_loop3A_950 = arith.xori %parallel_loop3A_885, %parallel_loop3A_902 : vector<16xi32>
        %parallel_loop3A_951 = tpu.vector_load_idx %arg7[%parallel_loop3A_949] : memref<65536xi32, #tpu.memory_space<vmem>>[vector<16xi32>], vector<16xi32>,
        %parallel_loop3A_952 = vector.bitcast %parallel_loop3A_951 : vector<16xi32> to vector<32xbf16>
        %parallel_loop3A_953 = tpu.vector_load_idx %arg7[%parallel_loop3A_950] : memref<65536xi32, #tpu.memory_space<vmem>>[vector<16xi32>], vector<16xi32>,
        %parallel_loop3A_954 = vector.bitcast %parallel_loop3A_953 : vector<16xi32> to vector<32xbf16>
        %parallel_loop3A_955 = arith.mulf %parallel_loop3A_919, %parallel_loop3A_952 : vector<32xbf16>
        %parallel_loop3A_956 = arith.mulf %parallel_loop3A_920, %parallel_loop3A_954 : vector<32xbf16>
        %parallel_loop3A_957 = arith.addf %parallel_loop3A_955, %parallel_loop3A_956 : vector<32xbf16>
        %parallel_loop3A_958 = arith.mulf %parallel_loop3A_923, %parallel_loop3A_957 : vector<32xbf16>
        %parallel_loop3A_959 = arith.addf %parallel_loop3A_948, %parallel_loop3A_958 : vector<32xbf16>
        %parallel_loop3A_960 = arith.xori %parallel_loop3A_874, %parallel_loop3A_905 : vector<16xi32>
        %parallel_loop3A_961 = arith.xori %parallel_loop3A_885, %parallel_loop3A_905 : vector<16xi32>
        %parallel_loop3A_962 = tpu.vector_load_idx %arg7[%parallel_loop3A_960] : memref<65536xi32, #tpu.memory_space<vmem>>[vector<16xi32>], vector<16xi32>,
        %parallel_loop3A_963 = vector.bitcast %parallel_loop3A_962 : vector<16xi32> to vector<32xbf16>
        %parallel_loop3A_964 = tpu.vector_load_idx %arg7[%parallel_loop3A_961] : memref<65536xi32, #tpu.memory_space<vmem>>[vector<16xi32>], vector<16xi32>,
        %parallel_loop3A_965 = vector.bitcast %parallel_loop3A_964 : vector<16xi32> to vector<32xbf16>
        %parallel_loop3A_966 = arith.mulf %parallel_loop3A_919, %parallel_loop3A_963 : vector<32xbf16>
        %parallel_loop3A_967 = arith.mulf %parallel_loop3A_920, %parallel_loop3A_965 : vector<32xbf16>
        %parallel_loop3A_968 = arith.addf %parallel_loop3A_966, %parallel_loop3A_967 : vector<32xbf16>
        %parallel_loop3A_969 = arith.mulf %parallel_loop3A_924, %parallel_loop3A_968 : vector<32xbf16>
        %parallel_loop3A_970 = arith.addf %parallel_loop3A_959, %parallel_loop3A_969 : vector<32xbf16>
        %parallel_loop3A_971 = tpu.unpack_subelements %parallel_loop3A_970, 0 {pack_format = #tpu.pack_format<interleaved>} : vector<32xbf16> -> vector<16xf32>
        %parallel_loop3A_972 = tpu.unpack_subelements %parallel_loop3A_970, 1 {pack_format = #tpu.pack_format<interleaved>} : vector<32xbf16> -> vector<16xf32>
        %parallel_loop3A_973 = arith.index_cast %parallel_loop3A_252 : i32 to index
        %parallel_loop3A_974 = arith.constant 80 : index
        %parallel_loop3A_975 = tpu.vector_load %arg16[%parallel_loop3A_973, %parallel_loop3A_974] {strides = array<i32>} : memref<32x128xf32, #tpu.memory_space<vmem>>, vector<16xf32>,
        tpu.vector_store %arg16[%parallel_loop3A_973, %parallel_loop3A_974], %parallel_loop3A_971 {strides = array<i32>} : memref<32x128xf32, #tpu.memory_space<vmem>>, vector<16xf32>,
        %parallel_loop3A_976 = arith.index_cast %parallel_loop3A_252 : i32 to index
        %parallel_loop3A_977 = arith.constant 80 : index
        %parallel_loop3A_978 = tpu.vector_load %arg17[%parallel_loop3A_976, %parallel_loop3A_977] {strides = array<i32>} : memref<32x128xf32, #tpu.memory_space<vmem>>, vector<16xf32>,
        tpu.vector_store %arg17[%parallel_loop3A_976, %parallel_loop3A_977], %parallel_loop3A_972 {strides = array<i32>} : memref<32x128xf32, #tpu.memory_space<vmem>>, vector<16xf32>,
        %parallel_loop3A_979 = arith.constant 128 : i32
        %parallel_loop3A_980 = arith.muli %parallel_loop3A_252, %parallel_loop3A_979 : i32
        %parallel_loop3A_981 = arith.constant 96 : i32
        %parallel_loop3A_982 = arith.addi %parallel_loop3A_980, %parallel_loop3A_981 : i32
        %parallel_loop3A_983 = arith.index_cast %parallel_loop3A_982 : i32 to index
        %parallel_loop3A_984 = tpu.vector_load %arg13[%parallel_loop3A_983] {strides = array<i32>} : memref<4096xf32, #tpu.memory_space<vmem>>, vector<16xf32>,
        %parallel_loop3A_985 = arith.index_cast %parallel_loop3A_982 : i32 to index
        %parallel_loop3A_986 = tpu.vector_load %arg14[%parallel_loop3A_985] {strides = array<i32>} : memref<4096xf32, #tpu.memory_space<vmem>>, vector<16xf32>,
        %parallel_loop3A_987 = arith.index_cast %parallel_loop3A_982 : i32 to index
        %parallel_loop3A_988 = tpu.vector_load %arg15[%parallel_loop3A_987] {strides = array<i32>} : memref<4096xf32, #tpu.memory_space<vmem>>, vector<16xf32>,
        %parallel_loop3A_989 = vector.broadcast %convert_element_type3A : f32 to vector<16xf32>
        %parallel_loop3A_990 = arith.mulf %parallel_loop3A_984, %parallel_loop3A_989 : vector<16xf32>
        %parallel_loop3A_991 = vector.broadcast %convert_element_type3A : f32 to vector<16xf32>
        %parallel_loop3A_992 = arith.mulf %parallel_loop3A_986, %parallel_loop3A_991 : vector<16xf32>
        %parallel_loop3A_993 = vector.broadcast %convert_element_type3A : f32 to vector<16xf32>
        %parallel_loop3A_994 = arith.mulf %parallel_loop3A_988, %parallel_loop3A_993 : vector<16xf32>
        %parallel_loop3A_995 = arith.fptosi %parallel_loop3A_990 : vector<16xf32> to vector<16xi32>
        %parallel_loop3A_996 = arith.fptosi %parallel_loop3A_992 : vector<16xf32> to vector<16xi32>
        %parallel_loop3A_997 = arith.fptosi %parallel_loop3A_994 : vector<16xf32> to vector<16xi32>
        %parallel_loop3A_998 = arith.sitofp %parallel_loop3A_995 : vector<16xi32> to vector<16xf32>
        %parallel_loop3A_999 = arith.subf %parallel_loop3A_990, %parallel_loop3A_998 : vector<16xf32>
        %parallel_loop3A_1000 = arith.sitofp %parallel_loop3A_996 : vector<16xi32> to vector<16xf32>
        %parallel_loop3A_1001 = arith.subf %parallel_loop3A_992, %parallel_loop3A_1000 : vector<16xf32>
        %parallel_loop3A_1002 = arith.sitofp %parallel_loop3A_997 : vector<16xi32> to vector<16xf32>
        %parallel_loop3A_1003 = arith.subf %parallel_loop3A_994, %parallel_loop3A_1002 : vector<16xf32>
        %parallel_loop3A_1004 = arith.constant 1 : i32
        %parallel_loop3A_1005 = vector.broadcast %parallel_loop3A_1004 : i32 to vector<16xi32>
        %parallel_loop3A_1006 = arith.addi %parallel_loop3A_995, %parallel_loop3A_1005 : vector<16xi32>
        %parallel_loop3A_1007 = vector.broadcast %scan3A : i32 to vector<16xi32>
        %parallel_loop3A_1008 = arith.muli %parallel_loop3A_996, %parallel_loop3A_1007 : vector<16xi32>
        %parallel_loop3A_1009 = vector.broadcast %scan3A : i32 to vector<16xi32>
        %parallel_loop3A_1010 = arith.addi %parallel_loop3A_1008, %parallel_loop3A_1009 : vector<16xi32>
        %parallel_loop3A_1011 = vector.broadcast %scan3A_59 : i32 to vector<16xi32>
        %parallel_loop3A_1012 = arith.muli %parallel_loop3A_997, %parallel_loop3A_1011 : vector<16xi32>
        %parallel_loop3A_1013 = vector.broadcast %scan3A_59 : i32 to vector<16xi32>
        %parallel_loop3A_1014 = arith.addi %parallel_loop3A_1012, %parallel_loop3A_1013 : vector<16xi32>
        %parallel_loop3A_1015 = arith.xori %parallel_loop3A_1008, %parallel_loop3A_1012 : vector<16xi32>
        %parallel_loop3A_1016 = vector.broadcast %scan3A_60 : i32 to vector<16xi32>
        %parallel_loop3A_1017 = arith.andi %parallel_loop3A_1015, %parallel_loop3A_1016 : vector<16xi32>
        %parallel_loop3A_1018 = arith.xori %parallel_loop3A_1008, %parallel_loop3A_1014 : vector<16xi32>
        %parallel_loop3A_1019 = vector.broadcast %scan3A_60 : i32 to vector<16xi32>
        %parallel_loop3A_1020 = arith.andi %parallel_loop3A_1018, %parallel_loop3A_1019 : vector<16xi32>
        %parallel_loop3A_1021 = arith.xori %parallel_loop3A_1010, %parallel_loop3A_1012 : vector<16xi32>
        %parallel_loop3A_1022 = vector.broadcast %scan3A_60 : i32 to vector<16xi32>
        %parallel_loop3A_1023 = arith.andi %parallel_loop3A_1021, %parallel_loop3A_1022 : vector<16xi32>
        %parallel_loop3A_1024 = arith.xori %parallel_loop3A_1010, %parallel_loop3A_1014 : vector<16xi32>
        %parallel_loop3A_1025 = vector.broadcast %scan3A_60 : i32 to vector<16xi32>
        %parallel_loop3A_1026 = arith.andi %parallel_loop3A_1024, %parallel_loop3A_1025 : vector<16xi32>
        %parallel_loop3A_1027 = arith.constant 1.000000e+00 : f32
        %parallel_loop3A_1028 = vector.broadcast %parallel_loop3A_1027 : f32 to vector<16xf32>
        %parallel_loop3A_1029 = arith.subf %parallel_loop3A_1028, %parallel_loop3A_999 : vector<16xf32>
        %parallel_loop3A_1030 = arith.constant 1.000000e+00 : f32
        %parallel_loop3A_1031 = vector.broadcast %parallel_loop3A_1030 : f32 to vector<16xf32>
        %parallel_loop3A_1032 = arith.subf %parallel_loop3A_1031, %parallel_loop3A_1001 : vector<16xf32>
        %parallel_loop3A_1033 = arith.constant 1.000000e+00 : f32
        %parallel_loop3A_1034 = vector.broadcast %parallel_loop3A_1033 : f32 to vector<16xf32>
        %parallel_loop3A_1035 = arith.subf %parallel_loop3A_1034, %parallel_loop3A_1003 : vector<16xf32>
        %parallel_loop3A_1036 = arith.mulf %parallel_loop3A_1032, %parallel_loop3A_1035 : vector<16xf32>
        %parallel_loop3A_1037 = arith.mulf %parallel_loop3A_1032, %parallel_loop3A_1003 : vector<16xf32>
        %parallel_loop3A_1038 = arith.mulf %parallel_loop3A_1001, %parallel_loop3A_1035 : vector<16xf32>
        %parallel_loop3A_1039 = arith.mulf %parallel_loop3A_1001, %parallel_loop3A_1003 : vector<16xf32>
        %parallel_loop3A_1040 = tpu.pack_subelements %parallel_loop3A_1029, %parallel_loop3A_1029 {pack_format = #tpu.pack_format<interleaved>, positions = array<i32: 0, 1>} : vector<16xf32>, vector<16xf32> -> vector<32xbf16>
        %parallel_loop3A_1041 = tpu.pack_subelements %parallel_loop3A_999, %parallel_loop3A_999 {pack_format = #tpu.pack_format<interleaved>, positions = array<i32: 0, 1>} : vector<16xf32>, vector<16xf32> -> vector<32xbf16>
        %parallel_loop3A_1042 = tpu.pack_subelements %parallel_loop3A_1036, %parallel_loop3A_1036 {pack_format = #tpu.pack_format<interleaved>, positions = array<i32: 0, 1>} : vector<16xf32>, vector<16xf32> -> vector<32xbf16>
        %parallel_loop3A_1043 = tpu.pack_subelements %parallel_loop3A_1037, %parallel_loop3A_1037 {pack_format = #tpu.pack_format<interleaved>, positions = array<i32: 0, 1>} : vector<16xf32>, vector<16xf32> -> vector<32xbf16>
        %parallel_loop3A_1044 = tpu.pack_subelements %parallel_loop3A_1038, %parallel_loop3A_1038 {pack_format = #tpu.pack_format<interleaved>, positions = array<i32: 0, 1>} : vector<16xf32>, vector<16xf32> -> vector<32xbf16>
        %parallel_loop3A_1045 = tpu.pack_subelements %parallel_loop3A_1039, %parallel_loop3A_1039 {pack_format = #tpu.pack_format<interleaved>, positions = array<i32: 0, 1>} : vector<16xf32>, vector<16xf32> -> vector<32xbf16>
        %parallel_loop3A_1046 = arith.constant 0.000000e+00 : bf16
        %parallel_loop3A_1047 = vector.broadcast %parallel_loop3A_1046 : bf16 to vector<32xbf16>
        %parallel_loop3A_1048 = arith.xori %parallel_loop3A_995, %parallel_loop3A_1017 : vector<16xi32>
        %parallel_loop3A_1049 = arith.xori %parallel_loop3A_1006, %parallel_loop3A_1017 : vector<16xi32>
        %parallel_loop3A_1050 = tpu.vector_load_idx %arg7[%parallel_loop3A_1048] : memref<65536xi32, #tpu.memory_space<vmem>>[vector<16xi32>], vector<16xi32>,
        %parallel_loop3A_1051 = vector.bitcast %parallel_loop3A_1050 : vector<16xi32> to vector<32xbf16>
        %parallel_loop3A_1052 = tpu.vector_load_idx %arg7[%parallel_loop3A_1049] : memref<65536xi32, #tpu.memory_space<vmem>>[vector<16xi32>], vector<16xi32>,
        %parallel_loop3A_1053 = vector.bitcast %parallel_loop3A_1052 : vector<16xi32> to vector<32xbf16>
        %parallel_loop3A_1054 = arith.mulf %parallel_loop3A_1040, %parallel_loop3A_1051 : vector<32xbf16>
        %parallel_loop3A_1055 = arith.mulf %parallel_loop3A_1041, %parallel_loop3A_1053 : vector<32xbf16>
        %parallel_loop3A_1056 = arith.addf %parallel_loop3A_1054, %parallel_loop3A_1055 : vector<32xbf16>
        %parallel_loop3A_1057 = arith.mulf %parallel_loop3A_1042, %parallel_loop3A_1056 : vector<32xbf16>
        %parallel_loop3A_1058 = arith.addf %parallel_loop3A_1047, %parallel_loop3A_1057 : vector<32xbf16>
        %parallel_loop3A_1059 = arith.xori %parallel_loop3A_995, %parallel_loop3A_1020 : vector<16xi32>
        %parallel_loop3A_1060 = arith.xori %parallel_loop3A_1006, %parallel_loop3A_1020 : vector<16xi32>
        %parallel_loop3A_1061 = tpu.vector_load_idx %arg7[%parallel_loop3A_1059] : memref<65536xi32, #tpu.memory_space<vmem>>[vector<16xi32>], vector<16xi32>,
        %parallel_loop3A_1062 = vector.bitcast %parallel_loop3A_1061 : vector<16xi32> to vector<32xbf16>
        %parallel_loop3A_1063 = tpu.vector_load_idx %arg7[%parallel_loop3A_1060] : memref<65536xi32, #tpu.memory_space<vmem>>[vector<16xi32>], vector<16xi32>,
        %parallel_loop3A_1064 = vector.bitcast %parallel_loop3A_1063 : vector<16xi32> to vector<32xbf16>
        %parallel_loop3A_1065 = arith.mulf %parallel_loop3A_1040, %parallel_loop3A_1062 : vector<32xbf16>
        %parallel_loop3A_1066 = arith.mulf %parallel_loop3A_1041, %parallel_loop3A_1064 : vector<32xbf16>
        %parallel_loop3A_1067 = arith.addf %parallel_loop3A_1065, %parallel_loop3A_1066 : vector<32xbf16>
        %parallel_loop3A_1068 = arith.mulf %parallel_loop3A_1043, %parallel_loop3A_1067 : vector<32xbf16>
        %parallel_loop3A_1069 = arith.addf %parallel_loop3A_1058, %parallel_loop3A_1068 : vector<32xbf16>
        %parallel_loop3A_1070 = arith.xori %parallel_loop3A_995, %parallel_loop3A_1023 : vector<16xi32>
        %parallel_loop3A_1071 = arith.xori %parallel_loop3A_1006, %parallel_loop3A_1023 : vector<16xi32>
        %parallel_loop3A_1072 = tpu.vector_load_idx %arg7[%parallel_loop3A_1070] : memref<65536xi32, #tpu.memory_space<vmem>>[vector<16xi32>], vector<16xi32>,
        %parallel_loop3A_1073 = vector.bitcast %parallel_loop3A_1072 : vector<16xi32> to vector<32xbf16>
        %parallel_loop3A_1074 = tpu.vector_load_idx %arg7[%parallel_loop3A_1071] : memref<65536xi32, #tpu.memory_space<vmem>>[vector<16xi32>], vector<16xi32>,
        %parallel_loop3A_1075 = vector.bitcast %parallel_loop3A_1074 : vector<16xi32> to vector<32xbf16>
        %parallel_loop3A_1076 = arith.mulf %parallel_loop3A_1040, %parallel_loop3A_1073 : vector<32xbf16>
        %parallel_loop3A_1077 = arith.mulf %parallel_loop3A_1041, %parallel_loop3A_1075 : vector<32xbf16>
        %parallel_loop3A_1078 = arith.addf %parallel_loop3A_1076, %parallel_loop3A_1077 : vector<32xbf16>
        %parallel_loop3A_1079 = arith.mulf %parallel_loop3A_1044, %parallel_loop3A_1078 : vector<32xbf16>
        %parallel_loop3A_1080 = arith.addf %parallel_loop3A_1069, %parallel_loop3A_1079 : vector<32xbf16>
        %parallel_loop3A_1081 = arith.xori %parallel_loop3A_995, %parallel_loop3A_1026 : vector<16xi32>
        %parallel_loop3A_1082 = arith.xori %parallel_loop3A_1006, %parallel_loop3A_1026 : vector<16xi32>
        %parallel_loop3A_1083 = tpu.vector_load_idx %arg7[%parallel_loop3A_1081] : memref<65536xi32, #tpu.memory_space<vmem>>[vector<16xi32>], vector<16xi32>,
        %parallel_loop3A_1084 = vector.bitcast %parallel_loop3A_1083 : vector<16xi32> to vector<32xbf16>
        %parallel_loop3A_1085 = tpu.vector_load_idx %arg7[%parallel_loop3A_1082] : memref<65536xi32, #tpu.memory_space<vmem>>[vector<16xi32>], vector<16xi32>,
        %parallel_loop3A_1086 = vector.bitcast %parallel_loop3A_1085 : vector<16xi32> to vector<32xbf16>
        %parallel_loop3A_1087 = arith.mulf %parallel_loop3A_1040, %parallel_loop3A_1084 : vector<32xbf16>
        %parallel_loop3A_1088 = arith.mulf %parallel_loop3A_1041, %parallel_loop3A_1086 : vector<32xbf16>
        %parallel_loop3A_1089 = arith.addf %parallel_loop3A_1087, %parallel_loop3A_1088 : vector<32xbf16>
        %parallel_loop3A_1090 = arith.mulf %parallel_loop3A_1045, %parallel_loop3A_1089 : vector<32xbf16>
        %parallel_loop3A_1091 = arith.addf %parallel_loop3A_1080, %parallel_loop3A_1090 : vector<32xbf16>
        %parallel_loop3A_1092 = tpu.unpack_subelements %parallel_loop3A_1091, 0 {pack_format = #tpu.pack_format<interleaved>} : vector<32xbf16> -> vector<16xf32>
        %parallel_loop3A_1093 = tpu.unpack_subelements %parallel_loop3A_1091, 1 {pack_format = #tpu.pack_format<interleaved>} : vector<32xbf16> -> vector<16xf32>
        %parallel_loop3A_1094 = arith.index_cast %parallel_loop3A_252 : i32 to index
        %parallel_loop3A_1095 = arith.constant 96 : index
        %parallel_loop3A_1096 = tpu.vector_load %arg16[%parallel_loop3A_1094, %parallel_loop3A_1095] {strides = array<i32>} : memref<32x128xf32, #tpu.memory_space<vmem>>, vector<16xf32>,
        tpu.vector_store %arg16[%parallel_loop3A_1094, %parallel_loop3A_1095], %parallel_loop3A_1092 {strides = array<i32>} : memref<32x128xf32, #tpu.memory_space<vmem>>, vector<16xf32>,
        %parallel_loop3A_1097 = arith.index_cast %parallel_loop3A_252 : i32 to index
        %parallel_loop3A_1098 = arith.constant 96 : index
        %parallel_loop3A_1099 = tpu.vector_load %arg17[%parallel_loop3A_1097, %parallel_loop3A_1098] {strides = array<i32>} : memref<32x128xf32, #tpu.memory_space<vmem>>, vector<16xf32>,
        tpu.vector_store %arg17[%parallel_loop3A_1097, %parallel_loop3A_1098], %parallel_loop3A_1093 {strides = array<i32>} : memref<32x128xf32, #tpu.memory_space<vmem>>, vector<16xf32>,
        %parallel_loop3A_1100 = arith.constant 128 : i32
        %parallel_loop3A_1101 = arith.muli %parallel_loop3A_252, %parallel_loop3A_1100 : i32
        %parallel_loop3A_1102 = arith.constant 112 : i32
        %parallel_loop3A_1103 = arith.addi %parallel_loop3A_1101, %parallel_loop3A_1102 : i32
        %parallel_loop3A_1104 = arith.index_cast %parallel_loop3A_1103 : i32 to index
        %parallel_loop3A_1105 = tpu.vector_load %arg13[%parallel_loop3A_1104] {strides = array<i32>} : memref<4096xf32, #tpu.memory_space<vmem>>, vector<16xf32>,
        %parallel_loop3A_1106 = arith.index_cast %parallel_loop3A_1103 : i32 to index
        %parallel_loop3A_1107 = tpu.vector_load %arg14[%parallel_loop3A_1106] {strides = array<i32>} : memref<4096xf32, #tpu.memory_space<vmem>>, vector<16xf32>,
        %parallel_loop3A_1108 = arith.index_cast %parallel_loop3A_1103 : i32 to index
        %parallel_loop3A_1109 = tpu.vector_load %arg15[%parallel_loop3A_1108] {strides = array<i32>} : memref<4096xf32, #tpu.memory_space<vmem>>, vector<16xf32>,
        %parallel_loop3A_1110 = vector.broadcast %convert_element_type3A : f32 to vector<16xf32>
        %parallel_loop3A_1111 = arith.mulf %parallel_loop3A_1105, %parallel_loop3A_1110 : vector<16xf32>
        %parallel_loop3A_1112 = vector.broadcast %convert_element_type3A : f32 to vector<16xf32>
        %parallel_loop3A_1113 = arith.mulf %parallel_loop3A_1107, %parallel_loop3A_1112 : vector<16xf32>
        %parallel_loop3A_1114 = vector.broadcast %convert_element_type3A : f32 to vector<16xf32>
        %parallel_loop3A_1115 = arith.mulf %parallel_loop3A_1109, %parallel_loop3A_1114 : vector<16xf32>
        %parallel_loop3A_1116 = arith.fptosi %parallel_loop3A_1111 : vector<16xf32> to vector<16xi32>
        %parallel_loop3A_1117 = arith.fptosi %parallel_loop3A_1113 : vector<16xf32> to vector<16xi32>
        %parallel_loop3A_1118 = arith.fptosi %parallel_loop3A_1115 : vector<16xf32> to vector<16xi32>
        %parallel_loop3A_1119 = arith.sitofp %parallel_loop3A_1116 : vector<16xi32> to vector<16xf32>
        %parallel_loop3A_1120 = arith.subf %parallel_loop3A_1111, %parallel_loop3A_1119 : vector<16xf32>
        %parallel_loop3A_1121 = arith.sitofp %parallel_loop3A_1117 : vector<16xi32> to vector<16xf32>
        %parallel_loop3A_1122 = arith.subf %parallel_loop3A_1113, %parallel_loop3A_1121 : vector<16xf32>
        %parallel_loop3A_1123 = arith.sitofp %parallel_loop3A_1118 : vector<16xi32> to vector<16xf32>
        %parallel_loop3A_1124 = arith.subf %parallel_loop3A_1115, %parallel_loop3A_1123 : vector<16xf32>
        %parallel_loop3A_1125 = arith.constant 1 : i32
        %parallel_loop3A_1126 = vector.broadcast %parallel_loop3A_1125 : i32 to vector<16xi32>
        %parallel_loop3A_1127 = arith.addi %parallel_loop3A_1116, %parallel_loop3A_1126 : vector<16xi32>
        %parallel_loop3A_1128 = vector.broadcast %scan3A : i32 to vector<16xi32>
        %parallel_loop3A_1129 = arith.muli %parallel_loop3A_1117, %parallel_loop3A_1128 : vector<16xi32>
        %parallel_loop3A_1130 = vector.broadcast %scan3A : i32 to vector<16xi32>
        %parallel_loop3A_1131 = arith.addi %parallel_loop3A_1129, %parallel_loop3A_1130 : vector<16xi32>
        %parallel_loop3A_1132 = vector.broadcast %scan3A_59 : i32 to vector<16xi32>
        %parallel_loop3A_1133 = arith.muli %parallel_loop3A_1118, %parallel_loop3A_1132 : vector<16xi32>
        %parallel_loop3A_1134 = vector.broadcast %scan3A_59 : i32 to vector<16xi32>
        %parallel_loop3A_1135 = arith.addi %parallel_loop3A_1133, %parallel_loop3A_1134 : vector<16xi32>
        %parallel_loop3A_1136 = arith.xori %parallel_loop3A_1129, %parallel_loop3A_1133 : vector<16xi32>
        %parallel_loop3A_1137 = vector.broadcast %scan3A_60 : i32 to vector<16xi32>
        %parallel_loop3A_1138 = arith.andi %parallel_loop3A_1136, %parallel_loop3A_1137 : vector<16xi32>
        %parallel_loop3A_1139 = arith.xori %parallel_loop3A_1129, %parallel_loop3A_1135 : vector<16xi32>
        %parallel_loop3A_1140 = vector.broadcast %scan3A_60 : i32 to vector<16xi32>
        %parallel_loop3A_1141 = arith.andi %parallel_loop3A_1139, %parallel_loop3A_1140 : vector<16xi32>
        %parallel_loop3A_1142 = arith.xori %parallel_loop3A_1131, %parallel_loop3A_1133 : vector<16xi32>
        %parallel_loop3A_1143 = vector.broadcast %scan3A_60 : i32 to vector<16xi32>
        %parallel_loop3A_1144 = arith.andi %parallel_loop3A_1142, %parallel_loop3A_1143 : vector<16xi32>
        %parallel_loop3A_1145 = arith.xori %parallel_loop3A_1131, %parallel_loop3A_1135 : vector<16xi32>
        %parallel_loop3A_1146 = vector.broadcast %scan3A_60 : i32 to vector<16xi32>
        %parallel_loop3A_1147 = arith.andi %parallel_loop3A_1145, %parallel_loop3A_1146 : vector<16xi32>
        %parallel_loop3A_1148 = arith.constant 1.000000e+00 : f32
        %parallel_loop3A_1149 = vector.broadcast %parallel_loop3A_1148 : f32 to vector<16xf32>
        %parallel_loop3A_1150 = arith.subf %parallel_loop3A_1149, %parallel_loop3A_1120 : vector<16xf32>
        %parallel_loop3A_1151 = arith.constant 1.000000e+00 : f32
        %parallel_loop3A_1152 = vector.broadcast %parallel_loop3A_1151 : f32 to vector<16xf32>
        %parallel_loop3A_1153 = arith.subf %parallel_loop3A_1152, %parallel_loop3A_1122 : vector<16xf32>
        %parallel_loop3A_1154 = arith.constant 1.000000e+00 : f32
        %parallel_loop3A_1155 = vector.broadcast %parallel_loop3A_1154 : f32 to vector<16xf32>
        %parallel_loop3A_1156 = arith.subf %parallel_loop3A_1155, %parallel_loop3A_1124 : vector<16xf32>
        %parallel_loop3A_1157 = arith.mulf %parallel_loop3A_1153, %parallel_loop3A_1156 : vector<16xf32>
        %parallel_loop3A_1158 = arith.mulf %parallel_loop3A_1153, %parallel_loop3A_1124 : vector<16xf32>
        %parallel_loop3A_1159 = arith.mulf %parallel_loop3A_1122, %parallel_loop3A_1156 : vector<16xf32>
        %parallel_loop3A_1160 = arith.mulf %parallel_loop3A_1122, %parallel_loop3A_1124 : vector<16xf32>
        %parallel_loop3A_1161 = tpu.pack_subelements %parallel_loop3A_1150, %parallel_loop3A_1150 {pack_format = #tpu.pack_format<interleaved>, positions = array<i32: 0, 1>} : vector<16xf32>, vector<16xf32> -> vector<32xbf16>
        %parallel_loop3A_1162 = tpu.pack_subelements %parallel_loop3A_1120, %parallel_loop3A_1120 {pack_format = #tpu.pack_format<interleaved>, positions = array<i32: 0, 1>} : vector<16xf32>, vector<16xf32> -> vector<32xbf16>
        %parallel_loop3A_1163 = tpu.pack_subelements %parallel_loop3A_1157, %parallel_loop3A_1157 {pack_format = #tpu.pack_format<interleaved>, positions = array<i32: 0, 1>} : vector<16xf32>, vector<16xf32> -> vector<32xbf16>
        %parallel_loop3A_1164 = tpu.pack_subelements %parallel_loop3A_1158, %parallel_loop3A_1158 {pack_format = #tpu.pack_format<interleaved>, positions = array<i32: 0, 1>} : vector<16xf32>, vector<16xf32> -> vector<32xbf16>
        %parallel_loop3A_1165 = tpu.pack_subelements %parallel_loop3A_1159, %parallel_loop3A_1159 {pack_format = #tpu.pack_format<interleaved>, positions = array<i32: 0, 1>} : vector<16xf32>, vector<16xf32> -> vector<32xbf16>
        %parallel_loop3A_1166 = tpu.pack_subelements %parallel_loop3A_1160, %parallel_loop3A_1160 {pack_format = #tpu.pack_format<interleaved>, positions = array<i32: 0, 1>} : vector<16xf32>, vector<16xf32> -> vector<32xbf16>
        %parallel_loop3A_1167 = arith.constant 0.000000e+00 : bf16
        %parallel_loop3A_1168 = vector.broadcast %parallel_loop3A_1167 : bf16 to vector<32xbf16>
        %parallel_loop3A_1169 = arith.xori %parallel_loop3A_1116, %parallel_loop3A_1138 : vector<16xi32>
        %parallel_loop3A_1170 = arith.xori %parallel_loop3A_1127, %parallel_loop3A_1138 : vector<16xi32>
        %parallel_loop3A_1171 = tpu.vector_load_idx %arg7[%parallel_loop3A_1169] : memref<65536xi32, #tpu.memory_space<vmem>>[vector<16xi32>], vector<16xi32>,
        %parallel_loop3A_1172 = vector.bitcast %parallel_loop3A_1171 : vector<16xi32> to vector<32xbf16>
        %parallel_loop3A_1173 = tpu.vector_load_idx %arg7[%parallel_loop3A_1170] : memref<65536xi32, #tpu.memory_space<vmem>>[vector<16xi32>], vector<16xi32>,
        %parallel_loop3A_1174 = vector.bitcast %parallel_loop3A_1173 : vector<16xi32> to vector<32xbf16>
        %parallel_loop3A_1175 = arith.mulf %parallel_loop3A_1161, %parallel_loop3A_1172 : vector<32xbf16>
        %parallel_loop3A_1176 = arith.mulf %parallel_loop3A_1162, %parallel_loop3A_1174 : vector<32xbf16>
        %parallel_loop3A_1177 = arith.addf %parallel_loop3A_1175, %parallel_loop3A_1176 : vector<32xbf16>
        %parallel_loop3A_1178 = arith.mulf %parallel_loop3A_1163, %parallel_loop3A_1177 : vector<32xbf16>
        %parallel_loop3A_1179 = arith.addf %parallel_loop3A_1168, %parallel_loop3A_1178 : vector<32xbf16>
        %parallel_loop3A_1180 = arith.xori %parallel_loop3A_1116, %parallel_loop3A_1141 : vector<16xi32>
        %parallel_loop3A_1181 = arith.xori %parallel_loop3A_1127, %parallel_loop3A_1141 : vector<16xi32>
        %parallel_loop3A_1182 = tpu.vector_load_idx %arg7[%parallel_loop3A_1180] : memref<65536xi32, #tpu.memory_space<vmem>>[vector<16xi32>], vector<16xi32>,
        %parallel_loop3A_1183 = vector.bitcast %parallel_loop3A_1182 : vector<16xi32> to vector<32xbf16>
        %parallel_loop3A_1184 = tpu.vector_load_idx %arg7[%parallel_loop3A_1181] : memref<65536xi32, #tpu.memory_space<vmem>>[vector<16xi32>], vector<16xi32>,
        %parallel_loop3A_1185 = vector.bitcast %parallel_loop3A_1184 : vector<16xi32> to vector<32xbf16>
        %parallel_loop3A_1186 = arith.mulf %parallel_loop3A_1161, %parallel_loop3A_1183 : vector<32xbf16>
        %parallel_loop3A_1187 = arith.mulf %parallel_loop3A_1162, %parallel_loop3A_1185 : vector<32xbf16>
        %parallel_loop3A_1188 = arith.addf %parallel_loop3A_1186, %parallel_loop3A_1187 : vector<32xbf16>
        %parallel_loop3A_1189 = arith.mulf %parallel_loop3A_1164, %parallel_loop3A_1188 : vector<32xbf16>
        %parallel_loop3A_1190 = arith.addf %parallel_loop3A_1179, %parallel_loop3A_1189 : vector<32xbf16>
        %parallel_loop3A_1191 = arith.xori %parallel_loop3A_1116, %parallel_loop3A_1144 : vector<16xi32>
        %parallel_loop3A_1192 = arith.xori %parallel_loop3A_1127, %parallel_loop3A_1144 : vector<16xi32>
        %parallel_loop3A_1193 = tpu.vector_load_idx %arg7[%parallel_loop3A_1191] : memref<65536xi32, #tpu.memory_space<vmem>>[vector<16xi32>], vector<16xi32>,
        %parallel_loop3A_1194 = vector.bitcast %parallel_loop3A_1193 : vector<16xi32> to vector<32xbf16>
        %parallel_loop3A_1195 = tpu.vector_load_idx %arg7[%parallel_loop3A_1192] : memref<65536xi32, #tpu.memory_space<vmem>>[vector<16xi32>], vector<16xi32>,
        %parallel_loop3A_1196 = vector.bitcast %parallel_loop3A_1195 : vector<16xi32> to vector<32xbf16>
        %parallel_loop3A_1197 = arith.mulf %parallel_loop3A_1161, %parallel_loop3A_1194 : vector<32xbf16>
        %parallel_loop3A_1198 = arith.mulf %parallel_loop3A_1162, %parallel_loop3A_1196 : vector<32xbf16>
        %parallel_loop3A_1199 = arith.addf %parallel_loop3A_1197, %parallel_loop3A_1198 : vector<32xbf16>
        %parallel_loop3A_1200 = arith.mulf %parallel_loop3A_1165, %parallel_loop3A_1199 : vector<32xbf16>
        %parallel_loop3A_1201 = arith.addf %parallel_loop3A_1190, %parallel_loop3A_1200 : vector<32xbf16>
        %parallel_loop3A_1202 = arith.xori %parallel_loop3A_1116, %parallel_loop3A_1147 : vector<16xi32>
        %parallel_loop3A_1203 = arith.xori %parallel_loop3A_1127, %parallel_loop3A_1147 : vector<16xi32>
        %parallel_loop3A_1204 = tpu.vector_load_idx %arg7[%parallel_loop3A_1202] : memref<65536xi32, #tpu.memory_space<vmem>>[vector<16xi32>], vector<16xi32>,
        %parallel_loop3A_1205 = vector.bitcast %parallel_loop3A_1204 : vector<16xi32> to vector<32xbf16>
        %parallel_loop3A_1206 = tpu.vector_load_idx %arg7[%parallel_loop3A_1203] : memref<65536xi32, #tpu.memory_space<vmem>>[vector<16xi32>], vector<16xi32>,
        %parallel_loop3A_1207 = vector.bitcast %parallel_loop3A_1206 : vector<16xi32> to vector<32xbf16>
        %parallel_loop3A_1208 = arith.mulf %parallel_loop3A_1161, %parallel_loop3A_1205 : vector<32xbf16>
        %parallel_loop3A_1209 = arith.mulf %parallel_loop3A_1162, %parallel_loop3A_1207 : vector<32xbf16>
        %parallel_loop3A_1210 = arith.addf %parallel_loop3A_1208, %parallel_loop3A_1209 : vector<32xbf16>
        %parallel_loop3A_1211 = arith.mulf %parallel_loop3A_1166, %parallel_loop3A_1210 : vector<32xbf16>
        %parallel_loop3A_1212 = arith.addf %parallel_loop3A_1201, %parallel_loop3A_1211 : vector<32xbf16>
        %parallel_loop3A_1213 = tpu.unpack_subelements %parallel_loop3A_1212, 0 {pack_format = #tpu.pack_format<interleaved>} : vector<32xbf16> -> vector<16xf32>
        %parallel_loop3A_1214 = tpu.unpack_subelements %parallel_loop3A_1212, 1 {pack_format = #tpu.pack_format<interleaved>} : vector<32xbf16> -> vector<16xf32>
        %parallel_loop3A_1215 = arith.index_cast %parallel_loop3A_252 : i32 to index
        %parallel_loop3A_1216 = arith.constant 112 : index
        %parallel_loop3A_1217 = tpu.vector_load %arg16[%parallel_loop3A_1215, %parallel_loop3A_1216] {strides = array<i32>} : memref<32x128xf32, #tpu.memory_space<vmem>>, vector<16xf32>,
        tpu.vector_store %arg16[%parallel_loop3A_1215, %parallel_loop3A_1216], %parallel_loop3A_1213 {strides = array<i32>} : memref<32x128xf32, #tpu.memory_space<vmem>>, vector<16xf32>,
        %parallel_loop3A_1218 = arith.index_cast %parallel_loop3A_252 : i32 to index
        %parallel_loop3A_1219 = arith.constant 112 : index
        %parallel_loop3A_1220 = tpu.vector_load %arg17[%parallel_loop3A_1218, %parallel_loop3A_1219] {strides = array<i32>} : memref<32x128xf32, #tpu.memory_space<vmem>>, vector<16xf32>,
        tpu.vector_store %arg17[%parallel_loop3A_1218, %parallel_loop3A_1219], %parallel_loop3A_1214 {strides = array<i32>} : memref<32x128xf32, #tpu.memory_space<vmem>>, vector<16xf32>,
      } {sc.loop_unroll_factor = 1 : i64, sc.parallel_access}
      %add3A_206 = arith.constant 1 : i32
      %add3A_207 = arith.addi %mul3A_106, %add3A_206 : i32
      %mul3A_208 = arith.constant 262144 : i32
      %mul3A_209 = arith.muli %add3A, %mul3A_208 : i32
      %mul3A_210 = arith.constant 4096 : i32
      %mul3A_211 = arith.muli %add3A_207, %mul3A_210 : i32
      %add3A_212 = arith.addi %mul3A_209, %mul3A_211 : i32
      %jit3A_213 = arith.constant 128 : i32
      %div3A_214 = arith.divsi %add3A_212, %jit3A_213 : i32
      %sign3A_215 = arith.constant 0 : i32
      %sign3A_216 = arith.cmpi sgt, %add3A_212, %sign3A_215 : i32
      %sign3A_217 = arith.extui %sign3A_216 : i1 to i32
      %sign3A_218 = arith.constant 0 : i32
      %sign3A_219 = arith.cmpi slt, %add3A_212, %sign3A_218 : i32
      %sign3A_220 = arith.extui %sign3A_219 : i1 to i32
      %sign3A_221 = arith.subi %sign3A_217, %sign3A_220 : i32
      %sign3A_222 = arith.constant 0 : i32
      %sign3A_223 = arith.cmpi sgt, %jit3A_213, %sign3A_222 : i32
      %sign3A_224 = arith.extui %sign3A_223 : i1 to i32
      %sign3A_225 = arith.constant 0 : i32
      %sign3A_226 = arith.cmpi slt, %jit3A_213, %sign3A_225 : i32
      %sign3A_227 = arith.extui %sign3A_226 : i1 to i32
      %sign3A_228 = arith.subi %sign3A_224, %sign3A_227 : i32
      %ne3A_229 = arith.cmpi ne, %sign3A_221, %sign3A_228 : i32
      %rem3A_230 = arith.remsi %add3A_212, %jit3A_213 : i32
      %ne3A_231 = arith.constant 0 : i32
      %ne3A_232 = arith.cmpi ne, %rem3A_230, %ne3A_231 : i32
      %and3A_233 = arith.andi %ne3A_229, %ne3A_232 : i1
      %sub3A_234 = arith.constant 1 : i32
      %sub3A_235 = arith.subi %div3A_214, %sub3A_234 : i32
      %select_n3A_236 = arith.select %and3A_233, %sub3A_235, %div3A_214 : i32
      %dma_start3A_237 = arith.constant 0 : i32
      %dma_start3A_238 = tpu.memref_slice %arg6[%select_n3A_43, %select_n3A_236, %mul3A_47, %dma_start3A_237] : memref<2x8192x8x128xf32, #tpu.memory_space<hbm>> -> memref<1x32x1x128xf32, #tpu.memory_space<hbm>>
      %dma_start3A_239 = tpu.memref_squeeze %dma_start3A_238 : memref<1x32x1x128xf32, #tpu.memory_space<hbm>> -> memref<32x128xf32, #tpu.memory_space<hbm>>
      %dma_start3A_240 = arith.constant 0 : i32
      %dma_start3A_241 = tpu.memref_slice %arg6[%select_n3A_43, %select_n3A_236, %mul3A_47, %dma_start3A_240] : memref<2x8192x8x128xf32, #tpu.memory_space<hbm>> -> memref<1x32x1x128xf32, #tpu.memory_space<hbm>>
      %dma_start3A_242 = tpu.memref_squeeze %dma_start3A_241 : memref<1x32x1x128xf32, #tpu.memory_space<hbm>> -> memref<32x128xf32, #tpu.memory_space<hbm>>
      tpu.enqueue_dma source(%arg16 : memref<32x128xf32, #tpu.memory_space<vmem>>) target(%dma_start3A_242 : memref<32x128xf32, #tpu.memory_space<hbm>>) target_semaphore(%arg21 : memref<!tpu.dma_semaphore, #tpu.memory_space<semaphore_mem>>)
      %add3A_243 = arith.constant 1 : i32
      %add3A_244 = arith.addi %mul3A_47, %add3A_243 : i32
      %dma_start3A_245 = arith.constant 0 : i32
      %dma_start3A_246 = tpu.memref_slice %arg6[%select_n3A_43, %select_n3A_236, %add3A_244, %dma_start3A_245] : memref<2x8192x8x128xf32, #tpu.memory_space<hbm>> -> memref<1x32x1x128xf32, #tpu.memory_space<hbm>>
      %dma_start3A_247 = tpu.memref_squeeze %dma_start3A_246 : memref<1x32x1x128xf32, #tpu.memory_space<hbm>> -> memref<32x128xf32, #tpu.memory_space<hbm>>
      %dma_start3A_248 = arith.constant 0 : i32
      %dma_start3A_249 = tpu.memref_slice %arg6[%select_n3A_43, %select_n3A_236, %add3A_244, %dma_start3A_248] : memref<2x8192x8x128xf32, #tpu.memory_space<hbm>> -> memref<1x32x1x128xf32, #tpu.memory_space<hbm>>
      %dma_start3A_250 = tpu.memref_squeeze %dma_start3A_249 : memref<1x32x1x128xf32, #tpu.memory_space<hbm>> -> memref<32x128xf32, #tpu.memory_space<hbm>>
      tpu.enqueue_dma source(%arg17 : memref<32x128xf32, #tpu.memory_space<vmem>>) target(%dma_start3A_250 : memref<32x128xf32, #tpu.memory_space<hbm>>) target_semaphore(%arg21 : memref<!tpu.dma_semaphore, #tpu.memory_space<semaphore_mem>>)
      %scan3A_251 = arith.constant 0 : i32
      scf.yield %scan3A_251 : i32
    }
    %scan3A_67 = arith.constant 32 : i32
    %dma_wait3A = arith.constant 0 : i32
    %dma_wait3A_68 = arith.constant 0 : i32
    %dma_wait3A_69 = tpu.memref_slice %arg6[%select_n3A_43, %dma_wait3A, %mul3A_47, %dma_wait3A_68] : memref<2x8192x8x128xf32, #tpu.memory_space<hbm>> -> memref<1x32x1x128xf32, #tpu.memory_space<hbm>>
    %dma_wait3A_70 = tpu.memref_squeeze %dma_wait3A_69 : memref<1x32x1x128xf32, #tpu.memory_space<hbm>> -> memref<32x128xf32, #tpu.memory_space<hbm>>
    %dma_wait3A_71 = arith.constant 0 : i32
    %dma_wait3A_72 = arith.constant 0 : i32
    %dma_wait3A_73 = tpu.memref_slice %arg6[%select_n3A_43, %dma_wait3A_71, %mul3A_47, %dma_wait3A_72] : memref<2x8192x8x128xf32, #tpu.memory_space<hbm>> -> memref<1x32x1x128xf32, #tpu.memory_space<hbm>>
    %dma_wait3A_74 = tpu.memref_squeeze %dma_wait3A_73 : memref<1x32x1x128xf32, #tpu.memory_space<hbm>> -> memref<32x128xf32, #tpu.memory_space<hbm>>
    tpu.wait_dma2 semaphore(%arg20 : memref<!tpu.dma_semaphore, #tpu.memory_space<semaphore_mem>>) src(%arg11 : memref<32x128xf32, #tpu.memory_space<vmem>>) dst(%dma_wait3A_74 : memref<32x128xf32, #tpu.memory_space<hbm>>)
    %add3A_75 = arith.constant 1 : i32
    %add3A_76 = arith.addi %mul3A_47, %add3A_75 : i32
    %dma_wait3A_77 = arith.constant 0 : i32
    %dma_wait3A_78 = arith.constant 0 : i32
    %dma_wait3A_79 = tpu.memref_slice %arg6[%select_n3A_43, %dma_wait3A_77, %add3A_76, %dma_wait3A_78] : memref<2x8192x8x128xf32, #tpu.memory_space<hbm>> -> memref<1x32x1x128xf32, #tpu.memory_space<hbm>>
    %dma_wait3A_80 = tpu.memref_squeeze %dma_wait3A_79 : memref<1x32x1x128xf32, #tpu.memory_space<hbm>> -> memref<32x128xf32, #tpu.memory_space<hbm>>
    %dma_wait3A_81 = arith.constant 0 : i32
    %dma_wait3A_82 = arith.constant 0 : i32
    %dma_wait3A_83 = tpu.memref_slice %arg6[%select_n3A_43, %dma_wait3A_81, %add3A_76, %dma_wait3A_82] : memref<2x8192x8x128xf32, #tpu.memory_space<hbm>> -> memref<1x32x1x128xf32, #tpu.memory_space<hbm>>
    %dma_wait3A_84 = tpu.memref_squeeze %dma_wait3A_83 : memref<1x32x1x128xf32, #tpu.memory_space<hbm>> -> memref<32x128xf32, #tpu.memory_space<hbm>>
    tpu.wait_dma2 semaphore(%arg20 : memref<!tpu.dma_semaphore, #tpu.memory_space<semaphore_mem>>) src(%arg12 : memref<32x128xf32, #tpu.memory_space<vmem>>) dst(%dma_wait3A_84 : memref<32x128xf32, #tpu.memory_space<hbm>>)
    %dma_wait3A_85 = arith.constant 0 : i32
    %dma_wait3A_86 = arith.constant 0 : i32
    %dma_wait3A_87 = tpu.memref_slice %arg6[%select_n3A_43, %dma_wait3A_85, %mul3A_47, %dma_wait3A_86] : memref<2x8192x8x128xf32, #tpu.memory_space<hbm>> -> memref<1x32x1x128xf32, #tpu.memory_space<hbm>>
    %dma_wait3A_88 = tpu.memref_squeeze %dma_wait3A_87 : memref<1x32x1x128xf32, #tpu.memory_space<hbm>> -> memref<32x128xf32, #tpu.memory_space<hbm>>
    %dma_wait3A_89 = arith.constant 0 : i32
    %dma_wait3A_90 = arith.constant 0 : i32
    %dma_wait3A_91 = tpu.memref_slice %arg6[%select_n3A_43, %dma_wait3A_89, %mul3A_47, %dma_wait3A_90] : memref<2x8192x8x128xf32, #tpu.memory_space<hbm>> -> memref<1x32x1x128xf32, #tpu.memory_space<hbm>>
    %dma_wait3A_92 = tpu.memref_squeeze %dma_wait3A_91 : memref<1x32x1x128xf32, #tpu.memory_space<hbm>> -> memref<32x128xf32, #tpu.memory_space<hbm>>
    tpu.wait_dma2 semaphore(%arg21 : memref<!tpu.dma_semaphore, #tpu.memory_space<semaphore_mem>>) src(%arg16 : memref<32x128xf32, #tpu.memory_space<vmem>>) dst(%dma_wait3A_92 : memref<32x128xf32, #tpu.memory_space<hbm>>)
    %add3A_93 = arith.constant 1 : i32
    %add3A_94 = arith.addi %mul3A_47, %add3A_93 : i32
    %dma_wait3A_95 = arith.constant 0 : i32
    %dma_wait3A_96 = arith.constant 0 : i32
    %dma_wait3A_97 = tpu.memref_slice %arg6[%select_n3A_43, %dma_wait3A_95, %add3A_94, %dma_wait3A_96] : memref<2x8192x8x128xf32, #tpu.memory_space<hbm>> -> memref<1x32x1x128xf32, #tpu.memory_space<hbm>>
    %dma_wait3A_98 = tpu.memref_squeeze %dma_wait3A_97 : memref<1x32x1x128xf32, #tpu.memory_space<hbm>> -> memref<32x128xf32, #tpu.memory_space<hbm>>
    %dma_wait3A_99 = arith.constant 0 : i32
    %dma_wait3A_100 = arith.constant 0 : i32
    %dma_wait3A_101 = tpu.memref_slice %arg6[%select_n3A_43, %dma_wait3A_99, %add3A_94, %dma_wait3A_100] : memref<2x8192x8x128xf32, #tpu.memory_space<hbm>> -> memref<1x32x1x128xf32, #tpu.memory_space<hbm>>
    %dma_wait3A_102 = tpu.memref_squeeze %dma_wait3A_101 : memref<1x32x1x128xf32, #tpu.memory_space<hbm>> -> memref<32x128xf32, #tpu.memory_space<hbm>>
    tpu.wait_dma2 semaphore(%arg21 : memref<!tpu.dma_semaphore, #tpu.memory_space<semaphore_mem>>) src(%arg17 : memref<32x128xf32, #tpu.memory_space<vmem>>) dst(%dma_wait3A_102 : memref<32x128xf32, #tpu.memory_space<hbm>>)
    return
  }
}

</mosaic_0001>

<sc_bundles>
// kernel: kernel.3.cloned.1.call-start
scs
__scs_entry_jumppad:
0x0: {  	(pc) =	sbr.rel $0x88, $3  }
0x1: {  	(tag) =	ssettag $0x0;
	lr =	simm.s32 $0x1  }
0x2: {  	[smem:$0x3F9F] =	sst lr;
	_ =	strace $0xD0000000  }
0x3: {  	_ = 	snop  }
0x4: {  	_ = 	snop  }
0x5: {  	_ = 	snop  }
0x6: {  	_ = 	snop  }
0x7: {  	_ = 	snop  }
__scs_overlays_trampoline_lowered:
0x8: {  	[smem:$0x3FAE] =	sst s0  }
0x9: {  	[smem:$0x3FAF] =	sst s1  }
0xa: {  	[smem:$0x3FB0] =	sst s2  }
0xb: {  	[smem:$0x3FB1] =	sst s3  }
0xc: {  	[smem:$0x3FB2] =	sst s4  }
0xd: {  	[smem:$0x3FB3] =	sst s5  }
0xe: {  	[smem:$0x3FB4] =	sst s6  }
0xf: {  	[smem:$0x3FB5] =	sst s7  }
0x10: {  	[smem:$0x3FB6] =	sst s8  }
0x11: {  	[smem:$0x3FB7] =	sst s9;
	s0 =	simm.s32 @!p0 $0x0  }
0x12: {  	s1 =	sld [smem:$0x3F9D];
	s0 =	simm.s32 @p0 $0x1  }
0x13: {  	[smem:$0x3FB8] =	sst s0;
	s0 =	simm.s32 @!p1 $0x0  }
0x14: {  	s2 =	sld [smem:$0x3F9C];
	s0 =	simm.s32 @p1 $0x1  }
0x15: {  	[smem:$0x3FB9] =	sst s0;
	s0 =	simm.s32 @!p2 $0x0  }
0x16: {  	s3 =	sld [smem:$0x3FDB];
	s0 =	simm.s32 @p2 $0x1  }
0x17: {  	s4 =	simm.s32 $0x1BF5;
	[smem:$0x3FBB] =	sst s0  }
0x18: {  	s0 =	sld [smem:$0x3F9E];
	_ =	swait.ge [sflag:s4], $0x0  }
0x19: {  	s7 =	sld [smem:$0x3F9F]  }
0x1a: {  	s8 =	sadd.s32 $0xFFFFE003, lr  }
0x1b: {  	s9 =	sadd.s32 $0xFFFFFEF7, lr;
	s5 =	simm.s32 $0xFFFFFFFF;
	p2 =	slt.u32 s8, $0xFFFFF086  }
0x1c: {  	p1 =	slt.u32 s9, $0xF7A;
	s5 =	simm.s32 @!p2 $0x0  }
0x1d: {  	s5 =	simm.s32 @p1 $0x1;
	p0 =	seq.s32 s7, s2  }
0x1e: {  	s7 =	smul.u32 @!p0 $0xF7A, s2;
	p2 =	seq.s32 @!p0 s5, $0x0  }
0x1f: {  	s9 =	smul.u32 $0xF7A, s1;
	s8 =	simm.s32 @!p0 $0x1BF5;
	p2 =	por !p2, p0  }
0x20: {  	[sflag:s8] =	ssyncset.s32 @!p0 $0xFFFFF086;
	s6 =	sadd.s32 @!p0 s3, s7;
	s7 =	simm.s32 @!p0 $0x108  }
0x21: {  	s3 =	sadd.s32 s3, s9;
	s6 =	sadd.s32 @!p0 $0x88, s6;
	s7 =	simm.s32 @p2 $0x1082  }
0x22: {  	[simem:s7], [sflag:s8] =	dma.local @!p0 [hbm:s6], $0xF7A  }
0x23: {  	s9 =	sor.u32 $0xD0000000, s2;
	s6 =	simm.s32 $0x108;
	_ =	swait.ge @!p0 [sflag:s8], $0x0  }
0x24: {  	s3 =	sadd.s32 $0x88, s3;
	s6 =	simm.s32 @!p1 $0x1082;
	[sflag:s4] =	ssyncset.s32 $0xFFFFF086  }
0x25: {  	[simem:s6], [sflag:s4] =	dma.local [hbm:s3], $0xF7A  }
0x26: {  	[smem:$0x3F9F] =	sst s1;
	(tag) =	ssettag s2;
	_ =	strace s9  }
0x27: {  	s1 =	sld [smem:$0x3FAF]  }
0x28: {  	s2 =	sld [smem:$0x3FB0]  }
0x29: {  	s4 =	sld [smem:$0x3FB2]  }
0x2a: {  	p0 =	seq.s32 s5, $0x0;
	s5 =	sld [smem:$0x3FB3]  }
0x2b: {  	s6 =	sld [smem:$0x3FB4]  }
0x2c: {  	s7 =	sld [smem:$0x3FB5]  }
0x2d: {  	s3 =	simm.s32 $0x108;
	s8 =	sld [smem:$0x3FB6]  }
0x2e: {  	s3 =	simm.s32 @!p0 $0x1082;
	s9 =	sld [smem:$0x3FB7]  }
0x2f: {  	lr =	sadd.s32 s0, s3;
	s0 =	sld [smem:$0x3FAE]  }
0x30: {  	s3 =	sld [smem:$0x3FB1]  }
0x31: {  	[smem:$0x3FBA] =	sst s10  }
0x32: {  	s10 =	sld [smem:$0x3FB8];
	_ =	sdelay $0x3  }
0x33: {  	p0 =	seq.s32 s10, $0x1;
	s10 =	sld [smem:$0x3FBA];
	_ =	sdelay $0x3  }
0x34: {  	[smem:$0x3FBA] =	sst s10  }
0x35: {  	s10 =	sld [smem:$0x3FB9];
	_ =	sdelay $0x3  }
0x36: {  	p1 =	seq.s32 s10, $0x1;
	s10 =	sld [smem:$0x3FBA];
	_ =	sdelay $0x3  }
0x37: {  	[smem:$0x3FBA] =	sst s10  }
0x38: {  	s10 =	sld [smem:$0x3FBB]  }
0x39: {  	_ = 	snop;
	(pc) =	sbr.ind lr, $3  }
0x3a: {  	_ = 	snop  }
0x3b: {  	_ = 	snop  }
0x3c: {  	p2 =	seq.s32 s10, $0x1;
	s10 =	sld [smem:$0x3FBA]  }
0x3d: {  	_ =	shalt  }
0x3e: {  	_ =	shalt  }
0x3f: {  	_ =	shalt  }
0x40: {  	_ =	shalt  }
0x41: {  	_ =	shalt  }
0x42: {  	_ =	shalt  }
0x43: {  	_ =	shalt  }
0x44: {  	_ =	shalt  }
0x45: {  	_ =	shalt  }
0x46: {  	_ =	shalt  }
0x47: {  	_ =	shalt  }
0x48: {  	_ =	shalt  }
0x49: {  	_ =	shalt  }
0x4a: {  	_ =	shalt  }
0x4b: {  	_ =	shalt  }
0x4c: {  	_ =	shalt  }
0x4d: {  	_ =	shalt  }
0x4e: {  	_ =	shalt  }
0x4f: {  	_ =	shalt  }
0x50: {  	_ =	shalt  }
0x51: {  	_ =	shalt  }
0x52: {  	_ =	shalt  }
0x53: {  	_ =	shalt  }
0x54: {  	_ =	shalt  }
0x55: {  	_ =	shalt  }
0x56: {  	_ =	shalt  }
0x57: {  	_ =	shalt  }
0x58: {  	_ =	shalt  }
0x59: {  	_ =	shalt  }
0x5a: {  	_ =	shalt  }
0x5b: {  	_ =	shalt  }
0x5c: {  	_ =	shalt  }
0x5d: {  	_ =	shalt  }
0x5e: {  	_ =	shalt  }
0x5f: {  	_ =	shalt  }
0x60: {  	_ =	shalt  }
0x61: {  	_ =	shalt  }
0x62: {  	_ =	shalt  }
0x63: {  	_ =	shalt  }
0x64: {  	_ =	shalt  }
0x65: {  	_ =	shalt  }
0x66: {  	_ =	shalt  }
0x67: {  	_ =	shalt  }
0x68: {  	_ =	shalt  }
0x69: {  	_ =	shalt  }
0x6a: {  	_ =	shalt  }
0x6b: {  	_ =	shalt  }
0x6c: {  	_ =	shalt  }
0x6d: {  	_ =	shalt  }
0x6e: {  	_ =	shalt  }
0x6f: {  	_ =	shalt  }
0x70: {  	_ =	shalt  }
0x71: {  	_ =	shalt  }
0x72: {  	_ =	shalt  }
0x73: {  	_ =	shalt  }
0x74: {  	_ =	shalt  }
0x75: {  	_ =	shalt  }
0x76: {  	_ =	shalt  }
0x77: {  	_ =	shalt  }
0x78: {  	_ =	shalt  }
0x79: {  	_ =	shalt  }
0x7a: {  	_ =	shalt  }
0x7b: {  	_ =	shalt  }
0x7c: {  	_ =	shalt  }
0x7d: {  	_ =	shalt  }
0x7e: {  	_ =	shalt  }
0x7f: {  	_ =	shalt  }
0x80: {  	_ =	shalt  }
0x81: {  	_ =	shalt  }
0x82: {  	_ =	shalt  }
0x83: {  	_ =	shalt  }
0x84: {  	_ =	shalt  }
0x85: {  	_ =	shalt  }
0x86: {  	_ =	shalt  }
0x87: {  	_ =	shalt  }
.Lfunc_end0:
.L_simem_size_0:
called_computation_lowered:
.L_overlay_start_0:
0x88: {  	s2 =	sld [smem:$0x3FD9]  }
0x89: {  	s3 =	sld [smem:$0x3FFE];
	_ =	sdelay $0x1  }
0x8a: {  	s1 =	srdreg.scid  }
0x8b: {  	s0 =	sand.u32 $0x1, s1  }
0x8c: {  	s17 =	sshll.u32 s0, $0xA;
	s2 =	sadd.s32 s3, s2  }
0x8d: {  	s2 =	sadd.s32 s2, s17  }
0x8e: {  	[smem:$0x3FC6] =	sst s2  }
0x8f: {  	_ = 	snop  }
0x90: {  	s2 =	sld [smem:$0x3FD0];
	(tm) =	ssettm $0x1  }
0x91: {  	s18 =	sld [smem:$0x3FFB];
	_ =	sdelay $0x3  }
0x92: {  	_ =	strace s18  }
0x93: {  	s3 =	sld [smem:$0x3FFC];
	_ =	sdelay $0x3  }
0x94: {  	_ =	strace s3  }
0x95: {  	s3 =	sld [smem:$0x3FFD];
	_ =	sdelay $0x3  }
0x96: {  	_ =	strace s3  }
0x97: {  	_ =	strace $0x8FFFFFFF  }
0x98: {  	s19 =	sld [smem:$0x3FDB];
	_ =	sdelay $0x1  }
0x99: {  	s4 =	simm.s32 $_scs_section_size  }
0x9a: {  	s5 =	simm.s32 $_size__tile_overlayer_lowered;
	s6 =	simm.s32 $_tile_overlayer_lowered  }
0x9b: {  	s22 =	simm.s32 $0x1BFF;
	s21 =	sshll.u32 s6, $0x1;
	s3 =	sadd.s32 s4, s19  }
0x9c: {  	s7 =	simm.s32 $0x0;
	s20 =	sshll.u32 s5, $0x1;
	s5 =	sadd.s32 s21, s3  }
0x9d: {  	[timem:s7], [sflag:s22] =	dma.local [hbm:s5], s20  }
0x9e: {  	_ =	swait.ge [sflag:s22], s20  }
0x9f: {  	s4 =	ssub.s32 $0x0, s20;
	[sflag:s22] =	ssyncset.done $0x0  }
0xa0: {  	[sflag:s22] =	ssyncadd.s32 s4;
	_ =	sdelay $0x1  }
0xa1: {  	s23 =	simm.s32 $0x1B8B  }
0xa2: {  	_ =	swait.ge [sflag:s23], $0x1  }
0xa3: {  	[sflag:s23] =	ssyncset.done $0x0  }
0xa4: {  	s25 =	simm.s32 $0x1B8E;
	s24 =	sld [smem:$0x3FFE];
	[sflag:s23] =	ssyncadd.s32 $0xFFFFFFFF  }
0xa5: {  	s26 =	simm.s32 $execute0_lowered;
	[smem:$0x3FD2] =	sst s25  }
0xa6: {  	s5 =	sshll.u32 s26, $0x1;
	_ =	strace $0x80000046;
	[dreg:$0x1] =	wrdreg $0xFFFFFFFF  }
0xa7: {  	s28 =	simm.s32 $_size_execute0_lowered;
	s3 =	sadd.s32 s3, s5;
	[dreg:$0x0] =	wrdreg $0x0  }
0xa8: {  	s5 =	sshll.u32 s28, $0x1;
	[dreg:$0x2] =	wrdreg s3  }
0xa9: {  	[dreg:$0x3] =	wrdreg s5  }
0xaa: {  	[dreg:$0x4] =	wrdreg $0xC0  }
0xab: {  	_ =	task [dreg:s7], $0x5FFFF  }
0xac: {  	[dreg:$0x1] =	wrdreg $0xFFFFFFFF  }
0xad: {  	[dreg:$0x0] =	wrdreg $0x60  }
0xae: {  	[dreg:$0x2] =	wrdreg s24  }
0xaf: {  	[dreg:$0x3] =	wrdreg s2  }
0xb0: {  	[dreg:$0x4] =	wrdreg $0x9  }
0xb1: {  	_ =	task.clear_ibuf [dreg:s7], $0x5FFFF;
	_ =	strace $0x90000046  }
0xb2: {  	s29 =	simm.s32 $0x9;
	_ =	strace $0x80000048  }
0xb3: {  	_ =	swait.ge [sflag:s29], $0x1  }
0xb4: {  	[sflag:s29] =	ssyncadd.s32 $0xFFFFFFFF  }
0xb5: {  	_ =	strace $0x90000048  }
0xb6: {  	_ =	sfence  }
0xb7: {  	s30 =	sld [smem:$0x0];
	_ =	sdelay $0x2  }
0xb8: {  	s31 =	sshll.u32 s1, $0xD;
	s1 =	sshrl.u32 s1, $0x2  }
0xb9: {  	s3 =	sand.u32 $0x4000, s31;
	s1 =	sadd.s32 s1, s30  }
0xba: {  	s0 =	sor.u32 s3, s0;
	s1 =	sshll.u32 s1, $0x11  }
0xbb: {  	s0 =	sor.u32 s1, s0  }
0xbc: {  	s0 =	sadd.s32 $0x8F2B, s0  }
0xbd: {  	[sflag:s0] =	ssyncadd.remote.s32 $0x1  }
0xbe: {  	_ =	sfence.sel $0xFFFF  }
0xbf: {  	[dreg:$0x0] =	wrdreg $0xFFFFFFFF;
	(pc) =	sbr.abs _section_cstart, $3  }
0xc0: {  	[dreg:$0x1] =	wrdreg $0xFFFFFFFF  }
0xc1: {  	_ =	task.clear_ibuf [dreg:s7], $0x2FFFF;
	_ =	strace $0x9FFFFFFF  }
0xc2: {  	(tm) =	ssettm $0x7FFFFFFF  }
0xc3: {  	_ =	shalt  }
tec
execute0_lowered:
.L_overlay_start_1:
0x0: {  	(tag) =	ssettag $0x1  }
0x1: {  	s0 =	rddreg [dreg:$0x0]  }
0x2: {  	s1 =	rddreg [dreg:$0x1];
	s2 =	simm.s32 $0x0;
	s3 =	srdreg.scid  }
0x3: {  	s11 =	stileid.u32;
	s18 =	simm.s32 $0x10;
	s28 =	simm.s32 $0x400  }
0x4: {  	s29 =	simm.s32 $0x13000;
	s30 =	simm.s32 $0x14000;
	s31 =	simm.s32 $0x2  }
0x5: {  	[smem:$0x7FF] =	sst s2;
	s4 =	sadd.s32 $0x50200, s0;
	s3 =	sand.u32 $0x1, s3  }
0x6: {  	s5 =	sadd.s32 $0x30200, s0;
	s7 =	sand.u32 $0x7, s11;
	s6 =	sadd.s32 $0x10200, s0  }
0x7: {  	s17 =	sshll.u32 s11, $0xF;
	s19 =	sshll.u32 s11, $0x8;
	s23 =	sshll.u32 s11, $0x15  }
0x8: {  	_ =	strace $0x80000047;
	s8 =	ssub.s32 $0x2, s3;
	s9 =	sshll.u32 s7, $0xD  }
0x9: {  	s3 =	sshll.u32 s3, $0x13;
	s7 =	sshll.u32 s18, s7;
	s11 =	sand.u32 $0x800000, s23  }
0xa: {  	s23 =	simm.s32 $0x16000;
	s10 =	sshrl.u32 s8, $0x1;
	s0 =	sadd.s32 s9, s0  }
0xb: {  	s9 =	sand.u32 $0x40000, s17;
	s20 =	scvt.s32.f32 s7;
	s7 =	sand.u32 $0x300, s19  }
0xc: {  	s19 =	simm.s32 $0x3;
	s8 =	ssub.s32 s8, s10;
	s3 =	sor.u32 s3, s9  }
0xd: {  	s0 =	sadd.s32 $0x200, s0;
	s14 =	sor.u32 $0x80, s7;
	s21 =	sshrl.u32 s3, $0x3  }
0xe: {  	[dreg:$0x3] =	wrdreg s0;
	s25 =	sshll.u32 s3, $0x3;
	s15 =	sor.u32 $0x2000, s3  }
0xf: {  	s26 =	smax.u32 s8, $0x1;
	s17 =	sor.u32 $0x1000, s3;
	s0 =	simm.s32 $0x18000  }
0x10: {  	s3 =	simm.s32 $0x19000;
	v0 =	vmov s20;
	s20 =	simm.s32 $0x4;
	s22 =	sadd.s32 s4, s21  }
0x11: {  	s24 =	sadd.s32 s5, s21;
	s10 =	sadd.s32 s6, s21;
	[dreg:$0x7] =	wrdreg s26  }
0x12: {  	s13 =	sor.u32 s11, s25;
	s25 =	simm.s32 $0x1;
	[dreg:$0x4] =	wrdreg s22  }
0x13: {  	s26 =	simm.s32 $0x80;
	s21 =	simm.s32 $0x0;
	[dreg:$0x5] =	wrdreg s24  }
0x14: {  	v1 =	vimm.bf16 $0.0e+00;
	[dreg:$0x6] =	wrdreg s10;
	s22 =	simm.s32 $0x15000;
	s24 =	simm.s32 $0x17000  }
.LBB2_1:
0x15: {  	s8 =	rddreg [dreg:$0x3];
	s16 =	simm.s32 $0x5  }
0x16: {  	[tilespmem:s2], [sflag:$0x5] =	stream.linear.gather [hbm4b:s8+s2], $0x10000, $0x38;
	[tilespmem:$0x1A000] =	vst v63  }
0x17: {  	_ =	swait.ge [sflag:s16], $0x10000  }
0x18: {  	[sflag:s16] =	ssyncset.done $0x0  }
0x19: {  	s9 =	simm.s32 $0x10000;
	s18 =	rddreg [dreg:$0x4];
	[sflag:s16] =	ssyncadd.s32 $0xFFFF0000  }
0x1a: {  	[tilespmem:s9], [sflag:$0x1] =	stream.linear.gather [hbm4b:s18+s2], $0x1000, $0x38;
	[tilespmem:$0x1A000] =	vst v63  }
0x1b: {  	s12 =	simm.s32 $0x11000;
	s10 =	rddreg [dreg:$0x5]  }
0x1c: {  	[tilespmem:s12], [sflag:$0x1] =	stream.linear.gather [hbm4b:s10+s2], $0x1000, $0x38;
	[tilespmem:$0x1A000] =	vst v63  }
0x1d: {  	s8 =	simm.s32 $0x0;
	s16 =	rddreg [dreg:$0x6];
	s18 =	simm.s32 $0x12000  }
0x1e: {  	[tilespmem:s18], [sflag:$0x1] =	stream.linear.gather [hbm4b:s16+s2], $0x1000, $0x38;
	[tilespmem:$0x1A000] =	vst v63  }
.LBB2_2:
0x1f: {  	s10 =	sshll.u32 s8, $0xD  }
0x20: {  	s9 =	sor.u32 s17, s10  }
0x21: {  	s12 =	sshrl.u32 s9, $0x3  }
0x22: {  	s16 =	sadd.s32 s4, s12  }
0x23: {  	[tilespmem:s22], [sflag:$0x2] =	stream.linear.gather [hbm4b:s16+s2], $0x1000, $0x38;
	[tilespmem:$0x1A000] =	vst v63  }
0x24: {  	s18 =	sadd.s32 s5, s12  }
0x25: {  	[tilespmem:s23], [sflag:$0x2] =	stream.linear.gather [hbm4b:s18+s2], $0x1000, $0x38;
	[tilespmem:$0x1A000] =	vst v63  }
0x26: {  	s12 =	sadd.s32 s6, s12  }
0x27: {  	[tilespmem:s24], [sflag:$0x2] =	stream.linear.gather [hbm4b:s12+s2], $0x1000, $0x38;
	[tilespmem:$0x1A000] =	vst v63  }
0x28: {  	_ =	swait.ge [sflag:s25], $0x1000  }
0x29: {  	[sflag:s25] =	ssyncset.done $0x0  }
0x2a: {  	[sflag:s25] =	ssyncadd.s32 $0xFFFFF000  }
0x2b: {  	_ =	swait.ge [sflag:s25], $0x1000  }
0x2c: {  	[sflag:s25] =	ssyncset.done $0x0  }
0x2d: {  	[sflag:s25] =	ssyncadd.s32 $0xFFFFF000  }
0x2e: {  	_ =	swait.ge [sflag:s25], $0x1000  }
0x2f: {  	p0 =	seq.s32 s8, $0x0;
	[sflag:s25] =	ssyncset.done $0x0  }
0x30: {  	s12 =	simm.s32 @!p0 $0x3;
	[sflag:s25] =	ssyncadd.s32 $0xFFFFF000  }
0x31: {  	_ =	swait.ge @!p0 [sflag:s12], $0x1000  }
0x32: {  	[sflag:s12] =	ssyncset.done @!p0 $0x0  }
0x33: {  	[sflag:s12] =	ssyncadd.s32 @!p0 $0xFFFFF000  }
0x34: {  	_ =	swait.ge @!p0 [sflag:s12], $0x1000  }
0x35: {  	[sflag:s12] =	ssyncset.done @!p0 $0x0  }
0x36: {  	[sflag:s12] =	ssyncadd.s32 @!p0 $0xFFFFF000;
	s12 =	simm.s32 $0x0  }
0x37: {  	v2 =	vld [tilespmem:s12+$0x11000]  }
0x38: {  	v3 =	vld [tilespmem:s12+$0x12000];
	_ =	sdelay $0x3  }
0x39: {  	v4 =	vld [tilespmem:s12+$0x10000]  }
0x3a: {  	v2 =	vmul.f32 v2, v0;
	v3 =	vmul.f32 v3, v0;
	_ =	sdelay $0x1  }
0x3b: {  	v5 =	vtrunc.f32 v2;
	v6 =	vtrunc.f32 v3  }
0x3c: {  	v5 =	vcvt.f32.s32 v5;
	v6 =	vcvt.f32.s32 v6  }
0x3d: {  	v4 =	vmul.f32 v4, v0  }
0x3e: {  	v7 =	vmul.u32 $0x9E3779B1, v5;
	v8 =	vmul.u32 $0x30025795, v6  }
0x3f: {  	v9 =	vtrunc.f32 v4  }
0x40: {  	v10 =	vld [tilespmem:s12+$0x10010];
	v9 =	vcvt.f32.s32 v9;
	v11 =	vxor.u32 v7, v8  }
0x41: {  	v12 =	vld [tilespmem:s12+$0x11010];
	v13 =	vadd.s32 $0x9E3779B1, v7;
	v14 =	vadd.s32 $0x30025795, v8;
	v11 =	vand.u32 $0xFFFF, v11  }
0x42: {  	v16 =	vadd.s32 $0x1, v9;
	v17 =	vxor.u32 v13, v14;
	v18 =	vxor.u32 v9, v11  }
0x43: {  	v15 =	vld [tilespmem:s12+$0x12010];
	v7 =	vxor.u32 v7, v14;
	v14 =	vand.u32 $0xFFFF, v17;
	v11 =	vxor.u32 v16, v11  }
0x44: {  	v8 =	vxor.u32 v8, v13;
	v7 =	vand.u32 $0xFFFF, v7;
	v17 =	vxor.u32 v9, v14  }
0x45: {  	v8 =	vand.u32 $0xFFFF, v8;
	v13 =	vxor.u32 v9, v7;
	v7 =	vxor.u32 v16, v7  }
0x46: {  	v10 =	vmul.f32 v10, v0;
	v12 =	vmul.f32 v12, v0;
	v19 =	vxor.u32 v9, v8  }
0x47: {  	v5 =	vcvt.s32.f32 v5;
	v6 =	vcvt.s32.f32 v6;
	v18 =	vld.idx.msk [tilespmem:v18+s2+$0x0], $0xffff  }
0x48: {  	v15 =	vmul.f32 v15, v0;
	v9 =	vcvt.s32.f32 v9;
	v8 =	vxor.u32 v16, v8;
	v11 =	vld.idx.msk [tilespmem:v11+s2+$0x0], $0xffff  }
0x49: {  	v2 =	vsub.f32 v2, v5;
	v3 =	vsub.f32 v3, v6;
	v14 =	vxor.u32 v16, v14;
	v16 =	vld.idx.msk [tilespmem:v17+s2+$0x0], $0xffff  }
0x4a: {  	v20 =	vtrunc.f32 v10;
	v4 =	vsub.f32 v4, v9;
	v9 =	vtrunc.f32 v12;
	v5 =	vld.idx.msk [tilespmem:v7+s2+$0x0], $0xffff  }
0x4b: {  	v21 =	vsub.f32 $1.000000000e+00, v3;
	v7 =	vld.idx.msk [tilespmem:v19+s2+$0x0], $0xffff;
	v19 =	vcvt.f32.s32 v9;
	v9 =	vsub.f32 $1.000000000e+00, v2  }
0x4c: {  	v20 =	vcvt.f32.s32 v20;
	v6 =	vsub.f32 $1.000000000e+00, v4;
	v13 =	vld.idx.msk [tilespmem:v13+s2+$0x0], $0xffff;
	v17 =	vtrunc.f32 v15  }
0x4d: {  	v4 =	vpack.i.f32.bf16 v4, v4;
	v8 =	vld.idx.msk [tilespmem:v8+s2+$0x0], $0xffff;
	v17 =	vcvt.f32.s32 v17;
	v22 =	vmul.f32 v21, v9  }
0x4e: {  	v14 =	vld.idx.msk [tilespmem:v14+s2+$0x0], $0xffff;
	v6 =	vpack.i.f32.bf16 v6, v6;
	v21 =	vmul.f32 v21, v2;
	v9 =	vmul.f32 v3, v9  }
0x4f: {  	v23 =	vmul.u32 $0x9E3779B1, v19;
	v2 =	vmul.f32 v3, v2;
	v19 =	vcvt.s32.f32 v19  }
0x50: {  	v18 =	vmul.bf16 v18, v6;
	v11 =	vmul.bf16 v11, v4  }
0x51: {  	v13 =	vmul.bf16 v13, v6;
	v5 =	vmul.bf16 v5, v4  }
0x52: {  	v7 =	vmul.bf16 v7, v6;
	v8 =	vmul.bf16 v8, v4;
	v11 =	vadd.bf16 v11, v18  }
0x53: {  	v6 =	vmul.bf16 v16, v6;
	v4 =	vmul.bf16 v14, v4;
	v18 =	vpack.i.f32.bf16 v22, v22  }
0x54: {  	v5 =	vadd.bf16 v5, v13;
	v7 =	vadd.bf16 v8, v7;
	v8 =	vld [tilespmem:s12+$0x10070];
	v11 =	vmul.bf16 v11, v18  }
0x55: {  	v9 =	vpack.i.f32.bf16 v9, v9;
	v3 =	vpack.i.f32.bf16 v21, v21;
	v4 =	vadd.bf16 v4, v6  }
0x56: {  	v14 =	vld [tilespmem:s12+$0x12070];
	v5 =	vmul.bf16 v5, v9;
	v9 =	vmul.u32 $0x30025795, v17;
	v11 =	vadd.bf16 v1, v11  }
0x57: {  	v2 =	vpack.i.f32.bf16 v2, v2;
	v6 =	vadd.s32 $0x9E3779B1, v23;
	v3 =	vmul.bf16 v7, v3  }
0x58: {  	v2 =	vmul.bf16 v4, v2;
	v5 =	vadd.bf16 v5, v11;
	v11 =	vadd.s32 $0x30025795, v9  }
0x59: {  	v13 =	vxor.u32 v23, v9;
	v7 =	vmul.f32 v8, v0;
	v4 =	vxor.u32 v6, v11  }
0x5a: {  	v60 =	vld [tilespmem:s12+$0x12040];
	v8 =	vxor.u32 v23, v11;
	v6 =	vxor.u32 v9, v6;
	v3 =	vadd.bf16 v3, v5  }
0x5b: {  	v21 =	vld [tilespmem:s12+$0x11020];
	v9 =	vmul.f32 v14, v0;
	v14 =	vcvt.s32.f32 v20;
	v8 =	vand.u32 $0xFFFF, v8  }
0x5c: {  	v16 =	vld [tilespmem:s12+$0x10020];
	v24 =	vxor.u32 v20, v8;
	v2 =	vadd.bf16 v2, v3;
	v3 =	vand.u32 $0xFFFF, v13  }
0x5d: {  	v18 =	vadd.s32 $0x1, v20;
	v5 =	vld [tilespmem:s12+$0x11070];
	v4 =	vand.u32 $0xFFFF, v4;
	v11 =	vxor.u32 v20, v3  }
0x5e: {  	v23 =	vld [tilespmem:s12+$0x12020];
	v10 =	vsub.f32 v10, v14;
	v3 =	vxor.u32 v18, v3;
	v22 =	vunpack.i.l.bf16.f32 v2  }
0x5f: {  	v14 =	vcvt.s32.f32 v17;
	v13 =	vxor.u32 v20, v4;
	v2 =	vunpack.i.u.bf16.f32 v2;
	[tilespmem:s12+$0x13000] =	vst v22  }
0x60: {  	v61 =	vmul.f32 v60, v0;
	v6 =	vand.u32 $0xFFFF, v6;
	v22 =	vxor.u32 v18, v8;
	[tilespmem:s12+$0x14000] =	vst v2  }
0x61: {  	v12 =	vsub.f32 v12, v19;
	v14 =	vsub.f32 v15, v14;
	v2 =	vxor.u32 v20, v6;
	v20 =	vld.idx.msk [tilespmem:v24+s2+$0x0], $0xffff  }
0x62: {  	v8 =	vmul.f32 v5, v0;
	v5 =	vmul.f32 v16, v0;
	v6 =	vxor.u32 v18, v6;
	v11 =	vld.idx.msk [tilespmem:v11+s2+$0x0], $0xffff  }
0x63: {  	v4 =	vxor.u32 v18, v4;
	v16 =	vmul.f32 v21, v0;
	v18 =	vmul.f32 v23, v0;
	v3 =	vld.idx.msk [tilespmem:v3+s2+$0x0], $0xffff  }
0x64: {  	v23 =	vsub.f32 $1.000000000e+00, v12;
	v46 =	vsub.f32 $1.000000000e+00, v14;
	v13 =	vld.idx.msk [tilespmem:v13+s2+$0x0], $0xffff;
	v17 =	vtrunc.f32 v5  }
0x65: {  	v15 =	vsub.f32 $1.000000000e+00, v10;
	v19 =	vtrunc.f32 v16;
	v21 =	vtrunc.f32 v18;
	v22 =	vld.idx.msk [tilespmem:v22+s2+$0x0], $0xffff  }
0x66: {  	v10 =	vpack.i.f32.bf16 v10, v10;
	v25 =	vmul.f32 v46, v23;
	v24 =	vmul.f32 v46, v12;
	v2 =	vld.idx.msk [tilespmem:v2+s2+$0x0], $0xffff  }
0x67: {  	v15 =	vpack.i.f32.bf16 v15, v15;
	v17 =	vcvt.f32.s32 v17;
	v19 =	vcvt.f32.s32 v19;
	v6 =	vld.idx.msk [tilespmem:v6+s2+$0x0], $0xffff  }
0x68: {  	v4 =	vld.idx.msk [tilespmem:v4+s2+$0x0], $0xffff;
	v11 =	vmul.bf16 v11, v15;
	v3 =	vmul.bf16 v3, v10  }
0x69: {  	v21 =	vcvt.f32.s32 v21;
	v26 =	vmul.u32 $0x9E3779B1, v19;
	v19 =	vcvt.s32.f32 v19  }
0x6a: {  	v13 =	vmul.bf16 v13, v15;
	v3 =	vadd.bf16 v3, v11;
	v11 =	vmul.bf16 v20, v15  }
0x6b: {  	v20 =	vmul.bf16 v22, v10;
	v22 =	vmul.f32 v14, v23  }
0x6c: {  	v23 =	vpack.i.f32.bf16 v25, v25;
	v2 =	vmul.bf16 v2, v15;
	v6 =	vmul.bf16 v6, v10  }
0x6d: {  	v4 =	vmul.bf16 v4, v10;
	v3 =	vmul.bf16 v3, v23;
	v11 =	vadd.bf16 v20, v11  }
0x6e: {  	v16 =	vsub.f32 v16, v19;
	v20 =	vpack.i.f32.bf16 v22, v22;
	v2 =	vadd.bf16 v6, v2;
	v6 =	vld [tilespmem:s12+$0x10060]  }
0x6f: {  	v4 =	vadd.bf16 v4, v13;
	v3 =	vadd.bf16 v1, v3;
	v10 =	vmul.bf16 v11, v20  }
0x70: {  	v11 =	vmul.f32 v14, v12;
	v12 =	vpack.i.f32.bf16 v24, v24;
	v14 =	vmul.u32 $0x30025795, v21  }
0x71: {  	v47 =	vld [tilespmem:s12+$0x11030];
	v22 =	vadd.s32 $0x1, v17;
	v2 =	vmul.bf16 v2, v12;
	v3 =	vadd.bf16 v10, v3  }
0x72: {  	v20 =	vld [tilespmem:s12+$0x12060];
	v10 =	vpack.i.f32.bf16 v11, v11;
	v11 =	vadd.s32 $0x9E3779B1, v26;
	v13 =	vadd.s32 $0x30025795, v14  }
0x73: {  	v15 =	vxor.u32 v26, v14;
	v12 =	vmul.f32 v6, v0;
	v2 =	vadd.bf16 v2, v3  }
0x74: {  	v3 =	vmul.bf16 v4, v10;
	v4 =	vxor.u32 v11, v13;
	v13 =	vxor.u32 v26, v13  }
0x75: {  	v10 =	vld [tilespmem:s12+$0x11060];
	v11 =	vxor.u32 v14, v11;
	v4 =	vand.u32 $0xFFFF, v4;
	v13 =	vand.u32 $0xFFFF, v13  }
0x76: {  	v2 =	vadd.bf16 v3, v2;
	v3 =	vand.u32 $0xFFFF, v15;
	v6 =	vxor.u32 v17, v4;
	v15 =	vld [tilespmem:s12+$0x10030]  }
0x77: {  	v49 =	vld [tilespmem:s12+$0x12030];
	v14 =	vmul.f32 v20, v0;
	v20 =	vmul.f32 v47, v0;
	v4 =	vxor.u32 v22, v4  }
0x78: {  	v23 =	vxor.u32 v17, v3;
	v3 =	vxor.u32 v22, v3;
	v48 =	vunpack.i.l.bf16.f32 v2  }
0x79: {  	v27 =	vxor.u32 v17, v13;
	v19 =	vtrunc.f32 v20;
	v2 =	vunpack.i.u.bf16.f32 v2;
	[tilespmem:s12+$0x13010] =	vst v48  }
0x7a: {  	v50 =	vxor.u32 v22, v13;
	v19 =	vcvt.f32.s32 v19;
	v13 =	vmul.f32 v10, v0;
	[tilespmem:s12+$0x14010] =	vst v2  }
0x7b: {  	v11 =	vand.u32 $0xFFFF, v11;
	v10 =	vmul.f32 v15, v0;
	v6 =	vld.idx.msk [tilespmem:v6+s2+$0x0], $0xffff;
	v15 =	vcvt.s32.f32 v17  }
0x7c: {  	v2 =	vxor.u32 v17, v11;
	v11 =	vxor.u32 v22, v11;
	v22 =	vmul.f32 v49, v0;
	v4 =	vld.idx.msk [tilespmem:v4+s2+$0x0], $0xffff  }
0x7d: {  	v35 =	vtrunc.f32 v61;
	v3 =	vld.idx.msk [tilespmem:v3+s2+$0x0], $0xffff;
	v5 =	vsub.f32 v5, v15;
	v15 =	vcvt.s32.f32 v21  }
0x7e: {  	v52 =	vsub.f32 $1.000000000e+00, v16;
	v29 =	vmul.u32 $0x9E3779B1, v19;
	v51 =	vtrunc.f32 v22;
	v17 =	vld.idx.msk [tilespmem:v23+s2+$0x0], $0xffff  }
0x7f: {  	v19 =	vcvt.s32.f32 v19;
	v25 =	vld.idx.msk [tilespmem:v50+s2+$0x0], $0xffff;
	v24 =	vcvt.f32.s32 v51;
	v15 =	vsub.f32 v18, v15  }
0x80: {  	v23 =	vld.idx.msk [tilespmem:v27+s2+$0x0], $0xffff;
	v21 =	vtrunc.f32 v10;
	v18 =	vsub.f32 $1.000000000e+00, v5;
	v5 =	vpack.i.f32.bf16 v5, v5  }
0x81: {  	v21 =	vcvt.f32.s32 v21;
	v2 =	vld.idx.msk [tilespmem:v2+s2+$0x0], $0xffff;
	v4 =	vmul.bf16 v4, v5;
	v53 =	vsub.f32 $1.000000000e+00, v15  }
0x82: {  	v11 =	vld.idx.msk [tilespmem:v11+s2+$0x0], $0xffff;
	v18 =	vpack.i.f32.bf16 v18, v18;
	v3 =	vmul.bf16 v3, v5;
	v54 =	vmul.f32 v15, v52  }
0x83: {  	v19 =	vsub.f32 v20, v19;
	v15 =	vmul.f32 v15, v16;
	v17 =	vmul.bf16 v17, v18  }
0x84: {  	v57 =	vadd.s32 $0x1, v21;
	v6 =	vmul.bf16 v6, v18;
	v28 =	vmul.f32 v53, v52  }
0x85: {  	v56 =	vld [tilespmem:s12+$0x10040];
	v3 =	vadd.bf16 v3, v17;
	v17 =	vmul.bf16 v23, v18;
	v23 =	vmul.bf16 v25, v5  }
0x86: {  	v27 =	vmul.f32 v53, v16;
	v2 =	vmul.bf16 v2, v18;
	v55 =	vpack.i.f32.bf16 v28, v28  }
0x87: {  	v11 =	vmul.bf16 v11, v5;
	v3 =	vmul.bf16 v3, v55;
	v17 =	vadd.bf16 v23, v17  }
0x88: {  	v4 =	vadd.bf16 v4, v6;
	v6 =	vadd.s32 $0x9E3779B1, v29;
	v23 =	vpack.i.f32.bf16 v54, v54  }
0x89: {  	v2 =	vadd.bf16 v11, v2;
	v3 =	vadd.bf16 v1, v3;
	v5 =	vmul.bf16 v17, v23  }
0x8a: {  	v25 =	vmul.f32 v56, v0;
	v16 =	vpack.i.f32.bf16 v27, v27;
	v17 =	vmul.u32 $0x30025795, v24  }
0x8b: {  	v18 =	vld [tilespmem:s12+$0x12050];
	v28 =	vcvt.f32.s32 v35;
	v2 =	vmul.bf16 v2, v16;
	v3 =	vadd.bf16 v5, v3  }
0x8c: {  	v62 =	vtrunc.f32 v25;
	v5 =	vpack.i.f32.bf16 v15, v15;
	v15 =	vadd.s32 $0x30025795, v17  }
0x8d: {  	v2 =	vadd.bf16 v2, v3;
	v3 =	vmul.bf16 v4, v5;
	v4 =	vxor.u32 v6, v15  }
0x8e: {  	v16 =	vxor.u32 v29, v17;
	v15 =	vxor.u32 v29, v15;
	v4 =	vand.u32 $0xFFFF, v4  }
0x8f: {  	v5 =	vld [tilespmem:s12+$0x11050];
	v15 =	vand.u32 $0xFFFF, v15;
	v2 =	vadd.bf16 v3, v2;
	v23 =	vxor.u32 v21, v4  }
0x90: {  	v11 =	vld [tilespmem:s12+$0x10050];
	v6 =	vxor.u32 v17, v6;
	v17 =	vmul.f32 v18, v0;
	v30 =	vxor.u32 v21, v15  }
0x91: {  	v59 =	vld [tilespmem:s12+$0x11040];
	v3 =	vand.u32 $0xFFFF, v16;
	v15 =	vxor.u32 v57, v15;
	v16 =	vunpack.i.l.bf16.f32 v2  }
0x92: {  	v18 =	vcvt.s32.f32 v21;
	v58 =	vxor.u32 v21, v3;
	v2 =	vunpack.i.u.bf16.f32 v2;
	[tilespmem:s12+$0x13020] =	vst v16  }
0x93: {  	v6 =	vand.u32 $0xFFFF, v6;
	v4 =	vxor.u32 v57, v4;
	v3 =	vxor.u32 v57, v3;
	[tilespmem:s12+$0x14020] =	vst v2  }
0x94: {  	v10 =	vsub.f32 v10, v18;
	v18 =	vcvt.s32.f32 v24;
	v16 =	vmul.f32 v5, v0;
	v5 =	vld.idx.msk [tilespmem:v23+s2+$0x0], $0xffff  }
0x95: {  	v47 =	vcvt.s32.f32 v28;
	v11 =	vmul.f32 v11, v0;
	v2 =	vxor.u32 v21, v6;
	v63 =	vld.idx.msk [tilespmem:v30+s2+$0x0], $0xffff  }
0x96: {  	v18 =	vsub.f32 v22, v18;
	v6 =	vxor.u32 v57, v6;
	v21 =	vmul.f32 v59, v0;
	v15 =	vld.idx.msk [tilespmem:v15+s2+$0x0], $0xffff  }
0x97: {  	v36 =	vsub.f32 $1.000000000e+00, v19;
	v48 =	vtrunc.f32 v11;
	v24 =	vcvt.f32.s32 v62;
	v23 =	vld.idx.msk [tilespmem:v58+s2+$0x0], $0xffff  }
0x98: {  	v22 =	vsub.f32 $1.000000000e+00, v10;
	v37 =	vsub.f32 $1.000000000e+00, v18;
	v20 =	vtrunc.f32 v21;
	v3 =	vld.idx.msk [tilespmem:v3+s2+$0x0], $0xffff  }
0x99: {  	v49 =	vtrunc.f32 v17;
	v4 =	vld.idx.msk [tilespmem:v4+s2+$0x0], $0xffff;
	v20 =	vcvt.f32.s32 v20  }
0x9a: {  	v10 =	vpack.i.f32.bf16 v10, v10;
	v22 =	vpack.i.f32.bf16 v22, v22;
	v31 =	vmul.f32 v37, v36;
	v2 =	vld.idx.msk [tilespmem:v2+s2+$0x0], $0xffff  }
0x9b: {  	v38 =	vmul.f32 v18, v36;
	v30 =	vmul.f32 v37, v19;
	v6 =	vld.idx.msk [tilespmem:v6+s2+$0x0], $0xffff;
	v32 =	vmul.u32 $0x9E3779B1, v20  }
0x9c: {  	v39 =	vpack.i.f32.bf16 v31, v31;
	v20 =	vcvt.s32.f32 v20;
	v31 =	vcvt.f32.s32 v49  }
0x9d: {  	v23 =	vmul.bf16 v23, v22;
	v3 =	vmul.bf16 v3, v10  }
0x9e: {  	v41 =	vadd.s32 $0x1, v24;
	v15 =	vmul.bf16 v15, v10;
	v5 =	vmul.bf16 v5, v22  }
0x9f: {  	v4 =	vmul.bf16 v4, v10;
	v3 =	vadd.bf16 v3, v23;
	v23 =	vmul.bf16 v63, v22  }
0xa0: {  	v20 =	vsub.f32 v21, v20;
	v2 =	vmul.bf16 v2, v22;
	v6 =	vmul.bf16 v6, v10  }
0xa1: {  	v3 =	vmul.bf16 v3, v39;
	v15 =	vadd.bf16 v15, v23;
	v23 =	vpack.i.f32.bf16 v38, v38  }
0xa2: {  	s16 =	simm.s32 $0x80;
	v2 =	vadd.bf16 v6, v2;
	v6 =	vmul.f32 v18, v19;
	v18 =	vpack.i.f32.bf16 v30, v30  }
0xa3: {  	v10 =	vld [tilespmem:s16+$0x10010];
	v19 =	vmul.u32 $0x30025795, v28;
	v3 =	vadd.bf16 v1, v3;
	v15 =	vmul.bf16 v15, v23  }
0xa4: {  	v4 =	vadd.bf16 v4, v5;
	v2 =	vmul.bf16 v2, v18;
	v5 =	vpack.i.f32.bf16 v6, v6  }
0xa5: {  	v6 =	vadd.s32 $0x9E3779B1, v32;
	v3 =	vadd.bf16 v15, v3;
	v15 =	vadd.s32 $0x30025795, v19  }
0xa6: {  	v21 =	vtrunc.f32 v16;
	v4 =	vmul.bf16 v4, v5;
	v5 =	vxor.u32 v6, v15  }
0xa7: {  	v15 =	vxor.u32 v32, v15;
	v6 =	vxor.u32 v19, v6;
	v3 =	vadd.bf16 v2, v3  }
0xa8: {  	v18 =	vld [tilespmem:s16+$0x11010];
	v2 =	vmul.f32 v10, v0;
	v10 =	vxor.u32 v32, v19;
	v15 =	vand.u32 $0xFFFF, v15  }
0xa9: {  	v22 =	vld [tilespmem:s16+$0x12010];
	v19 =	vxor.u32 v24, v15;
	v3 =	vadd.bf16 v4, v3;
	v4 =	vand.u32 $0xFFFF, v10  }
0xaa: {  	v57 =	vmul.u32 $0x30025795, v31;
	v31 =	vcvt.s32.f32 v31;
	v42 =	vxor.u32 v24, v4  }
0xab: {  	v6 =	vand.u32 $0xFFFF, v6;
	v33 =	vxor.u32 v41, v4;
	v44 =	vunpack.i.l.bf16.f32 v3  }
0xac: {  	v23 =	vand.u32 $0xFFFF, v5;
	v45 =	vxor.u32 v41, v6;
	v4 =	vunpack.i.u.bf16.f32 v3;
	[tilespmem:s12+$0x13030] =	vst v44  }
0xad: {  	v5 =	vld [tilespmem:s16+$0x10000];
	v10 =	vxor.u32 v24, v23;
	v3 =	vmul.f32 v18, v0;
	v18 =	vxor.u32 v41, v15;
	[tilespmem:s12+$0x14030] =	vst v4  }
0xae: {  	v4 =	vmul.f32 v22, v0;
	v22 =	vxor.u32 v24, v6;
	v24 =	vcvt.s32.f32 v24;
	v19 =	vld.idx.msk [tilespmem:v19+s2+$0x0], $0xffff  }
0xaf: {  	v58 =	vtrunc.f32 v7;
	v21 =	vcvt.f32.s32 v21;
	v51 =	vsub.f32 $1.000000000e+00, v20;
	v30 =	vld.idx.msk [tilespmem:v42+s2+$0x0], $0xffff  }
0xb0: {  	v17 =	vsub.f32 v17, v31;
	v23 =	vxor.u32 v41, v23;
	v24 =	vsub.f32 v25, v24;
	v46 =	vld.idx.msk [tilespmem:v33+s2+$0x0], $0xffff  }
0xb1: {  	v35 =	vmul.u32 $0x9E3779B1, v21;
	v63 =	vtrunc.f32 v8;
	v21 =	vcvt.s32.f32 v21;
	v27 =	vld.idx.msk [tilespmem:v45+s2+$0x0], $0xffff  }
0xb2: {  	v28 =	vcvt.f32.s32 v48;
	v25 =	vsub.f32 v61, v47;
	v18 =	vld.idx.msk [tilespmem:v18+s2+$0x0], $0xffff;
	v50 =	vsub.f32 $1.000000000e+00, v24  }
0xb3: {  	v36 =	vsub.f32 $1.000000000e+00, v17;
	v41 =	vtrunc.f32 v9;
	v15 =	vmul.f32 v5, v0;
	v22 =	vld.idx.msk [tilespmem:v22+s2+$0x0], $0xffff  }
0xb4: {  	v10 =	vld.idx.msk [tilespmem:v10+s2+$0x0], $0xffff;
	v52 =	vsub.f32 $1.000000000e+00, v25;
	v24 =	vpack.i.f32.bf16 v24, v24;
	v26 =	vpack.i.f32.bf16 v50, v50  }
0xb5: {  	v16 =	vsub.f32 v16, v21;
	v23 =	vld.idx.msk [tilespmem:v23+s2+$0x0], $0xffff;
	v30 =	vmul.bf16 v30, v26;
	v29 =	vmul.bf16 v46, v24  }
0xb6: {  	v59 =	vadd.s32 $0x1, v28;
	v53 =	vmul.f32 v25, v51;
	v34 =	vmul.f32 v52, v51  }
0xb7: {  	v40 =	vld [tilespmem:s16+$0x11000];
	v19 =	vmul.bf16 v19, v26;
	v18 =	vmul.bf16 v18, v24;
	v29 =	vadd.bf16 v29, v30  }
0xb8: {  	v33 =	vmul.f32 v52, v20;
	v54 =	vpack.i.f32.bf16 v34, v34;
	v22 =	vmul.bf16 v22, v26  }
0xb9: {  	v18 =	vadd.bf16 v18, v19;
	v19 =	vmul.bf16 v27, v24;
	v29 =	vmul.bf16 v29, v54  }
0xba: {  	v55 =	vpack.i.f32.bf16 v53, v53;
	v10 =	vmul.bf16 v10, v26;
	v23 =	vmul.bf16 v23, v24  }
0xbb: {  	v43 =	vld [tilespmem:s16+$0x12000];
	v18 =	vmul.bf16 v18, v55;
	v19 =	vadd.bf16 v19, v22;
	v56 =	vadd.bf16 v1, v29  }
0xbc: {  	v5 =	vmul.f32 v40, v0;
	v20 =	vmul.f32 v25, v20;
	v22 =	vpack.i.f32.bf16 v33, v33  }
0xbd: {  	v10 =	vadd.bf16 v23, v10;
	v19 =	vmul.bf16 v19, v22;
	v18 =	vadd.bf16 v18, v56  }
0xbe: {  	v20 =	vpack.i.f32.bf16 v20, v20;
	v23 =	vadd.s32 $0x30025795, v57;
	v22 =	vadd.s32 $0x9E3779B1, v35  }
0xbf: {  	v10 =	vmul.bf16 v10, v20;
	v18 =	vadd.bf16 v19, v18;
	v19 =	vxor.u32 v22, v23  }
0xc0: {  	v6 =	vmul.f32 v43, v0;
	v20 =	vxor.u32 v35, v57;
	v19 =	vand.u32 $0xFFFF, v19  }
0xc1: {  	v10 =	vadd.bf16 v10, v18;
	v18 =	vand.u32 $0xFFFF, v20;
	v20 =	vxor.u32 v28, v19  }
0xc2: {  	v40 =	vtrunc.f32 v12;
	v23 =	vxor.u32 v35, v23;
	v60 =	vxor.u32 v28, v18  }
0xc3: {  	v23 =	vand.u32 $0xFFFF, v23;
	v18 =	vxor.u32 v59, v18;
	v61 =	vunpack.i.l.bf16.f32 v10  }
0xc4: {  	v22 =	vxor.u32 v57, v22;
	v62 =	vxor.u32 v28, v23;
	v10 =	vunpack.i.u.bf16.f32 v10;
	[tilespmem:s12+$0x13040] =	vst v61  }
0xc5: {  	v43 =	vtrunc.f32 v14;
	v22 =	vand.u32 $0xFFFF, v22;
	v23 =	vxor.u32 v59, v23;
	[tilespmem:s12+$0x14040] =	vst v10  }
0xc6: {  	v45 =	vcvt.f32.s32 v40;
	v39 =	vxor.u32 v28, v22;
	v28 =	vcvt.s32.f32 v28;
	v20 =	vld.idx.msk [tilespmem:v20+s2+$0x0], $0xffff  }
0xc7: {  	v44 =	vtrunc.f32 v15;
	v42 =	vtrunc.f32 v13;
	v22 =	vxor.u32 v59, v22;
	v27 =	vld.idx.msk [tilespmem:v60+s2+$0x0], $0xffff  }
0xc8: {  	v46 =	vsub.f32 $1.000000000e+00, v16;
	v19 =	vxor.u32 v59, v19;
	v28 =	vsub.f32 v11, v28;
	v18 =	vld.idx.msk [tilespmem:v18+s2+$0x0], $0xffff  }
0xc9: {  	v50 =	vadd.s32 $0x1, v45;
	v34 =	vcvt.f32.s32 v42;
	v26 =	vcvt.f32.s32 v43;
	v25 =	vld.idx.msk [tilespmem:v62+s2+$0x0], $0xffff  }
0xca: {  	v37 =	vmul.f32 v36, v46;
	v36 =	vmul.f32 v36, v16;
	v21 =	vld.idx.msk [tilespmem:v23+s2+$0x0], $0xffff;
	v23 =	vsub.f32 $1.000000000e+00, v28  }
0xcb: {  	v38 =	vmul.u32 $0x9E3779B1, v34;
	v47 =	vmul.f32 v17, v46;
	v16 =	vmul.f32 v17, v16;
	v30 =	vld.idx.msk [tilespmem:v39+s2+$0x0], $0xffff  }
0xcc: {  	v24 =	vcvt.f32.s32 v58;
	v22 =	vld.idx.msk [tilespmem:v22+s2+$0x0], $0xffff;
	v28 =	vpack.i.f32.bf16 v28, v28;
	v23 =	vpack.i.f32.bf16 v23, v23  }
0xcd: {  	v48 =	vpack.i.f32.bf16 v37, v37;
	v19 =	vld.idx.msk [tilespmem:v19+s2+$0x0], $0xffff;
	v27 =	vmul.bf16 v27, v23;
	v18 =	vmul.bf16 v18, v28  }
0xce: {  	v49 =	vpack.i.f32.bf16 v47, v47;
	v29 =	vcvt.f32.s32 v63;
	v56 =	vcvt.f32.s32 v41  }
0xcf: {  	v25 =	vmul.bf16 v25, v23;
	v21 =	vmul.bf16 v21, v28;
	v18 =	vadd.bf16 v18, v27  }
0xd0: {  	v17 =	vpack.i.f32.bf16 v36, v36;
	v57 =	vcvt.s32.f32 v34;
	v30 =	vmul.bf16 v30, v23  }
0xd1: {  	v22 =	vmul.bf16 v22, v28;
	v21 =	vadd.bf16 v21, v25;
	v18 =	vmul.bf16 v18, v48  }
0xd2: {  	v16 =	vpack.i.f32.bf16 v16, v16;
	v20 =	vmul.bf16 v20, v23;
	v19 =	vmul.bf16 v19, v28  }
0xd3: {  	v22 =	vadd.bf16 v22, v30;
	v21 =	vmul.bf16 v21, v49;
	v18 =	vadd.bf16 v1, v18  }
0xd4: {  	v32 =	vmul.u32 $0x30025795, v56;
	v13 =	vsub.f32 v13, v57;
	v23 =	vmul.u32 $0x30025795, v26  }
0xd5: {  	v19 =	vadd.bf16 v19, v20;
	v17 =	vmul.bf16 v22, v17;
	v18 =	vadd.bf16 v21, v18  }
0xd6: {  	v33 =	vsub.f32 $1.000000000e+00, v13;
	v20 =	vadd.s32 $0x9E3779B1, v38;
	v21 =	vadd.s32 $0x30025795, v23  }
0xd7: {  	v16 =	vmul.bf16 v19, v16;
	v17 =	vadd.bf16 v17, v18;
	v18 =	vxor.u32 v20, v21  }
0xd8: {  	v10 =	vtrunc.f32 v2;
	v22 =	vxor.u32 v38, v23;
	v18 =	vand.u32 $0xFFFF, v18  }
0xd9: {  	v16 =	vadd.bf16 v16, v17;
	v17 =	vand.u32 $0xFFFF, v22;
	v22 =	vxor.u32 v45, v18  }
0xda: {  	v11 =	vtrunc.f32 v3;
	v21 =	vxor.u32 v38, v21;
	v51 =	vxor.u32 v45, v17  }
0xdb: {  	v21 =	vand.u32 $0xFFFF, v21;
	v53 =	vxor.u32 v50, v17;
	v52 =	vunpack.i.l.bf16.f32 v16  }
0xdc: {  	v17 =	vxor.u32 v23, v20;
	v20 =	vxor.u32 v45, v21;
	v16 =	vunpack.i.u.bf16.f32 v16;
	[tilespmem:s12+$0x13050] =	vst v52  }
0xdd: {  	v26 =	vcvt.s32.f32 v26;
	v21 =	vxor.u32 v50, v21;
	v17 =	vand.u32 $0xFFFF, v17;
	[tilespmem:s12+$0x14050] =	vst v16  }
0xde: {  	v61 =	vcvt.s32.f32 v24;
	v54 =	vxor.u32 v45, v17;
	v16 =	vcvt.s32.f32 v45;
	v22 =	vld.idx.msk [tilespmem:v22+s2+$0x0], $0xffff  }
0xdf: {  	v62 =	vadd.s32 $0x1, v24;
	v14 =	vsub.f32 v14, v26;
	v55 =	vxor.u32 v50, v17;
	v27 =	vld.idx.msk [tilespmem:v51+s2+$0x0], $0xffff  }
0xe0: {  	v7 =	vsub.f32 v7, v61;
	v18 =	vxor.u32 v50, v18;
	v12 =	vsub.f32 v12, v16;
	v58 =	vld.idx.msk [tilespmem:v53+s2+$0x0], $0xffff  }
0xe1: {  	v60 =	vcvt.s32.f32 v56;
	v19 =	vtrunc.f32 v5;
	v63 =	vsub.f32 $1.000000000e+00, v14;
	v20 =	vld.idx.msk [tilespmem:v20+s2+$0x0], $0xffff  }
0xe2: {  	v19 =	vcvt.f32.s32 v19;
	v41 =	vmul.f32 v14, v33;
	v21 =	vld.idx.msk [tilespmem:v21+s2+$0x0], $0xffff;
	v59 =	vsub.f32 $1.000000000e+00, v12  }
0xe3: {  	v9 =	vsub.f32 v9, v60;
	v40 =	vmul.f32 v63, v33;
	v36 =	vmul.f32 v63, v13;
	v28 =	vld.idx.msk [tilespmem:v54+s2+$0x0], $0xffff  }
0xe4: {  	v13 =	vmul.f32 v14, v13;
	v12 =	vpack.i.f32.bf16 v12, v12;
	v31 =	vld.idx.msk [tilespmem:v55+s2+$0x0], $0xffff;
	v26 =	vpack.i.f32.bf16 v59, v59  }
0xe5: {  	v42 =	vpack.i.f32.bf16 v40, v40;
	v18 =	vld.idx.msk [tilespmem:v18+s2+$0x0], $0xffff;
	v27 =	vmul.bf16 v27, v26;
	v25 =	vmul.bf16 v58, v12  }
0xe6: {  	v14 =	vpack.i.f32.bf16 v36, v36;
	v23 =	vtrunc.f32 v6;
	v17 =	vcvt.f32.s32 v44  }
0xe7: {  	v20 =	vmul.bf16 v20, v26;
	v21 =	vmul.bf16 v21, v12;
	v25 =	vadd.bf16 v25, v27  }
0xe8: {  	v13 =	vpack.i.f32.bf16 v13, v13;
	v16 =	vcvt.f32.s32 v23;
	v28 =	vmul.bf16 v28, v26  }
0xe9: {  	v20 =	vadd.bf16 v21, v20;
	v21 =	vmul.bf16 v31, v12;
	v25 =	vmul.bf16 v25, v42  }
0xea: {  	v22 =	vmul.bf16 v22, v26;
	v18 =	vmul.bf16 v18, v12;
	v27 =	vpack.i.f32.bf16 v41, v41  }
0xeb: {  	v20 =	vmul.bf16 v20, v27;
	v21 =	vadd.bf16 v21, v28;
	v25 =	vadd.bf16 v1, v25  }
0xec: {  	v23 =	vcvt.s32.f32 v29;
	v29 =	vmul.u32 $0x9E3779B1, v29;
	v18 =	vadd.bf16 v18, v22  }
0xed: {  	v43 =	vadd.s32 $0x1, v17;
	v14 =	vmul.bf16 v21, v14;
	v20 =	vadd.bf16 v20, v25  }
0xee: {  	v22 =	vadd.s32 $0x30025795, v32;
	v13 =	vmul.bf16 v18, v13;
	v21 =	vadd.s32 $0x9E3779B1, v29  }
0xef: {  	v18 =	vxor.u32 v21, v22;
	v22 =	vxor.u32 v29, v22;
	v14 =	vadd.bf16 v14, v20  }
0xf0: {  	v47 =	vmul.u32 $0x30025795, v16;
	v22 =	vand.u32 $0xFFFF, v22;
	v20 =	vxor.u32 v29, v32  }
0xf1: {  	v46 =	vxor.u32 v24, v22;
	v13 =	vadd.bf16 v13, v14;
	v14 =	vand.u32 $0xFFFF, v20  }
0xf2: {  	v8 =	vsub.f32 v8, v23;
	v54 =	vsub.f32 $1.000000000e+00, v7;
	v44 =	vxor.u32 v24, v14  }
0xf3: {  	v21 =	vxor.u32 v32, v21;
	v14 =	vxor.u32 v62, v14;
	v45 =	vunpack.i.l.bf16.f32 v13  }
0xf4: {  	v18 =	vand.u32 $0xFFFF, v18;
	v22 =	vxor.u32 v62, v22;
	v13 =	vunpack.i.u.bf16.f32 v13;
	[tilespmem:s12+$0x13060] =	vst v45  }
0xf5: {  	v55 =	vsub.f32 $1.000000000e+00, v9;
	v21 =	vand.u32 $0xFFFF, v21;
	v20 =	vxor.u32 v24, v18;
	[tilespmem:s12+$0x14060] =	vst v13  }
0xf6: {  	v7 =	vpack.i.f32.bf16 v7, v7;
	v53 =	vsub.f32 $1.000000000e+00, v8;
	v13 =	vxor.u32 v24, v21;
	v51 =	vld.idx.msk [tilespmem:v46+s2+$0x0], $0xffff  }
0xf7: {  	v49 =	vadd.s32 $0x30025795, v47;
	v30 =	vmul.f32 v9, v8;
	v21 =	vxor.u32 v62, v21;
	v48 =	vld.idx.msk [tilespmem:v44+s2+$0x0], $0xffff  }
0xf8: {  	v59 =	vmul.f32 v55, v53;
	v9 =	vmul.f32 v9, v53;
	v18 =	vxor.u32 v62, v18;
	v14 =	vld.idx.msk [tilespmem:v14+s2+$0x0], $0xffff  }
0xf9: {  	v8 =	vmul.f32 v55, v8;
	v12 =	vcvt.s32.f32 v19;
	v19 =	vmul.u32 $0x9E3779B1, v19;
	v22 =	vld.idx.msk [tilespmem:v22+s2+$0x0], $0xffff  }
0xfa: {  	v31 =	vpack.i.f32.bf16 v54, v54;
	v61 =	vpack.i.f32.bf16 v59, v59;
	v9 =	vpack.i.f32.bf16 v9, v9;
	v20 =	vld.idx.msk [tilespmem:v20+s2+$0x0], $0xffff  }
0xfb: {  	v23 =	vadd.s32 $0x9E3779B1, v19;
	v50 =	vxor.u32 v19, v47;
	v19 =	vxor.u32 v19, v49;
	v13 =	vld.idx.msk [tilespmem:v13+s2+$0x0], $0xffff  }
0xfc: {  	v27 =	vxor.u32 v47, v23;
	v23 =	vxor.u32 v23, v49;
	v52 =	vand.u32 $0xFFFF, v50;
	v21 =	vld.idx.msk [tilespmem:v21+s2+$0x0], $0xffff  }
0xfd: {  	v19 =	vand.u32 $0xFFFF, v19;
	v18 =	vld.idx.msk [tilespmem:v18+s2+$0x0], $0xffff;
	v24 =	vmul.bf16 v48, v31;
	v14 =	vmul.bf16 v14, v7  }
0xfe: {  	v27 =	vand.u32 $0xFFFF, v27;
	v23 =	vand.u32 $0xFFFF, v23;
	v56 =	vxor.u32 v17, v52  }
0xff: {  	v60 =	vmul.bf16 v51, v31;
	v22 =	vmul.bf16 v22, v7;
	v14 =	vadd.bf16 v14, v24  }
0x100: {  	v28 =	vxor.u32 v43, v52;
	v58 =	vxor.u32 v17, v19;
	v13 =	vmul.bf16 v13, v31  }
0x101: {  	v22 =	vadd.bf16 v22, v60;
	v21 =	vmul.bf16 v21, v7;
	v14 =	vmul.bf16 v14, v61  }
0x102: {  	v57 =	vxor.u32 v17, v23;
	v20 =	vmul.bf16 v20, v31;
	v7 =	vmul.bf16 v18, v7  }
0x103: {  	v9 =	vmul.bf16 v22, v9;
	v21 =	vadd.bf16 v21, v13;
	v14 =	vadd.bf16 v1, v14  }
0x104: {  	v8 =	vpack.i.f32.bf16 v8, v8;
	v19 =	vxor.u32 v43, v19;
	v18 =	vxor.u32 v17, v27  }
0x105: {  	v13 =	vld.idx.msk [tilespmem:v56+s2+$0x0], $0xffff;
	v8 =	vmul.bf16 v21, v8;
	v21 =	vadd.bf16 v7, v20;
	v22 =	vadd.bf16 v9, v14  }
0x106: {  	v63 =	vpack.i.f32.bf16 v30, v30;
	v62 =	vcvt.s32.f32 v17;
	v20 =	vxor.u32 v43, v27;
	v14 =	vld.idx.msk [tilespmem:v28+s2+$0x0], $0xffff  }
0x107: {  	v17 =	vxor.u32 v43, v23;
	v9 =	vld.idx.msk [tilespmem:v57+s2+$0x0], $0xffff;
	v7 =	vadd.bf16 v8, v22;
	v8 =	vmul.bf16 v21, v63  }
0x108: {  	s18 =	simm.s32 $0x400;
	v21 =	vsub.f32 v15, v62;
	v22 =	vcvt.s32.f32 v16;
	v15 =	vld.idx.msk [tilespmem:v58+s2+$0x0], $0xffff;
	v16 =	vtrunc.f32 v4  }
.LBB2_3:
0x109: {  	p1 =	sne.s32 s18, $0x3E00;
	v5 =	vsub.f32 v5, v12;
	v12 =	vld.idx.msk [tilespmem:v19+s2+$0x0], $0xffff;
	v10 =	vcvt.f32.s32 v10;
	v7 =	vadd.bf16 v8, v7  }
0x10a: {  	v11 =	vcvt.f32.s32 v11;
	v6 =	vsub.f32 v6, v22;
	v8 =	vsub.f32 $1.000000000e+00, v21;
	v18 =	vld.idx.msk [tilespmem:v18+s2+$0x0], $0xffff  }
0x10b: {  	v16 =	vcvt.f32.s32 v16;
	v19 =	vsub.f32 $1.000000000e+00, v5;
	v20 =	vld.idx.msk [tilespmem:v20+s2+$0x0], $0xffff;
	v22 =	vunpack.i.u.bf16.f32 v7  }
0x10c: {  	v21 =	vpack.i.f32.bf16 v21, v21;
	v23 =	vsub.f32 $1.000000000e+00, v6;
	v8 =	vpack.i.f32.bf16 v8, v8;
	v17 =	vld.idx.msk [tilespmem:v17+s2+$0x0], $0xffff;
	[tilespmem:s12+$0x14070] =	vst v22  }
0x10d: {  	v14 =	vmul.bf16 v14, v21;
	v7 =	vunpack.i.l.bf16.f32 v7;
	v13 =	vmul.bf16 v13, v8  }
0x10e: {  	v24 =	vmul.u32 $0x9E3779B1, v11;
	v22 =	vmul.f32 v23, v19;
	v23 =	vmul.f32 v23, v5;
	[tilespmem:s12+$0x13070] =	vst v7;
	s12 =	smov.u32 s16  }
0x10f: {  	v12 =	vmul.bf16 v12, v21;
	v7 =	vadd.bf16 v14, v13;
	v13 =	vmul.bf16 v15, v8  }
0x110: {  	v14 =	vmul.f32 v6, v19;
	v18 =	vmul.bf16 v18, v8;
	v15 =	vpack.i.f32.bf16 v22, v22  }
0x111: {  	v7 =	vmul.bf16 v7, v15;
	v12 =	vadd.bf16 v12, v13;
	v13 =	vmul.bf16 v20, v21  }
0x112: {  	v8 =	vmul.bf16 v9, v8;
	v14 =	vpack.i.f32.bf16 v14, v14;
	v9 =	vmul.bf16 v17, v21  }
0x113: {  	v7 =	vadd.bf16 v1, v7;
	v12 =	vmul.bf16 v12, v14;
	v13 =	vadd.bf16 v13, v18;
	v14 =	vld [tilespmem:s12+$0x10070]  }
0x114: {  	v5 =	vmul.f32 v6, v5;
	v6 =	vpack.i.f32.bf16 v23, v23;
	v15 =	vmul.u32 $0x30025795, v16  }
0x115: {  	v8 =	vadd.bf16 v9, v8;
	v7 =	vadd.bf16 v12, v7;
	v6 =	vmul.bf16 v13, v6  }
0x116: {  	v5 =	vpack.i.f32.bf16 v5, v5;
	v9 =	vadd.s32 $0x9E3779B1, v24;
	v12 =	vadd.s32 $0x30025795, v15  }
0x117: {  	v5 =	vmul.bf16 v8, v5;
	v6 =	vadd.bf16 v6, v7;
	v7 =	vxor.u32 v9, v12;
	v8 =	vld [tilespmem:s12+$0x11070]  }
0x118: {  	v13 =	vxor.u32 v24, v15;
	v17 =	vand.u32 $0xFFFF, v7;
	v18 =	vld [tilespmem:s12+$0x12070];
	v7 =	vmul.f32 v14, v0  }
0x119: {  	v5 =	vadd.bf16 v5, v6;
	v6 =	vand.u32 $0xFFFF, v13;
	v13 =	vxor.u32 v10, v17;
	v14 =	vld [tilespmem:s12+$0x10020]  }
0x11a: {  	v19 =	vadd.s32 $0x1, v10;
	v12 =	vxor.u32 v24, v12;
	v20 =	vxor.u32 v10, v6;
	v21 =	vld [tilespmem:s12+$0x11020]  }
0x11b: {  	v12 =	vand.u32 $0xFFFF, v12;
	v6 =	vxor.u32 v19, v6;
	v22 =	vunpack.i.l.bf16.f32 v5;
	v23 =	vld [tilespmem:s12+$0x12020]  }
0x11c: {  	v9 =	vxor.u32 v15, v9;
	v15 =	vxor.u32 v10, v12;
	v5 =	vunpack.i.u.bf16.f32 v5;
	[tilespmem:s12+$0x13000] =	vst v22  }
0x11d: {  	v12 =	vxor.u32 v19, v12;
	v8 =	vmul.f32 v8, v0;
	[tilespmem:s12+$0x14000] =	vst v5;
	v5 =	vand.u32 $0xFFFF, v9  }
0x11e: {  	v9 =	vmul.f32 v18, v0;
	v22 =	vxor.u32 v10, v5;
	v13 =	vld.idx.msk [tilespmem:v13+s2+$0x0], $0xffff;
	v24 =	vmul.f32 v14, v0  }
0x11f: {  	v10 =	vcvt.s32.f32 v10;
	v5 =	vxor.u32 v19, v5;
	v14 =	vld.idx.msk [tilespmem:v20+s2+$0x0], $0xffff;
	v18 =	vmul.f32 v21, v0  }
0x120: {  	v11 =	vcvt.s32.f32 v11;
	v17 =	vxor.u32 v19, v17;
	v6 =	vld.idx.msk [tilespmem:v6+s2+$0x0], $0xffff;
	v19 =	vmul.f32 v23, v0  }
0x121: {  	v2 =	vsub.f32 v2, v10;
	v10 =	vcvt.s32.f32 v16;
	v16 =	vtrunc.f32 v24;
	v15 =	vld.idx.msk [tilespmem:v15+s2+$0x0], $0xffff  }
0x122: {  	v3 =	vsub.f32 v3, v11;
	v11 =	vld.idx.msk [tilespmem:v12+s2+$0x0], $0xffff;
	v12 =	vtrunc.f32 v18;
	v20 =	vtrunc.f32 v19  }
0x123: {  	v16 =	vcvt.f32.s32 v16;
	v4 =	vsub.f32 v4, v10;
	v10 =	vsub.f32 $1.000000000e+00, v2;
	v21 =	vld.idx.msk [tilespmem:v22+s2+$0x0], $0xffff  }
0x124: {  	v22 =	vsub.f32 $1.000000000e+00, v3;
	v23 =	vcvt.f32.s32 v12;
	v20 =	vcvt.f32.s32 v20;
	v5 =	vld.idx.msk [tilespmem:v5+s2+$0x0], $0xffff  }
0x125: {  	v2 =	vpack.i.f32.bf16 v2, v2;
	v12 =	vsub.f32 $1.000000000e+00, v4;
	v10 =	vpack.i.f32.bf16 v10, v10;
	v17 =	vld.idx.msk [tilespmem:v17+s2+$0x0], $0xffff  }
0x126: {  	v14 =	vmul.bf16 v14, v10;
	v6 =	vmul.bf16 v6, v2  }
0x127: {  	v26 =	vmul.u32 $0x9E3779B1, v23;
	v25 =	vmul.f32 v12, v22;
	v12 =	vmul.f32 v12, v3  }
0x128: {  	v6 =	vadd.bf16 v6, v14;
	v14 =	vmul.bf16 v15, v10;
	v11 =	vmul.bf16 v11, v2  }
0x129: {  	v15 =	vmul.f32 v4, v22;
	v22 =	vpack.i.f32.bf16 v25, v25;
	v21 =	vmul.bf16 v21, v10  }
0x12a: {  	v6 =	vmul.bf16 v6, v22;
	v11 =	vadd.bf16 v11, v14;
	v5 =	vmul.bf16 v5, v2  }
0x12b: {  	v10 =	vmul.bf16 v13, v10;
	v14 =	vpack.i.f32.bf16 v15, v15;
	v2 =	vmul.bf16 v17, v2  }
0x12c: {  	v6 =	vadd.bf16 v1, v6;
	v11 =	vmul.bf16 v11, v14;
	v5 =	vadd.bf16 v5, v21;
	v13 =	vld [tilespmem:s12+$0x10060]  }
0x12d: {  	v3 =	vmul.f32 v4, v3;
	v4 =	vpack.i.f32.bf16 v12, v12;
	v14 =	vmul.u32 $0x30025795, v20  }
0x12e: {  	v2 =	vadd.bf16 v2, v10;
	v6 =	vadd.bf16 v11, v6;
	v4 =	vmul.bf16 v5, v4  }
0x12f: {  	v3 =	vpack.i.f32.bf16 v3, v3;
	v5 =	vadd.s32 $0x9E3779B1, v26;
	v10 =	vadd.s32 $0x30025795, v14  }
0x130: {  	v2 =	vmul.bf16 v2, v3;
	v3 =	vxor.u32 v5, v10;
	v4 =	vadd.bf16 v4, v6;
	v6 =	vld [tilespmem:s12+$0x11060]  }
0x131: {  	v11 =	vxor.u32 v26, v14;
	v3 =	vand.u32 $0xFFFF, v3;
	v15 =	vld [tilespmem:s12+$0x12060];
	v12 =	vmul.f32 v13, v0  }
0x132: {  	v2 =	vadd.bf16 v2, v4;
	v4 =	vand.u32 $0xFFFF, v11;
	v11 =	vxor.u32 v16, v3;
	v17 =	vld [tilespmem:s12+$0x10030]  }
0x133: {  	v21 =	vadd.s32 $0x1, v16;
	v10 =	vxor.u32 v26, v10;
	v22 =	vxor.u32 v16, v4;
	v25 =	vld [tilespmem:s12+$0x11030]  }
0x134: {  	v10 =	vand.u32 $0xFFFF, v10;
	v4 =	vxor.u32 v21, v4;
	v13 =	vunpack.i.l.bf16.f32 v2;
	v26 =	vld [tilespmem:s12+$0x12030]  }
0x135: {  	v5 =	vxor.u32 v14, v5;
	v27 =	vxor.u32 v16, v10;
	v2 =	vunpack.i.u.bf16.f32 v2;
	[tilespmem:s12+$0x13010] =	vst v13  }
0x136: {  	v13 =	vmul.f32 v6, v0;
	[tilespmem:s12+$0x14010] =	vst v2;
	v2 =	vand.u32 $0xFFFF, v5;
	v5 =	vxor.u32 v21, v10  }
0x137: {  	v14 =	vmul.f32 v15, v0;
	v6 =	vxor.u32 v16, v2;
	v10 =	vld.idx.msk [tilespmem:v11+s2+$0x0], $0xffff;
	v28 =	vmul.f32 v17, v0  }
0x138: {  	v11 =	vcvt.s32.f32 v16;
	v2 =	vxor.u32 v21, v2;
	v15 =	vld.idx.msk [tilespmem:v22+s2+$0x0], $0xffff;
	v22 =	vmul.f32 v25, v0  }
0x139: {  	v3 =	vxor.u32 v21, v3;
	v16 =	vcvt.s32.f32 v23;
	v4 =	vld.idx.msk [tilespmem:v4+s2+$0x0], $0xffff;
	v21 =	vmul.f32 v26, v0  }
0x13a: {  	v17 =	vcvt.s32.f32 v20;
	v11 =	vsub.f32 v24, v11;
	v23 =	vtrunc.f32 v28;
	v20 =	vld.idx.msk [tilespmem:v27+s2+$0x0], $0xffff  }
0x13b: {  	v16 =	vsub.f32 v18, v16;
	v18 =	vtrunc.f32 v22;
	v5 =	vld.idx.msk [tilespmem:v5+s2+$0x0], $0xffff;
	v24 =	vtrunc.f32 v21  }
0x13c: {  	v17 =	vsub.f32 v19, v17;
	v23 =	vcvt.f32.s32 v23;
	v19 =	vsub.f32 $1.000000000e+00, v11;
	v6 =	vld.idx.msk [tilespmem:v6+s2+$0x0], $0xffff  }
0x13d: {  	v25 =	vsub.f32 $1.000000000e+00, v16;
	v18 =	vcvt.f32.s32 v18;
	v24 =	vcvt.f32.s32 v24;
	v2 =	vld.idx.msk [tilespmem:v2+s2+$0x0], $0xffff  }
0x13e: {  	v26 =	vsub.f32 $1.000000000e+00, v17;
	v11 =	vpack.i.f32.bf16 v11, v11;
	v19 =	vpack.i.f32.bf16 v19, v19;
	v3 =	vld.idx.msk [tilespmem:v3+s2+$0x0], $0xffff  }
0x13f: {  	v15 =	vmul.bf16 v15, v19;
	v4 =	vmul.bf16 v4, v11  }
0x140: {  	v27 =	vmul.f32 v26, v25;
	v26 =	vmul.f32 v26, v16;
	v29 =	vmul.u32 $0x9E3779B1, v18  }
0x141: {  	v4 =	vadd.bf16 v4, v15;
	v15 =	vmul.bf16 v20, v19;
	v5 =	vmul.bf16 v5, v11  }
0x142: {  	v20 =	vmul.f32 v17, v25;
	v25 =	vpack.i.f32.bf16 v27, v27;
	v6 =	vmul.bf16 v6, v19  }
0x143: {  	v4 =	vmul.bf16 v4, v25;
	v5 =	vadd.bf16 v5, v15;
	v2 =	vmul.bf16 v2, v11  }
0x144: {  	v10 =	vmul.bf16 v10, v19;
	v15 =	vpack.i.f32.bf16 v20, v20;
	v3 =	vmul.bf16 v3, v11  }
0x145: {  	v4 =	vadd.bf16 v1, v4;
	v5 =	vmul.bf16 v5, v15;
	v2 =	vadd.bf16 v2, v6;
	v6 =	vld [tilespmem:s12+$0x10050]  }
0x146: {  	v11 =	vmul.f32 v17, v16;
	v16 =	vmul.u32 $0x30025795, v24;
	v15 =	vpack.i.f32.bf16 v26, v26  }
0x147: {  	v3 =	vadd.bf16 v3, v10;
	v4 =	vadd.bf16 v5, v4;
	v2 =	vmul.bf16 v2, v15  }
0x148: {  	v10 =	vadd.s32 $0x9E3779B1, v29;
	v5 =	vpack.i.f32.bf16 v11, v11;
	v15 =	vadd.s32 $0x30025795, v16  }
0x149: {  	v3 =	vmul.bf16 v3, v5;
	v2 =	vadd.bf16 v2, v4;
	v4 =	vxor.u32 v10, v15;
	v5 =	vld [tilespmem:s12+$0x11050]  }
0x14a: {  	v17 =	vxor.u32 v29, v16;
	v4 =	vand.u32 $0xFFFF, v4;
	v19 =	vld [tilespmem:s12+$0x12050];
	v11 =	vmul.f32 v6, v0  }
0x14b: {  	v2 =	vadd.bf16 v3, v2;
	v3 =	vand.u32 $0xFFFF, v17;
	v6 =	vxor.u32 v23, v4;
	v17 =	vld [tilespmem:s12+$0x10040]  }
0x14c: {  	v20 =	vadd.s32 $0x1, v23;
	v15 =	vxor.u32 v29, v15;
	v25 =	vxor.u32 v23, v3;
	v26 =	vld [tilespmem:s12+$0x11040]  }
0x14d: {  	v15 =	vand.u32 $0xFFFF, v15;
	v3 =	vxor.u32 v20, v3;
	v27 =	vunpack.i.l.bf16.f32 v2;
	v29 =	vld [tilespmem:s12+$0x12040]  }
0x14e: {  	v10 =	vxor.u32 v16, v10;
	v2 =	vunpack.i.u.bf16.f32 v2;
	[tilespmem:s12+$0x13020] =	vst v27;
	v27 =	vxor.u32 v23, v15  }
0x14f: {  	v15 =	vxor.u32 v20, v15;
	v16 =	vmul.f32 v5, v0;
	[tilespmem:s12+$0x14020] =	vst v2;
	v2 =	vand.u32 $0xFFFF, v10  }
0x150: {  	v5 =	vxor.u32 v23, v2;
	v6 =	vld.idx.msk [tilespmem:v6+s2+$0x0], $0xffff;
	v10 =	vmul.f32 v17, v0;
	v17 =	vmul.f32 v19, v0  }
0x151: {  	v19 =	vcvt.s32.f32 v23;
	v2 =	vxor.u32 v20, v2;
	v23 =	vld.idx.msk [tilespmem:v25+s2+$0x0], $0xffff;
	v25 =	vmul.f32 v26, v0  }
0x152: {  	v18 =	vcvt.s32.f32 v18;
	v4 =	vxor.u32 v20, v4;
	v3 =	vld.idx.msk [tilespmem:v3+s2+$0x0], $0xffff;
	v20 =	vmul.f32 v29, v0  }
0x153: {  	v24 =	vcvt.s32.f32 v24;
	v19 =	vsub.f32 v28, v19;
	v26 =	vld.idx.msk [tilespmem:v27+s2+$0x0], $0xffff;
	v27 =	vtrunc.f32 v10  }
0x154: {  	v18 =	vsub.f32 v22, v18;
	v22 =	vtrunc.f32 v25;
	v15 =	vld.idx.msk [tilespmem:v15+s2+$0x0], $0xffff;
	v28 =	vtrunc.f32 v20  }
0x155: {  	v21 =	vsub.f32 v21, v24;
	v24 =	vsub.f32 $1.000000000e+00, v19;
	v27 =	vcvt.f32.s32 v27;
	v5 =	vld.idx.msk [tilespmem:v5+s2+$0x0], $0xffff  }
0x156: {  	v29 =	vsub.f32 $1.000000000e+00, v18;
	v22 =	vcvt.f32.s32 v22;
	v28 =	vcvt.f32.s32 v28;
	v2 =	vld.idx.msk [tilespmem:v2+s2+$0x0], $0xffff  }
0x157: {  	v30 =	vsub.f32 $1.000000000e+00, v21;
	v19 =	vpack.i.f32.bf16 v19, v19;
	v24 =	vpack.i.f32.bf16 v24, v24;
	v4 =	vld.idx.msk [tilespmem:v4+s2+$0x0], $0xffff  }
0x158: {  	v23 =	vmul.bf16 v23, v24;
	v3 =	vmul.bf16 v3, v19  }
0x159: {  	v31 =	vmul.f32 v30, v29;
	v30 =	vmul.f32 v30, v18;
	v32 =	vmul.u32 $0x9E3779B1, v22  }
0x15a: {  	v3 =	vadd.bf16 v3, v23;
	v23 =	vmul.bf16 v26, v24;
	v15 =	vmul.bf16 v15, v19  }
0x15b: {  	v26 =	vmul.f32 v21, v29;
	v29 =	vpack.i.f32.bf16 v31, v31;
	v5 =	vmul.bf16 v5, v24  }
0x15c: {  	v3 =	vmul.bf16 v3, v29;
	v15 =	vadd.bf16 v15, v23;
	v2 =	vmul.bf16 v2, v19  }
0x15d: {  	s16 =	sshra.s32 s18, $0x2;
	v6 =	vmul.bf16 v6, v24;
	v23 =	vpack.i.f32.bf16 v26, v26;
	v4 =	vmul.bf16 v4, v19  }
0x15e: {  	v3 =	vadd.bf16 v1, v3;
	v15 =	vmul.bf16 v15, v23;
	v2 =	vadd.bf16 v2, v5;
	v19 =	vld [tilespmem:s16+$0x10010]  }
0x15f: {  	v5 =	vmul.f32 v21, v18;
	v18 =	vpack.i.f32.bf16 v30, v30;
	v21 =	vmul.u32 $0x30025795, v28  }
0x160: {  	v4 =	vadd.bf16 v4, v6;
	v3 =	vadd.bf16 v15, v3;
	v2 =	vmul.bf16 v2, v18  }
0x161: {  	v6 =	vadd.s32 $0x9E3779B1, v32;
	v5 =	vpack.i.f32.bf16 v5, v5;
	v15 =	vadd.s32 $0x30025795, v21  }
0x162: {  	v4 =	vmul.bf16 v4, v5;
	v5 =	vxor.u32 v6, v15;
	v3 =	vadd.bf16 v2, v3;
	v18 =	vld [tilespmem:s16+$0x11010]  }
0x163: {  	v24 =	vand.u32 $0xFFFF, v5;
	v23 =	vld [tilespmem:s16+$0x12010];
	v2 =	vmul.f32 v19, v0;
	v19 =	vxor.u32 v32, v21  }
0x164: {  	v3 =	vadd.bf16 v4, v3;
	v5 =	vld [tilespmem:s16+$0x10000];
	v4 =	vand.u32 $0xFFFF, v19;
	v19 =	vxor.u32 v27, v24  }
0x165: {  	v29 =	vadd.s32 $0x1, v27;
	v15 =	vxor.u32 v32, v15;
	v26 =	vld [tilespmem:s16+$0x11000];
	v30 =	vxor.u32 v27, v4  }
0x166: {  	v15 =	vand.u32 $0xFFFF, v15;
	v32 =	vunpack.i.l.bf16.f32 v3;
	v33 =	vxor.u32 v29, v4;
	v31 =	vld [tilespmem:s16+$0x12000]  }
0x167: {  	v6 =	vxor.u32 v21, v6;
	v21 =	vxor.u32 v27, v15;
	v4 =	vunpack.i.u.bf16.f32 v3;
	[tilespmem:s12+$0x13030] =	vst v32  }
0x168: {  	v6 =	vand.u32 $0xFFFF, v6;
	v3 =	vmul.f32 v18, v0;
	v18 =	vxor.u32 v29, v15;
	[tilespmem:s12+$0x14030] =	vst v4  }
0x169: {  	v4 =	vmul.f32 v23, v0;
	v23 =	vxor.u32 v27, v6;
	v15 =	vmul.f32 v5, v0;
	v19 =	vld.idx.msk [tilespmem:v19+s2+$0x0], $0xffff  }
0x16a: {  	v5 =	vmul.f32 v26, v0;
	v26 =	vcvt.s32.f32 v27;
	v27 =	vld.idx.msk [tilespmem:v30+s2+$0x0], $0xffff;
	v30 =	vxor.u32 v29, v6  }
0x16b: {  	v22 =	vcvt.s32.f32 v22;
	v24 =	vxor.u32 v29, v24;
	v6 =	vmul.f32 v31, v0;
	v31 =	vld.idx.msk [tilespmem:v33+s2+$0x0], $0xffff  }
0x16c: {  	v10 =	vsub.f32 v10, v26;
	v26 =	vcvt.s32.f32 v28;
	v21 =	vld.idx.msk [tilespmem:v21+s2+$0x0], $0xffff;
	v28 =	vtrunc.f32 v11  }
0x16d: {  	v22 =	vsub.f32 v25, v22;
	v25 =	vtrunc.f32 v16;
	v29 =	vtrunc.f32 v17;
	v18 =	vld.idx.msk [tilespmem:v18+s2+$0x0], $0xffff  }
0x16e: {  	v28 =	vcvt.f32.s32 v28;
	v20 =	vsub.f32 v20, v26;
	v26 =	vsub.f32 $1.000000000e+00, v10;
	v23 =	vld.idx.msk [tilespmem:v23+s2+$0x0], $0xffff  }
0x16f: {  	v25 =	vcvt.f32.s32 v25;
	v32 =	vsub.f32 $1.000000000e+00, v22;
	v29 =	vcvt.f32.s32 v29;
	v30 =	vld.idx.msk [tilespmem:v30+s2+$0x0], $0xffff  }
0x170: {  	v10 =	vpack.i.f32.bf16 v10, v10;
	v33 =	vsub.f32 $1.000000000e+00, v20;
	v26 =	vpack.i.f32.bf16 v26, v26;
	v24 =	vld.idx.msk [tilespmem:v24+s2+$0x0], $0xffff  }
0x171: {  	v31 =	vmul.bf16 v31, v10;
	v27 =	vmul.bf16 v27, v26  }
0x172: {  	v35 =	vmul.u32 $0x9E3779B1, v25;
	v34 =	vmul.f32 v33, v32;
	v33 =	vmul.f32 v33, v22  }
0x173: {  	v21 =	vmul.bf16 v21, v26;
	v18 =	vmul.bf16 v18, v10;
	v27 =	vadd.bf16 v31, v27  }
0x174: {  	v31 =	vmul.f32 v20, v32;
	v23 =	vmul.bf16 v23, v26;
	v32 =	vpack.i.f32.bf16 v34, v34  }
0x175: {  	v18 =	vadd.bf16 v18, v21;
	v21 =	vmul.bf16 v30, v10;
	v27 =	vmul.bf16 v27, v32  }
0x176: {  	v19 =	vmul.bf16 v19, v26;
	v30 =	vpack.i.f32.bf16 v31, v31;
	v10 =	vmul.bf16 v24, v10  }
0x177: {  	v18 =	vmul.bf16 v18, v30;
	v21 =	vadd.bf16 v21, v23;
	v24 =	vadd.bf16 v1, v27  }
0x178: {  	v20 =	vmul.f32 v20, v22;
	v22 =	vpack.i.f32.bf16 v33, v33;
	v23 =	vmul.u32 $0x30025795, v29  }
0x179: {  	v10 =	vadd.bf16 v10, v19;
	v21 =	vmul.bf16 v21, v22;
	v18 =	vadd.bf16 v18, v24  }
0x17a: {  	v19 =	vpack.i.f32.bf16 v20, v20;
	v20 =	vadd.s32 $0x9E3779B1, v35;
	v22 =	vadd.s32 $0x30025795, v23  }
0x17b: {  	v10 =	vmul.bf16 v10, v19;
	v21 =	vadd.bf16 v21, v18;
	v18 =	vxor.u32 v20, v22  }
0x17c: {  	v19 =	vxor.u32 v35, v23;
	v24 =	vand.u32 $0xFFFF, v18;
	v18 =	vtrunc.f32 v7  }
0x17d: {  	v19 =	vand.u32 $0xFFFF, v19;
	v10 =	vadd.bf16 v10, v21;
	v21 =	vxor.u32 v28, v24  }
0x17e: {  	v26 =	vadd.s32 $0x1, v28;
	v22 =	vxor.u32 v35, v22;
	v27 =	vxor.u32 v28, v19  }
0x17f: {  	v19 =	vxor.u32 v26, v19;
	v22 =	vand.u32 $0xFFFF, v22;
	v30 =	vunpack.i.l.bf16.f32 v10  }
0x180: {  	v20 =	vxor.u32 v23, v20;
	v23 =	vxor.u32 v28, v22;
	v10 =	vunpack.i.u.bf16.f32 v10;
	[tilespmem:s12+$0x13040] =	vst v30  }
0x181: {  	[tilespmem:s12+$0x14040] =	vst v10;
	v10 =	vand.u32 $0xFFFF, v20;
	v20 =	vxor.u32 v26, v22;
	v22 =	vtrunc.f32 v8  }
0x182: {  	v31 =	vtrunc.f32 v12;
	v32 =	vtrunc.f32 v9;
	v30 =	vxor.u32 v28, v10;
	v21 =	vld.idx.msk [tilespmem:v21+s2+$0x0], $0xffff  }
0x183: {  	v34 =	vtrunc.f32 v13;
	v28 =	vcvt.s32.f32 v28;
	v33 =	vxor.u32 v26, v10;
	v27 =	vld.idx.msk [tilespmem:v27+s2+$0x0], $0xffff  }
0x184: {  	v25 =	vcvt.s32.f32 v25;
	v24 =	vxor.u32 v26, v24;
	v26 =	vtrunc.f32 v14;
	v19 =	vld.idx.msk [tilespmem:v19+s2+$0x0], $0xffff  }
0x185: {  	v29 =	vcvt.s32.f32 v29;
	v10 =	vtrunc.f32 v2;
	v28 =	vsub.f32 v11, v28;
	v23 =	vld.idx.msk [tilespmem:v23+s2+$0x0], $0xffff  }
0x186: {  	v16 =	vsub.f32 v16, v25;
	v35 =	vtrunc.f32 v15;
	v11 =	vtrunc.f32 v3;
	v20 =	vld.idx.msk [tilespmem:v20+s2+$0x0], $0xffff  }
0x187: {  	v17 =	vsub.f32 v17, v29;
	v25 =	vsub.f32 $1.000000000e+00, v28;
	v29 =	vld.idx.msk [tilespmem:v30+s2+$0x0], $0xffff;
	v30 =	vcvt.f32.s32 v31  }
0x188: {  	v34 =	vcvt.f32.s32 v34;
	v26 =	vcvt.f32.s32 v26;
	v31 =	vsub.f32 $1.000000000e+00, v16;
	v33 =	vld.idx.msk [tilespmem:v33+s2+$0x0], $0xffff  }
0x189: {  	v36 =	vsub.f32 $1.000000000e+00, v17;
	v28 =	vpack.i.f32.bf16 v28, v28;
	v25 =	vpack.i.f32.bf16 v25, v25;
	v24 =	vld.idx.msk [tilespmem:v24+s2+$0x0], $0xffff  }
0x18a: {  	v27 =	vmul.bf16 v27, v25;
	v19 =	vmul.bf16 v19, v28  }
0x18b: {  	v38 =	vmul.u32 $0x9E3779B1, v34;
	v37 =	vmul.f32 v36, v31;
	v36 =	vmul.f32 v36, v16  }
0x18c: {  	v23 =	vmul.bf16 v23, v25;
	v19 =	vadd.bf16 v19, v27;
	v20 =	vmul.bf16 v20, v28  }
0x18d: {  	v27 =	vmul.f32 v17, v31;
	v31 =	vpack.i.f32.bf16 v37, v37;
	v29 =	vmul.bf16 v29, v25  }
0x18e: {  	v19 =	vmul.bf16 v19, v31;
	v20 =	vadd.bf16 v20, v23;
	v23 =	vmul.bf16 v33, v28  }
0x18f: {  	v21 =	vmul.bf16 v21, v25;
	v27 =	vpack.i.f32.bf16 v27, v27;
	v24 =	vmul.bf16 v24, v28  }
0x190: {  	v19 =	vadd.bf16 v1, v19;
	v20 =	vmul.bf16 v20, v27;
	v23 =	vadd.bf16 v23, v29  }
0x191: {  	v16 =	vmul.f32 v17, v16;
	v17 =	vpack.i.f32.bf16 v36, v36;
	v25 =	vmul.u32 $0x30025795, v26  }
0x192: {  	v19 =	vadd.bf16 v20, v19;
	v17 =	vmul.bf16 v23, v17;
	v20 =	vadd.bf16 v24, v21  }
0x193: {  	v16 =	vpack.i.f32.bf16 v16, v16;
	v21 =	vadd.s32 $0x9E3779B1, v38;
	v23 =	vadd.s32 $0x30025795, v25  }
0x194: {  	v17 =	vadd.bf16 v17, v19;
	v16 =	vmul.bf16 v20, v16;
	v19 =	vxor.u32 v21, v23  }
0x195: {  	v24 =	vxor.u32 v38, v25;
	v20 =	vtrunc.f32 v5;
	v19 =	vand.u32 $0xFFFF, v19  }
0x196: {  	v16 =	vadd.bf16 v16, v17;
	v17 =	vand.u32 $0xFFFF, v24;
	v24 =	vxor.u32 v30, v19  }
0x197: {  	v27 =	vadd.s32 $0x1, v30;
	v23 =	vxor.u32 v38, v23;
	v28 =	vxor.u32 v30, v17  }
0x198: {  	v23 =	vand.u32 $0xFFFF, v23;
	v31 =	vxor.u32 v27, v17;
	v29 =	vunpack.i.l.bf16.f32 v16  }
0x199: {  	v17 =	vxor.u32 v25, v21;
	v21 =	vxor.u32 v30, v23;
	v16 =	vunpack.i.u.bf16.f32 v16;
	[tilespmem:s12+$0x13050] =	vst v29  }
0x19a: {  	v25 =	vtrunc.f32 v6;
	v23 =	vxor.u32 v27, v23;
	[tilespmem:s12+$0x14050] =	vst v16;
	v16 =	vand.u32 $0xFFFF, v17  }
0x19b: {  	v18 =	vcvt.f32.s32 v18;
	v22 =	vcvt.f32.s32 v22;
	v29 =	vxor.u32 v30, v16;
	v24 =	vld.idx.msk [tilespmem:v24+s2+$0x0], $0xffff  }
0x19c: {  	v32 =	vcvt.f32.s32 v32;
	v30 =	vcvt.s32.f32 v30;
	v33 =	vxor.u32 v27, v16;
	v28 =	vld.idx.msk [tilespmem:v28+s2+$0x0], $0xffff  }
0x19d: {  	v34 =	vcvt.s32.f32 v34;
	v19 =	vxor.u32 v27, v19;
	v17 =	vcvt.f32.s32 v35;
	v31 =	vld.idx.msk [tilespmem:v31+s2+$0x0], $0xffff  }
0x19e: {  	v26 =	vcvt.s32.f32 v26;
	v20 =	vcvt.f32.s32 v20;
	v12 =	vsub.f32 v12, v30;
	v21 =	vld.idx.msk [tilespmem:v21+s2+$0x0], $0xffff  }
0x19f: {  	v13 =	vsub.f32 v13, v34;
	v16 =	vcvt.f32.s32 v25;
	v25 =	vcvt.s32.f32 v22;
	v23 =	vld.idx.msk [tilespmem:v23+s2+$0x0], $0xffff  }
0x1a0: {  	v14 =	vsub.f32 v14, v26;
	v26 =	vsub.f32 $1.000000000e+00, v12;
	v27 =	vld.idx.msk [tilespmem:v29+s2+$0x0], $0xffff;
	v29 =	vcvt.s32.f32 v32  }
0x1a1: {  	v34 =	vcvt.s32.f32 v18;
	v35 =	vadd.s32 $0x1, v18;
	v30 =	vsub.f32 $1.000000000e+00, v13;
	v33 =	vld.idx.msk [tilespmem:v33+s2+$0x0], $0xffff  }
0x1a2: {  	v36 =	vsub.f32 $1.000000000e+00, v14;
	v12 =	vpack.i.f32.bf16 v12, v12;
	v26 =	vpack.i.f32.bf16 v26, v26;
	v19 =	vld.idx.msk [tilespmem:v19+s2+$0x0], $0xffff  }
0x1a3: {  	v22 =	vmul.u32 $0x9E3779B1, v22;
	v28 =	vmul.bf16 v28, v26;
	v31 =	vmul.bf16 v31, v12  }
0x1a4: {  	v37 =	vmul.f32 v36, v30;
	v36 =	vmul.f32 v36, v13;
	v32 =	vmul.u32 $0x30025795, v32  }
0x1a5: {  	v21 =	vmul.bf16 v21, v26;
	v28 =	vadd.bf16 v31, v28;
	v23 =	vmul.bf16 v23, v12  }
0x1a6: {  	v30 =	vmul.f32 v14, v30;
	v31 =	vpack.i.f32.bf16 v37, v37;
	v27 =	vmul.bf16 v27, v26  }
0x1a7: {  	v28 =	vmul.bf16 v28, v31;
	v21 =	vadd.bf16 v23, v21;
	v23 =	vmul.bf16 v33, v12  }
0x1a8: {  	v30 =	vpack.i.f32.bf16 v30, v30;
	v24 =	vmul.bf16 v24, v26;
	v19 =	vmul.bf16 v19, v12  }
0x1a9: {  	v26 =	vadd.bf16 v1, v28;
	v21 =	vmul.bf16 v21, v30;
	v23 =	vadd.bf16 v23, v27  }
0x1aa: {  	v13 =	vmul.f32 v14, v13;
	v14 =	vpack.i.f32.bf16 v36, v36;
	v12 =	vcvt.s32.f32 v20  }
0x1ab: {  	v19 =	vadd.bf16 v19, v24;
	v21 =	vadd.bf16 v21, v26;
	v14 =	vmul.bf16 v23, v14  }
0x1ac: {  	v13 =	vpack.i.f32.bf16 v13, v13;
	v24 =	vadd.s32 $0x30025795, v32;
	v23 =	vadd.s32 $0x9E3779B1, v22  }
0x1ad: {  	v13 =	vmul.bf16 v19, v13;
	v19 =	vxor.u32 v23, v24;
	v14 =	vadd.bf16 v14, v21  }
0x1ae: {  	v26 =	vxor.u32 v22, v32;
	v21 =	vadd.s32 $0x1, v17;
	v19 =	vand.u32 $0xFFFF, v19  }
0x1af: {  	v13 =	vadd.bf16 v13, v14;
	v14 =	vand.u32 $0xFFFF, v26;
	v26 =	vxor.u32 v18, v19  }
0x1b0: {  	v20 =	vmul.u32 $0x9E3779B1, v20;
	v22 =	vxor.u32 v22, v24;
	v24 =	vxor.u32 v18, v14  }
0x1b1: {  	v22 =	vand.u32 $0xFFFF, v22;
	v14 =	vxor.u32 v35, v14;
	v27 =	vunpack.i.l.bf16.f32 v13  }
0x1b2: {  	v23 =	vxor.u32 v32, v23;
	v13 =	vunpack.i.u.bf16.f32 v13;
	[tilespmem:s12+$0x13060] =	vst v27;
	v27 =	vxor.u32 v18, v22  }
0x1b3: {  	v28 =	vmul.u32 $0x30025795, v16;
	v22 =	vxor.u32 v35, v22;
	[tilespmem:s12+$0x14060] =	vst v13;
	v13 =	vand.u32 $0xFFFF, v23  }
0x1b4: {  	v8 =	vsub.f32 v8, v25;
	v9 =	vsub.f32 v9, v29;
	v18 =	vxor.u32 v18, v13;
	v23 =	vld.idx.msk [tilespmem:v26+s2+$0x0], $0xffff  }
0x1b5: {  	v7 =	vsub.f32 v7, v34;
	v25 =	vadd.s32 $0x9E3779B1, v20;
	v13 =	vxor.u32 v35, v13;
	v24 =	vld.idx.msk [tilespmem:v24+s2+$0x0], $0xffff  }
0x1b6: {  	v29 =	vxor.u32 v20, v28;
	v19 =	vxor.u32 v35, v19;
	v26 =	vadd.s32 $0x30025795, v28;
	v14 =	vld.idx.msk [tilespmem:v14+s2+$0x0], $0xffff  }
0x1b7: {  	v28 =	vxor.u32 v28, v25;
	v20 =	vxor.u32 v20, v26;
	v25 =	vxor.u32 v25, v26;
	v26 =	vld.idx.msk [tilespmem:v27+s2+$0x0], $0xffff  }
0x1b8: {  	v30 =	vmul.f32 v9, v8;
	v27 =	vand.u32 $0xFFFF, v29;
	v29 =	vsub.f32 $1.000000000e+00, v8;
	v22 =	vld.idx.msk [tilespmem:v22+s2+$0x0], $0xffff  }
0x1b9: {  	v31 =	vsub.f32 $1.000000000e+00, v7;
	v7 =	vpack.i.f32.bf16 v7, v7;
	v32 =	vsub.f32 $1.000000000e+00, v9;
	v18 =	vld.idx.msk [tilespmem:v18+s2+$0x0], $0xffff  }
0x1ba: {  	v28 =	vand.u32 $0xFFFF, v28;
	v20 =	vand.u32 $0xFFFF, v20;
	v25 =	vand.u32 $0xFFFF, v25;
	v13 =	vld.idx.msk [tilespmem:v13+s2+$0x0], $0xffff  }
0x1bb: {  	v31 =	vpack.i.f32.bf16 v31, v31;
	v33 =	vxor.u32 v17, v27;
	v27 =	vxor.u32 v21, v27;
	v19 =	vld.idx.msk [tilespmem:v19+s2+$0x0], $0xffff  }
0x1bc: {  	v34 =	vxor.u32 v17, v25;
	v24 =	vmul.bf16 v24, v31;
	v14 =	vmul.bf16 v14, v7  }
0x1bd: {  	v35 =	vxor.u32 v17, v20;
	v8 =	vmul.f32 v32, v8;
	v36 =	vmul.f32 v32, v29  }
0x1be: {  	v14 =	vadd.bf16 v14, v24;
	v24 =	vmul.bf16 v26, v31;
	v22 =	vmul.bf16 v22, v7  }
0x1bf: {  	v9 =	vmul.f32 v9, v29;
	v26 =	vpack.i.f32.bf16 v36, v36;
	v18 =	vmul.bf16 v18, v31  }
0x1c0: {  	v14 =	vmul.bf16 v14, v26;
	v22 =	vadd.bf16 v22, v24;
	v13 =	vmul.bf16 v13, v7  }
0x1c1: {  	v23 =	vmul.bf16 v23, v31;
	v9 =	vpack.i.f32.bf16 v9, v9;
	v7 =	vmul.bf16 v19, v7  }
0x1c2: {  	v14 =	vadd.bf16 v1, v14;
	v9 =	vmul.bf16 v22, v9;
	v22 =	vadd.bf16 v13, v18  }
.Ltmp0:
0x1c3: {  	v8 =	vpack.i.f32.bf16 v8, v8;
	v19 =	vxor.u32 v21, v20;
	v18 =	vxor.u32 v17, v28;
	(pc) =	sbr.rel @p1 .LBB2_3-.Ltmp0, $4  }
0x1c4: {  	v24 =	vadd.bf16 v9, v14;
	v8 =	vmul.bf16 v22, v8;
	v22 =	vadd.bf16 v7, v23;
	v13 =	vld.idx.msk [tilespmem:v33+s2+$0x0], $0xffff  }
0x1c5: {  	v26 =	vpack.i.f32.bf16 v30, v30;
	v20 =	vxor.u32 v21, v28;
	v23 =	vcvt.s32.f32 v17;
	v14 =	vld.idx.msk [tilespmem:v27+s2+$0x0], $0xffff  }
0x1c6: {  	v17 =	vxor.u32 v21, v25;
	v7 =	vadd.bf16 v8, v24;
	v8 =	vmul.bf16 v22, v26;
	v9 =	vld.idx.msk [tilespmem:v34+s2+$0x0], $0xffff  }
0x1c7: {  	s18 =	sadd.s32 $0x200, s18;
	v21 =	vsub.f32 v15, v23;
	v22 =	vcvt.s32.f32 v16;
	v16 =	vtrunc.f32 v4;
	v15 =	vld.idx.msk [tilespmem:v35+s2+$0x0], $0xffff  }
0x1c8: {  	_ =	sdelay $0x2  }
0x1c9: {  	v5 =	vsub.f32 v5, v12  }
0x1ca: {  	v12 =	vld.idx.msk [tilespmem:v19+s2+$0x0], $0xffff;
	v11 =	vcvt.f32.s32 v11;
	v6 =	vsub.f32 v6, v22;
	v19 =	vsub.f32 $1.000000000e+00, v21  }
0x1cb: {  	v18 =	vld.idx.msk [tilespmem:v18+s2+$0x0], $0xffff;
	v16 =	vcvt.f32.s32 v16;
	v10 =	vcvt.f32.s32 v10;
	v21 =	vpack.i.f32.bf16 v21, v21  }
0x1cc: {  	v20 =	vld.idx.msk [tilespmem:v20+s2+$0x0], $0xffff;
	v22 =	vsub.f32 $1.000000000e+00, v5;
	v23 =	vsub.f32 $1.000000000e+00, v6;
	v19 =	vpack.i.f32.bf16 v19, v19  }
0x1cd: {  	v17 =	vld.idx.msk [tilespmem:v17+s2+$0x0], $0xffff;
	v14 =	vmul.bf16 v14, v21;
	v13 =	vmul.bf16 v13, v19  }
0x1ce: {  	v25 =	vmul.u32 $0x9E3779B1, v11;
	v9 =	vmul.bf16 v9, v19;
	v24 =	vmul.f32 v23, v22  }
0x1cf: {  	v12 =	vmul.bf16 v12, v21;
	v13 =	vadd.bf16 v14, v13;
	v14 =	vmul.bf16 v15, v19  }
0x1d0: {  	v18 =	vmul.bf16 v18, v19;
	v15 =	vmul.f32 v6, v22;
	v22 =	vpack.i.f32.bf16 v24, v24  }
0x1d1: {  	v13 =	vmul.bf16 v13, v22;
	v12 =	vadd.bf16 v12, v14;
	v14 =	vmul.bf16 v20, v21  }
0x1d2: {  	v23 =	vmul.f32 v23, v5;
	v17 =	vmul.bf16 v17, v21;
	v15 =	vpack.i.f32.bf16 v15, v15  }
0x1d3: {  	v13 =	vadd.bf16 v1, v13;
	v12 =	vmul.bf16 v12, v15;
	v14 =	vadd.bf16 v14, v18  }
0x1d4: {  	v5 =	vmul.f32 v6, v5;
	v6 =	vpack.i.f32.bf16 v23, v23;
	v15 =	vmul.u32 $0x30025795, v16  }
0x1d5: {  	v12 =	vadd.bf16 v12, v13;
	v6 =	vmul.bf16 v14, v6;
	v13 =	vadd.bf16 v17, v9  }
0x1d6: {  	v5 =	vpack.i.f32.bf16 v5, v5;
	v21 =	vadd.s32 $0x1, v10  }
0x1d7: {  	v18 =	vxor.u32 v25, v15;
	v6 =	vadd.bf16 v6, v12;
	v12 =	vmul.bf16 v13, v5  }
0x1d8: {  	v14 =	vadd.s32 $0x9E3779B1, v25;
	v17 =	vadd.s32 $0x30025795, v15;
	v18 =	vand.u32 $0xFFFF, v18  }
0x1d9: {  	v19 =	vld [tilespmem:s16+$0x10020];
	v13 =	vxor.u32 v14, v17;
	v23 =	vxor.u32 v10, v18;
	v12 =	vadd.bf16 v12, v6  }
0x1da: {  	v22 =	vld [tilespmem:s16+$0x11020];
	v17 =	vxor.u32 v25, v17;
	v18 =	vxor.u32 v21, v18;
	v13 =	vand.u32 $0xFFFF, v13  }
0x1db: {  	v17 =	vand.u32 $0xFFFF, v17;
	v20 =	vxor.u32 v10, v13;
	v56 =	vunpack.i.l.bf16.f32 v12  }
0x1dc: {  	v57 =	vld [tilespmem:s16+$0x12020];
	v14 =	vxor.u32 v15, v14;
	v15 =	vxor.u32 v10, v17;
	v12 =	vunpack.i.u.bf16.f32 v12;
	[tilespmem:s16+$0x13000] =	vst v56  }
0x1dd: {  	v14 =	vand.u32 $0xFFFF, v14;
	[tilespmem:s16+$0x14000] =	vst v12;
	v12 =	vxor.u32 v21, v17  }
0x1de: {  	v11 =	vcvt.s32.f32 v11;
	v17 =	vxor.u32 v10, v14;
	v10 =	vcvt.s32.f32 v10;
	v23 =	vld.idx.msk [tilespmem:v23+s2+$0x0], $0xffff  }
0x1df: {  	v19 =	vmul.f32 v19, v0;
	v22 =	vmul.f32 v22, v0;
	v14 =	vxor.u32 v21, v14;
	v18 =	vld.idx.msk [tilespmem:v18+s2+$0x0], $0xffff  }
0x1e0: {  	v13 =	vxor.u32 v21, v13;
	v20 =	vld.idx.msk [tilespmem:v20+s2+$0x0], $0xffff;
	v2 =	vsub.f32 v2, v10;
	v10 =	vcvt.s32.f32 v16  }
0x1e1: {  	v3 =	vsub.f32 v3, v11;
	v11 =	vtrunc.f32 v22;
	v21 =	vmul.f32 v57, v0;
	v15 =	vld.idx.msk [tilespmem:v15+s2+$0x0], $0xffff  }
0x1e2: {  	v11 =	vcvt.f32.s32 v11;
	v4 =	vsub.f32 v4, v10;
	v10 =	vsub.f32 $1.000000000e+00, v2;
	v12 =	vld.idx.msk [tilespmem:v12+s2+$0x0], $0xffff  }
0x1e3: {  	v59 =	vsub.f32 $1.000000000e+00, v3;
	v16 =	vtrunc.f32 v19;
	v58 =	vtrunc.f32 v21;
	v17 =	vld.idx.msk [tilespmem:v17+s2+$0x0], $0xffff  }
0x1e4: {  	v2 =	vpack.i.f32.bf16 v2, v2;
	v14 =	vld.idx.msk [tilespmem:v14+s2+$0x0], $0xffff;
	v26 =	vsub.f32 $1.000000000e+00, v4;
	v10 =	vpack.i.f32.bf16 v10, v10  }
0x1e5: {  	v13 =	vld.idx.msk [tilespmem:v13+s2+$0x0], $0xffff;
	v18 =	vmul.bf16 v18, v2;
	v23 =	vmul.bf16 v23, v10  }
0x1e6: {  	v28 =	vmul.u32 $0x9E3779B1, v11;
	v15 =	vmul.bf16 v15, v10;
	v27 =	vmul.f32 v26, v59  }
0x1e7: {  	v26 =	vmul.f32 v26, v3;
	v18 =	vadd.bf16 v18, v23;
	v12 =	vmul.bf16 v12, v2  }
0x1e8: {  	v23 =	vmul.f32 v4, v59;
	v60 =	vpack.i.f32.bf16 v27, v27;
	v17 =	vmul.bf16 v17, v10  }
0x1e9: {  	v14 =	vmul.bf16 v14, v2;
	v18 =	vmul.bf16 v18, v60;
	v12 =	vadd.bf16 v12, v15  }
0x1ea: {  	v10 =	vmul.bf16 v20, v10;
	v2 =	vmul.bf16 v13, v2;
	v15 =	vpack.i.f32.bf16 v23, v23  }
0x1eb: {  	v14 =	vadd.bf16 v14, v17;
	v13 =	vadd.bf16 v1, v18;
	v12 =	vmul.bf16 v12, v15  }
0x1ec: {  	v24 =	vcvt.f32.s32 v58;
	v3 =	vmul.f32 v4, v3;
	v4 =	vpack.i.f32.bf16 v26, v26  }
0x1ed: {  	v2 =	vadd.bf16 v2, v10;
	v12 =	vadd.bf16 v12, v13;
	v13 =	vmul.bf16 v14, v4  }
0x1ee: {  	v16 =	vcvt.f32.s32 v16;
	v3 =	vpack.i.f32.bf16 v3, v3;
	v15 =	vmul.u32 $0x30025795, v24  }
0x1ef: {  	v11 =	vcvt.s32.f32 v11;
	v12 =	vadd.bf16 v13, v12;
	v13 =	vmul.bf16 v2, v3  }
0x1f0: {  	v10 =	vadd.s32 $0x9E3779B1, v28;
	v23 =	vadd.s32 $0x1, v16;
	v17 =	vxor.u32 v28, v15  }
0x1f1: {  	v62 =	vld [tilespmem:s16+$0x11030];
	v14 =	vadd.s32 $0x30025795, v15;
	v12 =	vadd.bf16 v13, v12;
	v13 =	vand.u32 $0xFFFF, v17  }
0x1f2: {  	v42 =	vld [tilespmem:s16+$0x12040];
	v2 =	vxor.u32 v10, v14;
	v14 =	vxor.u32 v28, v14;
	v61 =	vxor.u32 v16, v13  }
0x1f3: {  	v10 =	vxor.u32 v15, v10;
	v14 =	vand.u32 $0xFFFF, v14;
	v13 =	vxor.u32 v23, v13  }
0x1f4: {  	v32 =	vld [tilespmem:s16+$0x12030];
	v15 =	vxor.u32 v16, v14;
	v63 =	vunpack.i.l.bf16.f32 v12;
	v12 =	vunpack.i.u.bf16.f32 v12  }
0x1f5: {  	v18 =	vand.u32 $0xFFFF, v2;
	v10 =	vand.u32 $0xFFFF, v10;
	[tilespmem:s16+$0x14010] =	vst v12;
	v12 =	vxor.u32 v23, v14  }
0x1f6: {  	v20 =	vld [tilespmem:s16+$0x10030];
	v17 =	vxor.u32 v16, v18;
	[tilespmem:s16+$0x13010] =	vst v63;
	v14 =	vxor.u32 v16, v10;
	v16 =	vcvt.s32.f32 v16  }
0x1f7: {  	v43 =	vmul.f32 v42, v0;
	v26 =	vmul.f32 v62, v0;
	v10 =	vxor.u32 v23, v10;
	v25 =	vld.idx.msk [tilespmem:v61+s2+$0x0], $0xffff  }
0x1f8: {  	v11 =	vsub.f32 v22, v11;
	v16 =	vsub.f32 v19, v16;
	v19 =	vcvt.s32.f32 v24;
	v13 =	vld.idx.msk [tilespmem:v13+s2+$0x0], $0xffff  }
0x1f9: {  	v22 =	vtrunc.f32 v26;
	v18 =	vxor.u32 v23, v18;
	v23 =	vmul.f32 v32, v0;
	v15 =	vld.idx.msk [tilespmem:v15+s2+$0x0], $0xffff  }
0x1fa: {  	v22 =	vcvt.f32.s32 v22;
	v19 =	vsub.f32 v21, v19;
	v21 =	vsub.f32 $1.000000000e+00, v16;
	v12 =	vld.idx.msk [tilespmem:v12+s2+$0x0], $0xffff  }
0x1fb: {  	v34 =	vsub.f32 $1.000000000e+00, v11;
	v20 =	vmul.f32 v20, v0;
	v33 =	vtrunc.f32 v23;
	v14 =	vld.idx.msk [tilespmem:v14+s2+$0x0], $0xffff  }
0x1fc: {  	v16 =	vpack.i.f32.bf16 v16, v16;
	v10 =	vld.idx.msk [tilespmem:v10+s2+$0x0], $0xffff;
	v35 =	vsub.f32 $1.000000000e+00, v19;
	v21 =	vpack.i.f32.bf16 v21, v21  }
0x1fd: {  	v17 =	vld.idx.msk [tilespmem:v17+s2+$0x0], $0xffff;
	v25 =	vmul.bf16 v25, v21;
	v13 =	vmul.bf16 v13, v16  }
0x1fe: {  	v30 =	vmul.u32 $0x9E3779B1, v22;
	v24 =	vcvt.f32.s32 v33;
	v29 =	vmul.f32 v35, v34  }
0x1ff: {  	v18 =	vld.idx.msk [tilespmem:v18+s2+$0x0], $0xffff;
	v15 =	vmul.bf16 v15, v21;
	v13 =	vadd.bf16 v13, v25;
	v12 =	vmul.bf16 v12, v16  }
0x200: {  	v36 =	vmul.f32 v19, v34;
	v37 =	vpack.i.f32.bf16 v29, v29;
	v14 =	vmul.bf16 v14, v21  }
0x201: {  	v10 =	vmul.bf16 v10, v16;
	v13 =	vmul.bf16 v13, v37;
	v12 =	vadd.bf16 v12, v15  }
0x202: {  	v17 =	vmul.bf16 v17, v21;
	v28 =	vmul.f32 v35, v11;
	v15 =	vpack.i.f32.bf16 v36, v36  }
0x203: {  	v10 =	vadd.bf16 v10, v14;
	v13 =	vadd.bf16 v1, v13;
	v12 =	vmul.bf16 v12, v15  }
0x204: {  	v39 =	vld [tilespmem:s16+$0x11040];
	v11 =	vmul.f32 v19, v11;
	v16 =	vmul.bf16 v18, v16;
	v14 =	vpack.i.f32.bf16 v28, v28  }
0x205: {  	v15 =	vmul.u32 $0x30025795, v24;
	v10 =	vmul.bf16 v10, v14;
	v12 =	vadd.bf16 v12, v13  }
0x206: {  	v11 =	vpack.i.f32.bf16 v11, v11;
	v14 =	vtrunc.f32 v20;
	v13 =	vadd.bf16 v16, v17  }
0x207: {  	v16 =	vadd.s32 $0x9E3779B1, v30;
	v18 =	vadd.s32 $0x30025795, v15;
	v10 =	vadd.bf16 v10, v12  }
0x208: {  	v11 =	vmul.bf16 v13, v11;
	v12 =	vcvt.f32.s32 v14;
	v13 =	vxor.u32 v16, v18  }
0x209: {  	v27 =	vmul.f32 v39, v0;
	v19 =	vxor.u32 v30, v15;
	v13 =	vand.u32 $0xFFFF, v13  }
0x20a: {  	v19 =	vand.u32 $0xFFFF, v19;
	v10 =	vadd.bf16 v11, v10;
	v21 =	vxor.u32 v12, v13  }
0x20b: {  	v18 =	vxor.u32 v30, v18;
	v38 =	vadd.s32 $0x1, v12;
	v40 =	vxor.u32 v12, v19  }
0x20c: {  	v18 =	vand.u32 $0xFFFF, v18;
	v19 =	vxor.u32 v38, v19;
	v41 =	vunpack.i.l.bf16.f32 v10  }
0x20d: {  	v15 =	vxor.u32 v15, v16;
	v11 =	vld [tilespmem:s16+$0x10040];
	v16 =	vxor.u32 v12, v18;
	v10 =	vunpack.i.u.bf16.f32 v10;
	[tilespmem:s16+$0x13020] =	vst v41  }
0x20e: {  	v22 =	vcvt.s32.f32 v22;
	v14 =	vld [tilespmem:s16+$0x11050];
	v15 =	vand.u32 $0xFFFF, v15;
	[tilespmem:s16+$0x14020] =	vst v10;
	v10 =	vxor.u32 v38, v18  }
0x20f: {  	v46 =	vtrunc.f32 v43;
	v18 =	vxor.u32 v12, v15;
	v12 =	vcvt.s32.f32 v12;
	v21 =	vld.idx.msk [tilespmem:v21+s2+$0x0], $0xffff  }
0x210: {  	v45 =	vtrunc.f32 v27;
	v22 =	vsub.f32 v26, v22;
	v15 =	vxor.u32 v38, v15;
	v28 =	vld.idx.msk [tilespmem:v40+s2+$0x0], $0xffff  }
0x211: {  	v13 =	vxor.u32 v38, v13;
	v12 =	vsub.f32 v20, v12;
	v20 =	vcvt.s32.f32 v24;
	v19 =	vld.idx.msk [tilespmem:v19+s2+$0x0], $0xffff  }
0x212: {  	v26 =	vcvt.f32.s32 v45;
	v47 =	vsub.f32 $1.000000000e+00, v22;
	v11 =	vmul.f32 v11, v0;
	v16 =	vld.idx.msk [tilespmem:v16+s2+$0x0], $0xffff  }
0x213: {  	v29 =	vcvt.f32.s32 v46;
	v20 =	vsub.f32 v23, v20;
	v23 =	vsub.f32 $1.000000000e+00, v12;
	v10 =	vld.idx.msk [tilespmem:v10+s2+$0x0], $0xffff  }
0x214: {  	v14 =	vmul.f32 v14, v0;
	v44 =	vtrunc.f32 v11;
	v12 =	vpack.i.f32.bf16 v12, v12;
	v18 =	vld.idx.msk [tilespmem:v18+s2+$0x0], $0xffff  }
0x215: {  	v24 =	vcvt.f32.s32 v44;
	v15 =	vld.idx.msk [tilespmem:v15+s2+$0x0], $0xffff;
	v32 =	vsub.f32 $1.000000000e+00, v20;
	v23 =	vpack.i.f32.bf16 v23, v23  }
0x216: {  	v13 =	vld.idx.msk [tilespmem:v13+s2+$0x0], $0xffff;
	v28 =	vmul.bf16 v28, v23;
	v19 =	vmul.bf16 v19, v12  }
0x217: {  	v34 =	vmul.u32 $0x9E3779B1, v26;
	v48 =	vmul.f32 v20, v47;
	v33 =	vmul.f32 v32, v47  }
0x218: {  	v16 =	vmul.bf16 v16, v23;
	v19 =	vadd.bf16 v19, v28;
	v10 =	vmul.bf16 v10, v12  }
0x219: {  	v21 =	vmul.bf16 v21, v23;
	v49 =	vpack.i.f32.bf16 v33, v33;
	v18 =	vmul.bf16 v18, v23  }
0x21a: {  	v15 =	vmul.bf16 v15, v12;
	v19 =	vmul.bf16 v19, v49;
	v10 =	vadd.bf16 v10, v16  }
0x21b: {  	v32 =	vmul.f32 v32, v22;
	v12 =	vmul.bf16 v13, v12;
	v16 =	vpack.i.f32.bf16 v48, v48  }
0x21c: {  	v17 =	vld [tilespmem:s16+$0x10050];
	v15 =	vadd.bf16 v15, v18;
	v13 =	vadd.bf16 v1, v19;
	v10 =	vmul.bf16 v10, v16  }
0x21d: {  	v18 =	vpack.i.f32.bf16 v32, v32;
	v16 =	vmul.f32 v20, v22;
	v19 =	vmul.u32 $0x30025795, v29  }
0x21e: {  	v12 =	vadd.bf16 v12, v21;
	v10 =	vadd.bf16 v10, v13;
	v13 =	vmul.bf16 v15, v18  }
0x21f: {  	v15 =	vpack.i.f32.bf16 v16, v16;
	v16 =	vadd.s32 $0x9E3779B1, v34;
	v18 =	vadd.s32 $0x30025795, v19  }
0x220: {  	v12 =	vmul.bf16 v12, v15;
	v10 =	vadd.bf16 v13, v10;
	v13 =	vxor.u32 v16, v18  }
0x221: {  	v15 =	vmul.f32 v17, v0;
	v17 =	vxor.u32 v34, v19;
	v13 =	vand.u32 $0xFFFF, v13  }
0x222: {  	v31 =	vld [tilespmem:s16+$0x12050];
	v10 =	vadd.bf16 v12, v10;
	v12 =	vand.u32 $0xFFFF, v17;
	v17 =	vxor.u32 v24, v13  }
0x223: {  	v9 =	vld [tilespmem:s16+$0x10070];
	v20 =	vadd.s32 $0x1, v24;
	v18 =	vxor.u32 v34, v18;
	v21 =	vxor.u32 v24, v12  }
0x224: {  	v5 =	vld [tilespmem:s16+$0x11070];
	v18 =	vand.u32 $0xFFFF, v18;
	v12 =	vxor.u32 v20, v12;
	v22 =	vunpack.i.l.bf16.f32 v10  }
0x225: {  	v6 =	vld [tilespmem:s16+$0x12070];
	v16 =	vxor.u32 v19, v16;
	v19 =	vxor.u32 v24, v18;
	v10 =	vunpack.i.u.bf16.f32 v10;
	[tilespmem:s16+$0x13030] =	vst v22  }
0x226: {  	v23 =	vcvt.s32.f32 v24;
	[tilespmem:s16+$0x14030] =	vst v10;
	v10 =	vand.u32 $0xFFFF, v16;
	v16 =	vxor.u32 v20, v18  }
0x227: {  	v50 =	vcvt.s32.f32 v26;
	v22 =	vxor.u32 v24, v10;
	v17 =	vld.idx.msk [tilespmem:v17+s2+$0x0], $0xffff  }
0x228: {  	v51 =	vtrunc.f32 v14;
	v11 =	vsub.f32 v11, v23;
	v10 =	vxor.u32 v20, v10;
	v21 =	vld.idx.msk [tilespmem:v21+s2+$0x0], $0xffff  }
0x229: {  	v26 =	vcvt.f32.s32 v51;
	v13 =	vxor.u32 v20, v13;
	v20 =	vcvt.s32.f32 v29;
	v12 =	vld.idx.msk [tilespmem:v12+s2+$0x0], $0xffff  }
0x22a: {  	v53 =	vsub.f32 $1.000000000e+00, v11;
	v11 =	vpack.i.f32.bf16 v11, v11;
	v18 =	vmul.f32 v31, v0;
	v19 =	vld.idx.msk [tilespmem:v19+s2+$0x0], $0xffff  }
0x22b: {  	v23 =	vtrunc.f32 v15;
	v24 =	vsub.f32 v27, v50;
	v20 =	vsub.f32 v43, v20;
	v16 =	vld.idx.msk [tilespmem:v16+s2+$0x0], $0xffff  }
0x22c: {  	v25 =	vpack.i.f32.bf16 v53, v53;
	v23 =	vcvt.f32.s32 v23;
	v52 =	vtrunc.f32 v18;
	v22 =	vld.idx.msk [tilespmem:v22+s2+$0x0], $0xffff  }
0x22d: {  	v54 =	vsub.f32 $1.000000000e+00, v24;
	v27 =	vcvt.f32.s32 v52;
	v55 =	vsub.f32 $1.000000000e+00, v20;
	v10 =	vld.idx.msk [tilespmem:v10+s2+$0x0], $0xffff  }
0x22e: {  	v13 =	vld.idx.msk [tilespmem:v13+s2+$0x0], $0xffff;
	v21 =	vmul.bf16 v21, v25;
	v12 =	vmul.bf16 v12, v11  }
0x22f: {  	v57 =	vmul.u32 $0x9E3779B1, v26;
	v56 =	vmul.f32 v55, v54;
	v29 =	vmul.f32 v55, v24  }
0x230: {  	v19 =	vmul.bf16 v19, v25;
	v12 =	vadd.bf16 v12, v21;
	v16 =	vmul.bf16 v16, v11  }
0x231: {  	v58 =	vpack.i.f32.bf16 v56, v56;
	v21 =	vmul.f32 v20, v54;
	v22 =	vmul.bf16 v22, v25  }
0x232: {  	v10 =	vmul.bf16 v10, v11;
	v12 =	vmul.bf16 v12, v58;
	v16 =	vadd.bf16 v16, v19  }
0x233: {  	v17 =	vmul.bf16 v17, v25;
	v11 =	vmul.bf16 v13, v11;
	v19 =	vpack.i.f32.bf16 v21, v21  }
0x234: {  	v4 =	vld [tilespmem:s16+$0x10060];
	v10 =	vadd.bf16 v10, v22;
	v12 =	vadd.bf16 v1, v12;
	v13 =	vmul.bf16 v16, v19  }
0x235: {  	v16 =	vmul.f32 v20, v24;
	v19 =	vpack.i.f32.bf16 v29, v29;
	v20 =	vmul.u32 $0x30025795, v27  }
0x236: {  	v11 =	vadd.bf16 v11, v17;
	v10 =	vmul.bf16 v10, v19;
	v12 =	vadd.bf16 v13, v12  }
0x237: {  	v13 =	vpack.i.f32.bf16 v16, v16;
	v16 =	vadd.s32 $0x9E3779B1, v57;
	v17 =	vadd.s32 $0x30025795, v20  }
0x238: {  	v11 =	vmul.bf16 v11, v13;
	v10 =	vadd.bf16 v10, v12;
	v12 =	vxor.u32 v16, v17  }
0x239: {  	v2 =	vld [tilespmem:s16+$0x12060];
	v4 =	vmul.f32 v4, v0;
	v13 =	vxor.u32 v57, v20;
	v12 =	vand.u32 $0xFFFF, v12  }
0x23a: {  	v3 =	vld [tilespmem:s16+$0x11060];
	v10 =	vadd.bf16 v11, v10;
	v11 =	vand.u32 $0xFFFF, v13;
	v13 =	vxor.u32 v23, v12  }
0x23b: {  	v19 =	vadd.s32 $0x1, v23;
	v17 =	vxor.u32 v57, v17;
	v21 =	vxor.u32 v23, v11  }
0x23c: {  	v17 =	vand.u32 $0xFFFF, v17;
	v11 =	vxor.u32 v19, v11;
	v22 =	vunpack.i.l.bf16.f32 v10  }
0x23d: {  	v16 =	vxor.u32 v20, v16;
	v20 =	vxor.u32 v23, v17;
	v10 =	vunpack.i.u.bf16.f32 v10;
	[tilespmem:s16+$0x13040] =	vst v22  }
0x23e: {  	v2 =	vmul.f32 v2, v0;
	[tilespmem:s16+$0x14040] =	vst v10;
	v10 =	vand.u32 $0xFFFF, v16;
	v16 =	vxor.u32 v19, v17  }
0x23f: {  	v3 =	vmul.f32 v3, v0;
	v22 =	vcvt.s32.f32 v23;
	v17 =	vxor.u32 v23, v10;
	v13 =	vld.idx.msk [tilespmem:v13+s2+$0x0], $0xffff  }
0x240: {  	v60 =	vtrunc.f32 v2;
	v59 =	vcvt.s32.f32 v26;
	v10 =	vxor.u32 v19, v10;
	v21 =	vld.idx.msk [tilespmem:v21+s2+$0x0], $0xffff  }
0x241: {  	v12 =	vxor.u32 v19, v12;
	v19 =	vcvt.s32.f32 v27;
	v15 =	vsub.f32 v15, v22;
	v11 =	vld.idx.msk [tilespmem:v11+s2+$0x0], $0xffff  }
0x242: {  	v14 =	vsub.f32 v14, v59;
	v25 =	vcvt.f32.s32 v60;
	v23 =	vtrunc.f32 v4;
	v20 =	vld.idx.msk [tilespmem:v20+s2+$0x0], $0xffff  }
0x243: {  	v22 =	vtrunc.f32 v3;
	v18 =	vsub.f32 v18, v19;
	v19 =	vsub.f32 $1.000000000e+00, v15;
	v16 =	vld.idx.msk [tilespmem:v16+s2+$0x0], $0xffff  }
0x244: {  	v24 =	vsub.f32 $1.000000000e+00, v14;
	v23 =	vcvt.f32.s32 v23;
	v22 =	vcvt.f32.s32 v22;
	v17 =	vld.idx.msk [tilespmem:v17+s2+$0x0], $0xffff  }
0x245: {  	v15 =	vpack.i.f32.bf16 v15, v15;
	v61 =	vsub.f32 $1.000000000e+00, v18;
	v10 =	vld.idx.msk [tilespmem:v10+s2+$0x0], $0xffff;
	v19 =	vpack.i.f32.bf16 v19, v19  }
0x246: {  	v12 =	vld.idx.msk [tilespmem:v12+s2+$0x0], $0xffff;
	v21 =	vmul.bf16 v21, v19;
	v11 =	vmul.bf16 v11, v15  }
0x247: {  	v63 =	vmul.u32 $0x9E3779B1, v22;
	v62 =	vmul.f32 v61, v24;
	v26 =	vmul.f32 v61, v14  }
0x248: {  	v20 =	vmul.bf16 v20, v19;
	v11 =	vadd.bf16 v11, v21;
	v16 =	vmul.bf16 v16, v15  }
0x249: {  	v31 =	vpack.i.f32.bf16 v62, v62;
	v21 =	vmul.f32 v18, v24;
	v17 =	vmul.bf16 v17, v19  }
0x24a: {  	v10 =	vmul.bf16 v10, v15;
	v11 =	vmul.bf16 v11, v31;
	v16 =	vadd.bf16 v16, v20  }
0x24b: {  	v13 =	vmul.bf16 v13, v19;
	v12 =	vmul.bf16 v12, v15;
	v20 =	vpack.i.f32.bf16 v21, v21  }
0x24c: {  	v10 =	vadd.bf16 v10, v17;
	v11 =	vadd.bf16 v1, v11;
	v15 =	vmul.bf16 v16, v20  }
0x24d: {  	v14 =	vmul.f32 v18, v14;
	v17 =	vmul.u32 $0x30025795, v25;
	v16 =	vpack.i.f32.bf16 v26, v26  }
0x24e: {  	v12 =	vadd.bf16 v12, v13;
	v10 =	vmul.bf16 v10, v16;
	v11 =	vadd.bf16 v15, v11  }
0x24f: {  	v13 =	vpack.i.f32.bf16 v14, v14;
	v14 =	vadd.s32 $0x9E3779B1, v63;
	v15 =	vadd.s32 $0x30025795, v17  }
0x250: {  	v10 =	vadd.bf16 v10, v11;
	v11 =	vmul.bf16 v12, v13;
	v12 =	vxor.u32 v14, v15  }
0x251: {  	v9 =	vmul.f32 v9, v0;
	v13 =	vxor.u32 v63, v17;
	v12 =	vand.u32 $0xFFFF, v12  }
0x252: {  	v10 =	vadd.bf16 v11, v10;
	v11 =	vand.u32 $0xFFFF, v13;
	v13 =	vxor.u32 v23, v12  }
0x253: {  	v16 =	vadd.s32 $0x1, v23;
	v15 =	vxor.u32 v63, v15;
	v18 =	vxor.u32 v23, v11  }
0x254: {  	v15 =	vand.u32 $0xFFFF, v15;
	v11 =	vxor.u32 v16, v11;
	v19 =	vunpack.i.l.bf16.f32 v10  }
0x255: {  	v14 =	vxor.u32 v17, v14;
	v17 =	vxor.u32 v23, v15;
	v10 =	vunpack.i.u.bf16.f32 v10;
	[tilespmem:s16+$0x13050] =	vst v19  }
0x256: {  	v6 =	vmul.f32 v6, v0;
	[tilespmem:s16+$0x14050] =	vst v10;
	v10 =	vand.u32 $0xFFFF, v14;
	v14 =	vxor.u32 v16, v15  }
0x257: {  	v5 =	vmul.f32 v5, v0;
	v19 =	vcvt.s32.f32 v23;
	v15 =	vxor.u32 v23, v10;
	v13 =	vld.idx.msk [tilespmem:v13+s2+$0x0], $0xffff  }
0x258: {  	v21 =	vcvt.s32.f32 v22;
	v22 =	vtrunc.f32 v6;
	v10 =	vxor.u32 v16, v10;
	v18 =	vld.idx.msk [tilespmem:v18+s2+$0x0], $0xffff  }
0x259: {  	v12 =	vxor.u32 v16, v12;
	v16 =	vcvt.s32.f32 v25;
	v4 =	vsub.f32 v4, v19;
	v11 =	vld.idx.msk [tilespmem:v11+s2+$0x0], $0xffff  }
0x25a: {  	v20 =	vtrunc.f32 v9;
	v3 =	vsub.f32 v3, v21;
	v21 =	vcvt.f32.s32 v22;
	v17 =	vld.idx.msk [tilespmem:v17+s2+$0x0], $0xffff  }
0x25b: {  	v19 =	vtrunc.f32 v5;
	v2 =	vsub.f32 v2, v16;
	v16 =	vsub.f32 $1.000000000e+00, v4;
	v14 =	vld.idx.msk [tilespmem:v14+s2+$0x0], $0xffff  }
0x25c: {  	v20 =	vcvt.f32.s32 v20;
	v22 =	vsub.f32 $1.000000000e+00, v3;
	v19 =	vcvt.f32.s32 v19;
	v15 =	vld.idx.msk [tilespmem:v15+s2+$0x0], $0xffff  }
0x25d: {  	v4 =	vpack.i.f32.bf16 v4, v4;
	v23 =	vsub.f32 $1.000000000e+00, v2;
	v10 =	vld.idx.msk [tilespmem:v10+s2+$0x0], $0xffff;
	v16 =	vpack.i.f32.bf16 v16, v16  }
0x25e: {  	v12 =	vld.idx.msk [tilespmem:v12+s2+$0x0], $0xffff;
	v18 =	vmul.bf16 v18, v16;
	v11 =	vmul.bf16 v11, v4  }
0x25f: {  	v32 =	vmul.u32 $0x9E3779B1, v19;
	v33 =	vmul.f32 v23, v22;
	v23 =	vmul.f32 v23, v3  }
0x260: {  	v17 =	vmul.bf16 v17, v16;
	v11 =	vadd.bf16 v11, v18;
	v14 =	vmul.bf16 v14, v4  }
0x261: {  	v18 =	vmul.f32 v2, v22;
	v22 =	vpack.i.f32.bf16 v33, v33;
	v15 =	vmul.bf16 v15, v16  }
0x262: {  	v10 =	vmul.bf16 v10, v4;
	v11 =	vmul.bf16 v11, v22;
	v14 =	vadd.bf16 v14, v17  }
0x263: {  	v13 =	vmul.bf16 v13, v16;
	v4 =	vmul.bf16 v12, v4;
	v17 =	vpack.i.f32.bf16 v18, v18  }
0x264: {  	v10 =	vadd.bf16 v10, v15;
	v11 =	vadd.bf16 v1, v11;
	v12 =	vmul.bf16 v14, v17  }
0x265: {  	v2 =	vmul.f32 v2, v3;
	v3 =	vpack.i.f32.bf16 v23, v23;
	v14 =	vmul.u32 $0x30025795, v21  }
0x266: {  	v4 =	vadd.bf16 v4, v13;
	v3 =	vmul.bf16 v10, v3;
	v11 =	vadd.bf16 v12, v11  }
0x267: {  	v2 =	vpack.i.f32.bf16 v2, v2;
	v10 =	vadd.s32 $0x9E3779B1, v32;
	v12 =	vadd.s32 $0x30025795, v14  }
0x268: {  	v2 =	vmul.bf16 v4, v2;
	v4 =	vxor.u32 v10, v12;
	v3 =	vadd.bf16 v3, v11  }
0x269: {  	v11 =	vxor.u32 v32, v14;
	v4 =	vand.u32 $0xFFFF, v4  }
0x26a: {  	v2 =	vadd.bf16 v2, v3;
	v3 =	vand.u32 $0xFFFF, v11;
	v11 =	vxor.u32 v20, v4  }
0x26b: {  	v13 =	vadd.s32 $0x1, v20;
	v12 =	vxor.u32 v32, v12;
	v15 =	vxor.u32 v20, v3  }
0x26c: {  	v12 =	vand.u32 $0xFFFF, v12;
	v3 =	vxor.u32 v13, v3;
	v16 =	vunpack.i.l.bf16.f32 v2  }
0x26d: {  	v10 =	vxor.u32 v14, v10;
	v14 =	vxor.u32 v20, v12;
	v2 =	vunpack.i.u.bf16.f32 v2;
	[tilespmem:s16+$0x13060] =	vst v16  }
0x26e: {  	[tilespmem:s16+$0x14060] =	vst v2;
	v2 =	vand.u32 $0xFFFF, v10;
	v10 =	vxor.u32 v13, v12  }
0x26f: {  	v12 =	vcvt.s32.f32 v20;
	v16 =	vxor.u32 v20, v2;
	v11 =	vld.idx.msk [tilespmem:v11+s2+$0x0], $0xffff  }
0x270: {  	v18 =	vcvt.s32.f32 v21;
	v2 =	vxor.u32 v13, v2;
	v15 =	vld.idx.msk [tilespmem:v15+s2+$0x0], $0xffff  }
0x271: {  	v17 =	vcvt.s32.f32 v19;
	v4 =	vxor.u32 v13, v4;
	v9 =	vsub.f32 v9, v12;
	v3 =	vld.idx.msk [tilespmem:v3+s2+$0x0], $0xffff  }
0x272: {  	v6 =	vsub.f32 v6, v18;
	v12 =	vld.idx.msk [tilespmem:v14+s2+$0x0], $0xffff  }
0x273: {  	v5 =	vsub.f32 v5, v17;
	v13 =	vsub.f32 $1.000000000e+00, v9;
	v10 =	vld.idx.msk [tilespmem:v10+s2+$0x0], $0xffff  }
0x274: {  	v17 =	vsub.f32 $1.000000000e+00, v6;
	v16 =	vld.idx.msk [tilespmem:v16+s2+$0x0], $0xffff  }
0x275: {  	v14 =	vsub.f32 $1.000000000e+00, v5;
	v9 =	vpack.i.f32.bf16 v9, v9;
	v2 =	vld.idx.msk [tilespmem:v2+s2+$0x0], $0xffff;
	v13 =	vpack.i.f32.bf16 v13, v13  }
0x276: {  	v4 =	vld.idx.msk [tilespmem:v4+s2+$0x0], $0xffff;
	v15 =	vmul.bf16 v15, v13;
	v3 =	vmul.bf16 v3, v9  }
0x277: {  	v18 =	vmul.f32 v17, v14;
	v17 =	vmul.f32 v17, v5  }
0x278: {  	v12 =	vmul.bf16 v12, v13;
	v3 =	vadd.bf16 v3, v15;
	v10 =	vmul.bf16 v10, v9  }
0x279: {  	v14 =	vmul.f32 v6, v14;
	v15 =	vpack.i.f32.bf16 v18, v18;
	v16 =	vmul.bf16 v16, v13  }
0x27a: {  	v2 =	vmul.bf16 v2, v9;
	v3 =	vmul.bf16 v3, v15;
	v10 =	vadd.bf16 v10, v12  }
0x27b: {  	v11 =	vmul.bf16 v11, v13;
	v4 =	vmul.bf16 v4, v9;
	v12 =	vpack.i.f32.bf16 v14, v14  }
0x27c: {  	v2 =	vadd.bf16 v2, v16;
	v3 =	vadd.bf16 v1, v3;
	v9 =	vmul.bf16 v10, v12  }
0x27d: {  	v5 =	vmul.f32 v6, v5;
	v6 =	vpack.i.f32.bf16 v17, v17  }
0x27e: {  	v4 =	vadd.bf16 v4, v11;
	v2 =	vmul.bf16 v2, v6;
	v3 =	vadd.bf16 v9, v3  }
0x27f: {  	v5 =	vpack.i.f32.bf16 v5, v5  }
0x280: {  	v6 =	vadd.bf16 v8, v7;
	v2 =	vadd.bf16 v2, v3;
	v3 =	vmul.bf16 v4, v5;
	_ =	sdelay $0x1  }
0x281: {  	s18 =	sshll.u32 s8, $0x10;
	v4 =	vunpack.i.u.bf16.f32 v6;
	v2 =	vadd.bf16 v3, v2  }
0x282: {  	s18 =	sadd.s32 s13, s18;
	[tilespmem:s12+$0x14070] =	vst v4;
	v3 =	vunpack.i.l.bf16.f32 v6  }
0x283: {  	[tilespmem:s12+$0x13070] =	vst v3;
	s12 =	sor.u32 s7, s18;
	v3 =	vunpack.i.u.bf16.f32 v2  }
0x284: {  	v2 =	vunpack.i.l.bf16.f32 v2;
	s12 =	sshrl.u32 s12, $0x3;
	[tilespmem:s16+$0x14070] =	vst v3  }
0x285: {  	p1 =	seq.s32 s8, $0x1F;
	s18 =	sor.u32 s14, s18;
	[tilespmem:s16+$0x13070] =	vst v2;
	s12 =	sadd.s32 s1, s12  }
0x286: {  	[hbm4b:s12+s26] =	stream.strided.scatter [tilespmem:s29], [sflag:$0x3], $0x1000, s28, s26, $0x38;
	[tilespmem:$0x1A000] =	vst v63  }
0x287: {  	s10 =	sadd.s32 @!p1 s10, s15;
	s12 =	sshrl.u32 s18, $0x3  }
0x288: {  	s10 =	sshrl.u32 @!p1 s10, $0x3;
	s12 =	sadd.s32 s1, s12  }
0x289: {  	[hbm4b:s12+s26] =	stream.strided.scatter [tilespmem:s30], [sflag:$0x3], $0x1000, s28, s26, $0x38;
	[tilespmem:$0x1A000] =	vst v63  }
0x28a: {  	s16 =	simm.s32 @!p1 $0x0;
	s18 =	simm.s32 @!p1 $0x10000;
	s12 =	sadd.s32 @!p1 s4, s10  }
0x28b: {  	[tilespmem:s18], [sflag:$0x1] =	stream.linear.gather @!p1 [hbm4b:s12+s16], $0x1000, $0x38;
	[tilespmem:$0x1A000] =	vst v63  }
0x28c: {  	s12 =	sadd.s32 @!p1 s5, s10;
	s18 =	simm.s32 @!p1 $0x11000  }
0x28d: {  	[tilespmem:s18], [sflag:$0x1] =	stream.linear.gather @!p1 [hbm4b:s12+s16], $0x1000, $0x38;
	[tilespmem:$0x1A000] =	vst v63  }
0x28e: {  	s10 =	sadd.s32 @!p1 s6, s10;
	s12 =	simm.s32 @!p1 $0x12000  }
0x28f: {  	[tilespmem:s12], [sflag:$0x1] =	stream.linear.gather @!p1 [hbm4b:s10+s16], $0x1000, $0x38;
	[tilespmem:$0x1A000] =	vst v63  }
0x290: {  	_ =	swait.ge [sflag:s31], $0x1000  }
0x291: {  	[sflag:s31] =	ssyncset.done $0x0  }
0x292: {  	[sflag:s31] =	ssyncadd.s32 $0xFFFFF000  }
0x293: {  	_ =	swait.ge [sflag:s31], $0x1000  }
0x294: {  	[sflag:s31] =	ssyncset.done $0x0  }
0x295: {  	[sflag:s31] =	ssyncadd.s32 $0xFFFFF000  }
0x296: {  	_ =	swait.ge [sflag:s31], $0x1000  }
0x297: {  	[sflag:s31] =	ssyncset.done $0x0  }
0x298: {  	s10 =	simm.s32 @!p0 $0x4;
	[sflag:s31] =	ssyncadd.s32 $0xFFFFF000  }
0x299: {  	_ =	swait.ge @!p0 [sflag:s10], $0x1000  }
0x29a: {  	[sflag:s10] =	ssyncset.done @!p0 $0x0  }
0x29b: {  	[sflag:s10] =	ssyncadd.s32 @!p0 $0xFFFFF000  }
0x29c: {  	_ =	swait.ge @!p0 [sflag:s10], $0x1000  }
0x29d: {  	[sflag:s10] =	ssyncset.done @!p0 $0x0  }
0x29e: {  	[sflag:s10] =	ssyncadd.s32 @!p0 $0xFFFFF000;
	s10 =	simm.s32 $0x0  }
0x29f: {  	v2 =	vld [tilespmem:s10+$0x16000]  }
0x2a0: {  	v3 =	vld [tilespmem:s10+$0x17000];
	_ =	sdelay $0x3  }
0x2a1: {  	v4 =	vld [tilespmem:s10+$0x15000]  }
0x2a2: {  	v2 =	vmul.f32 v2, v0;
	v3 =	vmul.f32 v3, v0;
	_ =	sdelay $0x1  }
0x2a3: {  	v10 =	vld [tilespmem:s10+$0x15010];
	v5 =	vtrunc.f32 v2;
	v6 =	vtrunc.f32 v3  }
0x2a4: {  	v5 =	vcvt.f32.s32 v5;
	v6 =	vcvt.f32.s32 v6  }
0x2a5: {  	v4 =	vmul.f32 v4, v0  }
0x2a6: {  	v7 =	vmul.u32 $0x9E3779B1, v5;
	v8 =	vmul.u32 $0x30025795, v6  }
0x2a7: {  	v9 =	vtrunc.f32 v4  }
0x2a8: {  	v12 =	vld [tilespmem:s10+$0x16010];
	v10 =	vmul.f32 v10, v0;
	v9 =	vcvt.f32.s32 v9;
	v11 =	vxor.u32 v7, v8  }
0x2a9: {  	v15 =	vld [tilespmem:s10+$0x17010];
	v13 =	vadd.s32 $0x9E3779B1, v7;
	v14 =	vadd.s32 $0x30025795, v8;
	v11 =	vand.u32 $0xFFFF, v11  }
0x2aa: {  	v16 =	vadd.s32 $0x1, v9;
	v17 =	vxor.u32 v13, v14;
	v18 =	vxor.u32 v9, v11  }
0x2ab: {  	v54 =	vld [tilespmem:s10+$0x17040];
	v7 =	vxor.u32 v7, v14;
	v14 =	vand.u32 $0xFFFF, v17;
	v11 =	vxor.u32 v16, v11  }
0x2ac: {  	v8 =	vxor.u32 v8, v13;
	v7 =	vand.u32 $0xFFFF, v7;
	v17 =	vxor.u32 v9, v14  }
0x2ad: {  	v8 =	vand.u32 $0xFFFF, v8;
	v13 =	vxor.u32 v9, v7;
	v7 =	vxor.u32 v16, v7  }
0x2ae: {  	v12 =	vmul.f32 v12, v0;
	v15 =	vmul.f32 v15, v0;
	v19 =	vxor.u32 v9, v8  }
0x2af: {  	v5 =	vcvt.s32.f32 v5;
	v6 =	vcvt.s32.f32 v6;
	v18 =	vld.idx.msk [tilespmem:v18+s2+$0x0], $0xffff  }
0x2b0: {  	v56 =	vmul.f32 v54, v0;
	v9 =	vcvt.s32.f32 v9;
	v8 =	vxor.u32 v16, v8;
	v11 =	vld.idx.msk [tilespmem:v11+s2+$0x0], $0xffff  }
0x2b1: {  	v2 =	vsub.f32 v2, v5;
	v3 =	vsub.f32 v3, v6;
	v14 =	vxor.u32 v16, v14;
	v16 =	vld.idx.msk [tilespmem:v17+s2+$0x0], $0xffff  }
0x2b2: {  	v20 =	vtrunc.f32 v10;
	v4 =	vsub.f32 v4, v9;
	v9 =	vtrunc.f32 v12;
	v5 =	vld.idx.msk [tilespmem:v7+s2+$0x0], $0xffff  }
0x2b3: {  	v21 =	vsub.f32 $1.000000000e+00, v3;
	v7 =	vld.idx.msk [tilespmem:v19+s2+$0x0], $0xffff;
	v19 =	vcvt.f32.s32 v9;
	v9 =	vsub.f32 $1.000000000e+00, v2  }
0x2b4: {  	v20 =	vcvt.f32.s32 v20;
	v6 =	vsub.f32 $1.000000000e+00, v4;
	v13 =	vld.idx.msk [tilespmem:v13+s2+$0x0], $0xffff;
	v17 =	vtrunc.f32 v15  }
0x2b5: {  	v4 =	vpack.i.f32.bf16 v4, v4;
	v8 =	vld.idx.msk [tilespmem:v8+s2+$0x0], $0xffff;
	v17 =	vcvt.f32.s32 v17;
	v22 =	vmul.f32 v21, v9  }
0x2b6: {  	v14 =	vld.idx.msk [tilespmem:v14+s2+$0x0], $0xffff;
	v6 =	vpack.i.f32.bf16 v6, v6;
	v21 =	vmul.f32 v21, v2;
	v9 =	vmul.f32 v3, v9  }
0x2b7: {  	v23 =	vmul.u32 $0x9E3779B1, v19;
	v2 =	vmul.f32 v3, v2;
	v19 =	vcvt.s32.f32 v19  }
0x2b8: {  	v18 =	vmul.bf16 v18, v6;
	v11 =	vmul.bf16 v11, v4  }
0x2b9: {  	v13 =	vmul.bf16 v13, v6;
	v5 =	vmul.bf16 v5, v4  }
0x2ba: {  	v7 =	vmul.bf16 v7, v6;
	v8 =	vmul.bf16 v8, v4;
	v11 =	vadd.bf16 v11, v18  }
0x2bb: {  	v6 =	vmul.bf16 v16, v6;
	v4 =	vmul.bf16 v14, v4;
	v18 =	vpack.i.f32.bf16 v22, v22  }
0x2bc: {  	v5 =	vadd.bf16 v5, v13;
	v7 =	vadd.bf16 v8, v7;
	v8 =	vld [tilespmem:s10+$0x15070];
	v11 =	vmul.bf16 v11, v18  }
0x2bd: {  	v9 =	vpack.i.f32.bf16 v9, v9;
	v3 =	vpack.i.f32.bf16 v21, v21;
	v4 =	vadd.bf16 v4, v6  }
0x2be: {  	v14 =	vld [tilespmem:s10+$0x17070];
	v5 =	vmul.bf16 v5, v9;
	v9 =	vmul.u32 $0x30025795, v17;
	v11 =	vadd.bf16 v1, v11  }
0x2bf: {  	v2 =	vpack.i.f32.bf16 v2, v2;
	v6 =	vadd.s32 $0x9E3779B1, v23;
	v3 =	vmul.bf16 v7, v3  }
0x2c0: {  	v2 =	vmul.bf16 v4, v2;
	v5 =	vadd.bf16 v5, v11;
	v11 =	vadd.s32 $0x30025795, v9  }
0x2c1: {  	v13 =	vxor.u32 v23, v9;
	v7 =	vmul.f32 v8, v0;
	v4 =	vxor.u32 v6, v11  }
0x2c2: {  	v8 =	vxor.u32 v23, v11;
	v6 =	vxor.u32 v9, v6;
	v3 =	vadd.bf16 v3, v5  }
0x2c3: {  	v21 =	vld [tilespmem:s10+$0x16020];
	v9 =	vmul.f32 v14, v0;
	v14 =	vcvt.s32.f32 v20;
	v8 =	vand.u32 $0xFFFF, v8  }
0x2c4: {  	v16 =	vld [tilespmem:s10+$0x15020];
	v34 =	vxor.u32 v20, v8;
	v2 =	vadd.bf16 v2, v3;
	v3 =	vand.u32 $0xFFFF, v13  }
0x2c5: {  	v18 =	vadd.s32 $0x1, v20;
	v5 =	vld [tilespmem:s10+$0x16070];
	v4 =	vand.u32 $0xFFFF, v4;
	v11 =	vxor.u32 v20, v3  }
0x2c6: {  	v23 =	vld [tilespmem:s10+$0x17020];
	v10 =	vsub.f32 v10, v14;
	v3 =	vxor.u32 v18, v3;
	v22 =	vunpack.i.l.bf16.f32 v2  }
0x2c7: {  	v14 =	vcvt.s32.f32 v17;
	v13 =	vxor.u32 v20, v4;
	v2 =	vunpack.i.u.bf16.f32 v2;
	[tilespmem:s10+$0x18000] =	vst v22  }
0x2c8: {  	v59 =	vtrunc.f32 v56;
	v6 =	vand.u32 $0xFFFF, v6;
	v22 =	vxor.u32 v18, v8;
	[tilespmem:s10+$0x19000] =	vst v2  }
0x2c9: {  	v12 =	vsub.f32 v12, v19;
	v14 =	vsub.f32 v15, v14;
	v2 =	vxor.u32 v20, v6;
	v20 =	vld.idx.msk [tilespmem:v34+s2+$0x0], $0xffff  }
0x2ca: {  	v8 =	vmul.f32 v5, v0;
	v5 =	vmul.f32 v16, v0;
	v6 =	vxor.u32 v18, v6;
	v11 =	vld.idx.msk [tilespmem:v11+s2+$0x0], $0xffff  }
0x2cb: {  	v4 =	vxor.u32 v18, v4;
	v16 =	vmul.f32 v21, v0;
	v18 =	vmul.f32 v23, v0;
	v3 =	vld.idx.msk [tilespmem:v3+s2+$0x0], $0xffff  }
0x2cc: {  	v23 =	vsub.f32 $1.000000000e+00, v12;
	v35 =	vsub.f32 $1.000000000e+00, v14;
	v13 =	vld.idx.msk [tilespmem:v13+s2+$0x0], $0xffff;
	v17 =	vtrunc.f32 v5  }
0x2cd: {  	v15 =	vsub.f32 $1.000000000e+00, v10;
	v19 =	vtrunc.f32 v16;
	v21 =	vtrunc.f32 v18;
	v22 =	vld.idx.msk [tilespmem:v22+s2+$0x0], $0xffff  }
0x2ce: {  	v10 =	vpack.i.f32.bf16 v10, v10;
	v36 =	vmul.f32 v35, v23;
	v24 =	vmul.f32 v35, v12;
	v2 =	vld.idx.msk [tilespmem:v2+s2+$0x0], $0xffff  }
0x2cf: {  	v15 =	vpack.i.f32.bf16 v15, v15;
	v17 =	vcvt.f32.s32 v17;
	v19 =	vcvt.f32.s32 v19;
	v6 =	vld.idx.msk [tilespmem:v6+s2+$0x0], $0xffff  }
0x2d0: {  	v4 =	vld.idx.msk [tilespmem:v4+s2+$0x0], $0xffff;
	v11 =	vmul.bf16 v11, v15;
	v3 =	vmul.bf16 v3, v10  }
0x2d1: {  	v21 =	vcvt.f32.s32 v21;
	v37 =	vmul.u32 $0x9E3779B1, v19;
	v19 =	vcvt.s32.f32 v19  }
0x2d2: {  	v13 =	vmul.bf16 v13, v15;
	v3 =	vadd.bf16 v3, v11;
	v11 =	vmul.bf16 v20, v15  }
0x2d3: {  	v20 =	vmul.bf16 v22, v10;
	v22 =	vmul.f32 v14, v23  }
0x2d4: {  	v23 =	vpack.i.f32.bf16 v36, v36;
	v2 =	vmul.bf16 v2, v15;
	v6 =	vmul.bf16 v6, v10  }
0x2d5: {  	v4 =	vmul.bf16 v4, v10;
	v3 =	vmul.bf16 v3, v23;
	v11 =	vadd.bf16 v20, v11  }
0x2d6: {  	v16 =	vsub.f32 v16, v19;
	v20 =	vpack.i.f32.bf16 v22, v22;
	v2 =	vadd.bf16 v6, v2;
	v6 =	vld [tilespmem:s10+$0x15060]  }
0x2d7: {  	v4 =	vadd.bf16 v4, v13;
	v3 =	vadd.bf16 v1, v3;
	v10 =	vmul.bf16 v11, v20  }
0x2d8: {  	v11 =	vmul.f32 v14, v12;
	v12 =	vpack.i.f32.bf16 v24, v24;
	v14 =	vmul.u32 $0x30025795, v21  }
0x2d9: {  	v22 =	vadd.s32 $0x1, v17;
	v2 =	vmul.bf16 v2, v12;
	v3 =	vadd.bf16 v10, v3  }
0x2da: {  	v20 =	vld [tilespmem:s10+$0x17060];
	v10 =	vpack.i.f32.bf16 v11, v11;
	v11 =	vadd.s32 $0x9E3779B1, v37;
	v13 =	vadd.s32 $0x30025795, v14  }
0x2db: {  	v38 =	vld [tilespmem:s10+$0x16030];
	v15 =	vxor.u32 v37, v14;
	v12 =	vmul.f32 v6, v0;
	v2 =	vadd.bf16 v2, v3  }
0x2dc: {  	v3 =	vmul.bf16 v4, v10;
	v4 =	vxor.u32 v11, v13;
	v13 =	vxor.u32 v37, v13  }
0x2dd: {  	v10 =	vld [tilespmem:s10+$0x16060];
	v11 =	vxor.u32 v14, v11;
	v4 =	vand.u32 $0xFFFF, v4;
	v13 =	vand.u32 $0xFFFF, v13  }
0x2de: {  	v2 =	vadd.bf16 v3, v2;
	v3 =	vand.u32 $0xFFFF, v15;
	v15 =	vld [tilespmem:s10+$0x15030];
	v42 =	vxor.u32 v22, v13  }
0x2df: {  	v40 =	vld [tilespmem:s10+$0x17030];
	v11 =	vand.u32 $0xFFFF, v11;
	v14 =	vmul.f32 v20, v0;
	v23 =	vxor.u32 v17, v3  }
0x2e0: {  	v20 =	vmul.f32 v38, v0;
	v3 =	vxor.u32 v22, v3;
	v39 =	vunpack.i.l.bf16.f32 v2  }
0x2e1: {  	v6 =	vxor.u32 v17, v4;
	v4 =	vxor.u32 v22, v4;
	v2 =	vunpack.i.u.bf16.f32 v2;
	[tilespmem:s10+$0x18010] =	vst v39  }
0x2e2: {  	v41 =	vxor.u32 v17, v13;
	v19 =	vtrunc.f32 v20;
	v13 =	vmul.f32 v10, v0;
	[tilespmem:s10+$0x19010] =	vst v2  }
0x2e3: {  	v2 =	vxor.u32 v17, v11;
	v10 =	vmul.f32 v15, v0;
	v15 =	vcvt.s32.f32 v17;
	v25 =	vld.idx.msk [tilespmem:v42+s2+$0x0], $0xffff  }
0x2e4: {  	v19 =	vcvt.f32.s32 v19;
	v11 =	vxor.u32 v22, v11;
	v22 =	vmul.f32 v40, v0;
	v17 =	vld.idx.msk [tilespmem:v23+s2+$0x0], $0xffff  }
0x2e5: {  	v28 =	vcvt.f32.s32 v59;
	v3 =	vld.idx.msk [tilespmem:v3+s2+$0x0], $0xffff;
	v5 =	vsub.f32 v5, v15;
	v15 =	vcvt.s32.f32 v21  }
0x2e6: {  	v47 =	vmul.u32 $0x9E3779B1, v19;
	v19 =	vcvt.s32.f32 v19;
	v43 =	vtrunc.f32 v22;
	v4 =	vld.idx.msk [tilespmem:v4+s2+$0x0], $0xffff  }
0x2e7: {  	v23 =	vld.idx.msk [tilespmem:v41+s2+$0x0], $0xffff;
	v21 =	vtrunc.f32 v10;
	v15 =	vsub.f32 v18, v15;
	v18 =	vsub.f32 $1.000000000e+00, v5  }
0x2e8: {  	v44 =	vsub.f32 $1.000000000e+00, v16;
	v24 =	vcvt.f32.s32 v43;
	v21 =	vcvt.f32.s32 v21;
	v2 =	vld.idx.msk [tilespmem:v2+s2+$0x0], $0xffff  }
0x2e9: {  	v11 =	vld.idx.msk [tilespmem:v11+s2+$0x0], $0xffff;
	v5 =	vpack.i.f32.bf16 v5, v5;
	v45 =	vsub.f32 $1.000000000e+00, v15;
	v18 =	vpack.i.f32.bf16 v18, v18  }
0x2ea: {  	v6 =	vld.idx.msk [tilespmem:v6+s2+$0x0], $0xffff;
	v19 =	vsub.f32 v20, v19;
	v3 =	vmul.bf16 v3, v5;
	v17 =	vmul.bf16 v17, v18  }
0x2eb: {  	v4 =	vmul.bf16 v4, v5;
	v51 =	vadd.s32 $0x1, v21;
	v46 =	vmul.f32 v45, v44  }
0x2ec: {  	v3 =	vadd.bf16 v3, v17;
	v17 =	vmul.bf16 v23, v18;
	v23 =	vmul.bf16 v25, v5  }
0x2ed: {  	v48 =	vmul.f32 v15, v44;
	v2 =	vmul.bf16 v2, v18;
	v49 =	vpack.i.f32.bf16 v46, v46  }
0x2ee: {  	v11 =	vmul.bf16 v11, v5;
	v3 =	vmul.bf16 v3, v49;
	v17 =	vadd.bf16 v23, v17  }
0x2ef: {  	v6 =	vmul.bf16 v6, v18;
	v27 =	vmul.f32 v45, v16;
	v23 =	vpack.i.f32.bf16 v48, v48  }
0x2f0: {  	v50 =	vld [tilespmem:s10+$0x15040];
	v2 =	vadd.bf16 v11, v2;
	v3 =	vadd.bf16 v1, v3;
	v5 =	vmul.bf16 v17, v23  }
0x2f1: {  	v15 =	vmul.f32 v15, v16;
	v16 =	vpack.i.f32.bf16 v27, v27;
	v17 =	vmul.u32 $0x30025795, v24  }
0x2f2: {  	v4 =	vadd.bf16 v4, v6;
	v2 =	vmul.bf16 v2, v16;
	v3 =	vadd.bf16 v5, v3  }
0x2f3: {  	v6 =	vadd.s32 $0x9E3779B1, v47;
	v5 =	vpack.i.f32.bf16 v15, v15;
	v15 =	vadd.s32 $0x30025795, v17  }
0x2f4: {  	v2 =	vadd.bf16 v2, v3;
	v3 =	vmul.bf16 v4, v5;
	v4 =	vxor.u32 v6, v15  }
0x2f5: {  	v18 =	vld [tilespmem:s10+$0x17050];
	v25 =	vmul.f32 v50, v0;
	v15 =	vxor.u32 v47, v15;
	v4 =	vand.u32 $0xFFFF, v4  }
0x2f6: {  	v5 =	vld [tilespmem:s10+$0x16050];
	v15 =	vand.u32 $0xFFFF, v15;
	v2 =	vadd.bf16 v3, v2;
	v23 =	vxor.u32 v21, v4  }
0x2f7: {  	v11 =	vld [tilespmem:s10+$0x15050];
	v46 =	vcvt.s32.f32 v28;
	v16 =	vxor.u32 v47, v17;
	v55 =	vxor.u32 v21, v15  }
0x2f8: {  	v3 =	vand.u32 $0xFFFF, v16;
	v15 =	vxor.u32 v51, v15;
	v16 =	vunpack.i.l.bf16.f32 v2  }
0x2f9: {  	v6 =	vxor.u32 v17, v6;
	v52 =	vxor.u32 v21, v3;
	v2 =	vunpack.i.u.bf16.f32 v2;
	[tilespmem:s10+$0x18020] =	vst v16  }
0x2fa: {  	v53 =	vld [tilespmem:s10+$0x16040];
	v17 =	vmul.f32 v18, v0;
	v18 =	vcvt.s32.f32 v21;
	v3 =	vxor.u32 v51, v3;
	[tilespmem:s10+$0x19020] =	vst v2  }
0x2fb: {  	v6 =	vand.u32 $0xFFFF, v6;
	v4 =	vxor.u32 v51, v4;
	v16 =	vmul.f32 v5, v0;
	v5 =	vld.idx.msk [tilespmem:v23+s2+$0x0], $0xffff  }
0x2fc: {  	v11 =	vmul.f32 v11, v0;
	v10 =	vsub.f32 v10, v18;
	v2 =	vxor.u32 v21, v6;
	v58 =	vld.idx.msk [tilespmem:v55+s2+$0x0], $0xffff  }
0x2fd: {  	v18 =	vcvt.s32.f32 v24;
	v48 =	vtrunc.f32 v17;
	v6 =	vxor.u32 v51, v6;
	v15 =	vld.idx.msk [tilespmem:v15+s2+$0x0], $0xffff  }
0x2fe: {  	v60 =	vsub.f32 $1.000000000e+00, v19;
	v57 =	vtrunc.f32 v25;
	v31 =	vcvt.f32.s32 v48;
	v23 =	vld.idx.msk [tilespmem:v52+s2+$0x0], $0xffff  }
0x2ff: {  	v47 =	vtrunc.f32 v11;
	v18 =	vsub.f32 v22, v18;
	v21 =	vmul.f32 v53, v0;
	v3 =	vld.idx.msk [tilespmem:v3+s2+$0x0], $0xffff  }
0x300: {  	v24 =	vcvt.f32.s32 v57;
	v22 =	vsub.f32 $1.000000000e+00, v10;
	v57 =	vmul.u32 $0x30025795, v31;
	v4 =	vld.idx.msk [tilespmem:v4+s2+$0x0], $0xffff  }
0x301: {  	v31 =	vcvt.s32.f32 v31;
	v61 =	vsub.f32 $1.000000000e+00, v18;
	v20 =	vtrunc.f32 v21;
	v2 =	vld.idx.msk [tilespmem:v2+s2+$0x0], $0xffff  }
0x302: {  	v10 =	vpack.i.f32.bf16 v10, v10;
	v36 =	vmul.f32 v18, v60;
	v20 =	vcvt.f32.s32 v20;
	v6 =	vld.idx.msk [tilespmem:v6+s2+$0x0], $0xffff  }
0x303: {  	v22 =	vpack.i.f32.bf16 v22, v22;
	v62 =	vmul.f32 v61, v60;
	v30 =	vmul.f32 v61, v19  }
0x304: {  	v39 =	vadd.s32 $0x1, v24;
	v23 =	vmul.bf16 v23, v22;
	v3 =	vmul.bf16 v3, v10  }
0x305: {  	v63 =	vmul.u32 $0x9E3779B1, v20;
	v15 =	vmul.bf16 v15, v10;
	v5 =	vmul.bf16 v5, v22  }
0x306: {  	v4 =	vmul.bf16 v4, v10;
	v3 =	vadd.bf16 v3, v23;
	v23 =	vmul.bf16 v58, v22  }
0x307: {  	v37 =	vpack.i.f32.bf16 v62, v62;
	v2 =	vmul.bf16 v2, v22;
	v6 =	vmul.bf16 v6, v10  }
0x308: {  	v3 =	vmul.bf16 v3, v37;
	v15 =	vadd.bf16 v15, v23;
	v23 =	vpack.i.f32.bf16 v36, v36  }
0x309: {  	s12 =	simm.s32 $0x80;
	v2 =	vadd.bf16 v6, v2;
	v6 =	vmul.f32 v18, v19;
	v18 =	vpack.i.f32.bf16 v30, v30  }
0x30a: {  	v10 =	vld [tilespmem:s12+$0x15010];
	v19 =	vmul.u32 $0x30025795, v28;
	v3 =	vadd.bf16 v1, v3;
	v15 =	vmul.bf16 v15, v23  }
0x30b: {  	v4 =	vadd.bf16 v4, v5;
	v2 =	vmul.bf16 v2, v18;
	v5 =	vpack.i.f32.bf16 v6, v6  }
0x30c: {  	v6 =	vadd.s32 $0x9E3779B1, v63;
	v3 =	vadd.bf16 v15, v3;
	v15 =	vadd.s32 $0x30025795, v19  }
0x30d: {  	v20 =	vcvt.s32.f32 v20;
	v4 =	vmul.bf16 v4, v5;
	v5 =	vxor.u32 v6, v15  }
0x30e: {  	v15 =	vxor.u32 v63, v15;
	v6 =	vxor.u32 v19, v6;
	v3 =	vadd.bf16 v2, v3  }
0x30f: {  	v18 =	vld [tilespmem:s12+$0x16010];
	v2 =	vmul.f32 v10, v0;
	v10 =	vxor.u32 v63, v19;
	v15 =	vand.u32 $0xFFFF, v15  }
0x310: {  	v22 =	vld [tilespmem:s12+$0x17010];
	v19 =	vxor.u32 v24, v15;
	v3 =	vadd.bf16 v4, v3;
	v4 =	vand.u32 $0xFFFF, v10  }
0x311: {  	v20 =	vsub.f32 v21, v20;
	v21 =	vtrunc.f32 v16;
	v40 =	vxor.u32 v24, v4  }
0x312: {  	v6 =	vand.u32 $0xFFFF, v6;
	v43 =	vxor.u32 v39, v4;
	v42 =	vunpack.i.l.bf16.f32 v3  }
0x313: {  	v38 =	vld [tilespmem:s12+$0x16000];
	v23 =	vand.u32 $0xFFFF, v5;
	v44 =	vxor.u32 v39, v6;
	v4 =	vunpack.i.u.bf16.f32 v3;
	[tilespmem:s10+$0x18030] =	vst v42  }
0x314: {  	v5 =	vld [tilespmem:s12+$0x15000];
	v10 =	vxor.u32 v24, v23;
	v3 =	vmul.f32 v18, v0;
	v18 =	vxor.u32 v39, v15;
	[tilespmem:s10+$0x19030] =	vst v4  }
0x315: {  	v4 =	vmul.f32 v22, v0;
	v22 =	vxor.u32 v24, v6;
	v24 =	vcvt.s32.f32 v24;
	v19 =	vld.idx.msk [tilespmem:v19+s2+$0x0], $0xffff  }
0x316: {  	v17 =	vsub.f32 v17, v31;
	v21 =	vcvt.f32.s32 v21;
	v50 =	vsub.f32 $1.000000000e+00, v20;
	v30 =	vld.idx.msk [tilespmem:v40+s2+$0x0], $0xffff  }
0x317: {  	v58 =	vtrunc.f32 v7;
	v23 =	vxor.u32 v39, v23;
	v24 =	vsub.f32 v25, v24;
	v45 =	vld.idx.msk [tilespmem:v43+s2+$0x0], $0xffff  }
0x318: {  	v35 =	vmul.u32 $0x9E3779B1, v21;
	v21 =	vcvt.s32.f32 v21;
	v28 =	vcvt.f32.s32 v47;
	v27 =	vld.idx.msk [tilespmem:v44+s2+$0x0], $0xffff  }
0x319: {  	v63 =	vtrunc.f32 v8;
	v25 =	vsub.f32 v56, v46;
	v18 =	vld.idx.msk [tilespmem:v18+s2+$0x0], $0xffff;
	v49 =	vsub.f32 $1.000000000e+00, v24  }
0x31a: {  	v16 =	vsub.f32 v16, v21;
	v15 =	vmul.f32 v5, v0;
	v5 =	vmul.f32 v38, v0;
	v22 =	vld.idx.msk [tilespmem:v22+s2+$0x0], $0xffff  }
0x31b: {  	v10 =	vld.idx.msk [tilespmem:v10+s2+$0x0], $0xffff;
	v51 =	vsub.f32 $1.000000000e+00, v25;
	v24 =	vpack.i.f32.bf16 v24, v24;
	v26 =	vpack.i.f32.bf16 v49, v49  }
0x31c: {  	v36 =	vsub.f32 $1.000000000e+00, v17;
	v23 =	vld.idx.msk [tilespmem:v23+s2+$0x0], $0xffff;
	v30 =	vmul.bf16 v30, v26;
	v29 =	vmul.bf16 v45, v24  }
0x31d: {  	v59 =	vadd.s32 $0x1, v28;
	v53 =	vmul.f32 v25, v50;
	v52 =	vmul.f32 v51, v50  }
0x31e: {  	v41 =	vld [tilespmem:s12+$0x17000];
	v19 =	vmul.bf16 v19, v26;
	v18 =	vmul.bf16 v18, v24;
	v29 =	vadd.bf16 v29, v30  }
0x31f: {  	v33 =	vmul.f32 v51, v20;
	v54 =	vpack.i.f32.bf16 v52, v52;
	v22 =	vmul.bf16 v22, v26  }
0x320: {  	v18 =	vadd.bf16 v18, v19;
	v19 =	vmul.bf16 v27, v24;
	v29 =	vmul.bf16 v29, v54  }
0x321: {  	v55 =	vpack.i.f32.bf16 v53, v53;
	v10 =	vmul.bf16 v10, v26;
	v23 =	vmul.bf16 v23, v24  }
0x322: {  	v18 =	vmul.bf16 v18, v55;
	v19 =	vadd.bf16 v19, v22;
	v56 =	vadd.bf16 v1, v29  }
0x323: {  	v6 =	vmul.f32 v41, v0;
	v20 =	vmul.f32 v25, v20;
	v22 =	vpack.i.f32.bf16 v33, v33  }
0x324: {  	v10 =	vadd.bf16 v23, v10;
	v19 =	vmul.bf16 v19, v22;
	v18 =	vadd.bf16 v18, v56  }
0x325: {  	v20 =	vpack.i.f32.bf16 v20, v20;
	v23 =	vadd.s32 $0x30025795, v57;
	v22 =	vadd.s32 $0x9E3779B1, v35  }
0x326: {  	v10 =	vmul.bf16 v10, v20;
	v18 =	vadd.bf16 v19, v18;
	v19 =	vxor.u32 v22, v23  }
0x327: {  	v41 =	vtrunc.f32 v9;
	v20 =	vxor.u32 v35, v57;
	v19 =	vand.u32 $0xFFFF, v19  }
0x328: {  	v10 =	vadd.bf16 v10, v18;
	v18 =	vand.u32 $0xFFFF, v20;
	v20 =	vxor.u32 v28, v19  }
0x329: {  	v42 =	vtrunc.f32 v13;
	v23 =	vxor.u32 v35, v23;
	v60 =	vxor.u32 v28, v18  }
0x32a: {  	v23 =	vand.u32 $0xFFFF, v23;
	v18 =	vxor.u32 v59, v18;
	v61 =	vunpack.i.l.bf16.f32 v10  }
0x32b: {  	v22 =	vxor.u32 v57, v22;
	v62 =	vxor.u32 v28, v23;
	v10 =	vunpack.i.u.bf16.f32 v10;
	[tilespmem:s10+$0x18040] =	vst v61  }
0x32c: {  	v34 =	vcvt.f32.s32 v42;
	v22 =	vand.u32 $0xFFFF, v22;
	v23 =	vxor.u32 v59, v23;
	[tilespmem:s10+$0x19040] =	vst v10  }
0x32d: {  	v44 =	vtrunc.f32 v15;
	v39 =	vxor.u32 v28, v22;
	v28 =	vcvt.s32.f32 v28;
	v20 =	vld.idx.msk [tilespmem:v20+s2+$0x0], $0xffff  }
0x32e: {  	v46 =	vsub.f32 $1.000000000e+00, v16;
	v40 =	vtrunc.f32 v12;
	v22 =	vxor.u32 v59, v22;
	v27 =	vld.idx.msk [tilespmem:v60+s2+$0x0], $0xffff  }
0x32f: {  	v43 =	vtrunc.f32 v14;
	v19 =	vxor.u32 v59, v19;
	v28 =	vsub.f32 v11, v28;
	v18 =	vld.idx.msk [tilespmem:v18+s2+$0x0], $0xffff  }
0x330: {  	v38 =	vmul.u32 $0x9E3779B1, v34;
	v37 =	vmul.f32 v36, v46;
	v36 =	vmul.f32 v36, v16;
	v25 =	vld.idx.msk [tilespmem:v62+s2+$0x0], $0xffff  }
0x331: {  	v47 =	vmul.f32 v17, v46;
	v16 =	vmul.f32 v17, v16;
	v21 =	vld.idx.msk [tilespmem:v23+s2+$0x0], $0xffff;
	v23 =	vsub.f32 $1.000000000e+00, v28  }
0x332: {  	v48 =	vpack.i.f32.bf16 v37, v37;
	v45 =	vcvt.f32.s32 v40;
	v26 =	vcvt.f32.s32 v43;
	v30 =	vld.idx.msk [tilespmem:v39+s2+$0x0], $0xffff  }
0x333: {  	v24 =	vcvt.f32.s32 v58;
	v22 =	vld.idx.msk [tilespmem:v22+s2+$0x0], $0xffff;
	v28 =	vpack.i.f32.bf16 v28, v28;
	v23 =	vpack.i.f32.bf16 v23, v23  }
0x334: {  	v49 =	vpack.i.f32.bf16 v47, v47;
	v19 =	vld.idx.msk [tilespmem:v19+s2+$0x0], $0xffff;
	v27 =	vmul.bf16 v27, v23;
	v18 =	vmul.bf16 v18, v28  }
0x335: {  	v17 =	vpack.i.f32.bf16 v36, v36;
	v29 =	vcvt.f32.s32 v63;
	v56 =	vcvt.f32.s32 v41  }
0x336: {  	v25 =	vmul.bf16 v25, v23;
	v21 =	vmul.bf16 v21, v28;
	v18 =	vadd.bf16 v18, v27  }
0x337: {  	v16 =	vpack.i.f32.bf16 v16, v16;
	v57 =	vcvt.s32.f32 v34;
	v30 =	vmul.bf16 v30, v23  }
0x338: {  	v22 =	vmul.bf16 v22, v28;
	v21 =	vadd.bf16 v21, v25;
	v18 =	vmul.bf16 v18, v48  }
0x339: {  	v50 =	vadd.s32 $0x1, v45;
	v20 =	vmul.bf16 v20, v23;
	v19 =	vmul.bf16 v19, v28  }
0x33a: {  	v22 =	vadd.bf16 v22, v30;
	v21 =	vmul.bf16 v21, v49;
	v18 =	vadd.bf16 v1, v18  }
0x33b: {  	v32 =	vmul.u32 $0x30025795, v56;
	v13 =	vsub.f32 v13, v57;
	v23 =	vmul.u32 $0x30025795, v26  }
0x33c: {  	v19 =	vadd.bf16 v19, v20;
	v17 =	vmul.bf16 v22, v17;
	v18 =	vadd.bf16 v21, v18  }
0x33d: {  	v33 =	vsub.f32 $1.000000000e+00, v13;
	v20 =	vadd.s32 $0x9E3779B1, v38;
	v21 =	vadd.s32 $0x30025795, v23  }
0x33e: {  	v16 =	vmul.bf16 v19, v16;
	v17 =	vadd.bf16 v17, v18;
	v18 =	vxor.u32 v20, v21  }
0x33f: {  	v10 =	vtrunc.f32 v2;
	v22 =	vxor.u32 v38, v23;
	v18 =	vand.u32 $0xFFFF, v18  }
0x340: {  	v16 =	vadd.bf16 v16, v17;
	v17 =	vand.u32 $0xFFFF, v22;
	v22 =	vxor.u32 v45, v18  }
0x341: {  	v11 =	vtrunc.f32 v3;
	v21 =	vxor.u32 v38, v21;
	v51 =	vxor.u32 v45, v17  }
0x342: {  	v21 =	vand.u32 $0xFFFF, v21;
	v53 =	vxor.u32 v50, v17;
	v52 =	vunpack.i.l.bf16.f32 v16  }
0x343: {  	v17 =	vxor.u32 v23, v20;
	v20 =	vxor.u32 v45, v21;
	v16 =	vunpack.i.u.bf16.f32 v16;
	[tilespmem:s10+$0x18050] =	vst v52  }
0x344: {  	v26 =	vcvt.s32.f32 v26;
	v21 =	vxor.u32 v50, v21;
	v17 =	vand.u32 $0xFFFF, v17;
	[tilespmem:s10+$0x19050] =	vst v16  }
0x345: {  	v61 =	vcvt.s32.f32 v24;
	v54 =	vxor.u32 v45, v17;
	v16 =	vcvt.s32.f32 v45;
	v22 =	vld.idx.msk [tilespmem:v22+s2+$0x0], $0xffff  }
0x346: {  	v62 =	vadd.s32 $0x1, v24;
	v14 =	vsub.f32 v14, v26;
	v55 =	vxor.u32 v50, v17;
	v27 =	vld.idx.msk [tilespmem:v51+s2+$0x0], $0xffff  }
0x347: {  	v7 =	vsub.f32 v7, v61;
	v18 =	vxor.u32 v50, v18;
	v12 =	vsub.f32 v12, v16;
	v58 =	vld.idx.msk [tilespmem:v53+s2+$0x0], $0xffff  }
0x348: {  	v60 =	vcvt.s32.f32 v56;
	v19 =	vtrunc.f32 v5;
	v63 =	vsub.f32 $1.000000000e+00, v14;
	v20 =	vld.idx.msk [tilespmem:v20+s2+$0x0], $0xffff  }
0x349: {  	v19 =	vcvt.f32.s32 v19;
	v41 =	vmul.f32 v14, v33;
	v21 =	vld.idx.msk [tilespmem:v21+s2+$0x0], $0xffff;
	v59 =	vsub.f32 $1.000000000e+00, v12  }
0x34a: {  	v9 =	vsub.f32 v9, v60;
	v40 =	vmul.f32 v63, v33;
	v36 =	vmul.f32 v63, v13;
	v28 =	vld.idx.msk [tilespmem:v54+s2+$0x0], $0xffff  }
0x34b: {  	v13 =	vmul.f32 v14, v13;
	v12 =	vpack.i.f32.bf16 v12, v12;
	v31 =	vld.idx.msk [tilespmem:v55+s2+$0x0], $0xffff;
	v26 =	vpack.i.f32.bf16 v59, v59  }
0x34c: {  	v42 =	vpack.i.f32.bf16 v40, v40;
	v18 =	vld.idx.msk [tilespmem:v18+s2+$0x0], $0xffff;
	v27 =	vmul.bf16 v27, v26;
	v25 =	vmul.bf16 v58, v12  }
0x34d: {  	v14 =	vpack.i.f32.bf16 v36, v36;
	v23 =	vtrunc.f32 v6;
	v17 =	vcvt.f32.s32 v44  }
0x34e: {  	v20 =	vmul.bf16 v20, v26;
	v21 =	vmul.bf16 v21, v12;
	v25 =	vadd.bf16 v25, v27  }
0x34f: {  	v13 =	vpack.i.f32.bf16 v13, v13;
	v16 =	vcvt.f32.s32 v23;
	v28 =	vmul.bf16 v28, v26  }
0x350: {  	v20 =	vadd.bf16 v21, v20;
	v21 =	vmul.bf16 v31, v12;
	v25 =	vmul.bf16 v25, v42  }
0x351: {  	v22 =	vmul.bf16 v22, v26;
	v18 =	vmul.bf16 v18, v12;
	v27 =	vpack.i.f32.bf16 v41, v41  }
0x352: {  	v20 =	vmul.bf16 v20, v27;
	v21 =	vadd.bf16 v21, v28;
	v25 =	vadd.bf16 v1, v25  }
0x353: {  	v23 =	vcvt.s32.f32 v29;
	v29 =	vmul.u32 $0x9E3779B1, v29;
	v18 =	vadd.bf16 v18, v22  }
0x354: {  	v43 =	vadd.s32 $0x1, v17;
	v14 =	vmul.bf16 v21, v14;
	v20 =	vadd.bf16 v20, v25  }
0x355: {  	v22 =	vadd.s32 $0x30025795, v32;
	v13 =	vmul.bf16 v18, v13;
	v21 =	vadd.s32 $0x9E3779B1, v29  }
0x356: {  	v18 =	vxor.u32 v21, v22;
	v22 =	vxor.u32 v29, v22;
	v14 =	vadd.bf16 v14, v20  }
0x357: {  	v47 =	vmul.u32 $0x30025795, v16;
	v22 =	vand.u32 $0xFFFF, v22;
	v20 =	vxor.u32 v29, v32  }
0x358: {  	v46 =	vxor.u32 v24, v22;
	v13 =	vadd.bf16 v13, v14;
	v14 =	vand.u32 $0xFFFF, v20  }
0x359: {  	v8 =	vsub.f32 v8, v23;
	v54 =	vsub.f32 $1.000000000e+00, v7;
	v44 =	vxor.u32 v24, v14  }
0x35a: {  	v21 =	vxor.u32 v32, v21;
	v14 =	vxor.u32 v62, v14;
	v45 =	vunpack.i.l.bf16.f32 v13  }
0x35b: {  	v18 =	vand.u32 $0xFFFF, v18;
	v22 =	vxor.u32 v62, v22;
	v13 =	vunpack.i.u.bf16.f32 v13;
	[tilespmem:s10+$0x18060] =	vst v45  }
0x35c: {  	v55 =	vsub.f32 $1.000000000e+00, v9;
	v21 =	vand.u32 $0xFFFF, v21;
	v20 =	vxor.u32 v24, v18;
	[tilespmem:s10+$0x19060] =	vst v13  }
0x35d: {  	v7 =	vpack.i.f32.bf16 v7, v7;
	v53 =	vsub.f32 $1.000000000e+00, v8;
	v13 =	vxor.u32 v24, v21;
	v51 =	vld.idx.msk [tilespmem:v46+s2+$0x0], $0xffff  }
0x35e: {  	v49 =	vadd.s32 $0x30025795, v47;
	v30 =	vmul.f32 v9, v8;
	v21 =	vxor.u32 v62, v21;
	v48 =	vld.idx.msk [tilespmem:v44+s2+$0x0], $0xffff  }
0x35f: {  	v59 =	vmul.f32 v55, v53;
	v9 =	vmul.f32 v9, v53;
	v18 =	vxor.u32 v62, v18;
	v14 =	vld.idx.msk [tilespmem:v14+s2+$0x0], $0xffff  }
0x360: {  	v8 =	vmul.f32 v55, v8;
	v12 =	vcvt.s32.f32 v19;
	v19 =	vmul.u32 $0x9E3779B1, v19;
	v22 =	vld.idx.msk [tilespmem:v22+s2+$0x0], $0xffff  }
0x361: {  	v31 =	vpack.i.f32.bf16 v54, v54;
	v61 =	vpack.i.f32.bf16 v59, v59;
	v9 =	vpack.i.f32.bf16 v9, v9;
	v20 =	vld.idx.msk [tilespmem:v20+s2+$0x0], $0xffff  }
0x362: {  	v23 =	vadd.s32 $0x9E3779B1, v19;
	v50 =	vxor.u32 v19, v47;
	v19 =	vxor.u32 v19, v49;
	v13 =	vld.idx.msk [tilespmem:v13+s2+$0x0], $0xffff  }
0x363: {  	v27 =	vxor.u32 v47, v23;
	v23 =	vxor.u32 v23, v49;
	v52 =	vand.u32 $0xFFFF, v50;
	v21 =	vld.idx.msk [tilespmem:v21+s2+$0x0], $0xffff  }
0x364: {  	v19 =	vand.u32 $0xFFFF, v19;
	v18 =	vld.idx.msk [tilespmem:v18+s2+$0x0], $0xffff;
	v24 =	vmul.bf16 v48, v31;
	v14 =	vmul.bf16 v14, v7  }
0x365: {  	v27 =	vand.u32 $0xFFFF, v27;
	v23 =	vand.u32 $0xFFFF, v23;
	v56 =	vxor.u32 v17, v52  }
0x366: {  	v60 =	vmul.bf16 v51, v31;
	v22 =	vmul.bf16 v22, v7;
	v14 =	vadd.bf16 v14, v24  }
0x367: {  	v28 =	vxor.u32 v43, v52;
	v58 =	vxor.u32 v17, v19;
	v13 =	vmul.bf16 v13, v31  }
0x368: {  	v22 =	vadd.bf16 v22, v60;
	v21 =	vmul.bf16 v21, v7;
	v14 =	vmul.bf16 v14, v61  }
0x369: {  	v57 =	vxor.u32 v17, v23;
	v20 =	vmul.bf16 v20, v31;
	v7 =	vmul.bf16 v18, v7  }
0x36a: {  	v9 =	vmul.bf16 v22, v9;
	v21 =	vadd.bf16 v21, v13;
	v14 =	vadd.bf16 v1, v14  }
0x36b: {  	v8 =	vpack.i.f32.bf16 v8, v8;
	v19 =	vxor.u32 v43, v19;
	v18 =	vxor.u32 v17, v27  }
0x36c: {  	v13 =	vld.idx.msk [tilespmem:v56+s2+$0x0], $0xffff;
	v8 =	vmul.bf16 v21, v8;
	v21 =	vadd.bf16 v7, v20;
	v22 =	vadd.bf16 v9, v14  }
0x36d: {  	v63 =	vpack.i.f32.bf16 v30, v30;
	v62 =	vcvt.s32.f32 v17;
	v20 =	vxor.u32 v43, v27;
	v14 =	vld.idx.msk [tilespmem:v28+s2+$0x0], $0xffff  }
0x36e: {  	v17 =	vxor.u32 v43, v23;
	v9 =	vld.idx.msk [tilespmem:v57+s2+$0x0], $0xffff;
	v7 =	vadd.bf16 v8, v22;
	v8 =	vmul.bf16 v21, v63  }
0x36f: {  	s16 =	simm.s32 $0x400;
	v21 =	vsub.f32 v15, v62;
	v22 =	vcvt.s32.f32 v16;
	v15 =	vld.idx.msk [tilespmem:v58+s2+$0x0], $0xffff;
	v16 =	vtrunc.f32 v4  }
.LBB2_5:
0x370: {  	p0 =	sne.s32 s16, $0x3E00;
	v5 =	vsub.f32 v5, v12;
	v12 =	vld.idx.msk [tilespmem:v19+s2+$0x0], $0xffff;
	v10 =	vcvt.f32.s32 v10;
	v7 =	vadd.bf16 v8, v7  }
0x371: {  	v11 =	vcvt.f32.s32 v11;
	v6 =	vsub.f32 v6, v22;
	v8 =	vsub.f32 $1.000000000e+00, v21;
	v18 =	vld.idx.msk [tilespmem:v18+s2+$0x0], $0xffff  }
0x372: {  	v16 =	vcvt.f32.s32 v16;
	v19 =	vsub.f32 $1.000000000e+00, v5;
	v20 =	vld.idx.msk [tilespmem:v20+s2+$0x0], $0xffff;
	v22 =	vunpack.i.u.bf16.f32 v7  }
0x373: {  	v21 =	vpack.i.f32.bf16 v21, v21;
	v23 =	vsub.f32 $1.000000000e+00, v6;
	v8 =	vpack.i.f32.bf16 v8, v8;
	v17 =	vld.idx.msk [tilespmem:v17+s2+$0x0], $0xffff;
	[tilespmem:s10+$0x19070] =	vst v22  }
0x374: {  	v14 =	vmul.bf16 v14, v21;
	v7 =	vunpack.i.l.bf16.f32 v7;
	v13 =	vmul.bf16 v13, v8  }
0x375: {  	v24 =	vmul.u32 $0x9E3779B1, v11;
	v22 =	vmul.f32 v23, v19;
	v23 =	vmul.f32 v23, v5;
	[tilespmem:s10+$0x18070] =	vst v7;
	s10 =	smov.u32 s12  }
0x376: {  	v12 =	vmul.bf16 v12, v21;
	v7 =	vadd.bf16 v14, v13;
	v13 =	vmul.bf16 v15, v8  }
0x377: {  	v14 =	vmul.f32 v6, v19;
	v18 =	vmul.bf16 v18, v8;
	v15 =	vpack.i.f32.bf16 v22, v22  }
0x378: {  	v7 =	vmul.bf16 v7, v15;
	v12 =	vadd.bf16 v12, v13;
	v13 =	vmul.bf16 v20, v21  }
0x379: {  	v8 =	vmul.bf16 v9, v8;
	v14 =	vpack.i.f32.bf16 v14, v14;
	v9 =	vmul.bf16 v17, v21  }
0x37a: {  	v7 =	vadd.bf16 v1, v7;
	v12 =	vmul.bf16 v12, v14;
	v13 =	vadd.bf16 v13, v18;
	v14 =	vld [tilespmem:s10+$0x15070]  }
0x37b: {  	v5 =	vmul.f32 v6, v5;
	v6 =	vpack.i.f32.bf16 v23, v23;
	v15 =	vmul.u32 $0x30025795, v16  }
0x37c: {  	v8 =	vadd.bf16 v9, v8;
	v7 =	vadd.bf16 v12, v7;
	v6 =	vmul.bf16 v13, v6  }
0x37d: {  	v5 =	vpack.i.f32.bf16 v5, v5;
	v9 =	vadd.s32 $0x9E3779B1, v24;
	v12 =	vadd.s32 $0x30025795, v15  }
0x37e: {  	v5 =	vmul.bf16 v8, v5;
	v6 =	vadd.bf16 v6, v7;
	v7 =	vxor.u32 v9, v12;
	v8 =	vld [tilespmem:s10+$0x16070]  }
0x37f: {  	v13 =	vxor.u32 v24, v15;
	v17 =	vand.u32 $0xFFFF, v7;
	v18 =	vld [tilespmem:s10+$0x17070];
	v7 =	vmul.f32 v14, v0  }
0x380: {  	v5 =	vadd.bf16 v5, v6;
	v6 =	vand.u32 $0xFFFF, v13;
	v13 =	vxor.u32 v10, v17;
	v14 =	vld [tilespmem:s10+$0x15020]  }
0x381: {  	v19 =	vadd.s32 $0x1, v10;
	v12 =	vxor.u32 v24, v12;
	v20 =	vxor.u32 v10, v6;
	v21 =	vld [tilespmem:s10+$0x16020]  }
0x382: {  	v12 =	vand.u32 $0xFFFF, v12;
	v6 =	vxor.u32 v19, v6;
	v22 =	vunpack.i.l.bf16.f32 v5;
	v23 =	vld [tilespmem:s10+$0x17020]  }
0x383: {  	v9 =	vxor.u32 v15, v9;
	v15 =	vxor.u32 v10, v12;
	v5 =	vunpack.i.u.bf16.f32 v5;
	[tilespmem:s10+$0x18000] =	vst v22  }
0x384: {  	v12 =	vxor.u32 v19, v12;
	v8 =	vmul.f32 v8, v0;
	[tilespmem:s10+$0x19000] =	vst v5;
	v5 =	vand.u32 $0xFFFF, v9  }
0x385: {  	v9 =	vmul.f32 v18, v0;
	v22 =	vxor.u32 v10, v5;
	v13 =	vld.idx.msk [tilespmem:v13+s2+$0x0], $0xffff;
	v24 =	vmul.f32 v14, v0  }
0x386: {  	v10 =	vcvt.s32.f32 v10;
	v5 =	vxor.u32 v19, v5;
	v14 =	vld.idx.msk [tilespmem:v20+s2+$0x0], $0xffff;
	v18 =	vmul.f32 v21, v0  }
0x387: {  	v11 =	vcvt.s32.f32 v11;
	v17 =	vxor.u32 v19, v17;
	v6 =	vld.idx.msk [tilespmem:v6+s2+$0x0], $0xffff;
	v19 =	vmul.f32 v23, v0  }
0x388: {  	v2 =	vsub.f32 v2, v10;
	v10 =	vcvt.s32.f32 v16;
	v16 =	vtrunc.f32 v24;
	v15 =	vld.idx.msk [tilespmem:v15+s2+$0x0], $0xffff  }
0x389: {  	v3 =	vsub.f32 v3, v11;
	v11 =	vld.idx.msk [tilespmem:v12+s2+$0x0], $0xffff;
	v12 =	vtrunc.f32 v18;
	v20 =	vtrunc.f32 v19  }
0x38a: {  	v16 =	vcvt.f32.s32 v16;
	v4 =	vsub.f32 v4, v10;
	v10 =	vsub.f32 $1.000000000e+00, v2;
	v21 =	vld.idx.msk [tilespmem:v22+s2+$0x0], $0xffff  }
0x38b: {  	v22 =	vsub.f32 $1.000000000e+00, v3;
	v23 =	vcvt.f32.s32 v12;
	v20 =	vcvt.f32.s32 v20;
	v5 =	vld.idx.msk [tilespmem:v5+s2+$0x0], $0xffff  }
0x38c: {  	v2 =	vpack.i.f32.bf16 v2, v2;
	v12 =	vsub.f32 $1.000000000e+00, v4;
	v10 =	vpack.i.f32.bf16 v10, v10;
	v17 =	vld.idx.msk [tilespmem:v17+s2+$0x0], $0xffff  }
0x38d: {  	v14 =	vmul.bf16 v14, v10;
	v6 =	vmul.bf16 v6, v2  }
0x38e: {  	v26 =	vmul.u32 $0x9E3779B1, v23;
	v25 =	vmul.f32 v12, v22;
	v12 =	vmul.f32 v12, v3  }
0x38f: {  	v6 =	vadd.bf16 v6, v14;
	v14 =	vmul.bf16 v15, v10;
	v11 =	vmul.bf16 v11, v2  }
0x390: {  	v15 =	vmul.f32 v4, v22;
	v22 =	vpack.i.f32.bf16 v25, v25;
	v21 =	vmul.bf16 v21, v10  }
0x391: {  	v6 =	vmul.bf16 v6, v22;
	v11 =	vadd.bf16 v11, v14;
	v5 =	vmul.bf16 v5, v2  }
0x392: {  	v10 =	vmul.bf16 v13, v10;
	v14 =	vpack.i.f32.bf16 v15, v15;
	v2 =	vmul.bf16 v17, v2  }
0x393: {  	v6 =	vadd.bf16 v1, v6;
	v11 =	vmul.bf16 v11, v14;
	v5 =	vadd.bf16 v5, v21;
	v13 =	vld [tilespmem:s10+$0x15060]  }
0x394: {  	v3 =	vmul.f32 v4, v3;
	v4 =	vpack.i.f32.bf16 v12, v12;
	v14 =	vmul.u32 $0x30025795, v20  }
0x395: {  	v2 =	vadd.bf16 v2, v10;
	v6 =	vadd.bf16 v11, v6;
	v4 =	vmul.bf16 v5, v4  }
0x396: {  	v3 =	vpack.i.f32.bf16 v3, v3;
	v5 =	vadd.s32 $0x9E3779B1, v26;
	v10 =	vadd.s32 $0x30025795, v14  }
0x397: {  	v2 =	vmul.bf16 v2, v3;
	v3 =	vxor.u32 v5, v10;
	v4 =	vadd.bf16 v4, v6;
	v6 =	vld [tilespmem:s10+$0x16060]  }
0x398: {  	v11 =	vxor.u32 v26, v14;
	v3 =	vand.u32 $0xFFFF, v3;
	v15 =	vld [tilespmem:s10+$0x17060];
	v12 =	vmul.f32 v13, v0  }
0x399: {  	v2 =	vadd.bf16 v2, v4;
	v4 =	vand.u32 $0xFFFF, v11;
	v11 =	vxor.u32 v16, v3;
	v17 =	vld [tilespmem:s10+$0x15030]  }
0x39a: {  	v21 =	vadd.s32 $0x1, v16;
	v10 =	vxor.u32 v26, v10;
	v22 =	vxor.u32 v16, v4;
	v25 =	vld [tilespmem:s10+$0x16030]  }
0x39b: {  	v10 =	vand.u32 $0xFFFF, v10;
	v4 =	vxor.u32 v21, v4;
	v13 =	vunpack.i.l.bf16.f32 v2;
	v26 =	vld [tilespmem:s10+$0x17030]  }
0x39c: {  	v5 =	vxor.u32 v14, v5;
	v27 =	vxor.u32 v16, v10;
	v2 =	vunpack.i.u.bf16.f32 v2;
	[tilespmem:s10+$0x18010] =	vst v13  }
0x39d: {  	v13 =	vmul.f32 v6, v0;
	[tilespmem:s10+$0x19010] =	vst v2;
	v2 =	vand.u32 $0xFFFF, v5;
	v5 =	vxor.u32 v21, v10  }
0x39e: {  	v14 =	vmul.f32 v15, v0;
	v6 =	vxor.u32 v16, v2;
	v10 =	vld.idx.msk [tilespmem:v11+s2+$0x0], $0xffff;
	v28 =	vmul.f32 v17, v0  }
0x39f: {  	v11 =	vcvt.s32.f32 v16;
	v2 =	vxor.u32 v21, v2;
	v15 =	vld.idx.msk [tilespmem:v22+s2+$0x0], $0xffff;
	v22 =	vmul.f32 v25, v0  }
0x3a0: {  	v3 =	vxor.u32 v21, v3;
	v16 =	vcvt.s32.f32 v23;
	v4 =	vld.idx.msk [tilespmem:v4+s2+$0x0], $0xffff;
	v21 =	vmul.f32 v26, v0  }
0x3a1: {  	v17 =	vcvt.s32.f32 v20;
	v11 =	vsub.f32 v24, v11;
	v23 =	vtrunc.f32 v28;
	v20 =	vld.idx.msk [tilespmem:v27+s2+$0x0], $0xffff  }
0x3a2: {  	v16 =	vsub.f32 v18, v16;
	v18 =	vtrunc.f32 v22;
	v5 =	vld.idx.msk [tilespmem:v5+s2+$0x0], $0xffff;
	v24 =	vtrunc.f32 v21  }
0x3a3: {  	v17 =	vsub.f32 v19, v17;
	v23 =	vcvt.f32.s32 v23;
	v19 =	vsub.f32 $1.000000000e+00, v11;
	v6 =	vld.idx.msk [tilespmem:v6+s2+$0x0], $0xffff  }
0x3a4: {  	v25 =	vsub.f32 $1.000000000e+00, v16;
	v18 =	vcvt.f32.s32 v18;
	v24 =	vcvt.f32.s32 v24;
	v2 =	vld.idx.msk [tilespmem:v2+s2+$0x0], $0xffff  }
0x3a5: {  	v26 =	vsub.f32 $1.000000000e+00, v17;
	v11 =	vpack.i.f32.bf16 v11, v11;
	v19 =	vpack.i.f32.bf16 v19, v19;
	v3 =	vld.idx.msk [tilespmem:v3+s2+$0x0], $0xffff  }
0x3a6: {  	v15 =	vmul.bf16 v15, v19;
	v4 =	vmul.bf16 v4, v11  }
0x3a7: {  	v27 =	vmul.f32 v26, v25;
	v26 =	vmul.f32 v26, v16;
	v29 =	vmul.u32 $0x9E3779B1, v18  }
0x3a8: {  	v4 =	vadd.bf16 v4, v15;
	v15 =	vmul.bf16 v20, v19;
	v5 =	vmul.bf16 v5, v11  }
0x3a9: {  	v20 =	vmul.f32 v17, v25;
	v25 =	vpack.i.f32.bf16 v27, v27;
	v6 =	vmul.bf16 v6, v19  }
0x3aa: {  	v4 =	vmul.bf16 v4, v25;
	v5 =	vadd.bf16 v5, v15;
	v2 =	vmul.bf16 v2, v11  }
0x3ab: {  	v10 =	vmul.bf16 v10, v19;
	v15 =	vpack.i.f32.bf16 v20, v20;
	v3 =	vmul.bf16 v3, v11  }
0x3ac: {  	v4 =	vadd.bf16 v1, v4;
	v5 =	vmul.bf16 v5, v15;
	v2 =	vadd.bf16 v2, v6;
	v6 =	vld [tilespmem:s10+$0x15050]  }
0x3ad: {  	v11 =	vmul.f32 v17, v16;
	v16 =	vmul.u32 $0x30025795, v24;
	v15 =	vpack.i.f32.bf16 v26, v26  }
0x3ae: {  	v3 =	vadd.bf16 v3, v10;
	v4 =	vadd.bf16 v5, v4;
	v2 =	vmul.bf16 v2, v15  }
0x3af: {  	v10 =	vadd.s32 $0x9E3779B1, v29;
	v5 =	vpack.i.f32.bf16 v11, v11;
	v15 =	vadd.s32 $0x30025795, v16  }
0x3b0: {  	v3 =	vmul.bf16 v3, v5;
	v2 =	vadd.bf16 v2, v4;
	v4 =	vxor.u32 v10, v15;
	v5 =	vld [tilespmem:s10+$0x16050]  }
0x3b1: {  	v17 =	vxor.u32 v29, v16;
	v4 =	vand.u32 $0xFFFF, v4;
	v19 =	vld [tilespmem:s10+$0x17050];
	v11 =	vmul.f32 v6, v0  }
0x3b2: {  	v2 =	vadd.bf16 v3, v2;
	v3 =	vand.u32 $0xFFFF, v17;
	v6 =	vxor.u32 v23, v4;
	v17 =	vld [tilespmem:s10+$0x15040]  }
0x3b3: {  	v20 =	vadd.s32 $0x1, v23;
	v15 =	vxor.u32 v29, v15;
	v25 =	vxor.u32 v23, v3;
	v26 =	vld [tilespmem:s10+$0x16040]  }
0x3b4: {  	v15 =	vand.u32 $0xFFFF, v15;
	v3 =	vxor.u32 v20, v3;
	v27 =	vunpack.i.l.bf16.f32 v2;
	v29 =	vld [tilespmem:s10+$0x17040]  }
0x3b5: {  	v10 =	vxor.u32 v16, v10;
	v2 =	vunpack.i.u.bf16.f32 v2;
	[tilespmem:s10+$0x18020] =	vst v27;
	v27 =	vxor.u32 v23, v15  }
0x3b6: {  	v15 =	vxor.u32 v20, v15;
	v16 =	vmul.f32 v5, v0;
	[tilespmem:s10+$0x19020] =	vst v2;
	v2 =	vand.u32 $0xFFFF, v10  }
0x3b7: {  	v5 =	vxor.u32 v23, v2;
	v6 =	vld.idx.msk [tilespmem:v6+s2+$0x0], $0xffff;
	v10 =	vmul.f32 v17, v0;
	v17 =	vmul.f32 v19, v0  }
0x3b8: {  	v19 =	vcvt.s32.f32 v23;
	v2 =	vxor.u32 v20, v2;
	v23 =	vld.idx.msk [tilespmem:v25+s2+$0x0], $0xffff;
	v25 =	vmul.f32 v26, v0  }
0x3b9: {  	v18 =	vcvt.s32.f32 v18;
	v4 =	vxor.u32 v20, v4;
	v3 =	vld.idx.msk [tilespmem:v3+s2+$0x0], $0xffff;
	v20 =	vmul.f32 v29, v0  }
0x3ba: {  	v24 =	vcvt.s32.f32 v24;
	v19 =	vsub.f32 v28, v19;
	v26 =	vld.idx.msk [tilespmem:v27+s2+$0x0], $0xffff;
	v27 =	vtrunc.f32 v10  }
0x3bb: {  	v18 =	vsub.f32 v22, v18;
	v22 =	vtrunc.f32 v25;
	v15 =	vld.idx.msk [tilespmem:v15+s2+$0x0], $0xffff;
	v28 =	vtrunc.f32 v20  }
0x3bc: {  	v21 =	vsub.f32 v21, v24;
	v24 =	vsub.f32 $1.000000000e+00, v19;
	v27 =	vcvt.f32.s32 v27;
	v5 =	vld.idx.msk [tilespmem:v5+s2+$0x0], $0xffff  }
0x3bd: {  	v29 =	vsub.f32 $1.000000000e+00, v18;
	v22 =	vcvt.f32.s32 v22;
	v28 =	vcvt.f32.s32 v28;
	v2 =	vld.idx.msk [tilespmem:v2+s2+$0x0], $0xffff  }
0x3be: {  	v30 =	vsub.f32 $1.000000000e+00, v21;
	v19 =	vpack.i.f32.bf16 v19, v19;
	v24 =	vpack.i.f32.bf16 v24, v24;
	v4 =	vld.idx.msk [tilespmem:v4+s2+$0x0], $0xffff  }
0x3bf: {  	v23 =	vmul.bf16 v23, v24;
	v3 =	vmul.bf16 v3, v19  }
0x3c0: {  	v31 =	vmul.f32 v30, v29;
	v30 =	vmul.f32 v30, v18;
	v32 =	vmul.u32 $0x9E3779B1, v22  }
0x3c1: {  	v3 =	vadd.bf16 v3, v23;
	v23 =	vmul.bf16 v26, v24;
	v15 =	vmul.bf16 v15, v19  }
0x3c2: {  	v26 =	vmul.f32 v21, v29;
	v29 =	vpack.i.f32.bf16 v31, v31;
	v5 =	vmul.bf16 v5, v24  }
0x3c3: {  	v3 =	vmul.bf16 v3, v29;
	v15 =	vadd.bf16 v15, v23;
	v2 =	vmul.bf16 v2, v19  }
0x3c4: {  	s12 =	sshra.s32 s16, $0x2;
	v6 =	vmul.bf16 v6, v24;
	v23 =	vpack.i.f32.bf16 v26, v26;
	v4 =	vmul.bf16 v4, v19  }
0x3c5: {  	v3 =	vadd.bf16 v1, v3;
	v15 =	vmul.bf16 v15, v23;
	v2 =	vadd.bf16 v2, v5;
	v19 =	vld [tilespmem:s12+$0x15010]  }
0x3c6: {  	v5 =	vmul.f32 v21, v18;
	v18 =	vpack.i.f32.bf16 v30, v30;
	v21 =	vmul.u32 $0x30025795, v28  }
0x3c7: {  	v4 =	vadd.bf16 v4, v6;
	v3 =	vadd.bf16 v15, v3;
	v2 =	vmul.bf16 v2, v18  }
0x3c8: {  	v6 =	vadd.s32 $0x9E3779B1, v32;
	v5 =	vpack.i.f32.bf16 v5, v5;
	v15 =	vadd.s32 $0x30025795, v21  }
0x3c9: {  	v4 =	vmul.bf16 v4, v5;
	v5 =	vxor.u32 v6, v15;
	v3 =	vadd.bf16 v2, v3;
	v18 =	vld [tilespmem:s12+$0x16010]  }
0x3ca: {  	v24 =	vand.u32 $0xFFFF, v5;
	v23 =	vld [tilespmem:s12+$0x17010];
	v2 =	vmul.f32 v19, v0;
	v19 =	vxor.u32 v32, v21  }
0x3cb: {  	v3 =	vadd.bf16 v4, v3;
	v5 =	vld [tilespmem:s12+$0x15000];
	v4 =	vand.u32 $0xFFFF, v19;
	v19 =	vxor.u32 v27, v24  }
0x3cc: {  	v29 =	vadd.s32 $0x1, v27;
	v15 =	vxor.u32 v32, v15;
	v26 =	vld [tilespmem:s12+$0x16000];
	v30 =	vxor.u32 v27, v4  }
0x3cd: {  	v15 =	vand.u32 $0xFFFF, v15;
	v32 =	vunpack.i.l.bf16.f32 v3;
	v33 =	vxor.u32 v29, v4;
	v31 =	vld [tilespmem:s12+$0x17000]  }
0x3ce: {  	v6 =	vxor.u32 v21, v6;
	v21 =	vxor.u32 v27, v15;
	v4 =	vunpack.i.u.bf16.f32 v3;
	[tilespmem:s10+$0x18030] =	vst v32  }
0x3cf: {  	v6 =	vand.u32 $0xFFFF, v6;
	v3 =	vmul.f32 v18, v0;
	v18 =	vxor.u32 v29, v15;
	[tilespmem:s10+$0x19030] =	vst v4  }
0x3d0: {  	v4 =	vmul.f32 v23, v0;
	v23 =	vxor.u32 v27, v6;
	v15 =	vmul.f32 v5, v0;
	v19 =	vld.idx.msk [tilespmem:v19+s2+$0x0], $0xffff  }
0x3d1: {  	v5 =	vmul.f32 v26, v0;
	v26 =	vcvt.s32.f32 v27;
	v27 =	vld.idx.msk [tilespmem:v30+s2+$0x0], $0xffff;
	v30 =	vxor.u32 v29, v6  }
0x3d2: {  	v22 =	vcvt.s32.f32 v22;
	v24 =	vxor.u32 v29, v24;
	v6 =	vmul.f32 v31, v0;
	v31 =	vld.idx.msk [tilespmem:v33+s2+$0x0], $0xffff  }
0x3d3: {  	v10 =	vsub.f32 v10, v26;
	v26 =	vcvt.s32.f32 v28;
	v21 =	vld.idx.msk [tilespmem:v21+s2+$0x0], $0xffff;
	v28 =	vtrunc.f32 v11  }
0x3d4: {  	v22 =	vsub.f32 v25, v22;
	v25 =	vtrunc.f32 v16;
	v29 =	vtrunc.f32 v17;
	v18 =	vld.idx.msk [tilespmem:v18+s2+$0x0], $0xffff  }
0x3d5: {  	v28 =	vcvt.f32.s32 v28;
	v20 =	vsub.f32 v20, v26;
	v26 =	vsub.f32 $1.000000000e+00, v10;
	v23 =	vld.idx.msk [tilespmem:v23+s2+$0x0], $0xffff  }
0x3d6: {  	v25 =	vcvt.f32.s32 v25;
	v32 =	vsub.f32 $1.000000000e+00, v22;
	v29 =	vcvt.f32.s32 v29;
	v30 =	vld.idx.msk [tilespmem:v30+s2+$0x0], $0xffff  }
0x3d7: {  	v10 =	vpack.i.f32.bf16 v10, v10;
	v33 =	vsub.f32 $1.000000000e+00, v20;
	v26 =	vpack.i.f32.bf16 v26, v26;
	v24 =	vld.idx.msk [tilespmem:v24+s2+$0x0], $0xffff  }
0x3d8: {  	v31 =	vmul.bf16 v31, v10;
	v27 =	vmul.bf16 v27, v26  }
0x3d9: {  	v35 =	vmul.u32 $0x9E3779B1, v25;
	v34 =	vmul.f32 v33, v32;
	v33 =	vmul.f32 v33, v22  }
0x3da: {  	v21 =	vmul.bf16 v21, v26;
	v18 =	vmul.bf16 v18, v10;
	v27 =	vadd.bf16 v31, v27  }
0x3db: {  	v31 =	vmul.f32 v20, v32;
	v23 =	vmul.bf16 v23, v26;
	v32 =	vpack.i.f32.bf16 v34, v34  }
0x3dc: {  	v18 =	vadd.bf16 v18, v21;
	v21 =	vmul.bf16 v30, v10;
	v27 =	vmul.bf16 v27, v32  }
0x3dd: {  	v19 =	vmul.bf16 v19, v26;
	v30 =	vpack.i.f32.bf16 v31, v31;
	v10 =	vmul.bf16 v24, v10  }
0x3de: {  	v18 =	vmul.bf16 v18, v30;
	v21 =	vadd.bf16 v21, v23;
	v24 =	vadd.bf16 v1, v27  }
0x3df: {  	v20 =	vmul.f32 v20, v22;
	v22 =	vpack.i.f32.bf16 v33, v33;
	v23 =	vmul.u32 $0x30025795, v29  }
0x3e0: {  	v10 =	vadd.bf16 v10, v19;
	v21 =	vmul.bf16 v21, v22;
	v18 =	vadd.bf16 v18, v24  }
0x3e1: {  	v19 =	vpack.i.f32.bf16 v20, v20;
	v20 =	vadd.s32 $0x9E3779B1, v35;
	v22 =	vadd.s32 $0x30025795, v23  }
0x3e2: {  	v10 =	vmul.bf16 v10, v19;
	v21 =	vadd.bf16 v21, v18;
	v18 =	vxor.u32 v20, v22  }
0x3e3: {  	v19 =	vxor.u32 v35, v23;
	v24 =	vand.u32 $0xFFFF, v18;
	v18 =	vtrunc.f32 v7  }
0x3e4: {  	v19 =	vand.u32 $0xFFFF, v19;
	v10 =	vadd.bf16 v10, v21;
	v21 =	vxor.u32 v28, v24  }
0x3e5: {  	v26 =	vadd.s32 $0x1, v28;
	v22 =	vxor.u32 v35, v22;
	v27 =	vxor.u32 v28, v19  }
0x3e6: {  	v19 =	vxor.u32 v26, v19;
	v22 =	vand.u32 $0xFFFF, v22;
	v30 =	vunpack.i.l.bf16.f32 v10  }
0x3e7: {  	v20 =	vxor.u32 v23, v20;
	v23 =	vxor.u32 v28, v22;
	v10 =	vunpack.i.u.bf16.f32 v10;
	[tilespmem:s10+$0x18040] =	vst v30  }
0x3e8: {  	[tilespmem:s10+$0x19040] =	vst v10;
	v10 =	vand.u32 $0xFFFF, v20;
	v20 =	vxor.u32 v26, v22;
	v22 =	vtrunc.f32 v8  }
0x3e9: {  	v31 =	vtrunc.f32 v12;
	v32 =	vtrunc.f32 v9;
	v30 =	vxor.u32 v28, v10;
	v21 =	vld.idx.msk [tilespmem:v21+s2+$0x0], $0xffff  }
0x3ea: {  	v34 =	vtrunc.f32 v13;
	v28 =	vcvt.s32.f32 v28;
	v33 =	vxor.u32 v26, v10;
	v27 =	vld.idx.msk [tilespmem:v27+s2+$0x0], $0xffff  }
0x3eb: {  	v25 =	vcvt.s32.f32 v25;
	v24 =	vxor.u32 v26, v24;
	v26 =	vtrunc.f32 v14;
	v19 =	vld.idx.msk [tilespmem:v19+s2+$0x0], $0xffff  }
0x3ec: {  	v29 =	vcvt.s32.f32 v29;
	v10 =	vtrunc.f32 v2;
	v28 =	vsub.f32 v11, v28;
	v23 =	vld.idx.msk [tilespmem:v23+s2+$0x0], $0xffff  }
0x3ed: {  	v16 =	vsub.f32 v16, v25;
	v35 =	vtrunc.f32 v15;
	v11 =	vtrunc.f32 v3;
	v20 =	vld.idx.msk [tilespmem:v20+s2+$0x0], $0xffff  }
0x3ee: {  	v17 =	vsub.f32 v17, v29;
	v25 =	vsub.f32 $1.000000000e+00, v28;
	v29 =	vld.idx.msk [tilespmem:v30+s2+$0x0], $0xffff;
	v30 =	vcvt.f32.s32 v31  }
0x3ef: {  	v34 =	vcvt.f32.s32 v34;
	v26 =	vcvt.f32.s32 v26;
	v31 =	vsub.f32 $1.000000000e+00, v16;
	v33 =	vld.idx.msk [tilespmem:v33+s2+$0x0], $0xffff  }
0x3f0: {  	v36 =	vsub.f32 $1.000000000e+00, v17;
	v28 =	vpack.i.f32.bf16 v28, v28;
	v25 =	vpack.i.f32.bf16 v25, v25;
	v24 =	vld.idx.msk [tilespmem:v24+s2+$0x0], $0xffff  }
0x3f1: {  	v27 =	vmul.bf16 v27, v25;
	v19 =	vmul.bf16 v19, v28  }
0x3f2: {  	v38 =	vmul.u32 $0x9E3779B1, v34;
	v37 =	vmul.f32 v36, v31;
	v36 =	vmul.f32 v36, v16  }
0x3f3: {  	v23 =	vmul.bf16 v23, v25;
	v19 =	vadd.bf16 v19, v27;
	v20 =	vmul.bf16 v20, v28  }
0x3f4: {  	v27 =	vmul.f32 v17, v31;
	v31 =	vpack.i.f32.bf16 v37, v37;
	v29 =	vmul.bf16 v29, v25  }
0x3f5: {  	v19 =	vmul.bf16 v19, v31;
	v20 =	vadd.bf16 v20, v23;
	v23 =	vmul.bf16 v33, v28  }
0x3f6: {  	v21 =	vmul.bf16 v21, v25;
	v27 =	vpack.i.f32.bf16 v27, v27;
	v24 =	vmul.bf16 v24, v28  }
0x3f7: {  	v19 =	vadd.bf16 v1, v19;
	v20 =	vmul.bf16 v20, v27;
	v23 =	vadd.bf16 v23, v29  }
0x3f8: {  	v16 =	vmul.f32 v17, v16;
	v17 =	vpack.i.f32.bf16 v36, v36;
	v25 =	vmul.u32 $0x30025795, v26  }
0x3f9: {  	v19 =	vadd.bf16 v20, v19;
	v17 =	vmul.bf16 v23, v17;
	v20 =	vadd.bf16 v24, v21  }
0x3fa: {  	v16 =	vpack.i.f32.bf16 v16, v16;
	v21 =	vadd.s32 $0x9E3779B1, v38;
	v23 =	vadd.s32 $0x30025795, v25  }
0x3fb: {  	v17 =	vadd.bf16 v17, v19;
	v16 =	vmul.bf16 v20, v16;
	v19 =	vxor.u32 v21, v23  }
0x3fc: {  	v24 =	vxor.u32 v38, v25;
	v20 =	vtrunc.f32 v5;
	v19 =	vand.u32 $0xFFFF, v19  }
0x3fd: {  	v16 =	vadd.bf16 v16, v17;
	v17 =	vand.u32 $0xFFFF, v24;
	v24 =	vxor.u32 v30, v19  }
0x3fe: {  	v27 =	vadd.s32 $0x1, v30;
	v23 =	vxor.u32 v38, v23;
	v28 =	vxor.u32 v30, v17  }
0x3ff: {  	v23 =	vand.u32 $0xFFFF, v23;
	v31 =	vxor.u32 v27, v17;
	v29 =	vunpack.i.l.bf16.f32 v16  }
0x400: {  	v17 =	vxor.u32 v25, v21;
	v21 =	vxor.u32 v30, v23;
	v16 =	vunpack.i.u.bf16.f32 v16;
	[tilespmem:s10+$0x18050] =	vst v29  }
0x401: {  	v25 =	vtrunc.f32 v6;
	v23 =	vxor.u32 v27, v23;
	[tilespmem:s10+$0x19050] =	vst v16;
	v16 =	vand.u32 $0xFFFF, v17  }
0x402: {  	v18 =	vcvt.f32.s32 v18;
	v22 =	vcvt.f32.s32 v22;
	v29 =	vxor.u32 v30, v16;
	v24 =	vld.idx.msk [tilespmem:v24+s2+$0x0], $0xffff  }
0x403: {  	v32 =	vcvt.f32.s32 v32;
	v30 =	vcvt.s32.f32 v30;
	v33 =	vxor.u32 v27, v16;
	v28 =	vld.idx.msk [tilespmem:v28+s2+$0x0], $0xffff  }
0x404: {  	v34 =	vcvt.s32.f32 v34;
	v19 =	vxor.u32 v27, v19;
	v17 =	vcvt.f32.s32 v35;
	v31 =	vld.idx.msk [tilespmem:v31+s2+$0x0], $0xffff  }
0x405: {  	v26 =	vcvt.s32.f32 v26;
	v20 =	vcvt.f32.s32 v20;
	v12 =	vsub.f32 v12, v30;
	v21 =	vld.idx.msk [tilespmem:v21+s2+$0x0], $0xffff  }
0x406: {  	v13 =	vsub.f32 v13, v34;
	v16 =	vcvt.f32.s32 v25;
	v25 =	vcvt.s32.f32 v22;
	v23 =	vld.idx.msk [tilespmem:v23+s2+$0x0], $0xffff  }
0x407: {  	v14 =	vsub.f32 v14, v26;
	v26 =	vsub.f32 $1.000000000e+00, v12;
	v27 =	vld.idx.msk [tilespmem:v29+s2+$0x0], $0xffff;
	v29 =	vcvt.s32.f32 v32  }
0x408: {  	v34 =	vcvt.s32.f32 v18;
	v35 =	vadd.s32 $0x1, v18;
	v30 =	vsub.f32 $1.000000000e+00, v13;
	v33 =	vld.idx.msk [tilespmem:v33+s2+$0x0], $0xffff  }
0x409: {  	v36 =	vsub.f32 $1.000000000e+00, v14;
	v12 =	vpack.i.f32.bf16 v12, v12;
	v26 =	vpack.i.f32.bf16 v26, v26;
	v19 =	vld.idx.msk [tilespmem:v19+s2+$0x0], $0xffff  }
0x40a: {  	v22 =	vmul.u32 $0x9E3779B1, v22;
	v28 =	vmul.bf16 v28, v26;
	v31 =	vmul.bf16 v31, v12  }
0x40b: {  	v37 =	vmul.f32 v36, v30;
	v36 =	vmul.f32 v36, v13;
	v32 =	vmul.u32 $0x30025795, v32  }
0x40c: {  	v21 =	vmul.bf16 v21, v26;
	v28 =	vadd.bf16 v31, v28;
	v23 =	vmul.bf16 v23, v12  }
0x40d: {  	v30 =	vmul.f32 v14, v30;
	v31 =	vpack.i.f32.bf16 v37, v37;
	v27 =	vmul.bf16 v27, v26  }
0x40e: {  	v28 =	vmul.bf16 v28, v31;
	v21 =	vadd.bf16 v23, v21;
	v23 =	vmul.bf16 v33, v12  }
0x40f: {  	v30 =	vpack.i.f32.bf16 v30, v30;
	v24 =	vmul.bf16 v24, v26;
	v19 =	vmul.bf16 v19, v12  }
0x410: {  	v26 =	vadd.bf16 v1, v28;
	v21 =	vmul.bf16 v21, v30;
	v23 =	vadd.bf16 v23, v27  }
0x411: {  	v13 =	vmul.f32 v14, v13;
	v14 =	vpack.i.f32.bf16 v36, v36;
	v12 =	vcvt.s32.f32 v20  }
0x412: {  	v19 =	vadd.bf16 v19, v24;
	v21 =	vadd.bf16 v21, v26;
	v14 =	vmul.bf16 v23, v14  }
0x413: {  	v13 =	vpack.i.f32.bf16 v13, v13;
	v24 =	vadd.s32 $0x30025795, v32;
	v23 =	vadd.s32 $0x9E3779B1, v22  }
0x414: {  	v13 =	vmul.bf16 v19, v13;
	v19 =	vxor.u32 v23, v24;
	v14 =	vadd.bf16 v14, v21  }
0x415: {  	v26 =	vxor.u32 v22, v32;
	v21 =	vadd.s32 $0x1, v17;
	v19 =	vand.u32 $0xFFFF, v19  }
0x416: {  	v13 =	vadd.bf16 v13, v14;
	v14 =	vand.u32 $0xFFFF, v26;
	v26 =	vxor.u32 v18, v19  }
0x417: {  	v20 =	vmul.u32 $0x9E3779B1, v20;
	v22 =	vxor.u32 v22, v24;
	v24 =	vxor.u32 v18, v14  }
0x418: {  	v22 =	vand.u32 $0xFFFF, v22;
	v14 =	vxor.u32 v35, v14;
	v27 =	vunpack.i.l.bf16.f32 v13  }
0x419: {  	v23 =	vxor.u32 v32, v23;
	v13 =	vunpack.i.u.bf16.f32 v13;
	[tilespmem:s10+$0x18060] =	vst v27;
	v27 =	vxor.u32 v18, v22  }
0x41a: {  	v28 =	vmul.u32 $0x30025795, v16;
	v22 =	vxor.u32 v35, v22;
	[tilespmem:s10+$0x19060] =	vst v13;
	v13 =	vand.u32 $0xFFFF, v23  }
0x41b: {  	v8 =	vsub.f32 v8, v25;
	v9 =	vsub.f32 v9, v29;
	v18 =	vxor.u32 v18, v13;
	v23 =	vld.idx.msk [tilespmem:v26+s2+$0x0], $0xffff  }
0x41c: {  	v7 =	vsub.f32 v7, v34;
	v25 =	vadd.s32 $0x9E3779B1, v20;
	v13 =	vxor.u32 v35, v13;
	v24 =	vld.idx.msk [tilespmem:v24+s2+$0x0], $0xffff  }
0x41d: {  	v29 =	vxor.u32 v20, v28;
	v19 =	vxor.u32 v35, v19;
	v26 =	vadd.s32 $0x30025795, v28;
	v14 =	vld.idx.msk [tilespmem:v14+s2+$0x0], $0xffff  }
0x41e: {  	v28 =	vxor.u32 v28, v25;
	v20 =	vxor.u32 v20, v26;
	v25 =	vxor.u32 v25, v26;
	v26 =	vld.idx.msk [tilespmem:v27+s2+$0x0], $0xffff  }
0x41f: {  	v30 =	vmul.f32 v9, v8;
	v27 =	vand.u32 $0xFFFF, v29;
	v29 =	vsub.f32 $1.000000000e+00, v8;
	v22 =	vld.idx.msk [tilespmem:v22+s2+$0x0], $0xffff  }
0x420: {  	v31 =	vsub.f32 $1.000000000e+00, v7;
	v7 =	vpack.i.f32.bf16 v7, v7;
	v32 =	vsub.f32 $1.000000000e+00, v9;
	v18 =	vld.idx.msk [tilespmem:v18+s2+$0x0], $0xffff  }
0x421: {  	v28 =	vand.u32 $0xFFFF, v28;
	v20 =	vand.u32 $0xFFFF, v20;
	v25 =	vand.u32 $0xFFFF, v25;
	v13 =	vld.idx.msk [tilespmem:v13+s2+$0x0], $0xffff  }
0x422: {  	v31 =	vpack.i.f32.bf16 v31, v31;
	v33 =	vxor.u32 v17, v27;
	v27 =	vxor.u32 v21, v27;
	v19 =	vld.idx.msk [tilespmem:v19+s2+$0x0], $0xffff  }
0x423: {  	v34 =	vxor.u32 v17, v25;
	v24 =	vmul.bf16 v24, v31;
	v14 =	vmul.bf16 v14, v7  }
0x424: {  	v35 =	vxor.u32 v17, v20;
	v8 =	vmul.f32 v32, v8;
	v36 =	vmul.f32 v32, v29  }
0x425: {  	v14 =	vadd.bf16 v14, v24;
	v24 =	vmul.bf16 v26, v31;
	v22 =	vmul.bf16 v22, v7  }
0x426: {  	v9 =	vmul.f32 v9, v29;
	v26 =	vpack.i.f32.bf16 v36, v36;
	v18 =	vmul.bf16 v18, v31  }
0x427: {  	v14 =	vmul.bf16 v14, v26;
	v22 =	vadd.bf16 v22, v24;
	v13 =	vmul.bf16 v13, v7  }
0x428: {  	v23 =	vmul.bf16 v23, v31;
	v9 =	vpack.i.f32.bf16 v9, v9;
	v7 =	vmul.bf16 v19, v7  }
0x429: {  	v14 =	vadd.bf16 v1, v14;
	v9 =	vmul.bf16 v22, v9;
	v22 =	vadd.bf16 v13, v18  }
.Ltmp1:
0x42a: {  	v8 =	vpack.i.f32.bf16 v8, v8;
	v19 =	vxor.u32 v21, v20;
	v18 =	vxor.u32 v17, v28;
	(pc) =	sbr.rel @p0 .LBB2_5-.Ltmp1, $4  }
0x42b: {  	v24 =	vadd.bf16 v9, v14;
	v8 =	vmul.bf16 v22, v8;
	v22 =	vadd.bf16 v7, v23;
	v13 =	vld.idx.msk [tilespmem:v33+s2+$0x0], $0xffff  }
0x42c: {  	v26 =	vpack.i.f32.bf16 v30, v30;
	v20 =	vxor.u32 v21, v28;
	v23 =	vcvt.s32.f32 v17;
	v14 =	vld.idx.msk [tilespmem:v27+s2+$0x0], $0xffff  }
0x42d: {  	v17 =	vxor.u32 v21, v25;
	v7 =	vadd.bf16 v8, v24;
	v8 =	vmul.bf16 v22, v26;
	v9 =	vld.idx.msk [tilespmem:v34+s2+$0x0], $0xffff  }
0x42e: {  	s16 =	sadd.s32 $0x200, s16;
	v21 =	vsub.f32 v15, v23;
	v22 =	vcvt.s32.f32 v16;
	v16 =	vtrunc.f32 v4;
	v15 =	vld.idx.msk [tilespmem:v35+s2+$0x0], $0xffff  }
0x42f: {  	_ =	sdelay $0x2  }
0x430: {  	v5 =	vsub.f32 v5, v12  }
0x431: {  	v58 =	vld.idx.msk [tilespmem:v19+s2+$0x0], $0xffff;
	v11 =	vcvt.f32.s32 v11;
	v6 =	vsub.f32 v6, v22;
	v59 =	vsub.f32 $1.000000000e+00, v21  }
0x432: {  	v18 =	vld.idx.msk [tilespmem:v18+s2+$0x0], $0xffff;
	v16 =	vcvt.f32.s32 v16;
	v10 =	vcvt.f32.s32 v10;
	v61 =	vpack.i.f32.bf16 v21, v21  }
0x433: {  	v20 =	vld.idx.msk [tilespmem:v20+s2+$0x0], $0xffff;
	v60 =	vsub.f32 $1.000000000e+00, v5;
	v23 =	vsub.f32 $1.000000000e+00, v6;
	v19 =	vpack.i.f32.bf16 v59, v59  }
0x434: {  	v17 =	vld.idx.msk [tilespmem:v17+s2+$0x0], $0xffff;
	v14 =	vmul.bf16 v14, v61;
	v25 =	vmul.u32 $0x9E3779B1, v11;
	v13 =	vmul.bf16 v13, v19  }
0x435: {  	v29 =	vmul.u32 $0x30025795, v16;
	v62 =	vmul.bf16 v15, v19;
	v24 =	vmul.f32 v23, v60  }
0x436: {  	v63 =	vmul.f32 v6, v60;
	v12 =	vmul.bf16 v58, v61;
	v13 =	vadd.bf16 v14, v13  }
0x437: {  	v9 =	vmul.bf16 v9, v19;
	v18 =	vmul.bf16 v18, v19;
	v26 =	vpack.i.f32.bf16 v24, v24  }
0x438: {  	v27 =	vmul.bf16 v20, v61;
	v12 =	vadd.bf16 v12, v62;
	v13 =	vmul.bf16 v13, v26  }
0x439: {  	v23 =	vmul.f32 v23, v5;
	v17 =	vmul.bf16 v17, v61;
	v15 =	vpack.i.f32.bf16 v63, v63  }
0x43a: {  	v14 =	vadd.bf16 v27, v18;
	v12 =	vmul.bf16 v12, v15;
	v13 =	vadd.bf16 v1, v13  }
0x43b: {  	v38 =	vadd.s32 $0x1, v10;
	v5 =	vmul.f32 v6, v5;
	v28 =	vpack.i.f32.bf16 v23, v23  }
0x43c: {  	v30 =	vadd.bf16 v17, v9;
	v6 =	vmul.bf16 v14, v28;
	v12 =	vadd.bf16 v12, v13  }
0x43d: {  	v31 =	vadd.s32 $0x9E3779B1, v25;
	v32 =	vadd.s32 $0x30025795, v29;
	v5 =	vpack.i.f32.bf16 v5, v5  }
0x43e: {  	v34 =	vxor.u32 v31, v32;
	v33 =	vmul.bf16 v30, v5;
	v6 =	vadd.bf16 v6, v12  }
0x43f: {  	v11 =	vcvt.s32.f32 v11;
	v35 =	vxor.u32 v25, v29;
	v13 =	vand.u32 $0xFFFF, v34  }
0x440: {  	v36 =	vld [tilespmem:s12+$0x15020];
	v18 =	vand.u32 $0xFFFF, v35;
	v37 =	vxor.u32 v10, v13;
	v12 =	vadd.bf16 v33, v6  }
0x441: {  	v39 =	vld [tilespmem:s12+$0x16020];
	v46 =	vcvt.s32.f32 v16;
	v17 =	vxor.u32 v25, v32;
	v40 =	vxor.u32 v10, v18  }
0x442: {  	v42 =	vld [tilespmem:s12+$0x17020];
	v17 =	vand.u32 $0xFFFF, v17;
	v18 =	vxor.u32 v38, v18;
	v41 =	vunpack.i.l.bf16.f32 v12  }
0x443: {  	v14 =	vxor.u32 v29, v31;
	v43 =	vxor.u32 v10, v17;
	v12 =	vunpack.i.u.bf16.f32 v12;
	[tilespmem:s12+$0x18000] =	vst v41  }
0x444: {  	v3 =	vsub.f32 v3, v11;
	v44 =	vxor.u32 v38, v17;
	v14 =	vand.u32 $0xFFFF, v14;
	[tilespmem:s12+$0x19000] =	vst v12  }
0x445: {  	v4 =	vsub.f32 v4, v46;
	v45 =	vxor.u32 v10, v14;
	v10 =	vcvt.s32.f32 v10;
	v20 =	vld.idx.msk [tilespmem:v37+s2+$0x0], $0xffff  }
0x446: {  	v19 =	vmul.f32 v36, v0;
	v22 =	vmul.f32 v39, v0;
	v14 =	vxor.u32 v38, v14;
	v23 =	vld.idx.msk [tilespmem:v40+s2+$0x0], $0xffff  }
0x447: {  	v21 =	vmul.f32 v42, v0;
	v13 =	vxor.u32 v38, v13;
	v2 =	vsub.f32 v2, v10;
	v18 =	vld.idx.msk [tilespmem:v18+s2+$0x0], $0xffff  }
0x448: {  	v51 =	vsub.f32 $1.000000000e+00, v3;
	v47 =	vtrunc.f32 v19;
	v48 =	vtrunc.f32 v22;
	v15 =	vld.idx.msk [tilespmem:v43+s2+$0x0], $0xffff  }
0x449: {  	v49 =	vtrunc.f32 v21;
	v16 =	vcvt.f32.s32 v47;
	v50 =	vsub.f32 $1.000000000e+00, v2;
	v12 =	vld.idx.msk [tilespmem:v44+s2+$0x0], $0xffff  }
0x44a: {  	v11 =	vcvt.f32.s32 v48;
	v24 =	vcvt.f32.s32 v49;
	v26 =	vsub.f32 $1.000000000e+00, v4;
	v17 =	vld.idx.msk [tilespmem:v45+s2+$0x0], $0xffff  }
0x44b: {  	v52 =	vmul.f32 v4, v51;
	v2 =	vpack.i.f32.bf16 v2, v2;
	v10 =	vpack.i.f32.bf16 v50, v50;
	v14 =	vld.idx.msk [tilespmem:v14+s2+$0x0], $0xffff  }
0x44c: {  	v13 =	vld.idx.msk [tilespmem:v13+s2+$0x0], $0xffff;
	v23 =	vmul.bf16 v23, v10;
	v18 =	vmul.bf16 v18, v2  }
0x44d: {  	v27 =	vmul.f32 v26, v51;
	v26 =	vmul.f32 v26, v3  }
0x44e: {  	v15 =	vmul.bf16 v15, v10;
	v12 =	vmul.bf16 v12, v2;
	v18 =	vadd.bf16 v18, v23  }
0x44f: {  	v28 =	vmul.u32 $0x9E3779B1, v11;
	v53 =	vpack.i.f32.bf16 v27, v27;
	v17 =	vmul.bf16 v17, v10  }
0x450: {  	v14 =	vmul.bf16 v14, v2;
	v12 =	vadd.bf16 v12, v15;
	v18 =	vmul.bf16 v18, v53  }
0x451: {  	v54 =	vpack.i.f32.bf16 v52, v52;
	v10 =	vmul.bf16 v20, v10;
	v2 =	vmul.bf16 v13, v2  }
0x452: {  	v14 =	vadd.bf16 v14, v17;
	v12 =	vmul.bf16 v12, v54;
	v55 =	vadd.bf16 v1, v18  }
0x453: {  	v3 =	vmul.f32 v4, v3;
	v57 =	vmul.u32 $0x30025795, v24;
	v56 =	vpack.i.f32.bf16 v26, v26  }
0x454: {  	v2 =	vadd.bf16 v2, v10;
	v58 =	vmul.bf16 v14, v56;
	v12 =	vadd.bf16 v12, v55  }
0x455: {  	v3 =	vpack.i.f32.bf16 v3, v3;
	v59 =	vadd.s32 $0x9E3779B1, v28;
	v60 =	vadd.s32 $0x30025795, v57  }
0x456: {  	v61 =	vmul.bf16 v2, v3;
	v2 =	vxor.u32 v59, v60;
	v12 =	vadd.bf16 v58, v12  }
0x457: {  	v35 =	vadd.s32 $0x1, v16;
	v62 =	vxor.u32 v28, v57;
	v63 =	vand.u32 $0xFFFF, v2  }
0x458: {  	v32 =	vand.u32 $0xFFFF, v62;
	v37 =	vld [tilespmem:s12+$0x16030];
	v33 =	vxor.u32 v16, v63;
	v12 =	vadd.bf16 v61, v12  }
0x459: {  	v39 =	vld [tilespmem:s12+$0x17030];
	v11 =	vcvt.s32.f32 v11;
	v36 =	vxor.u32 v16, v32;
	v14 =	vxor.u32 v28, v60  }
0x45a: {  	v13 =	vxor.u32 v35, v32;
	v14 =	vand.u32 $0xFFFF, v14;
	v38 =	vunpack.i.l.bf16.f32 v12  }
0x45b: {  	v34 =	vld [tilespmem:s12+$0x15030];
	v10 =	vxor.u32 v57, v59;
	v40 =	vxor.u32 v16, v14;
	v12 =	vunpack.i.u.bf16.f32 v12;
	[tilespmem:s12+$0x18010] =	vst v38  }
0x45c: {  	v11 =	vsub.f32 v22, v11;
	v10 =	vand.u32 $0xFFFF, v10;
	v41 =	vxor.u32 v35, v14;
	[tilespmem:s12+$0x19010] =	vst v12  }
0x45d: {  	v26 =	vmul.f32 v37, v0;
	v42 =	vxor.u32 v16, v10;
	v16 =	vcvt.s32.f32 v16;
	v17 =	vld.idx.msk [tilespmem:v33+s2+$0x0], $0xffff  }
0x45e: {  	v43 =	vcvt.s32.f32 v24;
	v23 =	vmul.f32 v39, v0;
	v10 =	vxor.u32 v35, v10;
	v25 =	vld.idx.msk [tilespmem:v36+s2+$0x0], $0xffff  }
0x45f: {  	v44 =	vtrunc.f32 v26;
	v18 =	vxor.u32 v35, v63;
	v16 =	vsub.f32 v19, v16;
	v13 =	vld.idx.msk [tilespmem:v13+s2+$0x0], $0xffff  }
0x460: {  	v47 =	vsub.f32 $1.000000000e+00, v11;
	v20 =	vmul.f32 v34, v0;
	v22 =	vcvt.f32.s32 v44;
	v15 =	vld.idx.msk [tilespmem:v40+s2+$0x0], $0xffff  }
0x461: {  	v45 =	vtrunc.f32 v23;
	v19 =	vsub.f32 v21, v43;
	v46 =	vsub.f32 $1.000000000e+00, v16;
	v12 =	vld.idx.msk [tilespmem:v41+s2+$0x0], $0xffff  }
0x462: {  	v24 =	vcvt.f32.s32 v45;
	v30 =	vmul.u32 $0x9E3779B1, v22;
	v22 =	vcvt.s32.f32 v22;
	v14 =	vld.idx.msk [tilespmem:v42+s2+$0x0], $0xffff  }
0x463: {  	v48 =	vsub.f32 $1.000000000e+00, v19;
	v16 =	vpack.i.f32.bf16 v16, v16;
	v21 =	vpack.i.f32.bf16 v46, v46;
	v10 =	vld.idx.msk [tilespmem:v10+s2+$0x0], $0xffff  }
0x464: {  	v53 =	vmul.u32 $0x30025795, v24;
	v18 =	vld.idx.msk [tilespmem:v18+s2+$0x0], $0xffff;
	v25 =	vmul.bf16 v25, v21;
	v13 =	vmul.bf16 v13, v16  }
0x465: {  	v56 =	vadd.s32 $0x9E3779B1, v30;
	v49 =	vmul.f32 v19, v47;
	v29 =	vmul.f32 v48, v47  }
0x466: {  	v15 =	vmul.bf16 v15, v21;
	v12 =	vmul.bf16 v12, v16;
	v13 =	vadd.bf16 v13, v25  }
0x467: {  	v28 =	vmul.f32 v48, v11;
	v50 =	vpack.i.f32.bf16 v29, v29;
	v14 =	vmul.bf16 v14, v21  }
0x468: {  	v10 =	vmul.bf16 v10, v16;
	v12 =	vadd.bf16 v12, v15;
	v13 =	vmul.bf16 v13, v50  }
0x469: {  	v51 =	vpack.i.f32.bf16 v49, v49;
	v17 =	vmul.bf16 v17, v21;
	v16 =	vmul.bf16 v18, v16  }
0x46a: {  	v10 =	vadd.bf16 v10, v14;
	v12 =	vmul.bf16 v12, v51;
	v13 =	vadd.bf16 v1, v13  }
0x46b: {  	v55 =	vtrunc.f32 v20;
	v11 =	vmul.f32 v19, v11;
	v52 =	vpack.i.f32.bf16 v28, v28  }
0x46c: {  	v54 =	vadd.bf16 v16, v17;
	v10 =	vmul.bf16 v10, v52;
	v12 =	vadd.bf16 v12, v13  }
0x46d: {  	v57 =	vadd.s32 $0x30025795, v53;
	v60 =	vxor.u32 v30, v53;
	v11 =	vpack.i.f32.bf16 v11, v11  }
0x46e: {  	v58 =	vcvt.f32.s32 v55;
	v11 =	vmul.bf16 v54, v11;
	v10 =	vadd.bf16 v10, v12  }
0x46f: {  	v62 =	vld [tilespmem:s12+$0x15040];
	v22 =	vsub.f32 v26, v22;
	v59 =	vxor.u32 v56, v57;
	v61 =	vand.u32 $0xFFFF, v60  }
0x470: {  	v35 =	vld [tilespmem:s12+$0x16040];
	v34 =	vxor.u32 v58, v61;
	v13 =	vand.u32 $0xFFFF, v59;
	v10 =	vadd.bf16 v11, v10  }
0x471: {  	v31 =	vld [tilespmem:s12+$0x17040];
	v33 =	vadd.s32 $0x1, v58;
	v18 =	vxor.u32 v30, v57;
	v63 =	vxor.u32 v58, v13  }
0x472: {  	v18 =	vand.u32 $0xFFFF, v18;
	v11 =	vxor.u32 v33, v61;
	v37 =	vunpack.i.l.bf16.f32 v10  }
0x473: {  	v15 =	vxor.u32 v53, v56;
	v38 =	vxor.u32 v58, v18;
	v10 =	vunpack.i.u.bf16.f32 v10;
	[tilespmem:s12+$0x18020] =	vst v37  }
0x474: {  	v19 =	vmul.f32 v62, v0;
	v18 =	vxor.u32 v33, v18;
	v15 =	vand.u32 $0xFFFF, v15;
	[tilespmem:s12+$0x19020] =	vst v10  }
0x475: {  	v28 =	vmul.f32 v35, v0;
	v39 =	vxor.u32 v58, v15;
	v12 =	vcvt.s32.f32 v58;
	v27 =	vld.idx.msk [tilespmem:v34+s2+$0x0], $0xffff  }
0x476: {  	v40 =	vcvt.s32.f32 v24;
	v24 =	vmul.f32 v31, v0;
	v15 =	vxor.u32 v33, v15;
	v21 =	vld.idx.msk [tilespmem:v63+s2+$0x0], $0xffff  }
0x477: {  	v42 =	vtrunc.f32 v28;
	v13 =	vxor.u32 v33, v13;
	v12 =	vsub.f32 v20, v12;
	v11 =	vld.idx.msk [tilespmem:v11+s2+$0x0], $0xffff  }
0x478: {  	v45 =	vsub.f32 $1.000000000e+00, v22;
	v41 =	vtrunc.f32 v19;
	v26 =	vcvt.f32.s32 v42;
	v16 =	vld.idx.msk [tilespmem:v38+s2+$0x0], $0xffff  }
0x479: {  	v44 =	vtrunc.f32 v24;
	v20 =	vsub.f32 v23, v40;
	v43 =	vsub.f32 $1.000000000e+00, v12;
	v18 =	vld.idx.msk [tilespmem:v18+s2+$0x0], $0xffff  }
0x47a: {  	v46 =	vcvt.f32.s32 v44;
	v49 =	vmul.u32 $0x9E3779B1, v26;
	v25 =	vcvt.f32.s32 v41;
	v10 =	vld.idx.msk [tilespmem:v39+s2+$0x0], $0xffff  }
0x47b: {  	v32 =	vsub.f32 $1.000000000e+00, v20;
	v12 =	vpack.i.f32.bf16 v12, v12;
	v23 =	vpack.i.f32.bf16 v43, v43;
	v15 =	vld.idx.msk [tilespmem:v15+s2+$0x0], $0xffff  }
0x47c: {  	v13 =	vld.idx.msk [tilespmem:v13+s2+$0x0], $0xffff;
	v27 =	vmul.bf16 v27, v23;
	v11 =	vmul.bf16 v11, v12  }
0x47d: {  	v56 =	vadd.s32 $0x9E3779B1, v49;
	v31 =	vmul.f32 v20, v45;
	v33 =	vmul.f32 v32, v45  }
0x47e: {  	v16 =	vmul.bf16 v16, v23;
	v18 =	vmul.bf16 v18, v12;
	v11 =	vadd.bf16 v11, v27  }
0x47f: {  	v47 =	vmul.f32 v32, v22;
	v48 =	vpack.i.f32.bf16 v33, v33;
	v10 =	vmul.bf16 v10, v23  }
0x480: {  	v15 =	vmul.bf16 v15, v12;
	v16 =	vadd.bf16 v18, v16;
	v11 =	vmul.bf16 v11, v48  }
0x481: {  	v50 =	vpack.i.f32.bf16 v31, v31;
	v21 =	vmul.bf16 v21, v23;
	v12 =	vmul.bf16 v13, v12  }
0x482: {  	v14 =	vld [tilespmem:s12+$0x16050];
	v10 =	vadd.bf16 v15, v10;
	v51 =	vmul.bf16 v16, v50;
	v11 =	vadd.bf16 v1, v11  }
0x483: {  	v54 =	vmul.u32 $0x30025795, v46;
	v52 =	vmul.f32 v20, v22;
	v53 =	vpack.i.f32.bf16 v47, v47  }
0x484: {  	v12 =	vadd.bf16 v12, v21;
	v10 =	vmul.bf16 v10, v53;
	v11 =	vadd.bf16 v51, v11  }
0x485: {  	v57 =	vadd.s32 $0x30025795, v54;
	v60 =	vxor.u32 v49, v54;
	v55 =	vpack.i.f32.bf16 v52, v52  }
0x486: {  	v59 =	vxor.u32 v56, v57;
	v58 =	vmul.bf16 v12, v55;
	v10 =	vadd.bf16 v10, v11  }
0x487: {  	v17 =	vld [tilespmem:s12+$0x15050];
	v14 =	vmul.f32 v14, v0;
	v61 =	vand.u32 $0xFFFF, v60;
	v12 =	vand.u32 $0xFFFF, v59  }
0x488: {  	v36 =	vld [tilespmem:s12+$0x17050];
	v30 =	vxor.u32 v25, v61;
	v62 =	vxor.u32 v25, v12;
	v10 =	vadd.bf16 v58, v10  }
0x489: {  	v9 =	vld [tilespmem:s12+$0x15070];
	v63 =	vadd.s32 $0x1, v25;
	v38 =	vcvt.s32.f32 v46;
	v16 =	vxor.u32 v49, v57  }
0x48a: {  	v5 =	vld [tilespmem:s12+$0x16070];
	v16 =	vand.u32 $0xFFFF, v16;
	v11 =	vxor.u32 v63, v61;
	v31 =	vunpack.i.l.bf16.f32 v10  }
0x48b: {  	v6 =	vld [tilespmem:s12+$0x17070];
	v15 =	vxor.u32 v54, v56;
	v32 =	vxor.u32 v25, v16;
	v10 =	vunpack.i.u.bf16.f32 v10;
	[tilespmem:s12+$0x18030] =	vst v31  }
0x48c: {  	v13 =	vmul.f32 v17, v0;
	v33 =	vand.u32 $0xFFFF, v15;
	v34 =	vxor.u32 v63, v16;
	[tilespmem:s12+$0x19030] =	vst v10  }
0x48d: {  	v35 =	vxor.u32 v25, v33;
	v16 =	vmul.f32 v36, v0;
	v36 =	vcvt.s32.f32 v25;
	v17 =	vld.idx.msk [tilespmem:v62+s2+$0x0], $0xffff  }
0x48e: {  	v40 =	vtrunc.f32 v14;
	v37 =	vcvt.s32.f32 v26;
	v10 =	vxor.u32 v63, v33;
	v21 =	vld.idx.msk [tilespmem:v30+s2+$0x0], $0xffff  }
0x48f: {  	v20 =	vsub.f32 v24, v38;
	v12 =	vxor.u32 v63, v12;
	v19 =	vsub.f32 v19, v36;
	v11 =	vld.idx.msk [tilespmem:v11+s2+$0x0], $0xffff  }
0x490: {  	v9 =	vmul.f32 v9, v0;
	v26 =	vcvt.f32.s32 v40;
	v25 =	vsub.f32 v28, v37;
	v18 =	vld.idx.msk [tilespmem:v32+s2+$0x0], $0xffff  }
0x491: {  	v43 =	vsub.f32 $1.000000000e+00, v20;
	v39 =	vtrunc.f32 v13;
	v42 =	vsub.f32 $1.000000000e+00, v19;
	v15 =	vld.idx.msk [tilespmem:v34+s2+$0x0], $0xffff  }
0x492: {  	v23 =	vcvt.f32.s32 v39;
	v41 =	vtrunc.f32 v16;
	v28 =	vsub.f32 $1.000000000e+00, v25;
	v22 =	vld.idx.msk [tilespmem:v35+s2+$0x0], $0xffff  }
0x493: {  	v29 =	vmul.f32 v43, v25;
	v19 =	vpack.i.f32.bf16 v19, v19;
	v24 =	vpack.i.f32.bf16 v42, v42;
	v10 =	vld.idx.msk [tilespmem:v10+s2+$0x0], $0xffff  }
0x494: {  	v12 =	vld.idx.msk [tilespmem:v12+s2+$0x0], $0xffff;
	v21 =	vmul.bf16 v21, v24;
	v11 =	vmul.bf16 v11, v19  }
0x495: {  	v45 =	vmul.u32 $0x9E3779B1, v26;
	v27 =	vcvt.f32.s32 v41;
	v44 =	vmul.f32 v43, v28  }
0x496: {  	v18 =	vmul.bf16 v18, v24;
	v15 =	vmul.bf16 v15, v19;
	v11 =	vadd.bf16 v11, v21  }
0x497: {  	v46 =	vmul.f32 v20, v28;
	v47 =	vpack.i.f32.bf16 v44, v44;
	v22 =	vmul.bf16 v22, v24  }
0x498: {  	v15 =	vadd.bf16 v15, v18;
	v11 =	vmul.bf16 v11, v47;
	v10 =	vmul.bf16 v10, v19  }
0x499: {  	v48 =	vpack.i.f32.bf16 v46, v46;
	v17 =	vmul.bf16 v17, v24;
	v12 =	vmul.bf16 v12, v19  }
0x49a: {  	v2 =	vld [tilespmem:s12+$0x17060];
	v15 =	vmul.bf16 v15, v48;
	v11 =	vadd.bf16 v1, v11;
	v10 =	vadd.bf16 v10, v22  }
0x49b: {  	v49 =	vmul.f32 v20, v25;
	v50 =	vpack.i.f32.bf16 v29, v29;
	v51 =	vmul.u32 $0x30025795, v27  }
0x49c: {  	v12 =	vadd.bf16 v12, v17;
	v11 =	vadd.bf16 v15, v11;
	v10 =	vmul.bf16 v10, v50  }
0x49d: {  	v53 =	vadd.s32 $0x9E3779B1, v45;
	v52 =	vpack.i.f32.bf16 v49, v49;
	v54 =	vadd.s32 $0x30025795, v51  }
0x49e: {  	v56 =	vxor.u32 v53, v54;
	v55 =	vmul.bf16 v12, v52;
	v10 =	vadd.bf16 v10, v11  }
0x49f: {  	v2 =	vmul.f32 v2, v0;
	v57 =	vxor.u32 v45, v51;
	v12 =	vand.u32 $0xFFFF, v56  }
0x4a0: {  	v58 =	vand.u32 $0xFFFF, v57;
	v59 =	vxor.u32 v23, v12;
	v10 =	vadd.bf16 v55, v10  }
0x4a1: {  	v60 =	vadd.s32 $0x1, v23;
	v61 =	vxor.u32 v23, v58;
	v18 =	vxor.u32 v45, v54  }
0x4a2: {  	v4 =	vld [tilespmem:s12+$0x15060];
	v18 =	vand.u32 $0xFFFF, v18;
	v11 =	vxor.u32 v60, v58;
	v62 =	vunpack.i.l.bf16.f32 v10  }
0x4a3: {  	v3 =	vld [tilespmem:s12+$0x16060];
	v17 =	vxor.u32 v51, v53;
	v63 =	vxor.u32 v23, v18;
	v10 =	vunpack.i.u.bf16.f32 v10;
	[tilespmem:s12+$0x18040] =	vst v62  }
0x4a4: {  	v36 =	vtrunc.f32 v2;
	v28 =	vand.u32 $0xFFFF, v17;
	v29 =	vxor.u32 v60, v18;
	[tilespmem:s12+$0x19040] =	vst v10  }
0x4a5: {  	v31 =	vcvt.s32.f32 v23;
	v34 =	vcvt.s32.f32 v27;
	v30 =	vxor.u32 v23, v28;
	v15 =	vld.idx.msk [tilespmem:v59+s2+$0x0], $0xffff  }
0x4a6: {  	v25 =	vcvt.f32.s32 v36;
	v33 =	vcvt.s32.f32 v26;
	v10 =	vxor.u32 v60, v28;
	v21 =	vld.idx.msk [tilespmem:v61+s2+$0x0], $0xffff  }
0x4a7: {  	v13 =	vsub.f32 v13, v31;
	v16 =	vsub.f32 v16, v34;
	v12 =	vxor.u32 v60, v12;
	v11 =	vld.idx.msk [tilespmem:v11+s2+$0x0], $0xffff  }
0x4a8: {  	v4 =	vmul.f32 v4, v0;
	v3 =	vmul.f32 v3, v0;
	v14 =	vsub.f32 v14, v33;
	v20 =	vld.idx.msk [tilespmem:v63+s2+$0x0], $0xffff  }
0x4a9: {  	v46 =	vmul.u32 $0x30025795, v25;
	v37 =	vsub.f32 $1.000000000e+00, v13;
	v38 =	vsub.f32 $1.000000000e+00, v16;
	v17 =	vld.idx.msk [tilespmem:v29+s2+$0x0], $0xffff  }
0x4aa: {  	v32 =	vtrunc.f32 v4;
	v35 =	vtrunc.f32 v3;
	v13 =	vpack.i.f32.bf16 v13, v13;
	v18 =	vld.idx.msk [tilespmem:v30+s2+$0x0], $0xffff  }
0x4ab: {  	v24 =	vsub.f32 $1.000000000e+00, v14;
	v26 =	vmul.f32 v38, v14;
	v19 =	vpack.i.f32.bf16 v37, v37;
	v10 =	vld.idx.msk [tilespmem:v10+s2+$0x0], $0xffff  }
0x4ac: {  	v12 =	vld.idx.msk [tilespmem:v12+s2+$0x0], $0xffff;
	v21 =	vmul.bf16 v21, v19;
	v11 =	vmul.bf16 v11, v13  }
0x4ad: {  	v49 =	vadd.s32 $0x30025795, v46;
	v39 =	vmul.f32 v38, v24;
	v41 =	vmul.f32 v16, v24  }
0x4ae: {  	v20 =	vmul.bf16 v20, v19;
	v17 =	vmul.bf16 v17, v13;
	v11 =	vadd.bf16 v11, v21  }
0x4af: {  	v42 =	vpack.i.f32.bf16 v39, v39;
	v22 =	vcvt.f32.s32 v35;
	v18 =	vmul.bf16 v18, v19  }
0x4b0: {  	v17 =	vadd.bf16 v17, v20;
	v11 =	vmul.bf16 v11, v42;
	v10 =	vmul.bf16 v10, v13  }
0x4b1: {  	v43 =	vpack.i.f32.bf16 v41, v41;
	v15 =	vmul.bf16 v15, v19;
	v12 =	vmul.bf16 v12, v13  }
0x4b2: {  	v44 =	vmul.bf16 v17, v43;
	v11 =	vadd.bf16 v1, v11;
	v10 =	vadd.bf16 v10, v18  }
0x4b3: {  	v14 =	vmul.f32 v16, v14;
	v45 =	vpack.i.f32.bf16 v26, v26;
	v40 =	vmul.u32 $0x9E3779B1, v22  }
0x4b4: {  	v12 =	vadd.bf16 v12, v15;
	v11 =	vadd.bf16 v44, v11;
	v10 =	vmul.bf16 v10, v45  }
0x4b5: {  	v47 =	vpack.i.f32.bf16 v14, v14;
	v23 =	vcvt.f32.s32 v32;
	v48 =	vadd.s32 $0x9E3779B1, v40  }
0x4b6: {  	v51 =	vxor.u32 v48, v49;
	v50 =	vmul.bf16 v12, v47;
	v10 =	vadd.bf16 v10, v11  }
0x4b7: {  	v25 =	vcvt.s32.f32 v25;
	v52 =	vxor.u32 v40, v46;
	v12 =	vand.u32 $0xFFFF, v51  }
0x4b8: {  	v53 =	vand.u32 $0xFFFF, v52;
	v54 =	vxor.u32 v23, v12;
	v10 =	vadd.bf16 v50, v10  }
0x4b9: {  	v55 =	vadd.s32 $0x1, v23;
	v56 =	vxor.u32 v23, v53;
	v15 =	vxor.u32 v40, v49  }
0x4ba: {  	v15 =	vand.u32 $0xFFFF, v15;
	v11 =	vxor.u32 v55, v53;
	v57 =	vunpack.i.l.bf16.f32 v10  }
0x4bb: {  	v14 =	vxor.u32 v46, v48;
	v58 =	vxor.u32 v23, v15;
	v10 =	vunpack.i.u.bf16.f32 v10;
	[tilespmem:s12+$0x18050] =	vst v57  }
0x4bc: {  	v24 =	vcvt.s32.f32 v22;
	v59 =	vand.u32 $0xFFFF, v14;
	v60 =	vxor.u32 v55, v15;
	[tilespmem:s12+$0x19050] =	vst v10  }
0x4bd: {  	v6 =	vmul.f32 v6, v0;
	v62 =	vcvt.s32.f32 v23;
	v61 =	vxor.u32 v23, v59;
	v13 =	vld.idx.msk [tilespmem:v54+s2+$0x0], $0xffff  }
0x4be: {  	v2 =	vsub.f32 v2, v25;
	v3 =	vsub.f32 v3, v24;
	v10 =	vxor.u32 v55, v59;
	v18 =	vld.idx.msk [tilespmem:v56+s2+$0x0], $0xffff  }
0x4bf: {  	v5 =	vmul.f32 v5, v0;
	v4 =	vsub.f32 v4, v62;
	v12 =	vxor.u32 v55, v12;
	v11 =	vld.idx.msk [tilespmem:v11+s2+$0x0], $0xffff  }
0x4c0: {  	v27 =	vtrunc.f32 v6;
	v31 =	vsub.f32 $1.000000000e+00, v2;
	v30 =	vsub.f32 $1.000000000e+00, v3;
	v17 =	vld.idx.msk [tilespmem:v58+s2+$0x0], $0xffff  }
0x4c1: {  	v26 =	vtrunc.f32 v5;
	v63 =	vtrunc.f32 v9;
	v28 =	vsub.f32 $1.000000000e+00, v4;
	v14 =	vld.idx.msk [tilespmem:v60+s2+$0x0], $0xffff  }
0x4c2: {  	v29 =	vcvt.f32.s32 v27;
	v33 =	vmul.f32 v31, v30;
	v15 =	vld.idx.msk [tilespmem:v61+s2+$0x0], $0xffff  }
0x4c3: {  	v34 =	vmul.f32 v2, v30;
	v4 =	vpack.i.f32.bf16 v4, v4;
	v16 =	vpack.i.f32.bf16 v28, v28;
	v10 =	vld.idx.msk [tilespmem:v10+s2+$0x0], $0xffff  }
0x4c4: {  	v12 =	vld.idx.msk [tilespmem:v12+s2+$0x0], $0xffff;
	v18 =	vmul.bf16 v18, v16;
	v11 =	vmul.bf16 v11, v4  }
0x4c5: {  	v38 =	vmul.u32 $0x30025795, v29;
	v2 =	vmul.f32 v2, v3;
	v19 =	vcvt.f32.s32 v26  }
0x4c6: {  	v17 =	vmul.bf16 v17, v16;
	v14 =	vmul.bf16 v14, v4;
	v11 =	vadd.bf16 v11, v18  }
0x4c7: {  	v35 =	vpack.i.f32.bf16 v33, v33;
	v23 =	vmul.f32 v31, v3;
	v15 =	vmul.bf16 v15, v16  }
0x4c8: {  	v14 =	vadd.bf16 v14, v17;
	v11 =	vmul.bf16 v11, v35;
	v10 =	vmul.bf16 v10, v4  }
0x4c9: {  	v36 =	vpack.i.f32.bf16 v34, v34;
	v13 =	vmul.bf16 v13, v16;
	v4 =	vmul.bf16 v12, v4  }
0x4ca: {  	v37 =	vmul.bf16 v14, v36;
	v11 =	vadd.bf16 v1, v11;
	v10 =	vadd.bf16 v10, v15  }
0x4cb: {  	v2 =	vpack.i.f32.bf16 v2, v2;
	v32 =	vmul.u32 $0x9E3779B1, v19;
	v3 =	vpack.i.f32.bf16 v23, v23  }
0x4cc: {  	v4 =	vadd.bf16 v4, v13;
	v11 =	vadd.bf16 v37, v11;
	v3 =	vmul.bf16 v10, v3  }
0x4cd: {  	v20 =	vcvt.f32.s32 v63;
	v40 =	vadd.s32 $0x30025795, v38;
	v39 =	vadd.s32 $0x9E3779B1, v32  }
0x4ce: {  	v41 =	vxor.u32 v39, v40;
	v2 =	vmul.bf16 v4, v2;
	v3 =	vadd.bf16 v3, v11  }
0x4cf: {  	v42 =	vxor.u32 v32, v38;
	v4 =	vand.u32 $0xFFFF, v41  }
0x4d0: {  	v43 =	vxor.u32 v20, v4;
	v2 =	vadd.bf16 v2, v3;
	v3 =	vand.u32 $0xFFFF, v42  }
0x4d1: {  	v44 =	vadd.s32 $0x1, v20;
	v12 =	vxor.u32 v32, v40;
	v45 =	vxor.u32 v20, v3  }
0x4d2: {  	v12 =	vand.u32 $0xFFFF, v12;
	v3 =	vxor.u32 v44, v3;
	v46 =	vunpack.i.l.bf16.f32 v2  }
0x4d3: {  	v47 =	vxor.u32 v20, v12;
	v10 =	vxor.u32 v38, v39;
	v2 =	vunpack.i.u.bf16.f32 v2;
	[tilespmem:s12+$0x18060] =	vst v46  }
0x4d4: {  	v48 =	vxor.u32 v44, v12;
	[tilespmem:s12+$0x19060] =	vst v2;
	v2 =	vand.u32 $0xFFFF, v10  }
0x4d5: {  	v49 =	vcvt.s32.f32 v20;
	v50 =	vxor.u32 v20, v2;
	v11 =	vld.idx.msk [tilespmem:v43+s2+$0x0], $0xffff  }
0x4d6: {  	v51 =	vcvt.s32.f32 v19;
	v2 =	vxor.u32 v44, v2;
	v15 =	vld.idx.msk [tilespmem:v45+s2+$0x0], $0xffff  }
0x4d7: {  	v52 =	vcvt.s32.f32 v29;
	v9 =	vsub.f32 v9, v49;
	v4 =	vxor.u32 v44, v4;
	v3 =	vld.idx.msk [tilespmem:v3+s2+$0x0], $0xffff  }
0x4d8: {  	v5 =	vsub.f32 v5, v51;
	v53 =	vld.idx.msk [tilespmem:v47+s2+$0x0], $0xffff  }
0x4d9: {  	v6 =	vsub.f32 v6, v52;
	v54 =	vsub.f32 $1.000000000e+00, v9;
	v10 =	vld.idx.msk [tilespmem:v48+s2+$0x0], $0xffff  }
0x4da: {  	v55 =	vsub.f32 $1.000000000e+00, v5;
	v16 =	vld.idx.msk [tilespmem:v50+s2+$0x0], $0xffff  }
0x4db: {  	v56 =	vsub.f32 $1.000000000e+00, v6;
	v9 =	vpack.i.f32.bf16 v9, v9;
	v13 =	vpack.i.f32.bf16 v54, v54;
	v2 =	vld.idx.msk [tilespmem:v2+s2+$0x0], $0xffff  }
0x4dc: {  	v4 =	vld.idx.msk [tilespmem:v4+s2+$0x0], $0xffff;
	v15 =	vmul.bf16 v15, v13;
	v3 =	vmul.bf16 v3, v9  }
0x4dd: {  	v57 =	vmul.f32 v56, v55;
	v17 =	vmul.f32 v56, v5  }
0x4de: {  	v12 =	vmul.bf16 v53, v13;
	v10 =	vmul.bf16 v10, v9;
	v3 =	vadd.bf16 v3, v15  }
0x4df: {  	v58 =	vpack.i.f32.bf16 v57, v57;
	v14 =	vmul.f32 v6, v55;
	v16 =	vmul.bf16 v16, v13  }
0x4e0: {  	v10 =	vadd.bf16 v10, v12;
	v2 =	vmul.bf16 v2, v9;
	v3 =	vmul.bf16 v3, v58  }
0x4e1: {  	v59 =	vpack.i.f32.bf16 v14, v14;
	v11 =	vmul.bf16 v11, v13;
	v4 =	vmul.bf16 v4, v9  }
0x4e2: {  	v60 =	vmul.bf16 v10, v59;
	v2 =	vadd.bf16 v2, v16;
	v3 =	vadd.bf16 v1, v3  }
0x4e3: {  	v5 =	vmul.f32 v6, v5;
	v61 =	vpack.i.f32.bf16 v17, v17  }
0x4e4: {  	v4 =	vadd.bf16 v4, v11;
	v2 =	vmul.bf16 v2, v61;
	v3 =	vadd.bf16 v60, v3  }
0x4e5: {  	v5 =	vpack.i.f32.bf16 v5, v5  }
0x4e6: {  	v62 =	vadd.bf16 v8, v7;
	v2 =	vadd.bf16 v2, v3;
	v3 =	vmul.bf16 v4, v5;
	_ =	sdelay $0x1  }
0x4e7: {  	s9 =	sshll.u32 s9, $0x3;
	v63 =	vunpack.i.u.bf16.f32 v62;
	v2 =	vadd.bf16 v3, v2  }
0x4e8: {  	s8 =	sadd.s32 $0x1, s8;
	s9 =	sadd.s32 s11, s9;
	[tilespmem:s10+$0x19070] =	vst v63;
	v3 =	vunpack.i.l.bf16.f32 v62  }
0x4e9: {  	p0 =	sne.s32 s8, $0x20;
	s18 =	sor.u32 s7, s9;
	[tilespmem:s10+$0x18070] =	vst v3;
	v3 =	vunpack.i.u.bf16.f32 v2  }
.Ltmp2:
0x4ea: {  	s9 =	sor.u32 s14, s9;
	s10 =	sshrl.u32 s18, $0x3;
	v2 =	vunpack.i.l.bf16.f32 v2;
	[tilespmem:s12+$0x19070] =	vst v3;
	(pc) =	sbr.rel @p0 .LBB2_2-.Ltmp2, $4  }
0x4eb: {  	s9 =	sshrl.u32 s9, $0x3;
	s10 =	sadd.s32 s1, s10;
	[tilespmem:s12+$0x18070] =	vst v2  }
0x4ec: {  	[hbm4b:s10+s26] =	stream.strided.scatter [tilespmem:s0], [sflag:$0x4], $0x1000, s28, s26, $0x38;
	[tilespmem:$0x1A000] =	vst v63  }
0x4ed: {  	s9 =	sadd.s32 s1, s9  }
0x4ee: {  	[hbm4b:s9+s26] =	stream.strided.scatter [tilespmem:s3], [sflag:$0x4], $0x1000, s28, s26, $0x38;
	[tilespmem:$0x1A000] =	vst v63  }
0x4ef: {  	_ =	swait.ge [sflag:s19], $0x1000  }
0x4f0: {  	[sflag:s19] =	ssyncset.done $0x0  }
0x4f1: {  	[sflag:s19] =	ssyncadd.s32 $0xFFFFF000  }
0x4f2: {  	_ =	swait.ge [sflag:s19], $0x1000  }
0x4f3: {  	[sflag:s19] =	ssyncset.done $0x0  }
0x4f4: {  	[sflag:s19] =	ssyncadd.s32 $0xFFFFF000  }
0x4f5: {  	_ =	swait.ge [sflag:s20], $0x1000  }
0x4f6: {  	[sflag:s20] =	ssyncset.done $0x0  }
0x4f7: {  	[sflag:s20] =	ssyncadd.s32 $0xFFFFF000  }
0x4f8: {  	_ =	swait.ge [sflag:s20], $0x1000  }
0x4f9: {  	s21 =	sadd.s32 $0x1, s21;
	s8 =	rddreg [dreg:$0x7]  }
0x4fa: {  	p0 =	sne.s32 s21, s8  }
.Ltmp3:
0x4fb: {  	_ = 	snop;
	(pc) =	sbr.rel @p0 .LBB2_1-.Ltmp3, $3  }
0x4fc: {  	_ =	sdelay $0x1  }
0x4fd: {  	[sflag:s20] =	ssyncset.done $0x0  }
0x4fe: {  	[sflag:s20] =	ssyncadd.s32 $0xFFFFF000  }
0x4ff: {  	_ =	sfence.sel $0x180000  }
0x500: {  	[bflag:$0x0] =	sbarrier.arrive $0xFFFF  }
0x501: {  	_ =	strace $0x90000047  }
0x502: {  	s0 =	stileid.u32;
	[bflag:$0x2] =	sbarrier.arrive $0xFFFF  }
0x503: {  	p0 =	sne.s32 s0, $0x0;
	s0 =	rddreg [dreg:$0x2]  }
0x504: {  	s0 =	sadd.s32 @!p0 $0x100000, s0  }
0x505: {  	[sflag:s0] =	ssyncadd.tile.s32 @!p0 $0x1;
	_ =	shalt  }
.Lfunc_end2:
_tile_overlayer_lowered:
.L_overlay_start_2:
0x506: {  	(tag) =	ssettag $0x2  }
0x507: {  	s0 =	rddreg [dreg:$0x0];
	s2 =	stileid.u32  }
0x508: {  	s1 =	rddreg [dreg:$0x1];
	p0 =	sne.s32 s2, $0x0  }
0x509: {  	s3 =	rddreg [dreg:$0x2];
	[bflag:$0x3] =	sbarrier.arrive $0xFFFF;
	s2 =	simm.s32 @!p0 $0x1C05  }
0x50a: {  	[timem:s3], [sflag:s2] =	dma.local @!p0 [hbm:s0], s1  }
0x50b: {  	s0 =	simm.s32 @!p0 $0x5  }
0x50c: {  	_ =	swait.ge @!p0 [sflag:s0], s1  }
0x50d: {  	s1 =	ssub.s32 @!p0 $0x0, s1;
	[sflag:s0] =	ssyncset.done @!p0 $0x0  }
0x50e: {  	[sflag:s0] =	ssyncadd.s32 @!p0 s1  }
0x50f: {  	[bflag:$0x3] =	sbarrier.arrive $0xFFFF  }
0x510: {  	_ =	shalt  }

</sc_bundles>
